<compile_context>
chip_gen: v7x
topology: tpu7x:2x2x1
jax: 0.10.2.dev20260603
libtpu: 0.0.44.dev20260713+nightly
codegen_flags: <defaults>
</compile_context>

<pallas_src>
import functools

import jax
import jax.numpy as jnp
from jax import lax
from jax.experimental import pallas as pl
from jax.experimental.pallas import tpu as pltpu
from jax.experimental.pallas import tpu_sc as plsc

E = 320000
D = 128
NW = 32
EPT = E // NW
B = 80
NCH = EPT // B
GRP = 16
NGRP = B // GRP

_GATHER_DNUMS = lax.GatherDimensionNumbers(
    offset_dims=(), collapsed_slice_dims=(0,), start_index_map=(0,))


def _take16(x, idx):
    return lax.gather(x, idx[:, None], _GATHER_DNUMS, (1,),
                      mode=lax.GatherScatterMode.PROMISE_IN_BOUNDS)


def _dot_chunk(rows_a, rows_b, out_v, out_off):
    lane = lax.iota(jnp.int32, 16)
    bits = [(lane & s) != 0 for s in (8, 4, 2, 1)]
    perms = [lane ^ s for s in (8, 4, 2, 1)]

    def merge(u, v, level):
        bit = bits[level]
        m1 = jnp.where(bit, v, u)
        m2 = jnp.where(bit, _take16(v, perms[level]), _take16(u, perms[level]))
        return m1 + m2

    def group_body(g, carry):
        e0 = g * GRP

        def slice_pair(o, accs):
            return tuple(
                accs[ke]
                + rows_a[e0 + ke, pl.ds(o, 16)] * rows_b[e0 + ke, pl.ds(o, 16)]
                for ke in range(GRP))

        def jbody(j, accs):
            o = j * 32
            return slice_pair(o + 16, slice_pair(o, accs))

        init = tuple(
            rows_a[e0 + ke, pl.ds(0, 16)] * rows_b[e0 + ke, pl.ds(0, 16)]
            for ke in range(GRP))
        init = slice_pair(16, init)
        vecs = list(lax.fori_loop(1, D // 32, jbody, init))
        for level, s in enumerate((8, 4, 2, 1)):
            vecs = [merge(vecs[i], vecs[i + s], level) for i in range(s)]
        out_v[pl.ds(out_off + e0, GRP)] = vecs[0]
        return carry

    lax.fori_loop(0, NGRP, group_body, 0)


@functools.partial(
    pl.kernel,
    out_type=jax.ShapeDtypeStruct((E,), jnp.float32),
    mesh=plsc.VectorSubcoreMesh(core_axis_name="c", subcore_axis_name="s"),
    scratch_types=[
        pltpu.VMEM((EPT,), jnp.int32),
        pltpu.VMEM((EPT,), jnp.int32),
        pltpu.VMEM((B, D), jnp.float32),
        pltpu.VMEM((B, D), jnp.float32),
        pltpu.VMEM((B, D), jnp.float32),
        pltpu.VMEM((B, D), jnp.float32),
        pltpu.VMEM((EPT,), jnp.float32),
        pltpu.SemaphoreType.DMA,
        pltpu.SemaphoreType.DMA,
        pltpu.SemaphoreType.DMA,
        pltpu.SemaphoreType.DMA,
    ],
)
def _sc_classify(xu_hbm, xi_hbm, src_hbm, dst_hbm, out_hbm,
                 idx_a, idx_b, ra0, ra1, rb0, rb1, out_v,
                 sa0, sa1, sb0, sb1):
    wid = lax.axis_index("s") * 2 + lax.axis_index("c")
    base = wid * EPT
    pltpu.sync_copy(src_hbm.at[pl.ds(base, EPT)], idx_a)
    pltpu.sync_copy(dst_hbm.at[pl.ds(base, EPT)], idx_b)

    def start(c, ra, rb, sema, semb):
        off = c * B
        pltpu.make_async_copy(xu_hbm.at[idx_a.at[pl.ds(off, B)]], ra, sema).start()
        pltpu.make_async_copy(xi_hbm.at[idx_b.at[pl.ds(off, B)]], rb, semb).start()

    def wait(ra, rb, sema, semb):
        pltpu.make_async_copy(xu_hbm.at[pl.ds(0, B)], ra, sema).wait()
        pltpu.make_async_copy(xi_hbm.at[pl.ds(0, B)], rb, semb).wait()

    start(0, ra0, rb0, sa0, sb0)

    def pair_body(gg, carry):
        c0 = gg * 2
        start(c0 + 1, ra1, rb1, sa1, sb1)
        wait(ra0, rb0, sa0, sb0)
        _dot_chunk(ra0, rb0, out_v, c0 * B)
        start(c0 + 2, ra0, rb0, sa0, sb0)
        wait(ra1, rb1, sa1, sb1)
        _dot_chunk(ra1, rb1, out_v, (c0 + 1) * B)
        return carry

    lax.fori_loop(0, (NCH - 1) // 2, pair_body, 0)
    wait(ra0, rb0, sa0, sb0)
    _dot_chunk(ra0, rb0, out_v, (NCH - 1) * B)

    pltpu.sync_copy(out_v, out_hbm.at[pl.ds(base, EPT)])


def kernel(x_user, x_item, edge_label_index):
    src = edge_label_index[0].astype(jnp.int32)
    dst = edge_label_index[1].astype(jnp.int32)
    return _sc_classify(x_user, x_item, src, dst)

# --- scband reference (transcript-rebuilt; emitter-appended) ---
"""Pipeline reference for scband-classifier-20968030339504 (READ-ONLY COPY).

The authoritative reference and input builder live on the scoring server;
editing this copy changes nothing except your own understanding.
"""

import jax, jax.numpy as jnp
import numpy as np


def setup_inputs(seed: int = 0) -> dict:
    key = jax.random.key(seed)
    k1, k2, k3 = jax.random.split(key, 3)
    x_user = jax.random.normal(k1, (10000, 128), dtype=jnp.float32)
    x_item = jax.random.normal(k2, (10000, 128), dtype=jnp.float32)
    edge_label_index = jax.random.randint(k3, (2, 320000), 0, 10000, dtype=jnp.int64 if jax.config.jax_enable_x64 else jnp.int32)
    return {"x_user": x_user, "x_item": x_item, "edge_label_index": edge_label_index}


def reference(x_user, x_item, edge_label_index):
    # x_dict[link_type[0]] -> x_user, x_dict[link_type[2]] -> x_item
    x_src = jnp.take(x_user, edge_label_index[0], axis=0)
    x_dst = jnp.take(x_item, edge_label_index[1], axis=0)
    return (x_src * x_dst).sum(axis=-1)

if __name__ == "__main__":
    import jax
    _d = setup_inputs()
    print(jax.jit(kernel)(*tuple(_d.values())))

</pallas_src>

<mosaic_0001>
#map = affine_map<(d0, d1) -> (0, 0)>
#map1 = affine_map<(d0, d1) -> (0)>
module attributes {stable_mosaic.version = 14 : i64} {
  func.func @_sc_classify(%arg0: i32, %arg1: i32, %arg2: memref<10000x128xf32, #tpu.memory_space<hbm>>, %arg3: memref<10000x128xf32, #tpu.memory_space<hbm>>, %arg4: memref<320000xi32, #tpu.memory_space<hbm>>, %arg5: memref<320000xi32, #tpu.memory_space<hbm>>, %arg6: memref<320000xf32, #tpu.memory_space<hbm>>, %arg7: memref<10000xi32, #tpu.memory_space<vmem>>, %arg8: memref<10000xi32, #tpu.memory_space<vmem>>, %arg9: memref<80x128xf32, #tpu.memory_space<vmem>>, %arg10: memref<80x128xf32, #tpu.memory_space<vmem>>, %arg11: memref<80x128xf32, #tpu.memory_space<vmem>>, %arg12: memref<80x128xf32, #tpu.memory_space<vmem>>, %arg13: memref<10000xf32, #tpu.memory_space<vmem>>, %arg14: memref<!tpu.dma_semaphore, #tpu.memory_space<semaphore_mem>>, %arg15: memref<!tpu.dma_semaphore, #tpu.memory_space<semaphore_mem>>, %arg16: memref<!tpu.dma_semaphore, #tpu.memory_space<semaphore_mem>>, %arg17: memref<!tpu.dma_semaphore, #tpu.memory_space<semaphore_mem>>) attributes {dimension_semantics = [#tpu.dimension_semantics<core_parallel>, #tpu.dimension_semantics<subcore_parallel>], iteration_bounds = array<i64: 2, 16>, scalar_prefetch = 0 : i64, scratch_operands = 11 : i64, tpu.core_type = #tpu.core_type<sc_vector_subcore>, window_params = [{transform_indices = #map}, {transform_indices = #map}, {transform_indices = #map1}, {transform_indices = #map1}, {transform_indices = #map1}]} {
    %mul3A = arith.constant 2 : i32
    %mul3A_0 = arith.muli %arg1, %mul3A : i32
    %add3A = arith.addi %mul3A_0, %arg0 : i32
    %mul3A_1 = arith.constant 10000 : i32
    %mul3A_2 = arith.muli %add3A, %mul3A_1 : i32
    "tpu.region"() ({
      %run_scoped3A = tpu.sem_alloc : memref<!tpu.dma_semaphore, #tpu.memory_space<semaphore_mem>>
      %dma_start3A_67 = tpu.memref_slice %arg4[%mul3A_2] : memref<320000xi32, #tpu.memory_space<hbm>> -> memref<10000xi32, #tpu.memory_space<hbm>>
      %dma_start3A_68 = tpu.memref_slice %arg4[%mul3A_2] : memref<320000xi32, #tpu.memory_space<hbm>> -> memref<10000xi32, #tpu.memory_space<hbm>>
      tpu.enqueue_dma source(%dma_start3A_68 : memref<10000xi32, #tpu.memory_space<hbm>>) target(%arg7 : memref<10000xi32, #tpu.memory_space<vmem>>) target_semaphore(%run_scoped3A : memref<!tpu.dma_semaphore, #tpu.memory_space<semaphore_mem>>)
      %dma_wait3A_69 = tpu.memref_slice %arg4[%mul3A_2] : memref<320000xi32, #tpu.memory_space<hbm>> -> memref<10000xi32, #tpu.memory_space<hbm>>
      %dma_wait3A_70 = tpu.memref_slice %arg4[%mul3A_2] : memref<320000xi32, #tpu.memory_space<hbm>> -> memref<10000xi32, #tpu.memory_space<hbm>>
      tpu.wait_dma2 semaphore(%run_scoped3A : memref<!tpu.dma_semaphore, #tpu.memory_space<semaphore_mem>>) src(%dma_wait3A_70 : memref<10000xi32, #tpu.memory_space<hbm>>) dst(%arg7 : memref<10000xi32, #tpu.memory_space<vmem>>)
      tpu.yield
    }) : () -> ()
    "tpu.region"() ({
      %run_scoped3A = tpu.sem_alloc : memref<!tpu.dma_semaphore, #tpu.memory_space<semaphore_mem>>
      %dma_start3A_67 = tpu.memref_slice %arg5[%mul3A_2] : memref<320000xi32, #tpu.memory_space<hbm>> -> memref<10000xi32, #tpu.memory_space<hbm>>
      %dma_start3A_68 = tpu.memref_slice %arg5[%mul3A_2] : memref<320000xi32, #tpu.memory_space<hbm>> -> memref<10000xi32, #tpu.memory_space<hbm>>
      tpu.enqueue_dma source(%dma_start3A_68 : memref<10000xi32, #tpu.memory_space<hbm>>) target(%arg8 : memref<10000xi32, #tpu.memory_space<vmem>>) target_semaphore(%run_scoped3A : memref<!tpu.dma_semaphore, #tpu.memory_space<semaphore_mem>>)
      %dma_wait3A_69 = tpu.memref_slice %arg5[%mul3A_2] : memref<320000xi32, #tpu.memory_space<hbm>> -> memref<10000xi32, #tpu.memory_space<hbm>>
      %dma_wait3A_70 = tpu.memref_slice %arg5[%mul3A_2] : memref<320000xi32, #tpu.memory_space<hbm>> -> memref<10000xi32, #tpu.memory_space<hbm>>
      tpu.wait_dma2 semaphore(%run_scoped3A : memref<!tpu.dma_semaphore, #tpu.memory_space<semaphore_mem>>) src(%dma_wait3A_70 : memref<10000xi32, #tpu.memory_space<hbm>>) dst(%arg8 : memref<10000xi32, #tpu.memory_space<vmem>>)
      tpu.yield
    }) : () -> ()
    %dma_start3A = arith.constant 0 : i32
    %dma_start3A_3 = tpu.memref_slice %arg7[%dma_start3A] : memref<10000xi32, #tpu.memory_space<vmem>> -> memref<80xi32, #tpu.memory_space<vmem>>
    %dma_start3A_4 = arith.constant 0 : i32
    %dma_start3A_5 = arith.constant 0 : i32
    %dma_start3A_6 = tpu.memref_slice %arg2[%dma_start3A_4, %dma_start3A_5] : memref<10000x128xf32, #tpu.memory_space<hbm>> -> memref<10000x128xf32, #tpu.memory_space<hbm>>
    tpu.enqueue_indirect_dma source(%dma_start3A_6 : memref<10000x128xf32, #tpu.memory_space<hbm>>) target(%arg9 : memref<80x128xf32, #tpu.memory_space<vmem>>) offsets(%dma_start3A_3 : memref<80xi32, #tpu.memory_space<vmem>>) semaphore(%arg14 : memref<!tpu.dma_semaphore, #tpu.memory_space<semaphore_mem>>)
    %dma_start3A_7 = arith.constant 0 : i32
    %dma_start3A_8 = tpu.memref_slice %arg8[%dma_start3A_7] : memref<10000xi32, #tpu.memory_space<vmem>> -> memref<80xi32, #tpu.memory_space<vmem>>
    %dma_start3A_9 = arith.constant 0 : i32
    %dma_start3A_10 = arith.constant 0 : i32
    %dma_start3A_11 = tpu.memref_slice %arg3[%dma_start3A_9, %dma_start3A_10] : memref<10000x128xf32, #tpu.memory_space<hbm>> -> memref<10000x128xf32, #tpu.memory_space<hbm>>
    tpu.enqueue_indirect_dma source(%dma_start3A_11 : memref<10000x128xf32, #tpu.memory_space<hbm>>) target(%arg11 : memref<80x128xf32, #tpu.memory_space<vmem>>) offsets(%dma_start3A_8 : memref<80xi32, #tpu.memory_space<vmem>>) semaphore(%arg16 : memref<!tpu.dma_semaphore, #tpu.memory_space<semaphore_mem>>)
    %scan3A = arith.constant 0 : i32
    %scan3A_12 = arith.constant 0 : i32
    %scan3A_13 = arith.constant 62 : i32
    %scan3A_14 = arith.addi %scan3A_12, %scan3A_13 : i32
    %scan3A_15 = arith.constant 1 : i32
    scf.for %scan3A_67 = %scan3A_12 to %scan3A_14 step %scan3A_15  : i32 {
      %mul3A_68 = arith.constant 2 : i32
      %mul3A_69 = arith.muli %scan3A_67, %mul3A_68 : i32
      %add3A_70 = arith.constant 1 : i32
      %add3A_71 = arith.addi %mul3A_69, %add3A_70 : i32
      %mul3A_72 = arith.constant 80 : i32
      %mul3A_73 = arith.muli %add3A_71, %mul3A_72 : i32
      %dma_start3A_74 = tpu.memref_slice %arg7[%mul3A_73] : memref<10000xi32, #tpu.memory_space<vmem>> -> memref<80xi32, #tpu.memory_space<vmem>>
      %dma_start3A_75 = arith.constant 0 : i32
      %dma_start3A_76 = arith.constant 0 : i32
      %dma_start3A_77 = tpu.memref_slice %arg2[%dma_start3A_75, %dma_start3A_76] : memref<10000x128xf32, #tpu.memory_space<hbm>> -> memref<10000x128xf32, #tpu.memory_space<hbm>>
      tpu.enqueue_indirect_dma source(%dma_start3A_77 : memref<10000x128xf32, #tpu.memory_space<hbm>>) target(%arg10 : memref<80x128xf32, #tpu.memory_space<vmem>>) offsets(%dma_start3A_74 : memref<80xi32, #tpu.memory_space<vmem>>) semaphore(%arg15 : memref<!tpu.dma_semaphore, #tpu.memory_space<semaphore_mem>>)
      %dma_start3A_78 = tpu.memref_slice %arg8[%mul3A_73] : memref<10000xi32, #tpu.memory_space<vmem>> -> memref<80xi32, #tpu.memory_space<vmem>>
      %dma_start3A_79 = arith.constant 0 : i32
      %dma_start3A_80 = arith.constant 0 : i32
      %dma_start3A_81 = tpu.memref_slice %arg3[%dma_start3A_79, %dma_start3A_80] : memref<10000x128xf32, #tpu.memory_space<hbm>> -> memref<10000x128xf32, #tpu.memory_space<hbm>>
      tpu.enqueue_indirect_dma source(%dma_start3A_81 : memref<10000x128xf32, #tpu.memory_space<hbm>>) target(%arg12 : memref<80x128xf32, #tpu.memory_space<vmem>>) offsets(%dma_start3A_78 : memref<80xi32, #tpu.memory_space<vmem>>) semaphore(%arg17 : memref<!tpu.dma_semaphore, #tpu.memory_space<semaphore_mem>>)
      %dma_wait3A_82 = arith.constant 0 : i32
      %dma_wait3A_83 = arith.constant 0 : i32
      %dma_wait3A_84 = tpu.memref_slice %arg2[%dma_wait3A_82, %dma_wait3A_83] : memref<10000x128xf32, #tpu.memory_space<hbm>> -> memref<80x128xf32, #tpu.memory_space<hbm>>
      %dma_wait3A_85 = arith.constant 0 : i32
      %dma_wait3A_86 = arith.constant 0 : i32
      %dma_wait3A_87 = tpu.memref_slice %arg2[%dma_wait3A_85, %dma_wait3A_86] : memref<10000x128xf32, #tpu.memory_space<hbm>> -> memref<80x128xf32, #tpu.memory_space<hbm>>
      tpu.wait_dma2 semaphore(%arg14 : memref<!tpu.dma_semaphore, #tpu.memory_space<semaphore_mem>>) src(%dma_wait3A_87 : memref<80x128xf32, #tpu.memory_space<hbm>>) dst(%arg9 : memref<80x128xf32, #tpu.memory_space<vmem>>)
      %dma_wait3A_88 = arith.constant 0 : i32
      %dma_wait3A_89 = arith.constant 0 : i32
      %dma_wait3A_90 = tpu.memref_slice %arg3[%dma_wait3A_88, %dma_wait3A_89] : memref<10000x128xf32, #tpu.memory_space<hbm>> -> memref<80x128xf32, #tpu.memory_space<hbm>>
      %dma_wait3A_91 = arith.constant 0 : i32
      %dma_wait3A_92 = arith.constant 0 : i32
      %dma_wait3A_93 = tpu.memref_slice %arg3[%dma_wait3A_91, %dma_wait3A_92] : memref<10000x128xf32, #tpu.memory_space<hbm>> -> memref<80x128xf32, #tpu.memory_space<hbm>>
      tpu.wait_dma2 semaphore(%arg16 : memref<!tpu.dma_semaphore, #tpu.memory_space<semaphore_mem>>) src(%dma_wait3A_93 : memref<80x128xf32, #tpu.memory_space<hbm>>) dst(%arg11 : memref<80x128xf32, #tpu.memory_space<vmem>>)
      %mul3A_94 = arith.constant 80 : i32
      %mul3A_95 = arith.muli %mul3A_69, %mul3A_94 : i32
      %iota3A_96 = tpu.iota {dimensions = array<i32: 0>} : vector<16xi32>
      %and3A_97 = arith.constant 8 : i32
      %and3A_98 = vector.broadcast %and3A_97 : i32 to vector<16xi32>
      %and3A_99 = arith.andi %iota3A_96, %and3A_98 : vector<16xi32>
      %ne3A_100 = arith.constant 0 : i32
      %ne3A_101 = vector.broadcast %ne3A_100 : i32 to vector<16xi32>
      %ne3A_102 = arith.cmpi ne, %and3A_99, %ne3A_101 : vector<16xi32>
      %and3A_103 = arith.constant 4 : i32
      %and3A_104 = vector.broadcast %and3A_103 : i32 to vector<16xi32>
      %and3A_105 = arith.andi %iota3A_96, %and3A_104 : vector<16xi32>
      %ne3A_106 = arith.constant 0 : i32
      %ne3A_107 = vector.broadcast %ne3A_106 : i32 to vector<16xi32>
      %ne3A_108 = arith.cmpi ne, %and3A_105, %ne3A_107 : vector<16xi32>
      %and3A_109 = arith.constant 2 : i32
      %and3A_110 = vector.broadcast %and3A_109 : i32 to vector<16xi32>
      %and3A_111 = arith.andi %iota3A_96, %and3A_110 : vector<16xi32>
      %ne3A_112 = arith.constant 0 : i32
      %ne3A_113 = vector.broadcast %ne3A_112 : i32 to vector<16xi32>
      %ne3A_114 = arith.cmpi ne, %and3A_111, %ne3A_113 : vector<16xi32>
      %and3A_115 = arith.constant 1 : i32
      %and3A_116 = vector.broadcast %and3A_115 : i32 to vector<16xi32>
      %and3A_117 = arith.andi %iota3A_96, %and3A_116 : vector<16xi32>
      %ne3A_118 = arith.constant 0 : i32
      %ne3A_119 = vector.broadcast %ne3A_118 : i32 to vector<16xi32>
      %ne3A_120 = arith.cmpi ne, %and3A_117, %ne3A_119 : vector<16xi32>
      %xor3A_121 = arith.constant 8 : i32
      %xor3A_122 = vector.broadcast %xor3A_121 : i32 to vector<16xi32>
      %xor3A_123 = arith.xori %iota3A_96, %xor3A_122 : vector<16xi32>
      %xor3A_124 = arith.constant 4 : i32
      %xor3A_125 = vector.broadcast %xor3A_124 : i32 to vector<16xi32>
      %xor3A_126 = arith.xori %iota3A_96, %xor3A_125 : vector<16xi32>
      %xor3A_127 = arith.constant 2 : i32
      %xor3A_128 = vector.broadcast %xor3A_127 : i32 to vector<16xi32>
      %xor3A_129 = arith.xori %iota3A_96, %xor3A_128 : vector<16xi32>
      %xor3A_130 = arith.constant 1 : i32
      %xor3A_131 = vector.broadcast %xor3A_130 : i32 to vector<16xi32>
      %xor3A_132 = arith.xori %iota3A_96, %xor3A_131 : vector<16xi32>
      %scan3A_133 = arith.constant 0 : i32
      %scan3A_134 = arith.constant 0 : i32
      %scan3A_135 = arith.constant 5 : i32
      %scan3A_136 = arith.addi %scan3A_134, %scan3A_135 : i32
      %scan3A_137 = arith.constant 1 : i32
      scf.for %scan3A_210 = %scan3A_134 to %scan3A_136 step %scan3A_137  : i32 {
        %mul3A_211 = arith.constant 16 : i32
        %mul3A_212 = arith.muli %scan3A_210, %mul3A_211 : i32
        %add3A_213 = arith.constant 0 : i32
        %add3A_214 = arith.addi %mul3A_212, %add3A_213 : i32
        %get3A = arith.index_cast %add3A_214 : i32 to index
        %get3A_215 = arith.constant 0 : index
        %get3A_216 = tpu.vector_load %arg9[%get3A, %get3A_215] {strides = array<i32>} : memref<80x128xf32, #tpu.memory_space<vmem>>, vector<1x16xf32>,
        %get3A_217 = vector.shape_cast %get3A_216 : vector<1x16xf32> to vector<16xf32>
        %add3A_218 = arith.constant 0 : i32
        %add3A_219 = arith.addi %mul3A_212, %add3A_218 : i32
        %get3A_220 = arith.index_cast %add3A_219 : i32 to index
        %get3A_221 = arith.constant 0 : index
        %get3A_222 = tpu.vector_load %arg11[%get3A_220, %get3A_221] {strides = array<i32>} : memref<80x128xf32, #tpu.memory_space<vmem>>, vector<1x16xf32>,
        %get3A_223 = vector.shape_cast %get3A_222 : vector<1x16xf32> to vector<16xf32>
        %mul3A_224 = arith.mulf %get3A_217, %get3A_223 : vector<16xf32>
        %add3A_225 = arith.constant 1 : i32
        %add3A_226 = arith.addi %mul3A_212, %add3A_225 : i32
        %get3A_227 = arith.index_cast %add3A_226 : i32 to index
        %get3A_228 = arith.constant 0 : index
        %get3A_229 = tpu.vector_load %arg9[%get3A_227, %get3A_228] {strides = array<i32>} : memref<80x128xf32, #tpu.memory_space<vmem>>, vector<1x16xf32>,
        %get3A_230 = vector.shape_cast %get3A_229 : vector<1x16xf32> to vector<16xf32>
        %add3A_231 = arith.constant 1 : i32
        %add3A_232 = arith.addi %mul3A_212, %add3A_231 : i32
        %get3A_233 = arith.index_cast %add3A_232 : i32 to index
        %get3A_234 = arith.constant 0 : index
        %get3A_235 = tpu.vector_load %arg11[%get3A_233, %get3A_234] {strides = array<i32>} : memref<80x128xf32, #tpu.memory_space<vmem>>, vector<1x16xf32>,
        %get3A_236 = vector.shape_cast %get3A_235 : vector<1x16xf32> to vector<16xf32>
        %mul3A_237 = arith.mulf %get3A_230, %get3A_236 : vector<16xf32>
        %add3A_238 = arith.constant 2 : i32
        %add3A_239 = arith.addi %mul3A_212, %add3A_238 : i32
        %get3A_240 = arith.index_cast %add3A_239 : i32 to index
        %get3A_241 = arith.constant 0 : index
        %get3A_242 = tpu.vector_load %arg9[%get3A_240, %get3A_241] {strides = array<i32>} : memref<80x128xf32, #tpu.memory_space<vmem>>, vector<1x16xf32>,
        %get3A_243 = vector.shape_cast %get3A_242 : vector<1x16xf32> to vector<16xf32>
        %add3A_244 = arith.constant 2 : i32
        %add3A_245 = arith.addi %mul3A_212, %add3A_244 : i32
        %get3A_246 = arith.index_cast %add3A_245 : i32 to index
        %get3A_247 = arith.constant 0 : index
        %get3A_248 = tpu.vector_load %arg11[%get3A_246, %get3A_247] {strides = array<i32>} : memref<80x128xf32, #tpu.memory_space<vmem>>, vector<1x16xf32>,
        %get3A_249 = vector.shape_cast %get3A_248 : vector<1x16xf32> to vector<16xf32>
        %mul3A_250 = arith.mulf %get3A_243, %get3A_249 : vector<16xf32>
        %add3A_251 = arith.constant 3 : i32
        %add3A_252 = arith.addi %mul3A_212, %add3A_251 : i32
        %get3A_253 = arith.index_cast %add3A_252 : i32 to index
        %get3A_254 = arith.constant 0 : index
        %get3A_255 = tpu.vector_load %arg9[%get3A_253, %get3A_254] {strides = array<i32>} : memref<80x128xf32, #tpu.memory_space<vmem>>, vector<1x16xf32>,
        %get3A_256 = vector.shape_cast %get3A_255 : vector<1x16xf32> to vector<16xf32>
        %add3A_257 = arith.constant 3 : i32
        %add3A_258 = arith.addi %mul3A_212, %add3A_257 : i32
        %get3A_259 = arith.index_cast %add3A_258 : i32 to index
        %get3A_260 = arith.constant 0 : index
        %get3A_261 = tpu.vector_load %arg11[%get3A_259, %get3A_260] {strides = array<i32>} : memref<80x128xf32, #tpu.memory_space<vmem>>, vector<1x16xf32>,
        %get3A_262 = vector.shape_cast %get3A_261 : vector<1x16xf32> to vector<16xf32>
        %mul3A_263 = arith.mulf %get3A_256, %get3A_262 : vector<16xf32>
        %add3A_264 = arith.constant 4 : i32
        %add3A_265 = arith.addi %mul3A_212, %add3A_264 : i32
        %get3A_266 = arith.index_cast %add3A_265 : i32 to index
        %get3A_267 = arith.constant 0 : index
        %get3A_268 = tpu.vector_load %arg9[%get3A_266, %get3A_267] {strides = array<i32>} : memref<80x128xf32, #tpu.memory_space<vmem>>, vector<1x16xf32>,
        %get3A_269 = vector.shape_cast %get3A_268 : vector<1x16xf32> to vector<16xf32>
        %add3A_270 = arith.constant 4 : i32
        %add3A_271 = arith.addi %mul3A_212, %add3A_270 : i32
        %get3A_272 = arith.index_cast %add3A_271 : i32 to index
        %get3A_273 = arith.constant 0 : index
        %get3A_274 = tpu.vector_load %arg11[%get3A_272, %get3A_273] {strides = array<i32>} : memref<80x128xf32, #tpu.memory_space<vmem>>, vector<1x16xf32>,
        %get3A_275 = vector.shape_cast %get3A_274 : vector<1x16xf32> to vector<16xf32>
        %mul3A_276 = arith.mulf %get3A_269, %get3A_275 : vector<16xf32>
        %add3A_277 = arith.constant 5 : i32
        %add3A_278 = arith.addi %mul3A_212, %add3A_277 : i32
        %get3A_279 = arith.index_cast %add3A_278 : i32 to index
        %get3A_280 = arith.constant 0 : index
        %get3A_281 = tpu.vector_load %arg9[%get3A_279, %get3A_280] {strides = array<i32>} : memref<80x128xf32, #tpu.memory_space<vmem>>, vector<1x16xf32>,
        %get3A_282 = vector.shape_cast %get3A_281 : vector<1x16xf32> to vector<16xf32>
        %add3A_283 = arith.constant 5 : i32
        %add3A_284 = arith.addi %mul3A_212, %add3A_283 : i32
        %get3A_285 = arith.index_cast %add3A_284 : i32 to index
        %get3A_286 = arith.constant 0 : index
        %get3A_287 = tpu.vector_load %arg11[%get3A_285, %get3A_286] {strides = array<i32>} : memref<80x128xf32, #tpu.memory_space<vmem>>, vector<1x16xf32>,
        %get3A_288 = vector.shape_cast %get3A_287 : vector<1x16xf32> to vector<16xf32>
        %mul3A_289 = arith.mulf %get3A_282, %get3A_288 : vector<16xf32>
        %add3A_290 = arith.constant 6 : i32
        %add3A_291 = arith.addi %mul3A_212, %add3A_290 : i32
        %get3A_292 = arith.index_cast %add3A_291 : i32 to index
        %get3A_293 = arith.constant 0 : index
        %get3A_294 = tpu.vector_load %arg9[%get3A_292, %get3A_293] {strides = array<i32>} : memref<80x128xf32, #tpu.memory_space<vmem>>, vector<1x16xf32>,
        %get3A_295 = vector.shape_cast %get3A_294 : vector<1x16xf32> to vector<16xf32>
        %add3A_296 = arith.constant 6 : i32
        %add3A_297 = arith.addi %mul3A_212, %add3A_296 : i32
        %get3A_298 = arith.index_cast %add3A_297 : i32 to index
        %get3A_299 = arith.constant 0 : index
        %get3A_300 = tpu.vector_load %arg11[%get3A_298, %get3A_299] {strides = array<i32>} : memref<80x128xf32, #tpu.memory_space<vmem>>, vector<1x16xf32>,
        %get3A_301 = vector.shape_cast %get3A_300 : vector<1x16xf32> to vector<16xf32>
        %mul3A_302 = arith.mulf %get3A_295, %get3A_301 : vector<16xf32>
        %add3A_303 = arith.constant 7 : i32
        %add3A_304 = arith.addi %mul3A_212, %add3A_303 : i32
        %get3A_305 = arith.index_cast %add3A_304 : i32 to index
        %get3A_306 = arith.constant 0 : index
        %get3A_307 = tpu.vector_load %arg9[%get3A_305, %get3A_306] {strides = array<i32>} : memref<80x128xf32, #tpu.memory_space<vmem>>, vector<1x16xf32>,
        %get3A_308 = vector.shape_cast %get3A_307 : vector<1x16xf32> to vector<16xf32>
        %add3A_309 = arith.constant 7 : i32
        %add3A_310 = arith.addi %mul3A_212, %add3A_309 : i32
        %get3A_311 = arith.index_cast %add3A_310 : i32 to index
        %get3A_312 = arith.constant 0 : index
        %get3A_313 = tpu.vector_load %arg11[%get3A_311, %get3A_312] {strides = array<i32>} : memref<80x128xf32, #tpu.memory_space<vmem>>, vector<1x16xf32>,
        %get3A_314 = vector.shape_cast %get3A_313 : vector<1x16xf32> to vector<16xf32>
        %mul3A_315 = arith.mulf %get3A_308, %get3A_314 : vector<16xf32>
        %add3A_316 = arith.constant 8 : i32
        %add3A_317 = arith.addi %mul3A_212, %add3A_316 : i32
        %get3A_318 = arith.index_cast %add3A_317 : i32 to index
        %get3A_319 = arith.constant 0 : index
        %get3A_320 = tpu.vector_load %arg9[%get3A_318, %get3A_319] {strides = array<i32>} : memref<80x128xf32, #tpu.memory_space<vmem>>, vector<1x16xf32>,
        %get3A_321 = vector.shape_cast %get3A_320 : vector<1x16xf32> to vector<16xf32>
        %add3A_322 = arith.constant 8 : i32
        %add3A_323 = arith.addi %mul3A_212, %add3A_322 : i32
        %get3A_324 = arith.index_cast %add3A_323 : i32 to index
        %get3A_325 = arith.constant 0 : index
        %get3A_326 = tpu.vector_load %arg11[%get3A_324, %get3A_325] {strides = array<i32>} : memref<80x128xf32, #tpu.memory_space<vmem>>, vector<1x16xf32>,
        %get3A_327 = vector.shape_cast %get3A_326 : vector<1x16xf32> to vector<16xf32>
        %mul3A_328 = arith.mulf %get3A_321, %get3A_327 : vector<16xf32>
        %add3A_329 = arith.constant 9 : i32
        %add3A_330 = arith.addi %mul3A_212, %add3A_329 : i32
        %get3A_331 = arith.index_cast %add3A_330 : i32 to index
        %get3A_332 = arith.constant 0 : index
        %get3A_333 = tpu.vector_load %arg9[%get3A_331, %get3A_332] {strides = array<i32>} : memref<80x128xf32, #tpu.memory_space<vmem>>, vector<1x16xf32>,
        %get3A_334 = vector.shape_cast %get3A_333 : vector<1x16xf32> to vector<16xf32>
        %add3A_335 = arith.constant 9 : i32
        %add3A_336 = arith.addi %mul3A_212, %add3A_335 : i32
        %get3A_337 = arith.index_cast %add3A_336 : i32 to index
        %get3A_338 = arith.constant 0 : index
        %get3A_339 = tpu.vector_load %arg11[%get3A_337, %get3A_338] {strides = array<i32>} : memref<80x128xf32, #tpu.memory_space<vmem>>, vector<1x16xf32>,
        %get3A_340 = vector.shape_cast %get3A_339 : vector<1x16xf32> to vector<16xf32>
        %mul3A_341 = arith.mulf %get3A_334, %get3A_340 : vector<16xf32>
        %add3A_342 = arith.constant 10 : i32
        %add3A_343 = arith.addi %mul3A_212, %add3A_342 : i32
        %get3A_344 = arith.index_cast %add3A_343 : i32 to index
        %get3A_345 = arith.constant 0 : index
        %get3A_346 = tpu.vector_load %arg9[%get3A_344, %get3A_345] {strides = array<i32>} : memref<80x128xf32, #tpu.memory_space<vmem>>, vector<1x16xf32>,
        %get3A_347 = vector.shape_cast %get3A_346 : vector<1x16xf32> to vector<16xf32>
        %add3A_348 = arith.constant 10 : i32
        %add3A_349 = arith.addi %mul3A_212, %add3A_348 : i32
        %get3A_350 = arith.index_cast %add3A_349 : i32 to index
        %get3A_351 = arith.constant 0 : index
        %get3A_352 = tpu.vector_load %arg11[%get3A_350, %get3A_351] {strides = array<i32>} : memref<80x128xf32, #tpu.memory_space<vmem>>, vector<1x16xf32>,
        %get3A_353 = vector.shape_cast %get3A_352 : vector<1x16xf32> to vector<16xf32>
        %mul3A_354 = arith.mulf %get3A_347, %get3A_353 : vector<16xf32>
        %add3A_355 = arith.constant 11 : i32
        %add3A_356 = arith.addi %mul3A_212, %add3A_355 : i32
        %get3A_357 = arith.index_cast %add3A_356 : i32 to index
        %get3A_358 = arith.constant 0 : index
        %get3A_359 = tpu.vector_load %arg9[%get3A_357, %get3A_358] {strides = array<i32>} : memref<80x128xf32, #tpu.memory_space<vmem>>, vector<1x16xf32>,
        %get3A_360 = vector.shape_cast %get3A_359 : vector<1x16xf32> to vector<16xf32>
        %add3A_361 = arith.constant 11 : i32
        %add3A_362 = arith.addi %mul3A_212, %add3A_361 : i32
        %get3A_363 = arith.index_cast %add3A_362 : i32 to index
        %get3A_364 = arith.constant 0 : index
        %get3A_365 = tpu.vector_load %arg11[%get3A_363, %get3A_364] {strides = array<i32>} : memref<80x128xf32, #tpu.memory_space<vmem>>, vector<1x16xf32>,
        %get3A_366 = vector.shape_cast %get3A_365 : vector<1x16xf32> to vector<16xf32>
        %mul3A_367 = arith.mulf %get3A_360, %get3A_366 : vector<16xf32>
        %add3A_368 = arith.constant 12 : i32
        %add3A_369 = arith.addi %mul3A_212, %add3A_368 : i32
        %get3A_370 = arith.index_cast %add3A_369 : i32 to index
        %get3A_371 = arith.constant 0 : index
        %get3A_372 = tpu.vector_load %arg9[%get3A_370, %get3A_371] {strides = array<i32>} : memref<80x128xf32, #tpu.memory_space<vmem>>, vector<1x16xf32>,
        %get3A_373 = vector.shape_cast %get3A_372 : vector<1x16xf32> to vector<16xf32>
        %add3A_374 = arith.constant 12 : i32
        %add3A_375 = arith.addi %mul3A_212, %add3A_374 : i32
        %get3A_376 = arith.index_cast %add3A_375 : i32 to index
        %get3A_377 = arith.constant 0 : index
        %get3A_378 = tpu.vector_load %arg11[%get3A_376, %get3A_377] {strides = array<i32>} : memref<80x128xf32, #tpu.memory_space<vmem>>, vector<1x16xf32>,
        %get3A_379 = vector.shape_cast %get3A_378 : vector<1x16xf32> to vector<16xf32>
        %mul3A_380 = arith.mulf %get3A_373, %get3A_379 : vector<16xf32>
        %add3A_381 = arith.constant 13 : i32
        %add3A_382 = arith.addi %mul3A_212, %add3A_381 : i32
        %get3A_383 = arith.index_cast %add3A_382 : i32 to index
        %get3A_384 = arith.constant 0 : index
        %get3A_385 = tpu.vector_load %arg9[%get3A_383, %get3A_384] {strides = array<i32>} : memref<80x128xf32, #tpu.memory_space<vmem>>, vector<1x16xf32>,
        %get3A_386 = vector.shape_cast %get3A_385 : vector<1x16xf32> to vector<16xf32>
        %add3A_387 = arith.constant 13 : i32
        %add3A_388 = arith.addi %mul3A_212, %add3A_387 : i32
        %get3A_389 = arith.index_cast %add3A_388 : i32 to index
        %get3A_390 = arith.constant 0 : index
        %get3A_391 = tpu.vector_load %arg11[%get3A_389, %get3A_390] {strides = array<i32>} : memref<80x128xf32, #tpu.memory_space<vmem>>, vector<1x16xf32>,
        %get3A_392 = vector.shape_cast %get3A_391 : vector<1x16xf32> to vector<16xf32>
        %mul3A_393 = arith.mulf %get3A_386, %get3A_392 : vector<16xf32>
        %add3A_394 = arith.constant 14 : i32
        %add3A_395 = arith.addi %mul3A_212, %add3A_394 : i32
        %get3A_396 = arith.index_cast %add3A_395 : i32 to index
        %get3A_397 = arith.constant 0 : index
        %get3A_398 = tpu.vector_load %arg9[%get3A_396, %get3A_397] {strides = array<i32>} : memref<80x128xf32, #tpu.memory_space<vmem>>, vector<1x16xf32>,
        %get3A_399 = vector.shape_cast %get3A_398 : vector<1x16xf32> to vector<16xf32>
        %add3A_400 = arith.constant 14 : i32
        %add3A_401 = arith.addi %mul3A_212, %add3A_400 : i32
        %get3A_402 = arith.index_cast %add3A_401 : i32 to index
        %get3A_403 = arith.constant 0 : index
        %get3A_404 = tpu.vector_load %arg11[%get3A_402, %get3A_403] {strides = array<i32>} : memref<80x128xf32, #tpu.memory_space<vmem>>, vector<1x16xf32>,
        %get3A_405 = vector.shape_cast %get3A_404 : vector<1x16xf32> to vector<16xf32>
        %mul3A_406 = arith.mulf %get3A_399, %get3A_405 : vector<16xf32>
        %add3A_407 = arith.constant 15 : i32
        %add3A_408 = arith.addi %mul3A_212, %add3A_407 : i32
        %get3A_409 = arith.index_cast %add3A_408 : i32 to index
        %get3A_410 = arith.constant 0 : index
        %get3A_411 = tpu.vector_load %arg9[%get3A_409, %get3A_410] {strides = array<i32>} : memref<80x128xf32, #tpu.memory_space<vmem>>, vector<1x16xf32>,
        %get3A_412 = vector.shape_cast %get3A_411 : vector<1x16xf32> to vector<16xf32>
        %add3A_413 = arith.constant 15 : i32
        %add3A_414 = arith.addi %mul3A_212, %add3A_413 : i32
        %get3A_415 = arith.index_cast %add3A_414 : i32 to index
        %get3A_416 = arith.constant 0 : index
        %get3A_417 = tpu.vector_load %arg11[%get3A_415, %get3A_416] {strides = array<i32>} : memref<80x128xf32, #tpu.memory_space<vmem>>, vector<1x16xf32>,
        %get3A_418 = vector.shape_cast %get3A_417 : vector<1x16xf32> to vector<16xf32>
        %mul3A_419 = arith.mulf %get3A_412, %get3A_418 : vector<16xf32>
        %add3A_420 = arith.constant 0 : i32
        %add3A_421 = arith.addi %mul3A_212, %add3A_420 : i32
        %get3A_422 = arith.index_cast %add3A_421 : i32 to index
        %get3A_423 = arith.constant 16 : index
        %get3A_424 = tpu.vector_load %arg9[%get3A_422, %get3A_423] {strides = array<i32>} : memref<80x128xf32, #tpu.memory_space<vmem>>, vector<1x16xf32>,
        %get3A_425 = vector.shape_cast %get3A_424 : vector<1x16xf32> to vector<16xf32>
        %add3A_426 = arith.constant 0 : i32
        %add3A_427 = arith.addi %mul3A_212, %add3A_426 : i32
        %get3A_428 = arith.index_cast %add3A_427 : i32 to index
        %get3A_429 = arith.constant 16 : index
        %get3A_430 = tpu.vector_load %arg11[%get3A_428, %get3A_429] {strides = array<i32>} : memref<80x128xf32, #tpu.memory_space<vmem>>, vector<1x16xf32>,
        %get3A_431 = vector.shape_cast %get3A_430 : vector<1x16xf32> to vector<16xf32>
        %mul3A_432 = arith.mulf %get3A_425, %get3A_431 : vector<16xf32>
        %add3A_433 = arith.addf %mul3A_224, %mul3A_432 : vector<16xf32>
        %add3A_434 = arith.constant 1 : i32
        %add3A_435 = arith.addi %mul3A_212, %add3A_434 : i32
        %get3A_436 = arith.index_cast %add3A_435 : i32 to index
        %get3A_437 = arith.constant 16 : index
        %get3A_438 = tpu.vector_load %arg9[%get3A_436, %get3A_437] {strides = array<i32>} : memref<80x128xf32, #tpu.memory_space<vmem>>, vector<1x16xf32>,
        %get3A_439 = vector.shape_cast %get3A_438 : vector<1x16xf32> to vector<16xf32>
        %add3A_440 = arith.constant 1 : i32
        %add3A_441 = arith.addi %mul3A_212, %add3A_440 : i32
        %get3A_442 = arith.index_cast %add3A_441 : i32 to index
        %get3A_443 = arith.constant 16 : index
        %get3A_444 = tpu.vector_load %arg11[%get3A_442, %get3A_443] {strides = array<i32>} : memref<80x128xf32, #tpu.memory_space<vmem>>, vector<1x16xf32>,
        %get3A_445 = vector.shape_cast %get3A_444 : vector<1x16xf32> to vector<16xf32>
        %mul3A_446 = arith.mulf %get3A_439, %get3A_445 : vector<16xf32>
        %add3A_447 = arith.addf %mul3A_237, %mul3A_446 : vector<16xf32>
        %add3A_448 = arith.constant 2 : i32
        %add3A_449 = arith.addi %mul3A_212, %add3A_448 : i32
        %get3A_450 = arith.index_cast %add3A_449 : i32 to index
        %get3A_451 = arith.constant 16 : index
        %get3A_452 = tpu.vector_load %arg9[%get3A_450, %get3A_451] {strides = array<i32>} : memref<80x128xf32, #tpu.memory_space<vmem>>, vector<1x16xf32>,
        %get3A_453 = vector.shape_cast %get3A_452 : vector<1x16xf32> to vector<16xf32>
        %add3A_454 = arith.constant 2 : i32
        %add3A_455 = arith.addi %mul3A_212, %add3A_454 : i32
        %get3A_456 = arith.index_cast %add3A_455 : i32 to index
        %get3A_457 = arith.constant 16 : index
        %get3A_458 = tpu.vector_load %arg11[%get3A_456, %get3A_457] {strides = array<i32>} : memref<80x128xf32, #tpu.memory_space<vmem>>, vector<1x16xf32>,
        %get3A_459 = vector.shape_cast %get3A_458 : vector<1x16xf32> to vector<16xf32>
        %mul3A_460 = arith.mulf %get3A_453, %get3A_459 : vector<16xf32>
        %add3A_461 = arith.addf %mul3A_250, %mul3A_460 : vector<16xf32>
        %add3A_462 = arith.constant 3 : i32
        %add3A_463 = arith.addi %mul3A_212, %add3A_462 : i32
        %get3A_464 = arith.index_cast %add3A_463 : i32 to index
        %get3A_465 = arith.constant 16 : index
        %get3A_466 = tpu.vector_load %arg9[%get3A_464, %get3A_465] {strides = array<i32>} : memref<80x128xf32, #tpu.memory_space<vmem>>, vector<1x16xf32>,
        %get3A_467 = vector.shape_cast %get3A_466 : vector<1x16xf32> to vector<16xf32>
        %add3A_468 = arith.constant 3 : i32
        %add3A_469 = arith.addi %mul3A_212, %add3A_468 : i32
        %get3A_470 = arith.index_cast %add3A_469 : i32 to index
        %get3A_471 = arith.constant 16 : index
        %get3A_472 = tpu.vector_load %arg11[%get3A_470, %get3A_471] {strides = array<i32>} : memref<80x128xf32, #tpu.memory_space<vmem>>, vector<1x16xf32>,
        %get3A_473 = vector.shape_cast %get3A_472 : vector<1x16xf32> to vector<16xf32>
        %mul3A_474 = arith.mulf %get3A_467, %get3A_473 : vector<16xf32>
        %add3A_475 = arith.addf %mul3A_263, %mul3A_474 : vector<16xf32>
        %add3A_476 = arith.constant 4 : i32
        %add3A_477 = arith.addi %mul3A_212, %add3A_476 : i32
        %get3A_478 = arith.index_cast %add3A_477 : i32 to index
        %get3A_479 = arith.constant 16 : index
        %get3A_480 = tpu.vector_load %arg9[%get3A_478, %get3A_479] {strides = array<i32>} : memref<80x128xf32, #tpu.memory_space<vmem>>, vector<1x16xf32>,
        %get3A_481 = vector.shape_cast %get3A_480 : vector<1x16xf32> to vector<16xf32>
        %add3A_482 = arith.constant 4 : i32
        %add3A_483 = arith.addi %mul3A_212, %add3A_482 : i32
        %get3A_484 = arith.index_cast %add3A_483 : i32 to index
        %get3A_485 = arith.constant 16 : index
        %get3A_486 = tpu.vector_load %arg11[%get3A_484, %get3A_485] {strides = array<i32>} : memref<80x128xf32, #tpu.memory_space<vmem>>, vector<1x16xf32>,
        %get3A_487 = vector.shape_cast %get3A_486 : vector<1x16xf32> to vector<16xf32>
        %mul3A_488 = arith.mulf %get3A_481, %get3A_487 : vector<16xf32>
        %add3A_489 = arith.addf %mul3A_276, %mul3A_488 : vector<16xf32>
        %add3A_490 = arith.constant 5 : i32
        %add3A_491 = arith.addi %mul3A_212, %add3A_490 : i32
        %get3A_492 = arith.index_cast %add3A_491 : i32 to index
        %get3A_493 = arith.constant 16 : index
        %get3A_494 = tpu.vector_load %arg9[%get3A_492, %get3A_493] {strides = array<i32>} : memref<80x128xf32, #tpu.memory_space<vmem>>, vector<1x16xf32>,
        %get3A_495 = vector.shape_cast %get3A_494 : vector<1x16xf32> to vector<16xf32>
        %add3A_496 = arith.constant 5 : i32
        %add3A_497 = arith.addi %mul3A_212, %add3A_496 : i32
        %get3A_498 = arith.index_cast %add3A_497 : i32 to index
        %get3A_499 = arith.constant 16 : index
        %get3A_500 = tpu.vector_load %arg11[%get3A_498, %get3A_499] {strides = array<i32>} : memref<80x128xf32, #tpu.memory_space<vmem>>, vector<1x16xf32>,
        %get3A_501 = vector.shape_cast %get3A_500 : vector<1x16xf32> to vector<16xf32>
        %mul3A_502 = arith.mulf %get3A_495, %get3A_501 : vector<16xf32>
        %add3A_503 = arith.addf %mul3A_289, %mul3A_502 : vector<16xf32>
        %add3A_504 = arith.constant 6 : i32
        %add3A_505 = arith.addi %mul3A_212, %add3A_504 : i32
        %get3A_506 = arith.index_cast %add3A_505 : i32 to index
        %get3A_507 = arith.constant 16 : index
        %get3A_508 = tpu.vector_load %arg9[%get3A_506, %get3A_507] {strides = array<i32>} : memref<80x128xf32, #tpu.memory_space<vmem>>, vector<1x16xf32>,
        %get3A_509 = vector.shape_cast %get3A_508 : vector<1x16xf32> to vector<16xf32>
        %add3A_510 = arith.constant 6 : i32
        %add3A_511 = arith.addi %mul3A_212, %add3A_510 : i32
        %get3A_512 = arith.index_cast %add3A_511 : i32 to index
        %get3A_513 = arith.constant 16 : index
        %get3A_514 = tpu.vector_load %arg11[%get3A_512, %get3A_513] {strides = array<i32>} : memref<80x128xf32, #tpu.memory_space<vmem>>, vector<1x16xf32>,
        %get3A_515 = vector.shape_cast %get3A_514 : vector<1x16xf32> to vector<16xf32>
        %mul3A_516 = arith.mulf %get3A_509, %get3A_515 : vector<16xf32>
        %add3A_517 = arith.addf %mul3A_302, %mul3A_516 : vector<16xf32>
        %add3A_518 = arith.constant 7 : i32
        %add3A_519 = arith.addi %mul3A_212, %add3A_518 : i32
        %get3A_520 = arith.index_cast %add3A_519 : i32 to index
        %get3A_521 = arith.constant 16 : index
        %get3A_522 = tpu.vector_load %arg9[%get3A_520, %get3A_521] {strides = array<i32>} : memref<80x128xf32, #tpu.memory_space<vmem>>, vector<1x16xf32>,
        %get3A_523 = vector.shape_cast %get3A_522 : vector<1x16xf32> to vector<16xf32>
        %add3A_524 = arith.constant 7 : i32
        %add3A_525 = arith.addi %mul3A_212, %add3A_524 : i32
        %get3A_526 = arith.index_cast %add3A_525 : i32 to index
        %get3A_527 = arith.constant 16 : index
        %get3A_528 = tpu.vector_load %arg11[%get3A_526, %get3A_527] {strides = array<i32>} : memref<80x128xf32, #tpu.memory_space<vmem>>, vector<1x16xf32>,
        %get3A_529 = vector.shape_cast %get3A_528 : vector<1x16xf32> to vector<16xf32>
        %mul3A_530 = arith.mulf %get3A_523, %get3A_529 : vector<16xf32>
        %add3A_531 = arith.addf %mul3A_315, %mul3A_530 : vector<16xf32>
        %add3A_532 = arith.constant 8 : i32
        %add3A_533 = arith.addi %mul3A_212, %add3A_532 : i32
        %get3A_534 = arith.index_cast %add3A_533 : i32 to index
        %get3A_535 = arith.constant 16 : index
        %get3A_536 = tpu.vector_load %arg9[%get3A_534, %get3A_535] {strides = array<i32>} : memref<80x128xf32, #tpu.memory_space<vmem>>, vector<1x16xf32>,
        %get3A_537 = vector.shape_cast %get3A_536 : vector<1x16xf32> to vector<16xf32>
        %add3A_538 = arith.constant 8 : i32
        %add3A_539 = arith.addi %mul3A_212, %add3A_538 : i32
        %get3A_540 = arith.index_cast %add3A_539 : i32 to index
        %get3A_541 = arith.constant 16 : index
        %get3A_542 = tpu.vector_load %arg11[%get3A_540, %get3A_541] {strides = array<i32>} : memref<80x128xf32, #tpu.memory_space<vmem>>, vector<1x16xf32>,
        %get3A_543 = vector.shape_cast %get3A_542 : vector<1x16xf32> to vector<16xf32>
        %mul3A_544 = arith.mulf %get3A_537, %get3A_543 : vector<16xf32>
        %add3A_545 = arith.addf %mul3A_328, %mul3A_544 : vector<16xf32>
        %add3A_546 = arith.constant 9 : i32
        %add3A_547 = arith.addi %mul3A_212, %add3A_546 : i32
        %get3A_548 = arith.index_cast %add3A_547 : i32 to index
        %get3A_549 = arith.constant 16 : index
        %get3A_550 = tpu.vector_load %arg9[%get3A_548, %get3A_549] {strides = array<i32>} : memref<80x128xf32, #tpu.memory_space<vmem>>, vector<1x16xf32>,
        %get3A_551 = vector.shape_cast %get3A_550 : vector<1x16xf32> to vector<16xf32>
        %add3A_552 = arith.constant 9 : i32
        %add3A_553 = arith.addi %mul3A_212, %add3A_552 : i32
        %get3A_554 = arith.index_cast %add3A_553 : i32 to index
        %get3A_555 = arith.constant 16 : index
        %get3A_556 = tpu.vector_load %arg11[%get3A_554, %get3A_555] {strides = array<i32>} : memref<80x128xf32, #tpu.memory_space<vmem>>, vector<1x16xf32>,
        %get3A_557 = vector.shape_cast %get3A_556 : vector<1x16xf32> to vector<16xf32>
        %mul3A_558 = arith.mulf %get3A_551, %get3A_557 : vector<16xf32>
        %add3A_559 = arith.addf %mul3A_341, %mul3A_558 : vector<16xf32>
        %add3A_560 = arith.constant 10 : i32
        %add3A_561 = arith.addi %mul3A_212, %add3A_560 : i32
        %get3A_562 = arith.index_cast %add3A_561 : i32 to index
        %get3A_563 = arith.constant 16 : index
        %get3A_564 = tpu.vector_load %arg9[%get3A_562, %get3A_563] {strides = array<i32>} : memref<80x128xf32, #tpu.memory_space<vmem>>, vector<1x16xf32>,
        %get3A_565 = vector.shape_cast %get3A_564 : vector<1x16xf32> to vector<16xf32>
        %add3A_566 = arith.constant 10 : i32
        %add3A_567 = arith.addi %mul3A_212, %add3A_566 : i32
        %get3A_568 = arith.index_cast %add3A_567 : i32 to index
        %get3A_569 = arith.constant 16 : index
        %get3A_570 = tpu.vector_load %arg11[%get3A_568, %get3A_569] {strides = array<i32>} : memref<80x128xf32, #tpu.memory_space<vmem>>, vector<1x16xf32>,
        %get3A_571 = vector.shape_cast %get3A_570 : vector<1x16xf32> to vector<16xf32>
        %mul3A_572 = arith.mulf %get3A_565, %get3A_571 : vector<16xf32>
        %add3A_573 = arith.addf %mul3A_354, %mul3A_572 : vector<16xf32>
        %add3A_574 = arith.constant 11 : i32
        %add3A_575 = arith.addi %mul3A_212, %add3A_574 : i32
        %get3A_576 = arith.index_cast %add3A_575 : i32 to index
        %get3A_577 = arith.constant 16 : index
        %get3A_578 = tpu.vector_load %arg9[%get3A_576, %get3A_577] {strides = array<i32>} : memref<80x128xf32, #tpu.memory_space<vmem>>, vector<1x16xf32>,
        %get3A_579 = vector.shape_cast %get3A_578 : vector<1x16xf32> to vector<16xf32>
        %add3A_580 = arith.constant 11 : i32
        %add3A_581 = arith.addi %mul3A_212, %add3A_580 : i32
        %get3A_582 = arith.index_cast %add3A_581 : i32 to index
        %get3A_583 = arith.constant 16 : index
        %get3A_584 = tpu.vector_load %arg11[%get3A_582, %get3A_583] {strides = array<i32>} : memref<80x128xf32, #tpu.memory_space<vmem>>, vector<1x16xf32>,
        %get3A_585 = vector.shape_cast %get3A_584 : vector<1x16xf32> to vector<16xf32>
        %mul3A_586 = arith.mulf %get3A_579, %get3A_585 : vector<16xf32>
        %add3A_587 = arith.addf %mul3A_367, %mul3A_586 : vector<16xf32>
        %add3A_588 = arith.constant 12 : i32
        %add3A_589 = arith.addi %mul3A_212, %add3A_588 : i32
        %get3A_590 = arith.index_cast %add3A_589 : i32 to index
        %get3A_591 = arith.constant 16 : index
        %get3A_592 = tpu.vector_load %arg9[%get3A_590, %get3A_591] {strides = array<i32>} : memref<80x128xf32, #tpu.memory_space<vmem>>, vector<1x16xf32>,
        %get3A_593 = vector.shape_cast %get3A_592 : vector<1x16xf32> to vector<16xf32>
        %add3A_594 = arith.constant 12 : i32
        %add3A_595 = arith.addi %mul3A_212, %add3A_594 : i32
        %get3A_596 = arith.index_cast %add3A_595 : i32 to index
        %get3A_597 = arith.constant 16 : index
        %get3A_598 = tpu.vector_load %arg11[%get3A_596, %get3A_597] {strides = array<i32>} : memref<80x128xf32, #tpu.memory_space<vmem>>, vector<1x16xf32>,
        %get3A_599 = vector.shape_cast %get3A_598 : vector<1x16xf32> to vector<16xf32>
        %mul3A_600 = arith.mulf %get3A_593, %get3A_599 : vector<16xf32>
        %add3A_601 = arith.addf %mul3A_380, %mul3A_600 : vector<16xf32>
        %add3A_602 = arith.constant 13 : i32
        %add3A_603 = arith.addi %mul3A_212, %add3A_602 : i32
        %get3A_604 = arith.index_cast %add3A_603 : i32 to index
        %get3A_605 = arith.constant 16 : index
        %get3A_606 = tpu.vector_load %arg9[%get3A_604, %get3A_605] {strides = array<i32>} : memref<80x128xf32, #tpu.memory_space<vmem>>, vector<1x16xf32>,
        %get3A_607 = vector.shape_cast %get3A_606 : vector<1x16xf32> to vector<16xf32>
        %add3A_608 = arith.constant 13 : i32
        %add3A_609 = arith.addi %mul3A_212, %add3A_608 : i32
        %get3A_610 = arith.index_cast %add3A_609 : i32 to index
        %get3A_611 = arith.constant 16 : index
        %get3A_612 = tpu.vector_load %arg11[%get3A_610, %get3A_611] {strides = array<i32>} : memref<80x128xf32, #tpu.memory_space<vmem>>, vector<1x16xf32>,
        %get3A_613 = vector.shape_cast %get3A_612 : vector<1x16xf32> to vector<16xf32>
        %mul3A_614 = arith.mulf %get3A_607, %get3A_613 : vector<16xf32>
        %add3A_615 = arith.addf %mul3A_393, %mul3A_614 : vector<16xf32>
        %add3A_616 = arith.constant 14 : i32
        %add3A_617 = arith.addi %mul3A_212, %add3A_616 : i32
        %get3A_618 = arith.index_cast %add3A_617 : i32 to index
        %get3A_619 = arith.constant 16 : index
        %get3A_620 = tpu.vector_load %arg9[%get3A_618, %get3A_619] {strides = array<i32>} : memref<80x128xf32, #tpu.memory_space<vmem>>, vector<1x16xf32>,
        %get3A_621 = vector.shape_cast %get3A_620 : vector<1x16xf32> to vector<16xf32>
        %add3A_622 = arith.constant 14 : i32
        %add3A_623 = arith.addi %mul3A_212, %add3A_622 : i32
        %get3A_624 = arith.index_cast %add3A_623 : i32 to index
        %get3A_625 = arith.constant 16 : index
        %get3A_626 = tpu.vector_load %arg11[%get3A_624, %get3A_625] {strides = array<i32>} : memref<80x128xf32, #tpu.memory_space<vmem>>, vector<1x16xf32>,
        %get3A_627 = vector.shape_cast %get3A_626 : vector<1x16xf32> to vector<16xf32>
        %mul3A_628 = arith.mulf %get3A_621, %get3A_627 : vector<16xf32>
        %add3A_629 = arith.addf %mul3A_406, %mul3A_628 : vector<16xf32>
        %add3A_630 = arith.constant 15 : i32
        %add3A_631 = arith.addi %mul3A_212, %add3A_630 : i32
        %get3A_632 = arith.index_cast %add3A_631 : i32 to index
        %get3A_633 = arith.constant 16 : index
        %get3A_634 = tpu.vector_load %arg9[%get3A_632, %get3A_633] {strides = array<i32>} : memref<80x128xf32, #tpu.memory_space<vmem>>, vector<1x16xf32>,
        %get3A_635 = vector.shape_cast %get3A_634 : vector<1x16xf32> to vector<16xf32>
        %add3A_636 = arith.constant 15 : i32
        %add3A_637 = arith.addi %mul3A_212, %add3A_636 : i32
        %get3A_638 = arith.index_cast %add3A_637 : i32 to index
        %get3A_639 = arith.constant 16 : index
        %get3A_640 = tpu.vector_load %arg11[%get3A_638, %get3A_639] {strides = array<i32>} : memref<80x128xf32, #tpu.memory_space<vmem>>, vector<1x16xf32>,
        %get3A_641 = vector.shape_cast %get3A_640 : vector<1x16xf32> to vector<16xf32>
        %mul3A_642 = arith.mulf %get3A_635, %get3A_641 : vector<16xf32>
        %add3A_643 = arith.addf %mul3A_419, %mul3A_642 : vector<16xf32>
        %scan3A_644 = arith.constant 1 : i32
        %scan3A_645 = arith.constant 3 : i32
        %scan3A_646 = arith.addi %scan3A_644, %scan3A_645 : i32
        %scan3A_647 = arith.constant 1 : i32
        %scan3A_648:16 = scf.for %scan3A_786 = %scan3A_644 to %scan3A_646 step %scan3A_647 iter_args(%scan3A_787 = %add3A_433, %scan3A_788 = %add3A_447, %scan3A_789 = %add3A_461, %scan3A_790 = %add3A_475, %scan3A_791 = %add3A_489, %scan3A_792 = %add3A_503, %scan3A_793 = %add3A_517, %scan3A_794 = %add3A_531, %scan3A_795 = %add3A_545, %scan3A_796 = %add3A_559, %scan3A_797 = %add3A_573, %scan3A_798 = %add3A_587, %scan3A_799 = %add3A_601, %scan3A_800 = %add3A_615, %scan3A_801 = %add3A_629, %scan3A_802 = %add3A_643) -> (vector<16xf32>, vector<16xf32>, vector<16xf32>, vector<16xf32>, vector<16xf32>, vector<16xf32>, vector<16xf32>, vector<16xf32>, vector<16xf32>, vector<16xf32>, vector<16xf32>, vector<16xf32>, vector<16xf32>, vector<16xf32>, vector<16xf32>, vector<16xf32>)  : i32 {
          %mul3A_803 = arith.constant 32 : i32
          %mul3A_804 = arith.muli %scan3A_786, %mul3A_803 : i32
          %add3A_805 = arith.constant 16 : i32
          %add3A_806 = arith.addi %mul3A_804, %add3A_805 : i32
          %add3A_807 = arith.constant 0 : i32
          %add3A_808 = arith.addi %mul3A_212, %add3A_807 : i32
          %get3A_809 = arith.index_cast %add3A_808 : i32 to index
          %get3A_810 = arith.index_cast %mul3A_804 : i32 to index
          %get3A_811 = tpu.vector_load %arg9[%get3A_809, %get3A_810] {strides = array<i32>} : memref<80x128xf32, #tpu.memory_space<vmem>>, vector<1x16xf32>,
          %get3A_812 = vector.shape_cast %get3A_811 : vector<1x16xf32> to vector<16xf32>
          %add3A_813 = arith.constant 0 : i32
          %add3A_814 = arith.addi %mul3A_212, %add3A_813 : i32
          %get3A_815 = arith.index_cast %add3A_814 : i32 to index
          %get3A_816 = arith.index_cast %mul3A_804 : i32 to index
          %get3A_817 = tpu.vector_load %arg11[%get3A_815, %get3A_816] {strides = array<i32>} : memref<80x128xf32, #tpu.memory_space<vmem>>, vector<1x16xf32>,
          %get3A_818 = vector.shape_cast %get3A_817 : vector<1x16xf32> to vector<16xf32>
          %mul3A_819 = arith.mulf %get3A_812, %get3A_818 : vector<16xf32>
          %add3A_820 = arith.addf %scan3A_787, %mul3A_819 : vector<16xf32>
          %add3A_821 = arith.constant 1 : i32
          %add3A_822 = arith.addi %mul3A_212, %add3A_821 : i32
          %get3A_823 = arith.index_cast %add3A_822 : i32 to index
          %get3A_824 = arith.index_cast %mul3A_804 : i32 to index
          %get3A_825 = tpu.vector_load %arg9[%get3A_823, %get3A_824] {strides = array<i32>} : memref<80x128xf32, #tpu.memory_space<vmem>>, vector<1x16xf32>,
          %get3A_826 = vector.shape_cast %get3A_825 : vector<1x16xf32> to vector<16xf32>
          %add3A_827 = arith.constant 1 : i32
          %add3A_828 = arith.addi %mul3A_212, %add3A_827 : i32
          %get3A_829 = arith.index_cast %add3A_828 : i32 to index
          %get3A_830 = arith.index_cast %mul3A_804 : i32 to index
          %get3A_831 = tpu.vector_load %arg11[%get3A_829, %get3A_830] {strides = array<i32>} : memref<80x128xf32, #tpu.memory_space<vmem>>, vector<1x16xf32>,
          %get3A_832 = vector.shape_cast %get3A_831 : vector<1x16xf32> to vector<16xf32>
          %mul3A_833 = arith.mulf %get3A_826, %get3A_832 : vector<16xf32>
          %add3A_834 = arith.addf %scan3A_788, %mul3A_833 : vector<16xf32>
          %add3A_835 = arith.constant 2 : i32
          %add3A_836 = arith.addi %mul3A_212, %add3A_835 : i32
          %get3A_837 = arith.index_cast %add3A_836 : i32 to index
          %get3A_838 = arith.index_cast %mul3A_804 : i32 to index
          %get3A_839 = tpu.vector_load %arg9[%get3A_837, %get3A_838] {strides = array<i32>} : memref<80x128xf32, #tpu.memory_space<vmem>>, vector<1x16xf32>,
          %get3A_840 = vector.shape_cast %get3A_839 : vector<1x16xf32> to vector<16xf32>
          %add3A_841 = arith.constant 2 : i32
          %add3A_842 = arith.addi %mul3A_212, %add3A_841 : i32
          %get3A_843 = arith.index_cast %add3A_842 : i32 to index
          %get3A_844 = arith.index_cast %mul3A_804 : i32 to index
          %get3A_845 = tpu.vector_load %arg11[%get3A_843, %get3A_844] {strides = array<i32>} : memref<80x128xf32, #tpu.memory_space<vmem>>, vector<1x16xf32>,
          %get3A_846 = vector.shape_cast %get3A_845 : vector<1x16xf32> to vector<16xf32>
          %mul3A_847 = arith.mulf %get3A_840, %get3A_846 : vector<16xf32>
          %add3A_848 = arith.addf %scan3A_789, %mul3A_847 : vector<16xf32>
          %add3A_849 = arith.constant 3 : i32
          %add3A_850 = arith.addi %mul3A_212, %add3A_849 : i32
          %get3A_851 = arith.index_cast %add3A_850 : i32 to index
          %get3A_852 = arith.index_cast %mul3A_804 : i32 to index
          %get3A_853 = tpu.vector_load %arg9[%get3A_851, %get3A_852] {strides = array<i32>} : memref<80x128xf32, #tpu.memory_space<vmem>>, vector<1x16xf32>,
          %get3A_854 = vector.shape_cast %get3A_853 : vector<1x16xf32> to vector<16xf32>
          %add3A_855 = arith.constant 3 : i32
          %add3A_856 = arith.addi %mul3A_212, %add3A_855 : i32
          %get3A_857 = arith.index_cast %add3A_856 : i32 to index
          %get3A_858 = arith.index_cast %mul3A_804 : i32 to index
          %get3A_859 = tpu.vector_load %arg11[%get3A_857, %get3A_858] {strides = array<i32>} : memref<80x128xf32, #tpu.memory_space<vmem>>, vector<1x16xf32>,
          %get3A_860 = vector.shape_cast %get3A_859 : vector<1x16xf32> to vector<16xf32>
          %mul3A_861 = arith.mulf %get3A_854, %get3A_860 : vector<16xf32>
          %add3A_862 = arith.addf %scan3A_790, %mul3A_861 : vector<16xf32>
          %add3A_863 = arith.constant 4 : i32
          %add3A_864 = arith.addi %mul3A_212, %add3A_863 : i32
          %get3A_865 = arith.index_cast %add3A_864 : i32 to index
          %get3A_866 = arith.index_cast %mul3A_804 : i32 to index
          %get3A_867 = tpu.vector_load %arg9[%get3A_865, %get3A_866] {strides = array<i32>} : memref<80x128xf32, #tpu.memory_space<vmem>>, vector<1x16xf32>,
          %get3A_868 = vector.shape_cast %get3A_867 : vector<1x16xf32> to vector<16xf32>
          %add3A_869 = arith.constant 4 : i32
          %add3A_870 = arith.addi %mul3A_212, %add3A_869 : i32
          %get3A_871 = arith.index_cast %add3A_870 : i32 to index
          %get3A_872 = arith.index_cast %mul3A_804 : i32 to index
          %get3A_873 = tpu.vector_load %arg11[%get3A_871, %get3A_872] {strides = array<i32>} : memref<80x128xf32, #tpu.memory_space<vmem>>, vector<1x16xf32>,
          %get3A_874 = vector.shape_cast %get3A_873 : vector<1x16xf32> to vector<16xf32>
          %mul3A_875 = arith.mulf %get3A_868, %get3A_874 : vector<16xf32>
          %add3A_876 = arith.addf %scan3A_791, %mul3A_875 : vector<16xf32>
          %add3A_877 = arith.constant 5 : i32
          %add3A_878 = arith.addi %mul3A_212, %add3A_877 : i32
          %get3A_879 = arith.index_cast %add3A_878 : i32 to index
          %get3A_880 = arith.index_cast %mul3A_804 : i32 to index
          %get3A_881 = tpu.vector_load %arg9[%get3A_879, %get3A_880] {strides = array<i32>} : memref<80x128xf32, #tpu.memory_space<vmem>>, vector<1x16xf32>,
          %get3A_882 = vector.shape_cast %get3A_881 : vector<1x16xf32> to vector<16xf32>
          %add3A_883 = arith.constant 5 : i32
          %add3A_884 = arith.addi %mul3A_212, %add3A_883 : i32
          %get3A_885 = arith.index_cast %add3A_884 : i32 to index
          %get3A_886 = arith.index_cast %mul3A_804 : i32 to index
          %get3A_887 = tpu.vector_load %arg11[%get3A_885, %get3A_886] {strides = array<i32>} : memref<80x128xf32, #tpu.memory_space<vmem>>, vector<1x16xf32>,
          %get3A_888 = vector.shape_cast %get3A_887 : vector<1x16xf32> to vector<16xf32>
          %mul3A_889 = arith.mulf %get3A_882, %get3A_888 : vector<16xf32>
          %add3A_890 = arith.addf %scan3A_792, %mul3A_889 : vector<16xf32>
          %add3A_891 = arith.constant 6 : i32
          %add3A_892 = arith.addi %mul3A_212, %add3A_891 : i32
          %get3A_893 = arith.index_cast %add3A_892 : i32 to index
          %get3A_894 = arith.index_cast %mul3A_804 : i32 to index
          %get3A_895 = tpu.vector_load %arg9[%get3A_893, %get3A_894] {strides = array<i32>} : memref<80x128xf32, #tpu.memory_space<vmem>>, vector<1x16xf32>,
          %get3A_896 = vector.shape_cast %get3A_895 : vector<1x16xf32> to vector<16xf32>
          %add3A_897 = arith.constant 6 : i32
          %add3A_898 = arith.addi %mul3A_212, %add3A_897 : i32
          %get3A_899 = arith.index_cast %add3A_898 : i32 to index
          %get3A_900 = arith.index_cast %mul3A_804 : i32 to index
          %get3A_901 = tpu.vector_load %arg11[%get3A_899, %get3A_900] {strides = array<i32>} : memref<80x128xf32, #tpu.memory_space<vmem>>, vector<1x16xf32>,
          %get3A_902 = vector.shape_cast %get3A_901 : vector<1x16xf32> to vector<16xf32>
          %mul3A_903 = arith.mulf %get3A_896, %get3A_902 : vector<16xf32>
          %add3A_904 = arith.addf %scan3A_793, %mul3A_903 : vector<16xf32>
          %add3A_905 = arith.constant 7 : i32
          %add3A_906 = arith.addi %mul3A_212, %add3A_905 : i32
          %get3A_907 = arith.index_cast %add3A_906 : i32 to index
          %get3A_908 = arith.index_cast %mul3A_804 : i32 to index
          %get3A_909 = tpu.vector_load %arg9[%get3A_907, %get3A_908] {strides = array<i32>} : memref<80x128xf32, #tpu.memory_space<vmem>>, vector<1x16xf32>,
          %get3A_910 = vector.shape_cast %get3A_909 : vector<1x16xf32> to vector<16xf32>
          %add3A_911 = arith.constant 7 : i32
          %add3A_912 = arith.addi %mul3A_212, %add3A_911 : i32
          %get3A_913 = arith.index_cast %add3A_912 : i32 to index
          %get3A_914 = arith.index_cast %mul3A_804 : i32 to index
          %get3A_915 = tpu.vector_load %arg11[%get3A_913, %get3A_914] {strides = array<i32>} : memref<80x128xf32, #tpu.memory_space<vmem>>, vector<1x16xf32>,
          %get3A_916 = vector.shape_cast %get3A_915 : vector<1x16xf32> to vector<16xf32>
          %mul3A_917 = arith.mulf %get3A_910, %get3A_916 : vector<16xf32>
          %add3A_918 = arith.addf %scan3A_794, %mul3A_917 : vector<16xf32>
          %add3A_919 = arith.constant 8 : i32
          %add3A_920 = arith.addi %mul3A_212, %add3A_919 : i32
          %get3A_921 = arith.index_cast %add3A_920 : i32 to index
          %get3A_922 = arith.index_cast %mul3A_804 : i32 to index
          %get3A_923 = tpu.vector_load %arg9[%get3A_921, %get3A_922] {strides = array<i32>} : memref<80x128xf32, #tpu.memory_space<vmem>>, vector<1x16xf32>,
          %get3A_924 = vector.shape_cast %get3A_923 : vector<1x16xf32> to vector<16xf32>
          %add3A_925 = arith.constant 8 : i32
          %add3A_926 = arith.addi %mul3A_212, %add3A_925 : i32
          %get3A_927 = arith.index_cast %add3A_926 : i32 to index
          %get3A_928 = arith.index_cast %mul3A_804 : i32 to index
          %get3A_929 = tpu.vector_load %arg11[%get3A_927, %get3A_928] {strides = array<i32>} : memref<80x128xf32, #tpu.memory_space<vmem>>, vector<1x16xf32>,
          %get3A_930 = vector.shape_cast %get3A_929 : vector<1x16xf32> to vector<16xf32>
          %mul3A_931 = arith.mulf %get3A_924, %get3A_930 : vector<16xf32>
          %add3A_932 = arith.addf %scan3A_795, %mul3A_931 : vector<16xf32>
          %add3A_933 = arith.constant 9 : i32
          %add3A_934 = arith.addi %mul3A_212, %add3A_933 : i32
          %get3A_935 = arith.index_cast %add3A_934 : i32 to index
          %get3A_936 = arith.index_cast %mul3A_804 : i32 to index
          %get3A_937 = tpu.vector_load %arg9[%get3A_935, %get3A_936] {strides = array<i32>} : memref<80x128xf32, #tpu.memory_space<vmem>>, vector<1x16xf32>,
          %get3A_938 = vector.shape_cast %get3A_937 : vector<1x16xf32> to vector<16xf32>
          %add3A_939 = arith.constant 9 : i32
          %add3A_940 = arith.addi %mul3A_212, %add3A_939 : i32
          %get3A_941 = arith.index_cast %add3A_940 : i32 to index
          %get3A_942 = arith.index_cast %mul3A_804 : i32 to index
          %get3A_943 = tpu.vector_load %arg11[%get3A_941, %get3A_942] {strides = array<i32>} : memref<80x128xf32, #tpu.memory_space<vmem>>, vector<1x16xf32>,
          %get3A_944 = vector.shape_cast %get3A_943 : vector<1x16xf32> to vector<16xf32>
          %mul3A_945 = arith.mulf %get3A_938, %get3A_944 : vector<16xf32>
          %add3A_946 = arith.addf %scan3A_796, %mul3A_945 : vector<16xf32>
          %add3A_947 = arith.constant 10 : i32
          %add3A_948 = arith.addi %mul3A_212, %add3A_947 : i32
          %get3A_949 = arith.index_cast %add3A_948 : i32 to index
          %get3A_950 = arith.index_cast %mul3A_804 : i32 to index
          %get3A_951 = tpu.vector_load %arg9[%get3A_949, %get3A_950] {strides = array<i32>} : memref<80x128xf32, #tpu.memory_space<vmem>>, vector<1x16xf32>,
          %get3A_952 = vector.shape_cast %get3A_951 : vector<1x16xf32> to vector<16xf32>
          %add3A_953 = arith.constant 10 : i32
          %add3A_954 = arith.addi %mul3A_212, %add3A_953 : i32
          %get3A_955 = arith.index_cast %add3A_954 : i32 to index
          %get3A_956 = arith.index_cast %mul3A_804 : i32 to index
          %get3A_957 = tpu.vector_load %arg11[%get3A_955, %get3A_956] {strides = array<i32>} : memref<80x128xf32, #tpu.memory_space<vmem>>, vector<1x16xf32>,
          %get3A_958 = vector.shape_cast %get3A_957 : vector<1x16xf32> to vector<16xf32>
          %mul3A_959 = arith.mulf %get3A_952, %get3A_958 : vector<16xf32>
          %add3A_960 = arith.addf %scan3A_797, %mul3A_959 : vector<16xf32>
          %add3A_961 = arith.constant 11 : i32
          %add3A_962 = arith.addi %mul3A_212, %add3A_961 : i32
          %get3A_963 = arith.index_cast %add3A_962 : i32 to index
          %get3A_964 = arith.index_cast %mul3A_804 : i32 to index
          %get3A_965 = tpu.vector_load %arg9[%get3A_963, %get3A_964] {strides = array<i32>} : memref<80x128xf32, #tpu.memory_space<vmem>>, vector<1x16xf32>,
          %get3A_966 = vector.shape_cast %get3A_965 : vector<1x16xf32> to vector<16xf32>
          %add3A_967 = arith.constant 11 : i32
          %add3A_968 = arith.addi %mul3A_212, %add3A_967 : i32
          %get3A_969 = arith.index_cast %add3A_968 : i32 to index
          %get3A_970 = arith.index_cast %mul3A_804 : i32 to index
          %get3A_971 = tpu.vector_load %arg11[%get3A_969, %get3A_970] {strides = array<i32>} : memref<80x128xf32, #tpu.memory_space<vmem>>, vector<1x16xf32>,
          %get3A_972 = vector.shape_cast %get3A_971 : vector<1x16xf32> to vector<16xf32>
          %mul3A_973 = arith.mulf %get3A_966, %get3A_972 : vector<16xf32>
          %add3A_974 = arith.addf %scan3A_798, %mul3A_973 : vector<16xf32>
          %add3A_975 = arith.constant 12 : i32
          %add3A_976 = arith.addi %mul3A_212, %add3A_975 : i32
          %get3A_977 = arith.index_cast %add3A_976 : i32 to index
          %get3A_978 = arith.index_cast %mul3A_804 : i32 to index
          %get3A_979 = tpu.vector_load %arg9[%get3A_977, %get3A_978] {strides = array<i32>} : memref<80x128xf32, #tpu.memory_space<vmem>>, vector<1x16xf32>,
          %get3A_980 = vector.shape_cast %get3A_979 : vector<1x16xf32> to vector<16xf32>
          %add3A_981 = arith.constant 12 : i32
          %add3A_982 = arith.addi %mul3A_212, %add3A_981 : i32
          %get3A_983 = arith.index_cast %add3A_982 : i32 to index
          %get3A_984 = arith.index_cast %mul3A_804 : i32 to index
          %get3A_985 = tpu.vector_load %arg11[%get3A_983, %get3A_984] {strides = array<i32>} : memref<80x128xf32, #tpu.memory_space<vmem>>, vector<1x16xf32>,
          %get3A_986 = vector.shape_cast %get3A_985 : vector<1x16xf32> to vector<16xf32>
          %mul3A_987 = arith.mulf %get3A_980, %get3A_986 : vector<16xf32>
          %add3A_988 = arith.addf %scan3A_799, %mul3A_987 : vector<16xf32>
          %add3A_989 = arith.constant 13 : i32
          %add3A_990 = arith.addi %mul3A_212, %add3A_989 : i32
          %get3A_991 = arith.index_cast %add3A_990 : i32 to index
          %get3A_992 = arith.index_cast %mul3A_804 : i32 to index
          %get3A_993 = tpu.vector_load %arg9[%get3A_991, %get3A_992] {strides = array<i32>} : memref<80x128xf32, #tpu.memory_space<vmem>>, vector<1x16xf32>,
          %get3A_994 = vector.shape_cast %get3A_993 : vector<1x16xf32> to vector<16xf32>
          %add3A_995 = arith.constant 13 : i32
          %add3A_996 = arith.addi %mul3A_212, %add3A_995 : i32
          %get3A_997 = arith.index_cast %add3A_996 : i32 to index
          %get3A_998 = arith.index_cast %mul3A_804 : i32 to index
          %get3A_999 = tpu.vector_load %arg11[%get3A_997, %get3A_998] {strides = array<i32>} : memref<80x128xf32, #tpu.memory_space<vmem>>, vector<1x16xf32>,
          %get3A_1000 = vector.shape_cast %get3A_999 : vector<1x16xf32> to vector<16xf32>
          %mul3A_1001 = arith.mulf %get3A_994, %get3A_1000 : vector<16xf32>
          %add3A_1002 = arith.addf %scan3A_800, %mul3A_1001 : vector<16xf32>
          %add3A_1003 = arith.constant 14 : i32
          %add3A_1004 = arith.addi %mul3A_212, %add3A_1003 : i32
          %get3A_1005 = arith.index_cast %add3A_1004 : i32 to index
          %get3A_1006 = arith.index_cast %mul3A_804 : i32 to index
          %get3A_1007 = tpu.vector_load %arg9[%get3A_1005, %get3A_1006] {strides = array<i32>} : memref<80x128xf32, #tpu.memory_space<vmem>>, vector<1x16xf32>,
          %get3A_1008 = vector.shape_cast %get3A_1007 : vector<1x16xf32> to vector<16xf32>
          %add3A_1009 = arith.constant 14 : i32
          %add3A_1010 = arith.addi %mul3A_212, %add3A_1009 : i32
          %get3A_1011 = arith.index_cast %add3A_1010 : i32 to index
          %get3A_1012 = arith.index_cast %mul3A_804 : i32 to index
          %get3A_1013 = tpu.vector_load %arg11[%get3A_1011, %get3A_1012] {strides = array<i32>} : memref<80x128xf32, #tpu.memory_space<vmem>>, vector<1x16xf32>,
          %get3A_1014 = vector.shape_cast %get3A_1013 : vector<1x16xf32> to vector<16xf32>
          %mul3A_1015 = arith.mulf %get3A_1008, %get3A_1014 : vector<16xf32>
          %add3A_1016 = arith.addf %scan3A_801, %mul3A_1015 : vector<16xf32>
          %add3A_1017 = arith.constant 15 : i32
          %add3A_1018 = arith.addi %mul3A_212, %add3A_1017 : i32
          %get3A_1019 = arith.index_cast %add3A_1018 : i32 to index
          %get3A_1020 = arith.index_cast %mul3A_804 : i32 to index
          %get3A_1021 = tpu.vector_load %arg9[%get3A_1019, %get3A_1020] {strides = array<i32>} : memref<80x128xf32, #tpu.memory_space<vmem>>, vector<1x16xf32>,
          %get3A_1022 = vector.shape_cast %get3A_1021 : vector<1x16xf32> to vector<16xf32>
          %add3A_1023 = arith.constant 15 : i32
          %add3A_1024 = arith.addi %mul3A_212, %add3A_1023 : i32
          %get3A_1025 = arith.index_cast %add3A_1024 : i32 to index
          %get3A_1026 = arith.index_cast %mul3A_804 : i32 to index
          %get3A_1027 = tpu.vector_load %arg11[%get3A_1025, %get3A_1026] {strides = array<i32>} : memref<80x128xf32, #tpu.memory_space<vmem>>, vector<1x16xf32>,
          %get3A_1028 = vector.shape_cast %get3A_1027 : vector<1x16xf32> to vector<16xf32>
          %mul3A_1029 = arith.mulf %get3A_1022, %get3A_1028 : vector<16xf32>
          %add3A_1030 = arith.addf %scan3A_802, %mul3A_1029 : vector<16xf32>
          %add3A_1031 = arith.constant 0 : i32
          %add3A_1032 = arith.addi %mul3A_212, %add3A_1031 : i32
          %get3A_1033 = arith.index_cast %add3A_1032 : i32 to index
          %get3A_1034 = arith.index_cast %add3A_806 : i32 to index
          %get3A_1035 = tpu.vector_load %arg9[%get3A_1033, %get3A_1034] {strides = array<i32>} : memref<80x128xf32, #tpu.memory_space<vmem>>, vector<1x16xf32>,
          %get3A_1036 = vector.shape_cast %get3A_1035 : vector<1x16xf32> to vector<16xf32>
          %add3A_1037 = arith.constant 0 : i32
          %add3A_1038 = arith.addi %mul3A_212, %add3A_1037 : i32
          %get3A_1039 = arith.index_cast %add3A_1038 : i32 to index
          %get3A_1040 = arith.index_cast %add3A_806 : i32 to index
          %get3A_1041 = tpu.vector_load %arg11[%get3A_1039, %get3A_1040] {strides = array<i32>} : memref<80x128xf32, #tpu.memory_space<vmem>>, vector<1x16xf32>,
          %get3A_1042 = vector.shape_cast %get3A_1041 : vector<1x16xf32> to vector<16xf32>
          %mul3A_1043 = arith.mulf %get3A_1036, %get3A_1042 : vector<16xf32>
          %add3A_1044 = arith.addf %add3A_820, %mul3A_1043 : vector<16xf32>
          %add3A_1045 = arith.constant 1 : i32
          %add3A_1046 = arith.addi %mul3A_212, %add3A_1045 : i32
          %get3A_1047 = arith.index_cast %add3A_1046 : i32 to index
          %get3A_1048 = arith.index_cast %add3A_806 : i32 to index
          %get3A_1049 = tpu.vector_load %arg9[%get3A_1047, %get3A_1048] {strides = array<i32>} : memref<80x128xf32, #tpu.memory_space<vmem>>, vector<1x16xf32>,
          %get3A_1050 = vector.shape_cast %get3A_1049 : vector<1x16xf32> to vector<16xf32>
          %add3A_1051 = arith.constant 1 : i32
          %add3A_1052 = arith.addi %mul3A_212, %add3A_1051 : i32
          %get3A_1053 = arith.index_cast %add3A_1052 : i32 to index
          %get3A_1054 = arith.index_cast %add3A_806 : i32 to index
          %get3A_1055 = tpu.vector_load %arg11[%get3A_1053, %get3A_1054] {strides = array<i32>} : memref<80x128xf32, #tpu.memory_space<vmem>>, vector<1x16xf32>,
          %get3A_1056 = vector.shape_cast %get3A_1055 : vector<1x16xf32> to vector<16xf32>
          %mul3A_1057 = arith.mulf %get3A_1050, %get3A_1056 : vector<16xf32>
          %add3A_1058 = arith.addf %add3A_834, %mul3A_1057 : vector<16xf32>
          %add3A_1059 = arith.constant 2 : i32
          %add3A_1060 = arith.addi %mul3A_212, %add3A_1059 : i32
          %get3A_1061 = arith.index_cast %add3A_1060 : i32 to index
          %get3A_1062 = arith.index_cast %add3A_806 : i32 to index
          %get3A_1063 = tpu.vector_load %arg9[%get3A_1061, %get3A_1062] {strides = array<i32>} : memref<80x128xf32, #tpu.memory_space<vmem>>, vector<1x16xf32>,
          %get3A_1064 = vector.shape_cast %get3A_1063 : vector<1x16xf32> to vector<16xf32>
          %add3A_1065 = arith.constant 2 : i32
          %add3A_1066 = arith.addi %mul3A_212, %add3A_1065 : i32
          %get3A_1067 = arith.index_cast %add3A_1066 : i32 to index
          %get3A_1068 = arith.index_cast %add3A_806 : i32 to index
          %get3A_1069 = tpu.vector_load %arg11[%get3A_1067, %get3A_1068] {strides = array<i32>} : memref<80x128xf32, #tpu.memory_space<vmem>>, vector<1x16xf32>,
          %get3A_1070 = vector.shape_cast %get3A_1069 : vector<1x16xf32> to vector<16xf32>
          %mul3A_1071 = arith.mulf %get3A_1064, %get3A_1070 : vector<16xf32>
          %add3A_1072 = arith.addf %add3A_848, %mul3A_1071 : vector<16xf32>
          %add3A_1073 = arith.constant 3 : i32
          %add3A_1074 = arith.addi %mul3A_212, %add3A_1073 : i32
          %get3A_1075 = arith.index_cast %add3A_1074 : i32 to index
          %get3A_1076 = arith.index_cast %add3A_806 : i32 to index
          %get3A_1077 = tpu.vector_load %arg9[%get3A_1075, %get3A_1076] {strides = array<i32>} : memref<80x128xf32, #tpu.memory_space<vmem>>, vector<1x16xf32>,
          %get3A_1078 = vector.shape_cast %get3A_1077 : vector<1x16xf32> to vector<16xf32>
          %add3A_1079 = arith.constant 3 : i32
          %add3A_1080 = arith.addi %mul3A_212, %add3A_1079 : i32
          %get3A_1081 = arith.index_cast %add3A_1080 : i32 to index
          %get3A_1082 = arith.index_cast %add3A_806 : i32 to index
          %get3A_1083 = tpu.vector_load %arg11[%get3A_1081, %get3A_1082] {strides = array<i32>} : memref<80x128xf32, #tpu.memory_space<vmem>>, vector<1x16xf32>,
          %get3A_1084 = vector.shape_cast %get3A_1083 : vector<1x16xf32> to vector<16xf32>
          %mul3A_1085 = arith.mulf %get3A_1078, %get3A_1084 : vector<16xf32>
          %add3A_1086 = arith.addf %add3A_862, %mul3A_1085 : vector<16xf32>
          %add3A_1087 = arith.constant 4 : i32
          %add3A_1088 = arith.addi %mul3A_212, %add3A_1087 : i32
          %get3A_1089 = arith.index_cast %add3A_1088 : i32 to index
          %get3A_1090 = arith.index_cast %add3A_806 : i32 to index
          %get3A_1091 = tpu.vector_load %arg9[%get3A_1089, %get3A_1090] {strides = array<i32>} : memref<80x128xf32, #tpu.memory_space<vmem>>, vector<1x16xf32>,
          %get3A_1092 = vector.shape_cast %get3A_1091 : vector<1x16xf32> to vector<16xf32>
          %add3A_1093 = arith.constant 4 : i32
          %add3A_1094 = arith.addi %mul3A_212, %add3A_1093 : i32
          %get3A_1095 = arith.index_cast %add3A_1094 : i32 to index
          %get3A_1096 = arith.index_cast %add3A_806 : i32 to index
          %get3A_1097 = tpu.vector_load %arg11[%get3A_1095, %get3A_1096] {strides = array<i32>} : memref<80x128xf32, #tpu.memory_space<vmem>>, vector<1x16xf32>,
          %get3A_1098 = vector.shape_cast %get3A_1097 : vector<1x16xf32> to vector<16xf32>
          %mul3A_1099 = arith.mulf %get3A_1092, %get3A_1098 : vector<16xf32>
          %add3A_1100 = arith.addf %add3A_876, %mul3A_1099 : vector<16xf32>
          %add3A_1101 = arith.constant 5 : i32
          %add3A_1102 = arith.addi %mul3A_212, %add3A_1101 : i32
          %get3A_1103 = arith.index_cast %add3A_1102 : i32 to index
          %get3A_1104 = arith.index_cast %add3A_806 : i32 to index
          %get3A_1105 = tpu.vector_load %arg9[%get3A_1103, %get3A_1104] {strides = array<i32>} : memref<80x128xf32, #tpu.memory_space<vmem>>, vector<1x16xf32>,
          %get3A_1106 = vector.shape_cast %get3A_1105 : vector<1x16xf32> to vector<16xf32>
          %add3A_1107 = arith.constant 5 : i32
          %add3A_1108 = arith.addi %mul3A_212, %add3A_1107 : i32
          %get3A_1109 = arith.index_cast %add3A_1108 : i32 to index
          %get3A_1110 = arith.index_cast %add3A_806 : i32 to index
          %get3A_1111 = tpu.vector_load %arg11[%get3A_1109, %get3A_1110] {strides = array<i32>} : memref<80x128xf32, #tpu.memory_space<vmem>>, vector<1x16xf32>,
          %get3A_1112 = vector.shape_cast %get3A_1111 : vector<1x16xf32> to vector<16xf32>
          %mul3A_1113 = arith.mulf %get3A_1106, %get3A_1112 : vector<16xf32>
          %add3A_1114 = arith.addf %add3A_890, %mul3A_1113 : vector<16xf32>
          %add3A_1115 = arith.constant 6 : i32
          %add3A_1116 = arith.addi %mul3A_212, %add3A_1115 : i32
          %get3A_1117 = arith.index_cast %add3A_1116 : i32 to index
          %get3A_1118 = arith.index_cast %add3A_806 : i32 to index
          %get3A_1119 = tpu.vector_load %arg9[%get3A_1117, %get3A_1118] {strides = array<i32>} : memref<80x128xf32, #tpu.memory_space<vmem>>, vector<1x16xf32>,
          %get3A_1120 = vector.shape_cast %get3A_1119 : vector<1x16xf32> to vector<16xf32>
          %add3A_1121 = arith.constant 6 : i32
          %add3A_1122 = arith.addi %mul3A_212, %add3A_1121 : i32
          %get3A_1123 = arith.index_cast %add3A_1122 : i32 to index
          %get3A_1124 = arith.index_cast %add3A_806 : i32 to index
          %get3A_1125 = tpu.vector_load %arg11[%get3A_1123, %get3A_1124] {strides = array<i32>} : memref<80x128xf32, #tpu.memory_space<vmem>>, vector<1x16xf32>,
          %get3A_1126 = vector.shape_cast %get3A_1125 : vector<1x16xf32> to vector<16xf32>
          %mul3A_1127 = arith.mulf %get3A_1120, %get3A_1126 : vector<16xf32>
          %add3A_1128 = arith.addf %add3A_904, %mul3A_1127 : vector<16xf32>
          %add3A_1129 = arith.constant 7 : i32
          %add3A_1130 = arith.addi %mul3A_212, %add3A_1129 : i32
          %get3A_1131 = arith.index_cast %add3A_1130 : i32 to index
          %get3A_1132 = arith.index_cast %add3A_806 : i32 to index
          %get3A_1133 = tpu.vector_load %arg9[%get3A_1131, %get3A_1132] {strides = array<i32>} : memref<80x128xf32, #tpu.memory_space<vmem>>, vector<1x16xf32>,
          %get3A_1134 = vector.shape_cast %get3A_1133 : vector<1x16xf32> to vector<16xf32>
          %add3A_1135 = arith.constant 7 : i32
          %add3A_1136 = arith.addi %mul3A_212, %add3A_1135 : i32
          %get3A_1137 = arith.index_cast %add3A_1136 : i32 to index
          %get3A_1138 = arith.index_cast %add3A_806 : i32 to index
          %get3A_1139 = tpu.vector_load %arg11[%get3A_1137, %get3A_1138] {strides = array<i32>} : memref<80x128xf32, #tpu.memory_space<vmem>>, vector<1x16xf32>,
          %get3A_1140 = vector.shape_cast %get3A_1139 : vector<1x16xf32> to vector<16xf32>
          %mul3A_1141 = arith.mulf %get3A_1134, %get3A_1140 : vector<16xf32>
          %add3A_1142 = arith.addf %add3A_918, %mul3A_1141 : vector<16xf32>
          %add3A_1143 = arith.constant 8 : i32
          %add3A_1144 = arith.addi %mul3A_212, %add3A_1143 : i32
          %get3A_1145 = arith.index_cast %add3A_1144 : i32 to index
          %get3A_1146 = arith.index_cast %add3A_806 : i32 to index
          %get3A_1147 = tpu.vector_load %arg9[%get3A_1145, %get3A_1146] {strides = array<i32>} : memref<80x128xf32, #tpu.memory_space<vmem>>, vector<1x16xf32>,
          %get3A_1148 = vector.shape_cast %get3A_1147 : vector<1x16xf32> to vector<16xf32>
          %add3A_1149 = arith.constant 8 : i32
          %add3A_1150 = arith.addi %mul3A_212, %add3A_1149 : i32
          %get3A_1151 = arith.index_cast %add3A_1150 : i32 to index
          %get3A_1152 = arith.index_cast %add3A_806 : i32 to index
          %get3A_1153 = tpu.vector_load %arg11[%get3A_1151, %get3A_1152] {strides = array<i32>} : memref<80x128xf32, #tpu.memory_space<vmem>>, vector<1x16xf32>,
          %get3A_1154 = vector.shape_cast %get3A_1153 : vector<1x16xf32> to vector<16xf32>
          %mul3A_1155 = arith.mulf %get3A_1148, %get3A_1154 : vector<16xf32>
          %add3A_1156 = arith.addf %add3A_932, %mul3A_1155 : vector<16xf32>
          %add3A_1157 = arith.constant 9 : i32
          %add3A_1158 = arith.addi %mul3A_212, %add3A_1157 : i32
          %get3A_1159 = arith.index_cast %add3A_1158 : i32 to index
          %get3A_1160 = arith.index_cast %add3A_806 : i32 to index
          %get3A_1161 = tpu.vector_load %arg9[%get3A_1159, %get3A_1160] {strides = array<i32>} : memref<80x128xf32, #tpu.memory_space<vmem>>, vector<1x16xf32>,
          %get3A_1162 = vector.shape_cast %get3A_1161 : vector<1x16xf32> to vector<16xf32>
          %add3A_1163 = arith.constant 9 : i32
          %add3A_1164 = arith.addi %mul3A_212, %add3A_1163 : i32
          %get3A_1165 = arith.index_cast %add3A_1164 : i32 to index
          %get3A_1166 = arith.index_cast %add3A_806 : i32 to index
          %get3A_1167 = tpu.vector_load %arg11[%get3A_1165, %get3A_1166] {strides = array<i32>} : memref<80x128xf32, #tpu.memory_space<vmem>>, vector<1x16xf32>,
          %get3A_1168 = vector.shape_cast %get3A_1167 : vector<1x16xf32> to vector<16xf32>
          %mul3A_1169 = arith.mulf %get3A_1162, %get3A_1168 : vector<16xf32>
          %add3A_1170 = arith.addf %add3A_946, %mul3A_1169 : vector<16xf32>
          %add3A_1171 = arith.constant 10 : i32
          %add3A_1172 = arith.addi %mul3A_212, %add3A_1171 : i32
          %get3A_1173 = arith.index_cast %add3A_1172 : i32 to index
          %get3A_1174 = arith.index_cast %add3A_806 : i32 to index
          %get3A_1175 = tpu.vector_load %arg9[%get3A_1173, %get3A_1174] {strides = array<i32>} : memref<80x128xf32, #tpu.memory_space<vmem>>, vector<1x16xf32>,
          %get3A_1176 = vector.shape_cast %get3A_1175 : vector<1x16xf32> to vector<16xf32>
          %add3A_1177 = arith.constant 10 : i32
          %add3A_1178 = arith.addi %mul3A_212, %add3A_1177 : i32
          %get3A_1179 = arith.index_cast %add3A_1178 : i32 to index
          %get3A_1180 = arith.index_cast %add3A_806 : i32 to index
          %get3A_1181 = tpu.vector_load %arg11[%get3A_1179, %get3A_1180] {strides = array<i32>} : memref<80x128xf32, #tpu.memory_space<vmem>>, vector<1x16xf32>,
          %get3A_1182 = vector.shape_cast %get3A_1181 : vector<1x16xf32> to vector<16xf32>
          %mul3A_1183 = arith.mulf %get3A_1176, %get3A_1182 : vector<16xf32>
          %add3A_1184 = arith.addf %add3A_960, %mul3A_1183 : vector<16xf32>
          %add3A_1185 = arith.constant 11 : i32
          %add3A_1186 = arith.addi %mul3A_212, %add3A_1185 : i32
          %get3A_1187 = arith.index_cast %add3A_1186 : i32 to index
          %get3A_1188 = arith.index_cast %add3A_806 : i32 to index
          %get3A_1189 = tpu.vector_load %arg9[%get3A_1187, %get3A_1188] {strides = array<i32>} : memref<80x128xf32, #tpu.memory_space<vmem>>, vector<1x16xf32>,
          %get3A_1190 = vector.shape_cast %get3A_1189 : vector<1x16xf32> to vector<16xf32>
          %add3A_1191 = arith.constant 11 : i32
          %add3A_1192 = arith.addi %mul3A_212, %add3A_1191 : i32
          %get3A_1193 = arith.index_cast %add3A_1192 : i32 to index
          %get3A_1194 = arith.index_cast %add3A_806 : i32 to index
          %get3A_1195 = tpu.vector_load %arg11[%get3A_1193, %get3A_1194] {strides = array<i32>} : memref<80x128xf32, #tpu.memory_space<vmem>>, vector<1x16xf32>,
          %get3A_1196 = vector.shape_cast %get3A_1195 : vector<1x16xf32> to vector<16xf32>
          %mul3A_1197 = arith.mulf %get3A_1190, %get3A_1196 : vector<16xf32>
          %add3A_1198 = arith.addf %add3A_974, %mul3A_1197 : vector<16xf32>
          %add3A_1199 = arith.constant 12 : i32
          %add3A_1200 = arith.addi %mul3A_212, %add3A_1199 : i32
          %get3A_1201 = arith.index_cast %add3A_1200 : i32 to index
          %get3A_1202 = arith.index_cast %add3A_806 : i32 to index
          %get3A_1203 = tpu.vector_load %arg9[%get3A_1201, %get3A_1202] {strides = array<i32>} : memref<80x128xf32, #tpu.memory_space<vmem>>, vector<1x16xf32>,
          %get3A_1204 = vector.shape_cast %get3A_1203 : vector<1x16xf32> to vector<16xf32>
          %add3A_1205 = arith.constant 12 : i32
          %add3A_1206 = arith.addi %mul3A_212, %add3A_1205 : i32
          %get3A_1207 = arith.index_cast %add3A_1206 : i32 to index
          %get3A_1208 = arith.index_cast %add3A_806 : i32 to index
          %get3A_1209 = tpu.vector_load %arg11[%get3A_1207, %get3A_1208] {strides = array<i32>} : memref<80x128xf32, #tpu.memory_space<vmem>>, vector<1x16xf32>,
          %get3A_1210 = vector.shape_cast %get3A_1209 : vector<1x16xf32> to vector<16xf32>
          %mul3A_1211 = arith.mulf %get3A_1204, %get3A_1210 : vector<16xf32>
          %add3A_1212 = arith.addf %add3A_988, %mul3A_1211 : vector<16xf32>
          %add3A_1213 = arith.constant 13 : i32
          %add3A_1214 = arith.addi %mul3A_212, %add3A_1213 : i32
          %get3A_1215 = arith.index_cast %add3A_1214 : i32 to index
          %get3A_1216 = arith.index_cast %add3A_806 : i32 to index
          %get3A_1217 = tpu.vector_load %arg9[%get3A_1215, %get3A_1216] {strides = array<i32>} : memref<80x128xf32, #tpu.memory_space<vmem>>, vector<1x16xf32>,
          %get3A_1218 = vector.shape_cast %get3A_1217 : vector<1x16xf32> to vector<16xf32>
          %add3A_1219 = arith.constant 13 : i32
          %add3A_1220 = arith.addi %mul3A_212, %add3A_1219 : i32
          %get3A_1221 = arith.index_cast %add3A_1220 : i32 to index
          %get3A_1222 = arith.index_cast %add3A_806 : i32 to index
          %get3A_1223 = tpu.vector_load %arg11[%get3A_1221, %get3A_1222] {strides = array<i32>} : memref<80x128xf32, #tpu.memory_space<vmem>>, vector<1x16xf32>,
          %get3A_1224 = vector.shape_cast %get3A_1223 : vector<1x16xf32> to vector<16xf32>
          %mul3A_1225 = arith.mulf %get3A_1218, %get3A_1224 : vector<16xf32>
          %add3A_1226 = arith.addf %add3A_1002, %mul3A_1225 : vector<16xf32>
          %add3A_1227 = arith.constant 14 : i32
          %add3A_1228 = arith.addi %mul3A_212, %add3A_1227 : i32
          %get3A_1229 = arith.index_cast %add3A_1228 : i32 to index
          %get3A_1230 = arith.index_cast %add3A_806 : i32 to index
          %get3A_1231 = tpu.vector_load %arg9[%get3A_1229, %get3A_1230] {strides = array<i32>} : memref<80x128xf32, #tpu.memory_space<vmem>>, vector<1x16xf32>,
          %get3A_1232 = vector.shape_cast %get3A_1231 : vector<1x16xf32> to vector<16xf32>
          %add3A_1233 = arith.constant 14 : i32
          %add3A_1234 = arith.addi %mul3A_212, %add3A_1233 : i32
          %get3A_1235 = arith.index_cast %add3A_1234 : i32 to index
          %get3A_1236 = arith.index_cast %add3A_806 : i32 to index
          %get3A_1237 = tpu.vector_load %arg11[%get3A_1235, %get3A_1236] {strides = array<i32>} : memref<80x128xf32, #tpu.memory_space<vmem>>, vector<1x16xf32>,
          %get3A_1238 = vector.shape_cast %get3A_1237 : vector<1x16xf32> to vector<16xf32>
          %mul3A_1239 = arith.mulf %get3A_1232, %get3A_1238 : vector<16xf32>
          %add3A_1240 = arith.addf %add3A_1016, %mul3A_1239 : vector<16xf32>
          %add3A_1241 = arith.constant 15 : i32
          %add3A_1242 = arith.addi %mul3A_212, %add3A_1241 : i32
          %get3A_1243 = arith.index_cast %add3A_1242 : i32 to index
          %get3A_1244 = arith.index_cast %add3A_806 : i32 to index
          %get3A_1245 = tpu.vector_load %arg9[%get3A_1243, %get3A_1244] {strides = array<i32>} : memref<80x128xf32, #tpu.memory_space<vmem>>, vector<1x16xf32>,
          %get3A_1246 = vector.shape_cast %get3A_1245 : vector<1x16xf32> to vector<16xf32>
          %add3A_1247 = arith.constant 15 : i32
          %add3A_1248 = arith.addi %mul3A_212, %add3A_1247 : i32
          %get3A_1249 = arith.index_cast %add3A_1248 : i32 to index
          %get3A_1250 = arith.index_cast %add3A_806 : i32 to index
          %get3A_1251 = tpu.vector_load %arg11[%get3A_1249, %get3A_1250] {strides = array<i32>} : memref<80x128xf32, #tpu.memory_space<vmem>>, vector<1x16xf32>,
          %get3A_1252 = vector.shape_cast %get3A_1251 : vector<1x16xf32> to vector<16xf32>
          %mul3A_1253 = arith.mulf %get3A_1246, %get3A_1252 : vector<16xf32>
          %add3A_1254 = arith.addf %add3A_1030, %mul3A_1253 : vector<16xf32>
          scf.yield %add3A_1044, %add3A_1058, %add3A_1072, %add3A_1086, %add3A_1100, %add3A_1114, %add3A_1128, %add3A_1142, %add3A_1156, %add3A_1170, %add3A_1184, %add3A_1198, %add3A_1212, %add3A_1226, %add3A_1240, %add3A_1254 : vector<16xf32>, vector<16xf32>, vector<16xf32>, vector<16xf32>, vector<16xf32>, vector<16xf32>, vector<16xf32>, vector<16xf32>, vector<16xf32>, vector<16xf32>, vector<16xf32>, vector<16xf32>, vector<16xf32>, vector<16xf32>, vector<16xf32>, vector<16xf32>
        }
        %scan3A_649 = arith.constant 3 : i32
        %select_n3A = arith.select %ne3A_102, %scan3A_648#8, %scan3A_648#0 : vector<16xi1>, vector<16xf32>
        %broadcast_in_dim3A = vector.shape_cast %xor3A_123 : vector<16xi32> to vector<16x1xi32>
        %gather3A = vector.shape_cast %broadcast_in_dim3A : vector<16x1xi32> to vector<16xi32>
        %gather3A_650 = tpu.dynamic_gather %scan3A_648#8[%gather3A] in [0] : vector<16xf32>, vector<16xi32> -> vector<16xf32>
        %broadcast_in_dim3A_651 = vector.shape_cast %xor3A_123 : vector<16xi32> to vector<16x1xi32>
        %gather3A_652 = vector.shape_cast %broadcast_in_dim3A_651 : vector<16x1xi32> to vector<16xi32>
        %gather3A_653 = tpu.dynamic_gather %scan3A_648#0[%gather3A_652] in [0] : vector<16xf32>, vector<16xi32> -> vector<16xf32>
        %select_n3A_654 = arith.select %ne3A_102, %gather3A_650, %gather3A_653 : vector<16xi1>, vector<16xf32>
        %add3A_655 = arith.addf %select_n3A, %select_n3A_654 : vector<16xf32>
        %select_n3A_656 = arith.select %ne3A_102, %scan3A_648#9, %scan3A_648#1 : vector<16xi1>, vector<16xf32>
        %broadcast_in_dim3A_657 = vector.shape_cast %xor3A_123 : vector<16xi32> to vector<16x1xi32>
        %gather3A_658 = vector.shape_cast %broadcast_in_dim3A_657 : vector<16x1xi32> to vector<16xi32>
        %gather3A_659 = tpu.dynamic_gather %scan3A_648#9[%gather3A_658] in [0] : vector<16xf32>, vector<16xi32> -> vector<16xf32>
        %broadcast_in_dim3A_660 = vector.shape_cast %xor3A_123 : vector<16xi32> to vector<16x1xi32>
        %gather3A_661 = vector.shape_cast %broadcast_in_dim3A_660 : vector<16x1xi32> to vector<16xi32>
        %gather3A_662 = tpu.dynamic_gather %scan3A_648#1[%gather3A_661] in [0] : vector<16xf32>, vector<16xi32> -> vector<16xf32>
        %select_n3A_663 = arith.select %ne3A_102, %gather3A_659, %gather3A_662 : vector<16xi1>, vector<16xf32>
        %add3A_664 = arith.addf %select_n3A_656, %select_n3A_663 : vector<16xf32>
        %select_n3A_665 = arith.select %ne3A_102, %scan3A_648#10, %scan3A_648#2 : vector<16xi1>, vector<16xf32>
        %broadcast_in_dim3A_666 = vector.shape_cast %xor3A_123 : vector<16xi32> to vector<16x1xi32>
        %gather3A_667 = vector.shape_cast %broadcast_in_dim3A_666 : vector<16x1xi32> to vector<16xi32>
        %gather3A_668 = tpu.dynamic_gather %scan3A_648#10[%gather3A_667] in [0] : vector<16xf32>, vector<16xi32> -> vector<16xf32>
        %broadcast_in_dim3A_669 = vector.shape_cast %xor3A_123 : vector<16xi32> to vector<16x1xi32>
        %gather3A_670 = vector.shape_cast %broadcast_in_dim3A_669 : vector<16x1xi32> to vector<16xi32>
        %gather3A_671 = tpu.dynamic_gather %scan3A_648#2[%gather3A_670] in [0] : vector<16xf32>, vector<16xi32> -> vector<16xf32>
        %select_n3A_672 = arith.select %ne3A_102, %gather3A_668, %gather3A_671 : vector<16xi1>, vector<16xf32>
        %add3A_673 = arith.addf %select_n3A_665, %select_n3A_672 : vector<16xf32>
        %select_n3A_674 = arith.select %ne3A_102, %scan3A_648#11, %scan3A_648#3 : vector<16xi1>, vector<16xf32>
        %broadcast_in_dim3A_675 = vector.shape_cast %xor3A_123 : vector<16xi32> to vector<16x1xi32>
        %gather3A_676 = vector.shape_cast %broadcast_in_dim3A_675 : vector<16x1xi32> to vector<16xi32>
        %gather3A_677 = tpu.dynamic_gather %scan3A_648#11[%gather3A_676] in [0] : vector<16xf32>, vector<16xi32> -> vector<16xf32>
        %broadcast_in_dim3A_678 = vector.shape_cast %xor3A_123 : vector<16xi32> to vector<16x1xi32>
        %gather3A_679 = vector.shape_cast %broadcast_in_dim3A_678 : vector<16x1xi32> to vector<16xi32>
        %gather3A_680 = tpu.dynamic_gather %scan3A_648#3[%gather3A_679] in [0] : vector<16xf32>, vector<16xi32> -> vector<16xf32>
        %select_n3A_681 = arith.select %ne3A_102, %gather3A_677, %gather3A_680 : vector<16xi1>, vector<16xf32>
        %add3A_682 = arith.addf %select_n3A_674, %select_n3A_681 : vector<16xf32>
        %select_n3A_683 = arith.select %ne3A_102, %scan3A_648#12, %scan3A_648#4 : vector<16xi1>, vector<16xf32>
        %broadcast_in_dim3A_684 = vector.shape_cast %xor3A_123 : vector<16xi32> to vector<16x1xi32>
        %gather3A_685 = vector.shape_cast %broadcast_in_dim3A_684 : vector<16x1xi32> to vector<16xi32>
        %gather3A_686 = tpu.dynamic_gather %scan3A_648#12[%gather3A_685] in [0] : vector<16xf32>, vector<16xi32> -> vector<16xf32>
        %broadcast_in_dim3A_687 = vector.shape_cast %xor3A_123 : vector<16xi32> to vector<16x1xi32>
        %gather3A_688 = vector.shape_cast %broadcast_in_dim3A_687 : vector<16x1xi32> to vector<16xi32>
        %gather3A_689 = tpu.dynamic_gather %scan3A_648#4[%gather3A_688] in [0] : vector<16xf32>, vector<16xi32> -> vector<16xf32>
        %select_n3A_690 = arith.select %ne3A_102, %gather3A_686, %gather3A_689 : vector<16xi1>, vector<16xf32>
        %add3A_691 = arith.addf %select_n3A_683, %select_n3A_690 : vector<16xf32>
        %select_n3A_692 = arith.select %ne3A_102, %scan3A_648#13, %scan3A_648#5 : vector<16xi1>, vector<16xf32>
        %broadcast_in_dim3A_693 = vector.shape_cast %xor3A_123 : vector<16xi32> to vector<16x1xi32>
        %gather3A_694 = vector.shape_cast %broadcast_in_dim3A_693 : vector<16x1xi32> to vector<16xi32>
        %gather3A_695 = tpu.dynamic_gather %scan3A_648#13[%gather3A_694] in [0] : vector<16xf32>, vector<16xi32> -> vector<16xf32>
        %broadcast_in_dim3A_696 = vector.shape_cast %xor3A_123 : vector<16xi32> to vector<16x1xi32>
        %gather3A_697 = vector.shape_cast %broadcast_in_dim3A_696 : vector<16x1xi32> to vector<16xi32>
        %gather3A_698 = tpu.dynamic_gather %scan3A_648#5[%gather3A_697] in [0] : vector<16xf32>, vector<16xi32> -> vector<16xf32>
        %select_n3A_699 = arith.select %ne3A_102, %gather3A_695, %gather3A_698 : vector<16xi1>, vector<16xf32>
        %add3A_700 = arith.addf %select_n3A_692, %select_n3A_699 : vector<16xf32>
        %select_n3A_701 = arith.select %ne3A_102, %scan3A_648#14, %scan3A_648#6 : vector<16xi1>, vector<16xf32>
        %broadcast_in_dim3A_702 = vector.shape_cast %xor3A_123 : vector<16xi32> to vector<16x1xi32>
        %gather3A_703 = vector.shape_cast %broadcast_in_dim3A_702 : vector<16x1xi32> to vector<16xi32>
        %gather3A_704 = tpu.dynamic_gather %scan3A_648#14[%gather3A_703] in [0] : vector<16xf32>, vector<16xi32> -> vector<16xf32>
        %broadcast_in_dim3A_705 = vector.shape_cast %xor3A_123 : vector<16xi32> to vector<16x1xi32>
        %gather3A_706 = vector.shape_cast %broadcast_in_dim3A_705 : vector<16x1xi32> to vector<16xi32>
        %gather3A_707 = tpu.dynamic_gather %scan3A_648#6[%gather3A_706] in [0] : vector<16xf32>, vector<16xi32> -> vector<16xf32>
        %select_n3A_708 = arith.select %ne3A_102, %gather3A_704, %gather3A_707 : vector<16xi1>, vector<16xf32>
        %add3A_709 = arith.addf %select_n3A_701, %select_n3A_708 : vector<16xf32>
        %select_n3A_710 = arith.select %ne3A_102, %scan3A_648#15, %scan3A_648#7 : vector<16xi1>, vector<16xf32>
        %broadcast_in_dim3A_711 = vector.shape_cast %xor3A_123 : vector<16xi32> to vector<16x1xi32>
        %gather3A_712 = vector.shape_cast %broadcast_in_dim3A_711 : vector<16x1xi32> to vector<16xi32>
        %gather3A_713 = tpu.dynamic_gather %scan3A_648#15[%gather3A_712] in [0] : vector<16xf32>, vector<16xi32> -> vector<16xf32>
        %broadcast_in_dim3A_714 = vector.shape_cast %xor3A_123 : vector<16xi32> to vector<16x1xi32>
        %gather3A_715 = vector.shape_cast %broadcast_in_dim3A_714 : vector<16x1xi32> to vector<16xi32>
        %gather3A_716 = tpu.dynamic_gather %scan3A_648#7[%gather3A_715] in [0] : vector<16xf32>, vector<16xi32> -> vector<16xf32>
        %select_n3A_717 = arith.select %ne3A_102, %gather3A_713, %gather3A_716 : vector<16xi1>, vector<16xf32>
        %add3A_718 = arith.addf %select_n3A_710, %select_n3A_717 : vector<16xf32>
        %select_n3A_719 = arith.select %ne3A_108, %add3A_691, %add3A_655 : vector<16xi1>, vector<16xf32>
        %broadcast_in_dim3A_720 = vector.shape_cast %xor3A_126 : vector<16xi32> to vector<16x1xi32>
        %gather3A_721 = vector.shape_cast %broadcast_in_dim3A_720 : vector<16x1xi32> to vector<16xi32>
        %gather3A_722 = tpu.dynamic_gather %add3A_691[%gather3A_721] in [0] : vector<16xf32>, vector<16xi32> -> vector<16xf32>
        %broadcast_in_dim3A_723 = vector.shape_cast %xor3A_126 : vector<16xi32> to vector<16x1xi32>
        %gather3A_724 = vector.shape_cast %broadcast_in_dim3A_723 : vector<16x1xi32> to vector<16xi32>
        %gather3A_725 = tpu.dynamic_gather %add3A_655[%gather3A_724] in [0] : vector<16xf32>, vector<16xi32> -> vector<16xf32>
        %select_n3A_726 = arith.select %ne3A_108, %gather3A_722, %gather3A_725 : vector<16xi1>, vector<16xf32>
        %add3A_727 = arith.addf %select_n3A_719, %select_n3A_726 : vector<16xf32>
        %select_n3A_728 = arith.select %ne3A_108, %add3A_700, %add3A_664 : vector<16xi1>, vector<16xf32>
        %broadcast_in_dim3A_729 = vector.shape_cast %xor3A_126 : vector<16xi32> to vector<16x1xi32>
        %gather3A_730 = vector.shape_cast %broadcast_in_dim3A_729 : vector<16x1xi32> to vector<16xi32>
        %gather3A_731 = tpu.dynamic_gather %add3A_700[%gather3A_730] in [0] : vector<16xf32>, vector<16xi32> -> vector<16xf32>
        %broadcast_in_dim3A_732 = vector.shape_cast %xor3A_126 : vector<16xi32> to vector<16x1xi32>
        %gather3A_733 = vector.shape_cast %broadcast_in_dim3A_732 : vector<16x1xi32> to vector<16xi32>
        %gather3A_734 = tpu.dynamic_gather %add3A_664[%gather3A_733] in [0] : vector<16xf32>, vector<16xi32> -> vector<16xf32>
        %select_n3A_735 = arith.select %ne3A_108, %gather3A_731, %gather3A_734 : vector<16xi1>, vector<16xf32>
        %add3A_736 = arith.addf %select_n3A_728, %select_n3A_735 : vector<16xf32>
        %select_n3A_737 = arith.select %ne3A_108, %add3A_709, %add3A_673 : vector<16xi1>, vector<16xf32>
        %broadcast_in_dim3A_738 = vector.shape_cast %xor3A_126 : vector<16xi32> to vector<16x1xi32>
        %gather3A_739 = vector.shape_cast %broadcast_in_dim3A_738 : vector<16x1xi32> to vector<16xi32>
        %gather3A_740 = tpu.dynamic_gather %add3A_709[%gather3A_739] in [0] : vector<16xf32>, vector<16xi32> -> vector<16xf32>
        %broadcast_in_dim3A_741 = vector.shape_cast %xor3A_126 : vector<16xi32> to vector<16x1xi32>
        %gather3A_742 = vector.shape_cast %broadcast_in_dim3A_741 : vector<16x1xi32> to vector<16xi32>
        %gather3A_743 = tpu.dynamic_gather %add3A_673[%gather3A_742] in [0] : vector<16xf32>, vector<16xi32> -> vector<16xf32>
        %select_n3A_744 = arith.select %ne3A_108, %gather3A_740, %gather3A_743 : vector<16xi1>, vector<16xf32>
        %add3A_745 = arith.addf %select_n3A_737, %select_n3A_744 : vector<16xf32>
        %select_n3A_746 = arith.select %ne3A_108, %add3A_718, %add3A_682 : vector<16xi1>, vector<16xf32>
        %broadcast_in_dim3A_747 = vector.shape_cast %xor3A_126 : vector<16xi32> to vector<16x1xi32>
        %gather3A_748 = vector.shape_cast %broadcast_in_dim3A_747 : vector<16x1xi32> to vector<16xi32>
        %gather3A_749 = tpu.dynamic_gather %add3A_718[%gather3A_748] in [0] : vector<16xf32>, vector<16xi32> -> vector<16xf32>
        %broadcast_in_dim3A_750 = vector.shape_cast %xor3A_126 : vector<16xi32> to vector<16x1xi32>
        %gather3A_751 = vector.shape_cast %broadcast_in_dim3A_750 : vector<16x1xi32> to vector<16xi32>
        %gather3A_752 = tpu.dynamic_gather %add3A_682[%gather3A_751] in [0] : vector<16xf32>, vector<16xi32> -> vector<16xf32>
        %select_n3A_753 = arith.select %ne3A_108, %gather3A_749, %gather3A_752 : vector<16xi1>, vector<16xf32>
        %add3A_754 = arith.addf %select_n3A_746, %select_n3A_753 : vector<16xf32>
        %select_n3A_755 = arith.select %ne3A_114, %add3A_745, %add3A_727 : vector<16xi1>, vector<16xf32>
        %broadcast_in_dim3A_756 = vector.shape_cast %xor3A_129 : vector<16xi32> to vector<16x1xi32>
        %gather3A_757 = vector.shape_cast %broadcast_in_dim3A_756 : vector<16x1xi32> to vector<16xi32>
        %gather3A_758 = tpu.dynamic_gather %add3A_745[%gather3A_757] in [0] : vector<16xf32>, vector<16xi32> -> vector<16xf32>
        %broadcast_in_dim3A_759 = vector.shape_cast %xor3A_129 : vector<16xi32> to vector<16x1xi32>
        %gather3A_760 = vector.shape_cast %broadcast_in_dim3A_759 : vector<16x1xi32> to vector<16xi32>
        %gather3A_761 = tpu.dynamic_gather %add3A_727[%gather3A_760] in [0] : vector<16xf32>, vector<16xi32> -> vector<16xf32>
        %select_n3A_762 = arith.select %ne3A_114, %gather3A_758, %gather3A_761 : vector<16xi1>, vector<16xf32>
        %add3A_763 = arith.addf %select_n3A_755, %select_n3A_762 : vector<16xf32>
        %select_n3A_764 = arith.select %ne3A_114, %add3A_754, %add3A_736 : vector<16xi1>, vector<16xf32>
        %broadcast_in_dim3A_765 = vector.shape_cast %xor3A_129 : vector<16xi32> to vector<16x1xi32>
        %gather3A_766 = vector.shape_cast %broadcast_in_dim3A_765 : vector<16x1xi32> to vector<16xi32>
        %gather3A_767 = tpu.dynamic_gather %add3A_754[%gather3A_766] in [0] : vector<16xf32>, vector<16xi32> -> vector<16xf32>
        %broadcast_in_dim3A_768 = vector.shape_cast %xor3A_129 : vector<16xi32> to vector<16x1xi32>
        %gather3A_769 = vector.shape_cast %broadcast_in_dim3A_768 : vector<16x1xi32> to vector<16xi32>
        %gather3A_770 = tpu.dynamic_gather %add3A_736[%gather3A_769] in [0] : vector<16xf32>, vector<16xi32> -> vector<16xf32>
        %select_n3A_771 = arith.select %ne3A_114, %gather3A_767, %gather3A_770 : vector<16xi1>, vector<16xf32>
        %add3A_772 = arith.addf %select_n3A_764, %select_n3A_771 : vector<16xf32>
        %select_n3A_773 = arith.select %ne3A_120, %add3A_772, %add3A_763 : vector<16xi1>, vector<16xf32>
        %broadcast_in_dim3A_774 = vector.shape_cast %xor3A_132 : vector<16xi32> to vector<16x1xi32>
        %gather3A_775 = vector.shape_cast %broadcast_in_dim3A_774 : vector<16x1xi32> to vector<16xi32>
        %gather3A_776 = tpu.dynamic_gather %add3A_772[%gather3A_775] in [0] : vector<16xf32>, vector<16xi32> -> vector<16xf32>
        %broadcast_in_dim3A_777 = vector.shape_cast %xor3A_132 : vector<16xi32> to vector<16x1xi32>
        %gather3A_778 = vector.shape_cast %broadcast_in_dim3A_777 : vector<16x1xi32> to vector<16xi32>
        %gather3A_779 = tpu.dynamic_gather %add3A_763[%gather3A_778] in [0] : vector<16xf32>, vector<16xi32> -> vector<16xf32>
        %select_n3A_780 = arith.select %ne3A_120, %gather3A_776, %gather3A_779 : vector<16xi1>, vector<16xf32>
        %add3A_781 = arith.addf %select_n3A_773, %select_n3A_780 : vector<16xf32>
        %add3A_782 = arith.addi %mul3A_95, %mul3A_212 : i32
        %swap3A = arith.index_cast %add3A_782 : i32 to index
        %swap3A_783 = tpu.vector_load %arg13[%swap3A] {strides = array<i32>} : memref<10000xf32, #tpu.memory_space<vmem>>, vector<16xf32>,
        %swap3A_784 = vector.shape_cast %swap3A_783 : vector<16xf32> to vector<16xf32>
        %swap3A_785 = vector.shape_cast %add3A_781 : vector<16xf32> to vector<16xf32>
        tpu.vector_store %arg13[%swap3A], %swap3A_785 {strides = array<i32>} : memref<10000xf32, #tpu.memory_space<vmem>>, vector<16xf32>,
      }
      %scan3A_138 = arith.constant 5 : i32
      %add3A_139 = arith.constant 2 : i32
      %add3A_140 = arith.addi %mul3A_69, %add3A_139 : i32
      %mul3A_141 = arith.constant 80 : i32
      %mul3A_142 = arith.muli %add3A_140, %mul3A_141 : i32
      %dma_start3A_143 = tpu.memref_slice %arg7[%mul3A_142] : memref<10000xi32, #tpu.memory_space<vmem>> -> memref<80xi32, #tpu.memory_space<vmem>>
      %dma_start3A_144 = arith.constant 0 : i32
      %dma_start3A_145 = arith.constant 0 : i32
      %dma_start3A_146 = tpu.memref_slice %arg2[%dma_start3A_144, %dma_start3A_145] : memref<10000x128xf32, #tpu.memory_space<hbm>> -> memref<10000x128xf32, #tpu.memory_space<hbm>>
      tpu.enqueue_indirect_dma source(%dma_start3A_146 : memref<10000x128xf32, #tpu.memory_space<hbm>>) target(%arg9 : memref<80x128xf32, #tpu.memory_space<vmem>>) offsets(%dma_start3A_143 : memref<80xi32, #tpu.memory_space<vmem>>) semaphore(%arg14 : memref<!tpu.dma_semaphore, #tpu.memory_space<semaphore_mem>>)
      %dma_start3A_147 = tpu.memref_slice %arg8[%mul3A_142] : memref<10000xi32, #tpu.memory_space<vmem>> -> memref<80xi32, #tpu.memory_space<vmem>>
      %dma_start3A_148 = arith.constant 0 : i32
      %dma_start3A_149 = arith.constant 0 : i32
      %dma_start3A_150 = tpu.memref_slice %arg3[%dma_start3A_148, %dma_start3A_149] : memref<10000x128xf32, #tpu.memory_space<hbm>> -> memref<10000x128xf32, #tpu.memory_space<hbm>>
      tpu.enqueue_indirect_dma source(%dma_start3A_150 : memref<10000x128xf32, #tpu.memory_space<hbm>>) target(%arg11 : memref<80x128xf32, #tpu.memory_space<vmem>>) offsets(%dma_start3A_147 : memref<80xi32, #tpu.memory_space<vmem>>) semaphore(%arg16 : memref<!tpu.dma_semaphore, #tpu.memory_space<semaphore_mem>>)
      %dma_wait3A_151 = arith.constant 0 : i32
      %dma_wait3A_152 = arith.constant 0 : i32
      %dma_wait3A_153 = tpu.memref_slice %arg2[%dma_wait3A_151, %dma_wait3A_152] : memref<10000x128xf32, #tpu.memory_space<hbm>> -> memref<80x128xf32, #tpu.memory_space<hbm>>
      %dma_wait3A_154 = arith.constant 0 : i32
      %dma_wait3A_155 = arith.constant 0 : i32
      %dma_wait3A_156 = tpu.memref_slice %arg2[%dma_wait3A_154, %dma_wait3A_155] : memref<10000x128xf32, #tpu.memory_space<hbm>> -> memref<80x128xf32, #tpu.memory_space<hbm>>
      tpu.wait_dma2 semaphore(%arg15 : memref<!tpu.dma_semaphore, #tpu.memory_space<semaphore_mem>>) src(%dma_wait3A_156 : memref<80x128xf32, #tpu.memory_space<hbm>>) dst(%arg10 : memref<80x128xf32, #tpu.memory_space<vmem>>)
      %dma_wait3A_157 = arith.constant 0 : i32
      %dma_wait3A_158 = arith.constant 0 : i32
      %dma_wait3A_159 = tpu.memref_slice %arg3[%dma_wait3A_157, %dma_wait3A_158] : memref<10000x128xf32, #tpu.memory_space<hbm>> -> memref<80x128xf32, #tpu.memory_space<hbm>>
      %dma_wait3A_160 = arith.constant 0 : i32
      %dma_wait3A_161 = arith.constant 0 : i32
      %dma_wait3A_162 = tpu.memref_slice %arg3[%dma_wait3A_160, %dma_wait3A_161] : memref<10000x128xf32, #tpu.memory_space<hbm>> -> memref<80x128xf32, #tpu.memory_space<hbm>>
      tpu.wait_dma2 semaphore(%arg17 : memref<!tpu.dma_semaphore, #tpu.memory_space<semaphore_mem>>) src(%dma_wait3A_162 : memref<80x128xf32, #tpu.memory_space<hbm>>) dst(%arg12 : memref<80x128xf32, #tpu.memory_space<vmem>>)
      %add3A_163 = arith.constant 1 : i32
      %add3A_164 = arith.addi %mul3A_69, %add3A_163 : i32
      %mul3A_165 = arith.constant 80 : i32
      %mul3A_166 = arith.muli %add3A_164, %mul3A_165 : i32
      %iota3A_167 = tpu.iota {dimensions = array<i32: 0>} : vector<16xi32>
      %and3A_168 = arith.constant 8 : i32
      %and3A_169 = vector.broadcast %and3A_168 : i32 to vector<16xi32>
      %and3A_170 = arith.andi %iota3A_167, %and3A_169 : vector<16xi32>
      %ne3A_171 = arith.constant 0 : i32
      %ne3A_172 = vector.broadcast %ne3A_171 : i32 to vector<16xi32>
      %ne3A_173 = arith.cmpi ne, %and3A_170, %ne3A_172 : vector<16xi32>
      %and3A_174 = arith.constant 4 : i32
      %and3A_175 = vector.broadcast %and3A_174 : i32 to vector<16xi32>
      %and3A_176 = arith.andi %iota3A_167, %and3A_175 : vector<16xi32>
      %ne3A_177 = arith.constant 0 : i32
      %ne3A_178 = vector.broadcast %ne3A_177 : i32 to vector<16xi32>
      %ne3A_179 = arith.cmpi ne, %and3A_176, %ne3A_178 : vector<16xi32>
      %and3A_180 = arith.constant 2 : i32
      %and3A_181 = vector.broadcast %and3A_180 : i32 to vector<16xi32>
      %and3A_182 = arith.andi %iota3A_167, %and3A_181 : vector<16xi32>
      %ne3A_183 = arith.constant 0 : i32
      %ne3A_184 = vector.broadcast %ne3A_183 : i32 to vector<16xi32>
      %ne3A_185 = arith.cmpi ne, %and3A_182, %ne3A_184 : vector<16xi32>
      %and3A_186 = arith.constant 1 : i32
      %and3A_187 = vector.broadcast %and3A_186 : i32 to vector<16xi32>
      %and3A_188 = arith.andi %iota3A_167, %and3A_187 : vector<16xi32>
      %ne3A_189 = arith.constant 0 : i32
      %ne3A_190 = vector.broadcast %ne3A_189 : i32 to vector<16xi32>
      %ne3A_191 = arith.cmpi ne, %and3A_188, %ne3A_190 : vector<16xi32>
      %xor3A_192 = arith.constant 8 : i32
      %xor3A_193 = vector.broadcast %xor3A_192 : i32 to vector<16xi32>
      %xor3A_194 = arith.xori %iota3A_167, %xor3A_193 : vector<16xi32>
      %xor3A_195 = arith.constant 4 : i32
      %xor3A_196 = vector.broadcast %xor3A_195 : i32 to vector<16xi32>
      %xor3A_197 = arith.xori %iota3A_167, %xor3A_196 : vector<16xi32>
      %xor3A_198 = arith.constant 2 : i32
      %xor3A_199 = vector.broadcast %xor3A_198 : i32 to vector<16xi32>
      %xor3A_200 = arith.xori %iota3A_167, %xor3A_199 : vector<16xi32>
      %xor3A_201 = arith.constant 1 : i32
      %xor3A_202 = vector.broadcast %xor3A_201 : i32 to vector<16xi32>
      %xor3A_203 = arith.xori %iota3A_167, %xor3A_202 : vector<16xi32>
      %scan3A_204 = arith.constant 0 : i32
      %scan3A_205 = arith.constant 0 : i32
      %scan3A_206 = arith.constant 5 : i32
      %scan3A_207 = arith.addi %scan3A_205, %scan3A_206 : i32
      %scan3A_208 = arith.constant 1 : i32
      scf.for %scan3A_210 = %scan3A_205 to %scan3A_207 step %scan3A_208  : i32 {
        %mul3A_211 = arith.constant 16 : i32
        %mul3A_212 = arith.muli %scan3A_210, %mul3A_211 : i32
        %add3A_213 = arith.constant 0 : i32
        %add3A_214 = arith.addi %mul3A_212, %add3A_213 : i32
        %get3A = arith.index_cast %add3A_214 : i32 to index
        %get3A_215 = arith.constant 0 : index
        %get3A_216 = tpu.vector_load %arg10[%get3A, %get3A_215] {strides = array<i32>} : memref<80x128xf32, #tpu.memory_space<vmem>>, vector<1x16xf32>,
        %get3A_217 = vector.shape_cast %get3A_216 : vector<1x16xf32> to vector<16xf32>
        %add3A_218 = arith.constant 0 : i32
        %add3A_219 = arith.addi %mul3A_212, %add3A_218 : i32
        %get3A_220 = arith.index_cast %add3A_219 : i32 to index
        %get3A_221 = arith.constant 0 : index
        %get3A_222 = tpu.vector_load %arg12[%get3A_220, %get3A_221] {strides = array<i32>} : memref<80x128xf32, #tpu.memory_space<vmem>>, vector<1x16xf32>,
        %get3A_223 = vector.shape_cast %get3A_222 : vector<1x16xf32> to vector<16xf32>
        %mul3A_224 = arith.mulf %get3A_217, %get3A_223 : vector<16xf32>
        %add3A_225 = arith.constant 1 : i32
        %add3A_226 = arith.addi %mul3A_212, %add3A_225 : i32
        %get3A_227 = arith.index_cast %add3A_226 : i32 to index
        %get3A_228 = arith.constant 0 : index
        %get3A_229 = tpu.vector_load %arg10[%get3A_227, %get3A_228] {strides = array<i32>} : memref<80x128xf32, #tpu.memory_space<vmem>>, vector<1x16xf32>,
        %get3A_230 = vector.shape_cast %get3A_229 : vector<1x16xf32> to vector<16xf32>
        %add3A_231 = arith.constant 1 : i32
        %add3A_232 = arith.addi %mul3A_212, %add3A_231 : i32
        %get3A_233 = arith.index_cast %add3A_232 : i32 to index
        %get3A_234 = arith.constant 0 : index
        %get3A_235 = tpu.vector_load %arg12[%get3A_233, %get3A_234] {strides = array<i32>} : memref<80x128xf32, #tpu.memory_space<vmem>>, vector<1x16xf32>,
        %get3A_236 = vector.shape_cast %get3A_235 : vector<1x16xf32> to vector<16xf32>
        %mul3A_237 = arith.mulf %get3A_230, %get3A_236 : vector<16xf32>
        %add3A_238 = arith.constant 2 : i32
        %add3A_239 = arith.addi %mul3A_212, %add3A_238 : i32
        %get3A_240 = arith.index_cast %add3A_239 : i32 to index
        %get3A_241 = arith.constant 0 : index
        %get3A_242 = tpu.vector_load %arg10[%get3A_240, %get3A_241] {strides = array<i32>} : memref<80x128xf32, #tpu.memory_space<vmem>>, vector<1x16xf32>,
        %get3A_243 = vector.shape_cast %get3A_242 : vector<1x16xf32> to vector<16xf32>
        %add3A_244 = arith.constant 2 : i32
        %add3A_245 = arith.addi %mul3A_212, %add3A_244 : i32
        %get3A_246 = arith.index_cast %add3A_245 : i32 to index
        %get3A_247 = arith.constant 0 : index
        %get3A_248 = tpu.vector_load %arg12[%get3A_246, %get3A_247] {strides = array<i32>} : memref<80x128xf32, #tpu.memory_space<vmem>>, vector<1x16xf32>,
        %get3A_249 = vector.shape_cast %get3A_248 : vector<1x16xf32> to vector<16xf32>
        %mul3A_250 = arith.mulf %get3A_243, %get3A_249 : vector<16xf32>
        %add3A_251 = arith.constant 3 : i32
        %add3A_252 = arith.addi %mul3A_212, %add3A_251 : i32
        %get3A_253 = arith.index_cast %add3A_252 : i32 to index
        %get3A_254 = arith.constant 0 : index
        %get3A_255 = tpu.vector_load %arg10[%get3A_253, %get3A_254] {strides = array<i32>} : memref<80x128xf32, #tpu.memory_space<vmem>>, vector<1x16xf32>,
        %get3A_256 = vector.shape_cast %get3A_255 : vector<1x16xf32> to vector<16xf32>
        %add3A_257 = arith.constant 3 : i32
        %add3A_258 = arith.addi %mul3A_212, %add3A_257 : i32
        %get3A_259 = arith.index_cast %add3A_258 : i32 to index
        %get3A_260 = arith.constant 0 : index
        %get3A_261 = tpu.vector_load %arg12[%get3A_259, %get3A_260] {strides = array<i32>} : memref<80x128xf32, #tpu.memory_space<vmem>>, vector<1x16xf32>,
        %get3A_262 = vector.shape_cast %get3A_261 : vector<1x16xf32> to vector<16xf32>
        %mul3A_263 = arith.mulf %get3A_256, %get3A_262 : vector<16xf32>
        %add3A_264 = arith.constant 4 : i32
        %add3A_265 = arith.addi %mul3A_212, %add3A_264 : i32
        %get3A_266 = arith.index_cast %add3A_265 : i32 to index
        %get3A_267 = arith.constant 0 : index
        %get3A_268 = tpu.vector_load %arg10[%get3A_266, %get3A_267] {strides = array<i32>} : memref<80x128xf32, #tpu.memory_space<vmem>>, vector<1x16xf32>,
        %get3A_269 = vector.shape_cast %get3A_268 : vector<1x16xf32> to vector<16xf32>
        %add3A_270 = arith.constant 4 : i32
        %add3A_271 = arith.addi %mul3A_212, %add3A_270 : i32
        %get3A_272 = arith.index_cast %add3A_271 : i32 to index
        %get3A_273 = arith.constant 0 : index
        %get3A_274 = tpu.vector_load %arg12[%get3A_272, %get3A_273] {strides = array<i32>} : memref<80x128xf32, #tpu.memory_space<vmem>>, vector<1x16xf32>,
        %get3A_275 = vector.shape_cast %get3A_274 : vector<1x16xf32> to vector<16xf32>
        %mul3A_276 = arith.mulf %get3A_269, %get3A_275 : vector<16xf32>
        %add3A_277 = arith.constant 5 : i32
        %add3A_278 = arith.addi %mul3A_212, %add3A_277 : i32
        %get3A_279 = arith.index_cast %add3A_278 : i32 to index
        %get3A_280 = arith.constant 0 : index
        %get3A_281 = tpu.vector_load %arg10[%get3A_279, %get3A_280] {strides = array<i32>} : memref<80x128xf32, #tpu.memory_space<vmem>>, vector<1x16xf32>,
        %get3A_282 = vector.shape_cast %get3A_281 : vector<1x16xf32> to vector<16xf32>
        %add3A_283 = arith.constant 5 : i32
        %add3A_284 = arith.addi %mul3A_212, %add3A_283 : i32
        %get3A_285 = arith.index_cast %add3A_284 : i32 to index
        %get3A_286 = arith.constant 0 : index
        %get3A_287 = tpu.vector_load %arg12[%get3A_285, %get3A_286] {strides = array<i32>} : memref<80x128xf32, #tpu.memory_space<vmem>>, vector<1x16xf32>,
        %get3A_288 = vector.shape_cast %get3A_287 : vector<1x16xf32> to vector<16xf32>
        %mul3A_289 = arith.mulf %get3A_282, %get3A_288 : vector<16xf32>
        %add3A_290 = arith.constant 6 : i32
        %add3A_291 = arith.addi %mul3A_212, %add3A_290 : i32
        %get3A_292 = arith.index_cast %add3A_291 : i32 to index
        %get3A_293 = arith.constant 0 : index
        %get3A_294 = tpu.vector_load %arg10[%get3A_292, %get3A_293] {strides = array<i32>} : memref<80x128xf32, #tpu.memory_space<vmem>>, vector<1x16xf32>,
        %get3A_295 = vector.shape_cast %get3A_294 : vector<1x16xf32> to vector<16xf32>
        %add3A_296 = arith.constant 6 : i32
        %add3A_297 = arith.addi %mul3A_212, %add3A_296 : i32
        %get3A_298 = arith.index_cast %add3A_297 : i32 to index
        %get3A_299 = arith.constant 0 : index
        %get3A_300 = tpu.vector_load %arg12[%get3A_298, %get3A_299] {strides = array<i32>} : memref<80x128xf32, #tpu.memory_space<vmem>>, vector<1x16xf32>,
        %get3A_301 = vector.shape_cast %get3A_300 : vector<1x16xf32> to vector<16xf32>
        %mul3A_302 = arith.mulf %get3A_295, %get3A_301 : vector<16xf32>
        %add3A_303 = arith.constant 7 : i32
        %add3A_304 = arith.addi %mul3A_212, %add3A_303 : i32
        %get3A_305 = arith.index_cast %add3A_304 : i32 to index
        %get3A_306 = arith.constant 0 : index
        %get3A_307 = tpu.vector_load %arg10[%get3A_305, %get3A_306] {strides = array<i32>} : memref<80x128xf32, #tpu.memory_space<vmem>>, vector<1x16xf32>,
        %get3A_308 = vector.shape_cast %get3A_307 : vector<1x16xf32> to vector<16xf32>
        %add3A_309 = arith.constant 7 : i32
        %add3A_310 = arith.addi %mul3A_212, %add3A_309 : i32
        %get3A_311 = arith.index_cast %add3A_310 : i32 to index
        %get3A_312 = arith.constant 0 : index
        %get3A_313 = tpu.vector_load %arg12[%get3A_311, %get3A_312] {strides = array<i32>} : memref<80x128xf32, #tpu.memory_space<vmem>>, vector<1x16xf32>,
        %get3A_314 = vector.shape_cast %get3A_313 : vector<1x16xf32> to vector<16xf32>
        %mul3A_315 = arith.mulf %get3A_308, %get3A_314 : vector<16xf32>
        %add3A_316 = arith.constant 8 : i32
        %add3A_317 = arith.addi %mul3A_212, %add3A_316 : i32
        %get3A_318 = arith.index_cast %add3A_317 : i32 to index
        %get3A_319 = arith.constant 0 : index
        %get3A_320 = tpu.vector_load %arg10[%get3A_318, %get3A_319] {strides = array<i32>} : memref<80x128xf32, #tpu.memory_space<vmem>>, vector<1x16xf32>,
        %get3A_321 = vector.shape_cast %get3A_320 : vector<1x16xf32> to vector<16xf32>
        %add3A_322 = arith.constant 8 : i32
        %add3A_323 = arith.addi %mul3A_212, %add3A_322 : i32
        %get3A_324 = arith.index_cast %add3A_323 : i32 to index
        %get3A_325 = arith.constant 0 : index
        %get3A_326 = tpu.vector_load %arg12[%get3A_324, %get3A_325] {strides = array<i32>} : memref<80x128xf32, #tpu.memory_space<vmem>>, vector<1x16xf32>,
        %get3A_327 = vector.shape_cast %get3A_326 : vector<1x16xf32> to vector<16xf32>
        %mul3A_328 = arith.mulf %get3A_321, %get3A_327 : vector<16xf32>
        %add3A_329 = arith.constant 9 : i32
        %add3A_330 = arith.addi %mul3A_212, %add3A_329 : i32
        %get3A_331 = arith.index_cast %add3A_330 : i32 to index
        %get3A_332 = arith.constant 0 : index
        %get3A_333 = tpu.vector_load %arg10[%get3A_331, %get3A_332] {strides = array<i32>} : memref<80x128xf32, #tpu.memory_space<vmem>>, vector<1x16xf32>,
        %get3A_334 = vector.shape_cast %get3A_333 : vector<1x16xf32> to vector<16xf32>
        %add3A_335 = arith.constant 9 : i32
        %add3A_336 = arith.addi %mul3A_212, %add3A_335 : i32
        %get3A_337 = arith.index_cast %add3A_336 : i32 to index
        %get3A_338 = arith.constant 0 : index
        %get3A_339 = tpu.vector_load %arg12[%get3A_337, %get3A_338] {strides = array<i32>} : memref<80x128xf32, #tpu.memory_space<vmem>>, vector<1x16xf32>,
        %get3A_340 = vector.shape_cast %get3A_339 : vector<1x16xf32> to vector<16xf32>
        %mul3A_341 = arith.mulf %get3A_334, %get3A_340 : vector<16xf32>
        %add3A_342 = arith.constant 10 : i32
        %add3A_343 = arith.addi %mul3A_212, %add3A_342 : i32
        %get3A_344 = arith.index_cast %add3A_343 : i32 to index
        %get3A_345 = arith.constant 0 : index
        %get3A_346 = tpu.vector_load %arg10[%get3A_344, %get3A_345] {strides = array<i32>} : memref<80x128xf32, #tpu.memory_space<vmem>>, vector<1x16xf32>,
        %get3A_347 = vector.shape_cast %get3A_346 : vector<1x16xf32> to vector<16xf32>
        %add3A_348 = arith.constant 10 : i32
        %add3A_349 = arith.addi %mul3A_212, %add3A_348 : i32
        %get3A_350 = arith.index_cast %add3A_349 : i32 to index
        %get3A_351 = arith.constant 0 : index
        %get3A_352 = tpu.vector_load %arg12[%get3A_350, %get3A_351] {strides = array<i32>} : memref<80x128xf32, #tpu.memory_space<vmem>>, vector<1x16xf32>,
        %get3A_353 = vector.shape_cast %get3A_352 : vector<1x16xf32> to vector<16xf32>
        %mul3A_354 = arith.mulf %get3A_347, %get3A_353 : vector<16xf32>
        %add3A_355 = arith.constant 11 : i32
        %add3A_356 = arith.addi %mul3A_212, %add3A_355 : i32
        %get3A_357 = arith.index_cast %add3A_356 : i32 to index
        %get3A_358 = arith.constant 0 : index
        %get3A_359 = tpu.vector_load %arg10[%get3A_357, %get3A_358] {strides = array<i32>} : memref<80x128xf32, #tpu.memory_space<vmem>>, vector<1x16xf32>,
        %get3A_360 = vector.shape_cast %get3A_359 : vector<1x16xf32> to vector<16xf32>
        %add3A_361 = arith.constant 11 : i32
        %add3A_362 = arith.addi %mul3A_212, %add3A_361 : i32
        %get3A_363 = arith.index_cast %add3A_362 : i32 to index
        %get3A_364 = arith.constant 0 : index
        %get3A_365 = tpu.vector_load %arg12[%get3A_363, %get3A_364] {strides = array<i32>} : memref<80x128xf32, #tpu.memory_space<vmem>>, vector<1x16xf32>,
        %get3A_366 = vector.shape_cast %get3A_365 : vector<1x16xf32> to vector<16xf32>
        %mul3A_367 = arith.mulf %get3A_360, %get3A_366 : vector<16xf32>
        %add3A_368 = arith.constant 12 : i32
        %add3A_369 = arith.addi %mul3A_212, %add3A_368 : i32
        %get3A_370 = arith.index_cast %add3A_369 : i32 to index
        %get3A_371 = arith.constant 0 : index
        %get3A_372 = tpu.vector_load %arg10[%get3A_370, %get3A_371] {strides = array<i32>} : memref<80x128xf32, #tpu.memory_space<vmem>>, vector<1x16xf32>,
        %get3A_373 = vector.shape_cast %get3A_372 : vector<1x16xf32> to vector<16xf32>
        %add3A_374 = arith.constant 12 : i32
        %add3A_375 = arith.addi %mul3A_212, %add3A_374 : i32
        %get3A_376 = arith.index_cast %add3A_375 : i32 to index
        %get3A_377 = arith.constant 0 : index
        %get3A_378 = tpu.vector_load %arg12[%get3A_376, %get3A_377] {strides = array<i32>} : memref<80x128xf32, #tpu.memory_space<vmem>>, vector<1x16xf32>,
        %get3A_379 = vector.shape_cast %get3A_378 : vector<1x16xf32> to vector<16xf32>
        %mul3A_380 = arith.mulf %get3A_373, %get3A_379 : vector<16xf32>
        %add3A_381 = arith.constant 13 : i32
        %add3A_382 = arith.addi %mul3A_212, %add3A_381 : i32
        %get3A_383 = arith.index_cast %add3A_382 : i32 to index
        %get3A_384 = arith.constant 0 : index
        %get3A_385 = tpu.vector_load %arg10[%get3A_383, %get3A_384] {strides = array<i32>} : memref<80x128xf32, #tpu.memory_space<vmem>>, vector<1x16xf32>,
        %get3A_386 = vector.shape_cast %get3A_385 : vector<1x16xf32> to vector<16xf32>
        %add3A_387 = arith.constant 13 : i32
        %add3A_388 = arith.addi %mul3A_212, %add3A_387 : i32
        %get3A_389 = arith.index_cast %add3A_388 : i32 to index
        %get3A_390 = arith.constant 0 : index
        %get3A_391 = tpu.vector_load %arg12[%get3A_389, %get3A_390] {strides = array<i32>} : memref<80x128xf32, #tpu.memory_space<vmem>>, vector<1x16xf32>,
        %get3A_392 = vector.shape_cast %get3A_391 : vector<1x16xf32> to vector<16xf32>
        %mul3A_393 = arith.mulf %get3A_386, %get3A_392 : vector<16xf32>
        %add3A_394 = arith.constant 14 : i32
        %add3A_395 = arith.addi %mul3A_212, %add3A_394 : i32
        %get3A_396 = arith.index_cast %add3A_395 : i32 to index
        %get3A_397 = arith.constant 0 : index
        %get3A_398 = tpu.vector_load %arg10[%get3A_396, %get3A_397] {strides = array<i32>} : memref<80x128xf32, #tpu.memory_space<vmem>>, vector<1x16xf32>,
        %get3A_399 = vector.shape_cast %get3A_398 : vector<1x16xf32> to vector<16xf32>
        %add3A_400 = arith.constant 14 : i32
        %add3A_401 = arith.addi %mul3A_212, %add3A_400 : i32
        %get3A_402 = arith.index_cast %add3A_401 : i32 to index
        %get3A_403 = arith.constant 0 : index
        %get3A_404 = tpu.vector_load %arg12[%get3A_402, %get3A_403] {strides = array<i32>} : memref<80x128xf32, #tpu.memory_space<vmem>>, vector<1x16xf32>,
        %get3A_405 = vector.shape_cast %get3A_404 : vector<1x16xf32> to vector<16xf32>
        %mul3A_406 = arith.mulf %get3A_399, %get3A_405 : vector<16xf32>
        %add3A_407 = arith.constant 15 : i32
        %add3A_408 = arith.addi %mul3A_212, %add3A_407 : i32
        %get3A_409 = arith.index_cast %add3A_408 : i32 to index
        %get3A_410 = arith.constant 0 : index
        %get3A_411 = tpu.vector_load %arg10[%get3A_409, %get3A_410] {strides = array<i32>} : memref<80x128xf32, #tpu.memory_space<vmem>>, vector<1x16xf32>,
        %get3A_412 = vector.shape_cast %get3A_411 : vector<1x16xf32> to vector<16xf32>
        %add3A_413 = arith.constant 15 : i32
        %add3A_414 = arith.addi %mul3A_212, %add3A_413 : i32
        %get3A_415 = arith.index_cast %add3A_414 : i32 to index
        %get3A_416 = arith.constant 0 : index
        %get3A_417 = tpu.vector_load %arg12[%get3A_415, %get3A_416] {strides = array<i32>} : memref<80x128xf32, #tpu.memory_space<vmem>>, vector<1x16xf32>,
        %get3A_418 = vector.shape_cast %get3A_417 : vector<1x16xf32> to vector<16xf32>
        %mul3A_419 = arith.mulf %get3A_412, %get3A_418 : vector<16xf32>
        %add3A_420 = arith.constant 0 : i32
        %add3A_421 = arith.addi %mul3A_212, %add3A_420 : i32
        %get3A_422 = arith.index_cast %add3A_421 : i32 to index
        %get3A_423 = arith.constant 16 : index
        %get3A_424 = tpu.vector_load %arg10[%get3A_422, %get3A_423] {strides = array<i32>} : memref<80x128xf32, #tpu.memory_space<vmem>>, vector<1x16xf32>,
        %get3A_425 = vector.shape_cast %get3A_424 : vector<1x16xf32> to vector<16xf32>
        %add3A_426 = arith.constant 0 : i32
        %add3A_427 = arith.addi %mul3A_212, %add3A_426 : i32
        %get3A_428 = arith.index_cast %add3A_427 : i32 to index
        %get3A_429 = arith.constant 16 : index
        %get3A_430 = tpu.vector_load %arg12[%get3A_428, %get3A_429] {strides = array<i32>} : memref<80x128xf32, #tpu.memory_space<vmem>>, vector<1x16xf32>,
        %get3A_431 = vector.shape_cast %get3A_430 : vector<1x16xf32> to vector<16xf32>
        %mul3A_432 = arith.mulf %get3A_425, %get3A_431 : vector<16xf32>
        %add3A_433 = arith.addf %mul3A_224, %mul3A_432 : vector<16xf32>
        %add3A_434 = arith.constant 1 : i32
        %add3A_435 = arith.addi %mul3A_212, %add3A_434 : i32
        %get3A_436 = arith.index_cast %add3A_435 : i32 to index
        %get3A_437 = arith.constant 16 : index
        %get3A_438 = tpu.vector_load %arg10[%get3A_436, %get3A_437] {strides = array<i32>} : memref<80x128xf32, #tpu.memory_space<vmem>>, vector<1x16xf32>,
        %get3A_439 = vector.shape_cast %get3A_438 : vector<1x16xf32> to vector<16xf32>
        %add3A_440 = arith.constant 1 : i32
        %add3A_441 = arith.addi %mul3A_212, %add3A_440 : i32
        %get3A_442 = arith.index_cast %add3A_441 : i32 to index
        %get3A_443 = arith.constant 16 : index
        %get3A_444 = tpu.vector_load %arg12[%get3A_442, %get3A_443] {strides = array<i32>} : memref<80x128xf32, #tpu.memory_space<vmem>>, vector<1x16xf32>,
        %get3A_445 = vector.shape_cast %get3A_444 : vector<1x16xf32> to vector<16xf32>
        %mul3A_446 = arith.mulf %get3A_439, %get3A_445 : vector<16xf32>
        %add3A_447 = arith.addf %mul3A_237, %mul3A_446 : vector<16xf32>
        %add3A_448 = arith.constant 2 : i32
        %add3A_449 = arith.addi %mul3A_212, %add3A_448 : i32
        %get3A_450 = arith.index_cast %add3A_449 : i32 to index
        %get3A_451 = arith.constant 16 : index
        %get3A_452 = tpu.vector_load %arg10[%get3A_450, %get3A_451] {strides = array<i32>} : memref<80x128xf32, #tpu.memory_space<vmem>>, vector<1x16xf32>,
        %get3A_453 = vector.shape_cast %get3A_452 : vector<1x16xf32> to vector<16xf32>
        %add3A_454 = arith.constant 2 : i32
        %add3A_455 = arith.addi %mul3A_212, %add3A_454 : i32
        %get3A_456 = arith.index_cast %add3A_455 : i32 to index
        %get3A_457 = arith.constant 16 : index
        %get3A_458 = tpu.vector_load %arg12[%get3A_456, %get3A_457] {strides = array<i32>} : memref<80x128xf32, #tpu.memory_space<vmem>>, vector<1x16xf32>,
        %get3A_459 = vector.shape_cast %get3A_458 : vector<1x16xf32> to vector<16xf32>
        %mul3A_460 = arith.mulf %get3A_453, %get3A_459 : vector<16xf32>
        %add3A_461 = arith.addf %mul3A_250, %mul3A_460 : vector<16xf32>
        %add3A_462 = arith.constant 3 : i32
        %add3A_463 = arith.addi %mul3A_212, %add3A_462 : i32
        %get3A_464 = arith.index_cast %add3A_463 : i32 to index
        %get3A_465 = arith.constant 16 : index
        %get3A_466 = tpu.vector_load %arg10[%get3A_464, %get3A_465] {strides = array<i32>} : memref<80x128xf32, #tpu.memory_space<vmem>>, vector<1x16xf32>,
        %get3A_467 = vector.shape_cast %get3A_466 : vector<1x16xf32> to vector<16xf32>
        %add3A_468 = arith.constant 3 : i32
        %add3A_469 = arith.addi %mul3A_212, %add3A_468 : i32
        %get3A_470 = arith.index_cast %add3A_469 : i32 to index
        %get3A_471 = arith.constant 16 : index
        %get3A_472 = tpu.vector_load %arg12[%get3A_470, %get3A_471] {strides = array<i32>} : memref<80x128xf32, #tpu.memory_space<vmem>>, vector<1x16xf32>,
        %get3A_473 = vector.shape_cast %get3A_472 : vector<1x16xf32> to vector<16xf32>
        %mul3A_474 = arith.mulf %get3A_467, %get3A_473 : vector<16xf32>
        %add3A_475 = arith.addf %mul3A_263, %mul3A_474 : vector<16xf32>
        %add3A_476 = arith.constant 4 : i32
        %add3A_477 = arith.addi %mul3A_212, %add3A_476 : i32
        %get3A_478 = arith.index_cast %add3A_477 : i32 to index
        %get3A_479 = arith.constant 16 : index
        %get3A_480 = tpu.vector_load %arg10[%get3A_478, %get3A_479] {strides = array<i32>} : memref<80x128xf32, #tpu.memory_space<vmem>>, vector<1x16xf32>,
        %get3A_481 = vector.shape_cast %get3A_480 : vector<1x16xf32> to vector<16xf32>
        %add3A_482 = arith.constant 4 : i32
        %add3A_483 = arith.addi %mul3A_212, %add3A_482 : i32
        %get3A_484 = arith.index_cast %add3A_483 : i32 to index
        %get3A_485 = arith.constant 16 : index
        %get3A_486 = tpu.vector_load %arg12[%get3A_484, %get3A_485] {strides = array<i32>} : memref<80x128xf32, #tpu.memory_space<vmem>>, vector<1x16xf32>,
        %get3A_487 = vector.shape_cast %get3A_486 : vector<1x16xf32> to vector<16xf32>
        %mul3A_488 = arith.mulf %get3A_481, %get3A_487 : vector<16xf32>
        %add3A_489 = arith.addf %mul3A_276, %mul3A_488 : vector<16xf32>
        %add3A_490 = arith.constant 5 : i32
        %add3A_491 = arith.addi %mul3A_212, %add3A_490 : i32
        %get3A_492 = arith.index_cast %add3A_491 : i32 to index
        %get3A_493 = arith.constant 16 : index
        %get3A_494 = tpu.vector_load %arg10[%get3A_492, %get3A_493] {strides = array<i32>} : memref<80x128xf32, #tpu.memory_space<vmem>>, vector<1x16xf32>,
        %get3A_495 = vector.shape_cast %get3A_494 : vector<1x16xf32> to vector<16xf32>
        %add3A_496 = arith.constant 5 : i32
        %add3A_497 = arith.addi %mul3A_212, %add3A_496 : i32
        %get3A_498 = arith.index_cast %add3A_497 : i32 to index
        %get3A_499 = arith.constant 16 : index
        %get3A_500 = tpu.vector_load %arg12[%get3A_498, %get3A_499] {strides = array<i32>} : memref<80x128xf32, #tpu.memory_space<vmem>>, vector<1x16xf32>,
        %get3A_501 = vector.shape_cast %get3A_500 : vector<1x16xf32> to vector<16xf32>
        %mul3A_502 = arith.mulf %get3A_495, %get3A_501 : vector<16xf32>
        %add3A_503 = arith.addf %mul3A_289, %mul3A_502 : vector<16xf32>
        %add3A_504 = arith.constant 6 : i32
        %add3A_505 = arith.addi %mul3A_212, %add3A_504 : i32
        %get3A_506 = arith.index_cast %add3A_505 : i32 to index
        %get3A_507 = arith.constant 16 : index
        %get3A_508 = tpu.vector_load %arg10[%get3A_506, %get3A_507] {strides = array<i32>} : memref<80x128xf32, #tpu.memory_space<vmem>>, vector<1x16xf32>,
        %get3A_509 = vector.shape_cast %get3A_508 : vector<1x16xf32> to vector<16xf32>
        %add3A_510 = arith.constant 6 : i32
        %add3A_511 = arith.addi %mul3A_212, %add3A_510 : i32
        %get3A_512 = arith.index_cast %add3A_511 : i32 to index
        %get3A_513 = arith.constant 16 : index
        %get3A_514 = tpu.vector_load %arg12[%get3A_512, %get3A_513] {strides = array<i32>} : memref<80x128xf32, #tpu.memory_space<vmem>>, vector<1x16xf32>,
        %get3A_515 = vector.shape_cast %get3A_514 : vector<1x16xf32> to vector<16xf32>
        %mul3A_516 = arith.mulf %get3A_509, %get3A_515 : vector<16xf32>
        %add3A_517 = arith.addf %mul3A_302, %mul3A_516 : vector<16xf32>
        %add3A_518 = arith.constant 7 : i32
        %add3A_519 = arith.addi %mul3A_212, %add3A_518 : i32
        %get3A_520 = arith.index_cast %add3A_519 : i32 to index
        %get3A_521 = arith.constant 16 : index
        %get3A_522 = tpu.vector_load %arg10[%get3A_520, %get3A_521] {strides = array<i32>} : memref<80x128xf32, #tpu.memory_space<vmem>>, vector<1x16xf32>,
        %get3A_523 = vector.shape_cast %get3A_522 : vector<1x16xf32> to vector<16xf32>
        %add3A_524 = arith.constant 7 : i32
        %add3A_525 = arith.addi %mul3A_212, %add3A_524 : i32
        %get3A_526 = arith.index_cast %add3A_525 : i32 to index
        %get3A_527 = arith.constant 16 : index
        %get3A_528 = tpu.vector_load %arg12[%get3A_526, %get3A_527] {strides = array<i32>} : memref<80x128xf32, #tpu.memory_space<vmem>>, vector<1x16xf32>,
        %get3A_529 = vector.shape_cast %get3A_528 : vector<1x16xf32> to vector<16xf32>
        %mul3A_530 = arith.mulf %get3A_523, %get3A_529 : vector<16xf32>
        %add3A_531 = arith.addf %mul3A_315, %mul3A_530 : vector<16xf32>
        %add3A_532 = arith.constant 8 : i32
        %add3A_533 = arith.addi %mul3A_212, %add3A_532 : i32
        %get3A_534 = arith.index_cast %add3A_533 : i32 to index
        %get3A_535 = arith.constant 16 : index
        %get3A_536 = tpu.vector_load %arg10[%get3A_534, %get3A_535] {strides = array<i32>} : memref<80x128xf32, #tpu.memory_space<vmem>>, vector<1x16xf32>,
        %get3A_537 = vector.shape_cast %get3A_536 : vector<1x16xf32> to vector<16xf32>
        %add3A_538 = arith.constant 8 : i32
        %add3A_539 = arith.addi %mul3A_212, %add3A_538 : i32
        %get3A_540 = arith.index_cast %add3A_539 : i32 to index
        %get3A_541 = arith.constant 16 : index
        %get3A_542 = tpu.vector_load %arg12[%get3A_540, %get3A_541] {strides = array<i32>} : memref<80x128xf32, #tpu.memory_space<vmem>>, vector<1x16xf32>,
        %get3A_543 = vector.shape_cast %get3A_542 : vector<1x16xf32> to vector<16xf32>
        %mul3A_544 = arith.mulf %get3A_537, %get3A_543 : vector<16xf32>
        %add3A_545 = arith.addf %mul3A_328, %mul3A_544 : vector<16xf32>
        %add3A_546 = arith.constant 9 : i32
        %add3A_547 = arith.addi %mul3A_212, %add3A_546 : i32
        %get3A_548 = arith.index_cast %add3A_547 : i32 to index
        %get3A_549 = arith.constant 16 : index
        %get3A_550 = tpu.vector_load %arg10[%get3A_548, %get3A_549] {strides = array<i32>} : memref<80x128xf32, #tpu.memory_space<vmem>>, vector<1x16xf32>,
        %get3A_551 = vector.shape_cast %get3A_550 : vector<1x16xf32> to vector<16xf32>
        %add3A_552 = arith.constant 9 : i32
        %add3A_553 = arith.addi %mul3A_212, %add3A_552 : i32
        %get3A_554 = arith.index_cast %add3A_553 : i32 to index
        %get3A_555 = arith.constant 16 : index
        %get3A_556 = tpu.vector_load %arg12[%get3A_554, %get3A_555] {strides = array<i32>} : memref<80x128xf32, #tpu.memory_space<vmem>>, vector<1x16xf32>,
        %get3A_557 = vector.shape_cast %get3A_556 : vector<1x16xf32> to vector<16xf32>
        %mul3A_558 = arith.mulf %get3A_551, %get3A_557 : vector<16xf32>
        %add3A_559 = arith.addf %mul3A_341, %mul3A_558 : vector<16xf32>
        %add3A_560 = arith.constant 10 : i32
        %add3A_561 = arith.addi %mul3A_212, %add3A_560 : i32
        %get3A_562 = arith.index_cast %add3A_561 : i32 to index
        %get3A_563 = arith.constant 16 : index
        %get3A_564 = tpu.vector_load %arg10[%get3A_562, %get3A_563] {strides = array<i32>} : memref<80x128xf32, #tpu.memory_space<vmem>>, vector<1x16xf32>,
        %get3A_565 = vector.shape_cast %get3A_564 : vector<1x16xf32> to vector<16xf32>
        %add3A_566 = arith.constant 10 : i32
        %add3A_567 = arith.addi %mul3A_212, %add3A_566 : i32
        %get3A_568 = arith.index_cast %add3A_567 : i32 to index
        %get3A_569 = arith.constant 16 : index
        %get3A_570 = tpu.vector_load %arg12[%get3A_568, %get3A_569] {strides = array<i32>} : memref<80x128xf32, #tpu.memory_space<vmem>>, vector<1x16xf32>,
        %get3A_571 = vector.shape_cast %get3A_570 : vector<1x16xf32> to vector<16xf32>
        %mul3A_572 = arith.mulf %get3A_565, %get3A_571 : vector<16xf32>
        %add3A_573 = arith.addf %mul3A_354, %mul3A_572 : vector<16xf32>
        %add3A_574 = arith.constant 11 : i32
        %add3A_575 = arith.addi %mul3A_212, %add3A_574 : i32
        %get3A_576 = arith.index_cast %add3A_575 : i32 to index
        %get3A_577 = arith.constant 16 : index
        %get3A_578 = tpu.vector_load %arg10[%get3A_576, %get3A_577] {strides = array<i32>} : memref<80x128xf32, #tpu.memory_space<vmem>>, vector<1x16xf32>,
        %get3A_579 = vector.shape_cast %get3A_578 : vector<1x16xf32> to vector<16xf32>
        %add3A_580 = arith.constant 11 : i32
        %add3A_581 = arith.addi %mul3A_212, %add3A_580 : i32
        %get3A_582 = arith.index_cast %add3A_581 : i32 to index
        %get3A_583 = arith.constant 16 : index
        %get3A_584 = tpu.vector_load %arg12[%get3A_582, %get3A_583] {strides = array<i32>} : memref<80x128xf32, #tpu.memory_space<vmem>>, vector<1x16xf32>,
        %get3A_585 = vector.shape_cast %get3A_584 : vector<1x16xf32> to vector<16xf32>
        %mul3A_586 = arith.mulf %get3A_579, %get3A_585 : vector<16xf32>
        %add3A_587 = arith.addf %mul3A_367, %mul3A_586 : vector<16xf32>
        %add3A_588 = arith.constant 12 : i32
        %add3A_589 = arith.addi %mul3A_212, %add3A_588 : i32
        %get3A_590 = arith.index_cast %add3A_589 : i32 to index
        %get3A_591 = arith.constant 16 : index
        %get3A_592 = tpu.vector_load %arg10[%get3A_590, %get3A_591] {strides = array<i32>} : memref<80x128xf32, #tpu.memory_space<vmem>>, vector<1x16xf32>,
        %get3A_593 = vector.shape_cast %get3A_592 : vector<1x16xf32> to vector<16xf32>
        %add3A_594 = arith.constant 12 : i32
        %add3A_595 = arith.addi %mul3A_212, %add3A_594 : i32
        %get3A_596 = arith.index_cast %add3A_595 : i32 to index
        %get3A_597 = arith.constant 16 : index
        %get3A_598 = tpu.vector_load %arg12[%get3A_596, %get3A_597] {strides = array<i32>} : memref<80x128xf32, #tpu.memory_space<vmem>>, vector<1x16xf32>,
        %get3A_599 = vector.shape_cast %get3A_598 : vector<1x16xf32> to vector<16xf32>
        %mul3A_600 = arith.mulf %get3A_593, %get3A_599 : vector<16xf32>
        %add3A_601 = arith.addf %mul3A_380, %mul3A_600 : vector<16xf32>
        %add3A_602 = arith.constant 13 : i32
        %add3A_603 = arith.addi %mul3A_212, %add3A_602 : i32
        %get3A_604 = arith.index_cast %add3A_603 : i32 to index
        %get3A_605 = arith.constant 16 : index
        %get3A_606 = tpu.vector_load %arg10[%get3A_604, %get3A_605] {strides = array<i32>} : memref<80x128xf32, #tpu.memory_space<vmem>>, vector<1x16xf32>,
        %get3A_607 = vector.shape_cast %get3A_606 : vector<1x16xf32> to vector<16xf32>
        %add3A_608 = arith.constant 13 : i32
        %add3A_609 = arith.addi %mul3A_212, %add3A_608 : i32
        %get3A_610 = arith.index_cast %add3A_609 : i32 to index
        %get3A_611 = arith.constant 16 : index
        %get3A_612 = tpu.vector_load %arg12[%get3A_610, %get3A_611] {strides = array<i32>} : memref<80x128xf32, #tpu.memory_space<vmem>>, vector<1x16xf32>,
        %get3A_613 = vector.shape_cast %get3A_612 : vector<1x16xf32> to vector<16xf32>
        %mul3A_614 = arith.mulf %get3A_607, %get3A_613 : vector<16xf32>
        %add3A_615 = arith.addf %mul3A_393, %mul3A_614 : vector<16xf32>
        %add3A_616 = arith.constant 14 : i32
        %add3A_617 = arith.addi %mul3A_212, %add3A_616 : i32
        %get3A_618 = arith.index_cast %add3A_617 : i32 to index
        %get3A_619 = arith.constant 16 : index
        %get3A_620 = tpu.vector_load %arg10[%get3A_618, %get3A_619] {strides = array<i32>} : memref<80x128xf32, #tpu.memory_space<vmem>>, vector<1x16xf32>,
        %get3A_621 = vector.shape_cast %get3A_620 : vector<1x16xf32> to vector<16xf32>
        %add3A_622 = arith.constant 14 : i32
        %add3A_623 = arith.addi %mul3A_212, %add3A_622 : i32
        %get3A_624 = arith.index_cast %add3A_623 : i32 to index
        %get3A_625 = arith.constant 16 : index
        %get3A_626 = tpu.vector_load %arg12[%get3A_624, %get3A_625] {strides = array<i32>} : memref<80x128xf32, #tpu.memory_space<vmem>>, vector<1x16xf32>,
        %get3A_627 = vector.shape_cast %get3A_626 : vector<1x16xf32> to vector<16xf32>
        %mul3A_628 = arith.mulf %get3A_621, %get3A_627 : vector<16xf32>
        %add3A_629 = arith.addf %mul3A_406, %mul3A_628 : vector<16xf32>
        %add3A_630 = arith.constant 15 : i32
        %add3A_631 = arith.addi %mul3A_212, %add3A_630 : i32
        %get3A_632 = arith.index_cast %add3A_631 : i32 to index
        %get3A_633 = arith.constant 16 : index
        %get3A_634 = tpu.vector_load %arg10[%get3A_632, %get3A_633] {strides = array<i32>} : memref<80x128xf32, #tpu.memory_space<vmem>>, vector<1x16xf32>,
        %get3A_635 = vector.shape_cast %get3A_634 : vector<1x16xf32> to vector<16xf32>
        %add3A_636 = arith.constant 15 : i32
        %add3A_637 = arith.addi %mul3A_212, %add3A_636 : i32
        %get3A_638 = arith.index_cast %add3A_637 : i32 to index
        %get3A_639 = arith.constant 16 : index
        %get3A_640 = tpu.vector_load %arg12[%get3A_638, %get3A_639] {strides = array<i32>} : memref<80x128xf32, #tpu.memory_space<vmem>>, vector<1x16xf32>,
        %get3A_641 = vector.shape_cast %get3A_640 : vector<1x16xf32> to vector<16xf32>
        %mul3A_642 = arith.mulf %get3A_635, %get3A_641 : vector<16xf32>
        %add3A_643 = arith.addf %mul3A_419, %mul3A_642 : vector<16xf32>
        %scan3A_644 = arith.constant 1 : i32
        %scan3A_645 = arith.constant 3 : i32
        %scan3A_646 = arith.addi %scan3A_644, %scan3A_645 : i32
        %scan3A_647 = arith.constant 1 : i32
        %scan3A_648:16 = scf.for %scan3A_786 = %scan3A_644 to %scan3A_646 step %scan3A_647 iter_args(%scan3A_787 = %add3A_433, %scan3A_788 = %add3A_447, %scan3A_789 = %add3A_461, %scan3A_790 = %add3A_475, %scan3A_791 = %add3A_489, %scan3A_792 = %add3A_503, %scan3A_793 = %add3A_517, %scan3A_794 = %add3A_531, %scan3A_795 = %add3A_545, %scan3A_796 = %add3A_559, %scan3A_797 = %add3A_573, %scan3A_798 = %add3A_587, %scan3A_799 = %add3A_601, %scan3A_800 = %add3A_615, %scan3A_801 = %add3A_629, %scan3A_802 = %add3A_643) -> (vector<16xf32>, vector<16xf32>, vector<16xf32>, vector<16xf32>, vector<16xf32>, vector<16xf32>, vector<16xf32>, vector<16xf32>, vector<16xf32>, vector<16xf32>, vector<16xf32>, vector<16xf32>, vector<16xf32>, vector<16xf32>, vector<16xf32>, vector<16xf32>)  : i32 {
          %mul3A_803 = arith.constant 32 : i32
          %mul3A_804 = arith.muli %scan3A_786, %mul3A_803 : i32
          %add3A_805 = arith.constant 16 : i32
          %add3A_806 = arith.addi %mul3A_804, %add3A_805 : i32
          %add3A_807 = arith.constant 0 : i32
          %add3A_808 = arith.addi %mul3A_212, %add3A_807 : i32
          %get3A_809 = arith.index_cast %add3A_808 : i32 to index
          %get3A_810 = arith.index_cast %mul3A_804 : i32 to index
          %get3A_811 = tpu.vector_load %arg10[%get3A_809, %get3A_810] {strides = array<i32>} : memref<80x128xf32, #tpu.memory_space<vmem>>, vector<1x16xf32>,
          %get3A_812 = vector.shape_cast %get3A_811 : vector<1x16xf32> to vector<16xf32>
          %add3A_813 = arith.constant 0 : i32
          %add3A_814 = arith.addi %mul3A_212, %add3A_813 : i32
          %get3A_815 = arith.index_cast %add3A_814 : i32 to index
          %get3A_816 = arith.index_cast %mul3A_804 : i32 to index
          %get3A_817 = tpu.vector_load %arg12[%get3A_815, %get3A_816] {strides = array<i32>} : memref<80x128xf32, #tpu.memory_space<vmem>>, vector<1x16xf32>,
          %get3A_818 = vector.shape_cast %get3A_817 : vector<1x16xf32> to vector<16xf32>
          %mul3A_819 = arith.mulf %get3A_812, %get3A_818 : vector<16xf32>
          %add3A_820 = arith.addf %scan3A_787, %mul3A_819 : vector<16xf32>
          %add3A_821 = arith.constant 1 : i32
          %add3A_822 = arith.addi %mul3A_212, %add3A_821 : i32
          %get3A_823 = arith.index_cast %add3A_822 : i32 to index
          %get3A_824 = arith.index_cast %mul3A_804 : i32 to index
          %get3A_825 = tpu.vector_load %arg10[%get3A_823, %get3A_824] {strides = array<i32>} : memref<80x128xf32, #tpu.memory_space<vmem>>, vector<1x16xf32>,
          %get3A_826 = vector.shape_cast %get3A_825 : vector<1x16xf32> to vector<16xf32>
          %add3A_827 = arith.constant 1 : i32
          %add3A_828 = arith.addi %mul3A_212, %add3A_827 : i32
          %get3A_829 = arith.index_cast %add3A_828 : i32 to index
          %get3A_830 = arith.index_cast %mul3A_804 : i32 to index
          %get3A_831 = tpu.vector_load %arg12[%get3A_829, %get3A_830] {strides = array<i32>} : memref<80x128xf32, #tpu.memory_space<vmem>>, vector<1x16xf32>,
          %get3A_832 = vector.shape_cast %get3A_831 : vector<1x16xf32> to vector<16xf32>
          %mul3A_833 = arith.mulf %get3A_826, %get3A_832 : vector<16xf32>
          %add3A_834 = arith.addf %scan3A_788, %mul3A_833 : vector<16xf32>
          %add3A_835 = arith.constant 2 : i32
          %add3A_836 = arith.addi %mul3A_212, %add3A_835 : i32
          %get3A_837 = arith.index_cast %add3A_836 : i32 to index
          %get3A_838 = arith.index_cast %mul3A_804 : i32 to index
          %get3A_839 = tpu.vector_load %arg10[%get3A_837, %get3A_838] {strides = array<i32>} : memref<80x128xf32, #tpu.memory_space<vmem>>, vector<1x16xf32>,
          %get3A_840 = vector.shape_cast %get3A_839 : vector<1x16xf32> to vector<16xf32>
          %add3A_841 = arith.constant 2 : i32
          %add3A_842 = arith.addi %mul3A_212, %add3A_841 : i32
          %get3A_843 = arith.index_cast %add3A_842 : i32 to index
          %get3A_844 = arith.index_cast %mul3A_804 : i32 to index
          %get3A_845 = tpu.vector_load %arg12[%get3A_843, %get3A_844] {strides = array<i32>} : memref<80x128xf32, #tpu.memory_space<vmem>>, vector<1x16xf32>,
          %get3A_846 = vector.shape_cast %get3A_845 : vector<1x16xf32> to vector<16xf32>
          %mul3A_847 = arith.mulf %get3A_840, %get3A_846 : vector<16xf32>
          %add3A_848 = arith.addf %scan3A_789, %mul3A_847 : vector<16xf32>
          %add3A_849 = arith.constant 3 : i32
          %add3A_850 = arith.addi %mul3A_212, %add3A_849 : i32
          %get3A_851 = arith.index_cast %add3A_850 : i32 to index
          %get3A_852 = arith.index_cast %mul3A_804 : i32 to index
          %get3A_853 = tpu.vector_load %arg10[%get3A_851, %get3A_852] {strides = array<i32>} : memref<80x128xf32, #tpu.memory_space<vmem>>, vector<1x16xf32>,
          %get3A_854 = vector.shape_cast %get3A_853 : vector<1x16xf32> to vector<16xf32>
          %add3A_855 = arith.constant 3 : i32
          %add3A_856 = arith.addi %mul3A_212, %add3A_855 : i32
          %get3A_857 = arith.index_cast %add3A_856 : i32 to index
          %get3A_858 = arith.index_cast %mul3A_804 : i32 to index
          %get3A_859 = tpu.vector_load %arg12[%get3A_857, %get3A_858] {strides = array<i32>} : memref<80x128xf32, #tpu.memory_space<vmem>>, vector<1x16xf32>,
          %get3A_860 = vector.shape_cast %get3A_859 : vector<1x16xf32> to vector<16xf32>
          %mul3A_861 = arith.mulf %get3A_854, %get3A_860 : vector<16xf32>
          %add3A_862 = arith.addf %scan3A_790, %mul3A_861 : vector<16xf32>
          %add3A_863 = arith.constant 4 : i32
          %add3A_864 = arith.addi %mul3A_212, %add3A_863 : i32
          %get3A_865 = arith.index_cast %add3A_864 : i32 to index
          %get3A_866 = arith.index_cast %mul3A_804 : i32 to index
          %get3A_867 = tpu.vector_load %arg10[%get3A_865, %get3A_866] {strides = array<i32>} : memref<80x128xf32, #tpu.memory_space<vmem>>, vector<1x16xf32>,
          %get3A_868 = vector.shape_cast %get3A_867 : vector<1x16xf32> to vector<16xf32>
          %add3A_869 = arith.constant 4 : i32
          %add3A_870 = arith.addi %mul3A_212, %add3A_869 : i32
          %get3A_871 = arith.index_cast %add3A_870 : i32 to index
          %get3A_872 = arith.index_cast %mul3A_804 : i32 to index
          %get3A_873 = tpu.vector_load %arg12[%get3A_871, %get3A_872] {strides = array<i32>} : memref<80x128xf32, #tpu.memory_space<vmem>>, vector<1x16xf32>,
          %get3A_874 = vector.shape_cast %get3A_873 : vector<1x16xf32> to vector<16xf32>
          %mul3A_875 = arith.mulf %get3A_868, %get3A_874 : vector<16xf32>
          %add3A_876 = arith.addf %scan3A_791, %mul3A_875 : vector<16xf32>
          %add3A_877 = arith.constant 5 : i32
          %add3A_878 = arith.addi %mul3A_212, %add3A_877 : i32
          %get3A_879 = arith.index_cast %add3A_878 : i32 to index
          %get3A_880 = arith.index_cast %mul3A_804 : i32 to index
          %get3A_881 = tpu.vector_load %arg10[%get3A_879, %get3A_880] {strides = array<i32>} : memref<80x128xf32, #tpu.memory_space<vmem>>, vector<1x16xf32>,
          %get3A_882 = vector.shape_cast %get3A_881 : vector<1x16xf32> to vector<16xf32>
          %add3A_883 = arith.constant 5 : i32
          %add3A_884 = arith.addi %mul3A_212, %add3A_883 : i32
          %get3A_885 = arith.index_cast %add3A_884 : i32 to index
          %get3A_886 = arith.index_cast %mul3A_804 : i32 to index
          %get3A_887 = tpu.vector_load %arg12[%get3A_885, %get3A_886] {strides = array<i32>} : memref<80x128xf32, #tpu.memory_space<vmem>>, vector<1x16xf32>,
          %get3A_888 = vector.shape_cast %get3A_887 : vector<1x16xf32> to vector<16xf32>
          %mul3A_889 = arith.mulf %get3A_882, %get3A_888 : vector<16xf32>
          %add3A_890 = arith.addf %scan3A_792, %mul3A_889 : vector<16xf32>
          %add3A_891 = arith.constant 6 : i32
          %add3A_892 = arith.addi %mul3A_212, %add3A_891 : i32
          %get3A_893 = arith.index_cast %add3A_892 : i32 to index
          %get3A_894 = arith.index_cast %mul3A_804 : i32 to index
          %get3A_895 = tpu.vector_load %arg10[%get3A_893, %get3A_894] {strides = array<i32>} : memref<80x128xf32, #tpu.memory_space<vmem>>, vector<1x16xf32>,
          %get3A_896 = vector.shape_cast %get3A_895 : vector<1x16xf32> to vector<16xf32>
          %add3A_897 = arith.constant 6 : i32
          %add3A_898 = arith.addi %mul3A_212, %add3A_897 : i32
          %get3A_899 = arith.index_cast %add3A_898 : i32 to index
          %get3A_900 = arith.index_cast %mul3A_804 : i32 to index
          %get3A_901 = tpu.vector_load %arg12[%get3A_899, %get3A_900] {strides = array<i32>} : memref<80x128xf32, #tpu.memory_space<vmem>>, vector<1x16xf32>,
          %get3A_902 = vector.shape_cast %get3A_901 : vector<1x16xf32> to vector<16xf32>
          %mul3A_903 = arith.mulf %get3A_896, %get3A_902 : vector<16xf32>
          %add3A_904 = arith.addf %scan3A_793, %mul3A_903 : vector<16xf32>
          %add3A_905 = arith.constant 7 : i32
          %add3A_906 = arith.addi %mul3A_212, %add3A_905 : i32
          %get3A_907 = arith.index_cast %add3A_906 : i32 to index
          %get3A_908 = arith.index_cast %mul3A_804 : i32 to index
          %get3A_909 = tpu.vector_load %arg10[%get3A_907, %get3A_908] {strides = array<i32>} : memref<80x128xf32, #tpu.memory_space<vmem>>, vector<1x16xf32>,
          %get3A_910 = vector.shape_cast %get3A_909 : vector<1x16xf32> to vector<16xf32>
          %add3A_911 = arith.constant 7 : i32
          %add3A_912 = arith.addi %mul3A_212, %add3A_911 : i32
          %get3A_913 = arith.index_cast %add3A_912 : i32 to index
          %get3A_914 = arith.index_cast %mul3A_804 : i32 to index
          %get3A_915 = tpu.vector_load %arg12[%get3A_913, %get3A_914] {strides = array<i32>} : memref<80x128xf32, #tpu.memory_space<vmem>>, vector<1x16xf32>,
          %get3A_916 = vector.shape_cast %get3A_915 : vector<1x16xf32> to vector<16xf32>
          %mul3A_917 = arith.mulf %get3A_910, %get3A_916 : vector<16xf32>
          %add3A_918 = arith.addf %scan3A_794, %mul3A_917 : vector<16xf32>
          %add3A_919 = arith.constant 8 : i32
          %add3A_920 = arith.addi %mul3A_212, %add3A_919 : i32
          %get3A_921 = arith.index_cast %add3A_920 : i32 to index
          %get3A_922 = arith.index_cast %mul3A_804 : i32 to index
          %get3A_923 = tpu.vector_load %arg10[%get3A_921, %get3A_922] {strides = array<i32>} : memref<80x128xf32, #tpu.memory_space<vmem>>, vector<1x16xf32>,
          %get3A_924 = vector.shape_cast %get3A_923 : vector<1x16xf32> to vector<16xf32>
          %add3A_925 = arith.constant 8 : i32
          %add3A_926 = arith.addi %mul3A_212, %add3A_925 : i32
          %get3A_927 = arith.index_cast %add3A_926 : i32 to index
          %get3A_928 = arith.index_cast %mul3A_804 : i32 to index
          %get3A_929 = tpu.vector_load %arg12[%get3A_927, %get3A_928] {strides = array<i32>} : memref<80x128xf32, #tpu.memory_space<vmem>>, vector<1x16xf32>,
          %get3A_930 = vector.shape_cast %get3A_929 : vector<1x16xf32> to vector<16xf32>
          %mul3A_931 = arith.mulf %get3A_924, %get3A_930 : vector<16xf32>
          %add3A_932 = arith.addf %scan3A_795, %mul3A_931 : vector<16xf32>
          %add3A_933 = arith.constant 9 : i32
          %add3A_934 = arith.addi %mul3A_212, %add3A_933 : i32
          %get3A_935 = arith.index_cast %add3A_934 : i32 to index
          %get3A_936 = arith.index_cast %mul3A_804 : i32 to index
          %get3A_937 = tpu.vector_load %arg10[%get3A_935, %get3A_936] {strides = array<i32>} : memref<80x128xf32, #tpu.memory_space<vmem>>, vector<1x16xf32>,
          %get3A_938 = vector.shape_cast %get3A_937 : vector<1x16xf32> to vector<16xf32>
          %add3A_939 = arith.constant 9 : i32
          %add3A_940 = arith.addi %mul3A_212, %add3A_939 : i32
          %get3A_941 = arith.index_cast %add3A_940 : i32 to index
          %get3A_942 = arith.index_cast %mul3A_804 : i32 to index
          %get3A_943 = tpu.vector_load %arg12[%get3A_941, %get3A_942] {strides = array<i32>} : memref<80x128xf32, #tpu.memory_space<vmem>>, vector<1x16xf32>,
          %get3A_944 = vector.shape_cast %get3A_943 : vector<1x16xf32> to vector<16xf32>
          %mul3A_945 = arith.mulf %get3A_938, %get3A_944 : vector<16xf32>
          %add3A_946 = arith.addf %scan3A_796, %mul3A_945 : vector<16xf32>
          %add3A_947 = arith.constant 10 : i32
          %add3A_948 = arith.addi %mul3A_212, %add3A_947 : i32
          %get3A_949 = arith.index_cast %add3A_948 : i32 to index
          %get3A_950 = arith.index_cast %mul3A_804 : i32 to index
          %get3A_951 = tpu.vector_load %arg10[%get3A_949, %get3A_950] {strides = array<i32>} : memref<80x128xf32, #tpu.memory_space<vmem>>, vector<1x16xf32>,
          %get3A_952 = vector.shape_cast %get3A_951 : vector<1x16xf32> to vector<16xf32>
          %add3A_953 = arith.constant 10 : i32
          %add3A_954 = arith.addi %mul3A_212, %add3A_953 : i32
          %get3A_955 = arith.index_cast %add3A_954 : i32 to index
          %get3A_956 = arith.index_cast %mul3A_804 : i32 to index
          %get3A_957 = tpu.vector_load %arg12[%get3A_955, %get3A_956] {strides = array<i32>} : memref<80x128xf32, #tpu.memory_space<vmem>>, vector<1x16xf32>,
          %get3A_958 = vector.shape_cast %get3A_957 : vector<1x16xf32> to vector<16xf32>
          %mul3A_959 = arith.mulf %get3A_952, %get3A_958 : vector<16xf32>
          %add3A_960 = arith.addf %scan3A_797, %mul3A_959 : vector<16xf32>
          %add3A_961 = arith.constant 11 : i32
          %add3A_962 = arith.addi %mul3A_212, %add3A_961 : i32
          %get3A_963 = arith.index_cast %add3A_962 : i32 to index
          %get3A_964 = arith.index_cast %mul3A_804 : i32 to index
          %get3A_965 = tpu.vector_load %arg10[%get3A_963, %get3A_964] {strides = array<i32>} : memref<80x128xf32, #tpu.memory_space<vmem>>, vector<1x16xf32>,
          %get3A_966 = vector.shape_cast %get3A_965 : vector<1x16xf32> to vector<16xf32>
          %add3A_967 = arith.constant 11 : i32
          %add3A_968 = arith.addi %mul3A_212, %add3A_967 : i32
          %get3A_969 = arith.index_cast %add3A_968 : i32 to index
          %get3A_970 = arith.index_cast %mul3A_804 : i32 to index
          %get3A_971 = tpu.vector_load %arg12[%get3A_969, %get3A_970] {strides = array<i32>} : memref<80x128xf32, #tpu.memory_space<vmem>>, vector<1x16xf32>,
          %get3A_972 = vector.shape_cast %get3A_971 : vector<1x16xf32> to vector<16xf32>
          %mul3A_973 = arith.mulf %get3A_966, %get3A_972 : vector<16xf32>
          %add3A_974 = arith.addf %scan3A_798, %mul3A_973 : vector<16xf32>
          %add3A_975 = arith.constant 12 : i32
          %add3A_976 = arith.addi %mul3A_212, %add3A_975 : i32
          %get3A_977 = arith.index_cast %add3A_976 : i32 to index
          %get3A_978 = arith.index_cast %mul3A_804 : i32 to index
          %get3A_979 = tpu.vector_load %arg10[%get3A_977, %get3A_978] {strides = array<i32>} : memref<80x128xf32, #tpu.memory_space<vmem>>, vector<1x16xf32>,
          %get3A_980 = vector.shape_cast %get3A_979 : vector<1x16xf32> to vector<16xf32>
          %add3A_981 = arith.constant 12 : i32
          %add3A_982 = arith.addi %mul3A_212, %add3A_981 : i32
          %get3A_983 = arith.index_cast %add3A_982 : i32 to index
          %get3A_984 = arith.index_cast %mul3A_804 : i32 to index
          %get3A_985 = tpu.vector_load %arg12[%get3A_983, %get3A_984] {strides = array<i32>} : memref<80x128xf32, #tpu.memory_space<vmem>>, vector<1x16xf32>,
          %get3A_986 = vector.shape_cast %get3A_985 : vector<1x16xf32> to vector<16xf32>
          %mul3A_987 = arith.mulf %get3A_980, %get3A_986 : vector<16xf32>
          %add3A_988 = arith.addf %scan3A_799, %mul3A_987 : vector<16xf32>
          %add3A_989 = arith.constant 13 : i32
          %add3A_990 = arith.addi %mul3A_212, %add3A_989 : i32
          %get3A_991 = arith.index_cast %add3A_990 : i32 to index
          %get3A_992 = arith.index_cast %mul3A_804 : i32 to index
          %get3A_993 = tpu.vector_load %arg10[%get3A_991, %get3A_992] {strides = array<i32>} : memref<80x128xf32, #tpu.memory_space<vmem>>, vector<1x16xf32>,
          %get3A_994 = vector.shape_cast %get3A_993 : vector<1x16xf32> to vector<16xf32>
          %add3A_995 = arith.constant 13 : i32
          %add3A_996 = arith.addi %mul3A_212, %add3A_995 : i32
          %get3A_997 = arith.index_cast %add3A_996 : i32 to index
          %get3A_998 = arith.index_cast %mul3A_804 : i32 to index
          %get3A_999 = tpu.vector_load %arg12[%get3A_997, %get3A_998] {strides = array<i32>} : memref<80x128xf32, #tpu.memory_space<vmem>>, vector<1x16xf32>,
          %get3A_1000 = vector.shape_cast %get3A_999 : vector<1x16xf32> to vector<16xf32>
          %mul3A_1001 = arith.mulf %get3A_994, %get3A_1000 : vector<16xf32>
          %add3A_1002 = arith.addf %scan3A_800, %mul3A_1001 : vector<16xf32>
          %add3A_1003 = arith.constant 14 : i32
          %add3A_1004 = arith.addi %mul3A_212, %add3A_1003 : i32
          %get3A_1005 = arith.index_cast %add3A_1004 : i32 to index
          %get3A_1006 = arith.index_cast %mul3A_804 : i32 to index
          %get3A_1007 = tpu.vector_load %arg10[%get3A_1005, %get3A_1006] {strides = array<i32>} : memref<80x128xf32, #tpu.memory_space<vmem>>, vector<1x16xf32>,
          %get3A_1008 = vector.shape_cast %get3A_1007 : vector<1x16xf32> to vector<16xf32>
          %add3A_1009 = arith.constant 14 : i32
          %add3A_1010 = arith.addi %mul3A_212, %add3A_1009 : i32
          %get3A_1011 = arith.index_cast %add3A_1010 : i32 to index
          %get3A_1012 = arith.index_cast %mul3A_804 : i32 to index
          %get3A_1013 = tpu.vector_load %arg12[%get3A_1011, %get3A_1012] {strides = array<i32>} : memref<80x128xf32, #tpu.memory_space<vmem>>, vector<1x16xf32>,
          %get3A_1014 = vector.shape_cast %get3A_1013 : vector<1x16xf32> to vector<16xf32>
          %mul3A_1015 = arith.mulf %get3A_1008, %get3A_1014 : vector<16xf32>
          %add3A_1016 = arith.addf %scan3A_801, %mul3A_1015 : vector<16xf32>
          %add3A_1017 = arith.constant 15 : i32
          %add3A_1018 = arith.addi %mul3A_212, %add3A_1017 : i32
          %get3A_1019 = arith.index_cast %add3A_1018 : i32 to index
          %get3A_1020 = arith.index_cast %mul3A_804 : i32 to index
          %get3A_1021 = tpu.vector_load %arg10[%get3A_1019, %get3A_1020] {strides = array<i32>} : memref<80x128xf32, #tpu.memory_space<vmem>>, vector<1x16xf32>,
          %get3A_1022 = vector.shape_cast %get3A_1021 : vector<1x16xf32> to vector<16xf32>
          %add3A_1023 = arith.constant 15 : i32
          %add3A_1024 = arith.addi %mul3A_212, %add3A_1023 : i32
          %get3A_1025 = arith.index_cast %add3A_1024 : i32 to index
          %get3A_1026 = arith.index_cast %mul3A_804 : i32 to index
          %get3A_1027 = tpu.vector_load %arg12[%get3A_1025, %get3A_1026] {strides = array<i32>} : memref<80x128xf32, #tpu.memory_space<vmem>>, vector<1x16xf32>,
          %get3A_1028 = vector.shape_cast %get3A_1027 : vector<1x16xf32> to vector<16xf32>
          %mul3A_1029 = arith.mulf %get3A_1022, %get3A_1028 : vector<16xf32>
          %add3A_1030 = arith.addf %scan3A_802, %mul3A_1029 : vector<16xf32>
          %add3A_1031 = arith.constant 0 : i32
          %add3A_1032 = arith.addi %mul3A_212, %add3A_1031 : i32
          %get3A_1033 = arith.index_cast %add3A_1032 : i32 to index
          %get3A_1034 = arith.index_cast %add3A_806 : i32 to index
          %get3A_1035 = tpu.vector_load %arg10[%get3A_1033, %get3A_1034] {strides = array<i32>} : memref<80x128xf32, #tpu.memory_space<vmem>>, vector<1x16xf32>,
          %get3A_1036 = vector.shape_cast %get3A_1035 : vector<1x16xf32> to vector<16xf32>
          %add3A_1037 = arith.constant 0 : i32
          %add3A_1038 = arith.addi %mul3A_212, %add3A_1037 : i32
          %get3A_1039 = arith.index_cast %add3A_1038 : i32 to index
          %get3A_1040 = arith.index_cast %add3A_806 : i32 to index
          %get3A_1041 = tpu.vector_load %arg12[%get3A_1039, %get3A_1040] {strides = array<i32>} : memref<80x128xf32, #tpu.memory_space<vmem>>, vector<1x16xf32>,
          %get3A_1042 = vector.shape_cast %get3A_1041 : vector<1x16xf32> to vector<16xf32>
          %mul3A_1043 = arith.mulf %get3A_1036, %get3A_1042 : vector<16xf32>
          %add3A_1044 = arith.addf %add3A_820, %mul3A_1043 : vector<16xf32>
          %add3A_1045 = arith.constant 1 : i32
          %add3A_1046 = arith.addi %mul3A_212, %add3A_1045 : i32
          %get3A_1047 = arith.index_cast %add3A_1046 : i32 to index
          %get3A_1048 = arith.index_cast %add3A_806 : i32 to index
          %get3A_1049 = tpu.vector_load %arg10[%get3A_1047, %get3A_1048] {strides = array<i32>} : memref<80x128xf32, #tpu.memory_space<vmem>>, vector<1x16xf32>,
          %get3A_1050 = vector.shape_cast %get3A_1049 : vector<1x16xf32> to vector<16xf32>
          %add3A_1051 = arith.constant 1 : i32
          %add3A_1052 = arith.addi %mul3A_212, %add3A_1051 : i32
          %get3A_1053 = arith.index_cast %add3A_1052 : i32 to index
          %get3A_1054 = arith.index_cast %add3A_806 : i32 to index
          %get3A_1055 = tpu.vector_load %arg12[%get3A_1053, %get3A_1054] {strides = array<i32>} : memref<80x128xf32, #tpu.memory_space<vmem>>, vector<1x16xf32>,
          %get3A_1056 = vector.shape_cast %get3A_1055 : vector<1x16xf32> to vector<16xf32>
          %mul3A_1057 = arith.mulf %get3A_1050, %get3A_1056 : vector<16xf32>
          %add3A_1058 = arith.addf %add3A_834, %mul3A_1057 : vector<16xf32>
          %add3A_1059 = arith.constant 2 : i32
          %add3A_1060 = arith.addi %mul3A_212, %add3A_1059 : i32
          %get3A_1061 = arith.index_cast %add3A_1060 : i32 to index
          %get3A_1062 = arith.index_cast %add3A_806 : i32 to index
          %get3A_1063 = tpu.vector_load %arg10[%get3A_1061, %get3A_1062] {strides = array<i32>} : memref<80x128xf32, #tpu.memory_space<vmem>>, vector<1x16xf32>,
          %get3A_1064 = vector.shape_cast %get3A_1063 : vector<1x16xf32> to vector<16xf32>
          %add3A_1065 = arith.constant 2 : i32
          %add3A_1066 = arith.addi %mul3A_212, %add3A_1065 : i32
          %get3A_1067 = arith.index_cast %add3A_1066 : i32 to index
          %get3A_1068 = arith.index_cast %add3A_806 : i32 to index
          %get3A_1069 = tpu.vector_load %arg12[%get3A_1067, %get3A_1068] {strides = array<i32>} : memref<80x128xf32, #tpu.memory_space<vmem>>, vector<1x16xf32>,
          %get3A_1070 = vector.shape_cast %get3A_1069 : vector<1x16xf32> to vector<16xf32>
          %mul3A_1071 = arith.mulf %get3A_1064, %get3A_1070 : vector<16xf32>
          %add3A_1072 = arith.addf %add3A_848, %mul3A_1071 : vector<16xf32>
          %add3A_1073 = arith.constant 3 : i32
          %add3A_1074 = arith.addi %mul3A_212, %add3A_1073 : i32
          %get3A_1075 = arith.index_cast %add3A_1074 : i32 to index
          %get3A_1076 = arith.index_cast %add3A_806 : i32 to index
          %get3A_1077 = tpu.vector_load %arg10[%get3A_1075, %get3A_1076] {strides = array<i32>} : memref<80x128xf32, #tpu.memory_space<vmem>>, vector<1x16xf32>,
          %get3A_1078 = vector.shape_cast %get3A_1077 : vector<1x16xf32> to vector<16xf32>
          %add3A_1079 = arith.constant 3 : i32
          %add3A_1080 = arith.addi %mul3A_212, %add3A_1079 : i32
          %get3A_1081 = arith.index_cast %add3A_1080 : i32 to index
          %get3A_1082 = arith.index_cast %add3A_806 : i32 to index
          %get3A_1083 = tpu.vector_load %arg12[%get3A_1081, %get3A_1082] {strides = array<i32>} : memref<80x128xf32, #tpu.memory_space<vmem>>, vector<1x16xf32>,
          %get3A_1084 = vector.shape_cast %get3A_1083 : vector<1x16xf32> to vector<16xf32>
          %mul3A_1085 = arith.mulf %get3A_1078, %get3A_1084 : vector<16xf32>
          %add3A_1086 = arith.addf %add3A_862, %mul3A_1085 : vector<16xf32>
          %add3A_1087 = arith.constant 4 : i32
          %add3A_1088 = arith.addi %mul3A_212, %add3A_1087 : i32
          %get3A_1089 = arith.index_cast %add3A_1088 : i32 to index
          %get3A_1090 = arith.index_cast %add3A_806 : i32 to index
          %get3A_1091 = tpu.vector_load %arg10[%get3A_1089, %get3A_1090] {strides = array<i32>} : memref<80x128xf32, #tpu.memory_space<vmem>>, vector<1x16xf32>,
          %get3A_1092 = vector.shape_cast %get3A_1091 : vector<1x16xf32> to vector<16xf32>
          %add3A_1093 = arith.constant 4 : i32
          %add3A_1094 = arith.addi %mul3A_212, %add3A_1093 : i32
          %get3A_1095 = arith.index_cast %add3A_1094 : i32 to index
          %get3A_1096 = arith.index_cast %add3A_806 : i32 to index
          %get3A_1097 = tpu.vector_load %arg12[%get3A_1095, %get3A_1096] {strides = array<i32>} : memref<80x128xf32, #tpu.memory_space<vmem>>, vector<1x16xf32>,
          %get3A_1098 = vector.shape_cast %get3A_1097 : vector<1x16xf32> to vector<16xf32>
          %mul3A_1099 = arith.mulf %get3A_1092, %get3A_1098 : vector<16xf32>
          %add3A_1100 = arith.addf %add3A_876, %mul3A_1099 : vector<16xf32>
          %add3A_1101 = arith.constant 5 : i32
          %add3A_1102 = arith.addi %mul3A_212, %add3A_1101 : i32
          %get3A_1103 = arith.index_cast %add3A_1102 : i32 to index
          %get3A_1104 = arith.index_cast %add3A_806 : i32 to index
          %get3A_1105 = tpu.vector_load %arg10[%get3A_1103, %get3A_1104] {strides = array<i32>} : memref<80x128xf32, #tpu.memory_space<vmem>>, vector<1x16xf32>,
          %get3A_1106 = vector.shape_cast %get3A_1105 : vector<1x16xf32> to vector<16xf32>
          %add3A_1107 = arith.constant 5 : i32
          %add3A_1108 = arith.addi %mul3A_212, %add3A_1107 : i32
          %get3A_1109 = arith.index_cast %add3A_1108 : i32 to index
          %get3A_1110 = arith.index_cast %add3A_806 : i32 to index
          %get3A_1111 = tpu.vector_load %arg12[%get3A_1109, %get3A_1110] {strides = array<i32>} : memref<80x128xf32, #tpu.memory_space<vmem>>, vector<1x16xf32>,
          %get3A_1112 = vector.shape_cast %get3A_1111 : vector<1x16xf32> to vector<16xf32>
          %mul3A_1113 = arith.mulf %get3A_1106, %get3A_1112 : vector<16xf32>
          %add3A_1114 = arith.addf %add3A_890, %mul3A_1113 : vector<16xf32>
          %add3A_1115 = arith.constant 6 : i32
          %add3A_1116 = arith.addi %mul3A_212, %add3A_1115 : i32
          %get3A_1117 = arith.index_cast %add3A_1116 : i32 to index
          %get3A_1118 = arith.index_cast %add3A_806 : i32 to index
          %get3A_1119 = tpu.vector_load %arg10[%get3A_1117, %get3A_1118] {strides = array<i32>} : memref<80x128xf32, #tpu.memory_space<vmem>>, vector<1x16xf32>,
          %get3A_1120 = vector.shape_cast %get3A_1119 : vector<1x16xf32> to vector<16xf32>
          %add3A_1121 = arith.constant 6 : i32
          %add3A_1122 = arith.addi %mul3A_212, %add3A_1121 : i32
          %get3A_1123 = arith.index_cast %add3A_1122 : i32 to index
          %get3A_1124 = arith.index_cast %add3A_806 : i32 to index
          %get3A_1125 = tpu.vector_load %arg12[%get3A_1123, %get3A_1124] {strides = array<i32>} : memref<80x128xf32, #tpu.memory_space<vmem>>, vector<1x16xf32>,
          %get3A_1126 = vector.shape_cast %get3A_1125 : vector<1x16xf32> to vector<16xf32>
          %mul3A_1127 = arith.mulf %get3A_1120, %get3A_1126 : vector<16xf32>
          %add3A_1128 = arith.addf %add3A_904, %mul3A_1127 : vector<16xf32>
          %add3A_1129 = arith.constant 7 : i32
          %add3A_1130 = arith.addi %mul3A_212, %add3A_1129 : i32
          %get3A_1131 = arith.index_cast %add3A_1130 : i32 to index
          %get3A_1132 = arith.index_cast %add3A_806 : i32 to index
          %get3A_1133 = tpu.vector_load %arg10[%get3A_1131, %get3A_1132] {strides = array<i32>} : memref<80x128xf32, #tpu.memory_space<vmem>>, vector<1x16xf32>,
          %get3A_1134 = vector.shape_cast %get3A_1133 : vector<1x16xf32> to vector<16xf32>
          %add3A_1135 = arith.constant 7 : i32
          %add3A_1136 = arith.addi %mul3A_212, %add3A_1135 : i32
          %get3A_1137 = arith.index_cast %add3A_1136 : i32 to index
          %get3A_1138 = arith.index_cast %add3A_806 : i32 to index
          %get3A_1139 = tpu.vector_load %arg12[%get3A_1137, %get3A_1138] {strides = array<i32>} : memref<80x128xf32, #tpu.memory_space<vmem>>, vector<1x16xf32>,
          %get3A_1140 = vector.shape_cast %get3A_1139 : vector<1x16xf32> to vector<16xf32>
          %mul3A_1141 = arith.mulf %get3A_1134, %get3A_1140 : vector<16xf32>
          %add3A_1142 = arith.addf %add3A_918, %mul3A_1141 : vector<16xf32>
          %add3A_1143 = arith.constant 8 : i32
          %add3A_1144 = arith.addi %mul3A_212, %add3A_1143 : i32
          %get3A_1145 = arith.index_cast %add3A_1144 : i32 to index
          %get3A_1146 = arith.index_cast %add3A_806 : i32 to index
          %get3A_1147 = tpu.vector_load %arg10[%get3A_1145, %get3A_1146] {strides = array<i32>} : memref<80x128xf32, #tpu.memory_space<vmem>>, vector<1x16xf32>,
          %get3A_1148 = vector.shape_cast %get3A_1147 : vector<1x16xf32> to vector<16xf32>
          %add3A_1149 = arith.constant 8 : i32
          %add3A_1150 = arith.addi %mul3A_212, %add3A_1149 : i32
          %get3A_1151 = arith.index_cast %add3A_1150 : i32 to index
          %get3A_1152 = arith.index_cast %add3A_806 : i32 to index
          %get3A_1153 = tpu.vector_load %arg12[%get3A_1151, %get3A_1152] {strides = array<i32>} : memref<80x128xf32, #tpu.memory_space<vmem>>, vector<1x16xf32>,
          %get3A_1154 = vector.shape_cast %get3A_1153 : vector<1x16xf32> to vector<16xf32>
          %mul3A_1155 = arith.mulf %get3A_1148, %get3A_1154 : vector<16xf32>
          %add3A_1156 = arith.addf %add3A_932, %mul3A_1155 : vector<16xf32>
          %add3A_1157 = arith.constant 9 : i32
          %add3A_1158 = arith.addi %mul3A_212, %add3A_1157 : i32
          %get3A_1159 = arith.index_cast %add3A_1158 : i32 to index
          %get3A_1160 = arith.index_cast %add3A_806 : i32 to index
          %get3A_1161 = tpu.vector_load %arg10[%get3A_1159, %get3A_1160] {strides = array<i32>} : memref<80x128xf32, #tpu.memory_space<vmem>>, vector<1x16xf32>,
          %get3A_1162 = vector.shape_cast %get3A_1161 : vector<1x16xf32> to vector<16xf32>
          %add3A_1163 = arith.constant 9 : i32
          %add3A_1164 = arith.addi %mul3A_212, %add3A_1163 : i32
          %get3A_1165 = arith.index_cast %add3A_1164 : i32 to index
          %get3A_1166 = arith.index_cast %add3A_806 : i32 to index
          %get3A_1167 = tpu.vector_load %arg12[%get3A_1165, %get3A_1166] {strides = array<i32>} : memref<80x128xf32, #tpu.memory_space<vmem>>, vector<1x16xf32>,
          %get3A_1168 = vector.shape_cast %get3A_1167 : vector<1x16xf32> to vector<16xf32>
          %mul3A_1169 = arith.mulf %get3A_1162, %get3A_1168 : vector<16xf32>
          %add3A_1170 = arith.addf %add3A_946, %mul3A_1169 : vector<16xf32>
          %add3A_1171 = arith.constant 10 : i32
          %add3A_1172 = arith.addi %mul3A_212, %add3A_1171 : i32
          %get3A_1173 = arith.index_cast %add3A_1172 : i32 to index
          %get3A_1174 = arith.index_cast %add3A_806 : i32 to index
          %get3A_1175 = tpu.vector_load %arg10[%get3A_1173, %get3A_1174] {strides = array<i32>} : memref<80x128xf32, #tpu.memory_space<vmem>>, vector<1x16xf32>,
          %get3A_1176 = vector.shape_cast %get3A_1175 : vector<1x16xf32> to vector<16xf32>
          %add3A_1177 = arith.constant 10 : i32
          %add3A_1178 = arith.addi %mul3A_212, %add3A_1177 : i32
          %get3A_1179 = arith.index_cast %add3A_1178 : i32 to index
          %get3A_1180 = arith.index_cast %add3A_806 : i32 to index
          %get3A_1181 = tpu.vector_load %arg12[%get3A_1179, %get3A_1180] {strides = array<i32>} : memref<80x128xf32, #tpu.memory_space<vmem>>, vector<1x16xf32>,
          %get3A_1182 = vector.shape_cast %get3A_1181 : vector<1x16xf32> to vector<16xf32>
          %mul3A_1183 = arith.mulf %get3A_1176, %get3A_1182 : vector<16xf32>
          %add3A_1184 = arith.addf %add3A_960, %mul3A_1183 : vector<16xf32>
          %add3A_1185 = arith.constant 11 : i32
          %add3A_1186 = arith.addi %mul3A_212, %add3A_1185 : i32
          %get3A_1187 = arith.index_cast %add3A_1186 : i32 to index
          %get3A_1188 = arith.index_cast %add3A_806 : i32 to index
          %get3A_1189 = tpu.vector_load %arg10[%get3A_1187, %get3A_1188] {strides = array<i32>} : memref<80x128xf32, #tpu.memory_space<vmem>>, vector<1x16xf32>,
          %get3A_1190 = vector.shape_cast %get3A_1189 : vector<1x16xf32> to vector<16xf32>
          %add3A_1191 = arith.constant 11 : i32
          %add3A_1192 = arith.addi %mul3A_212, %add3A_1191 : i32
          %get3A_1193 = arith.index_cast %add3A_1192 : i32 to index
          %get3A_1194 = arith.index_cast %add3A_806 : i32 to index
          %get3A_1195 = tpu.vector_load %arg12[%get3A_1193, %get3A_1194] {strides = array<i32>} : memref<80x128xf32, #tpu.memory_space<vmem>>, vector<1x16xf32>,
          %get3A_1196 = vector.shape_cast %get3A_1195 : vector<1x16xf32> to vector<16xf32>
          %mul3A_1197 = arith.mulf %get3A_1190, %get3A_1196 : vector<16xf32>
          %add3A_1198 = arith.addf %add3A_974, %mul3A_1197 : vector<16xf32>
          %add3A_1199 = arith.constant 12 : i32
          %add3A_1200 = arith.addi %mul3A_212, %add3A_1199 : i32
          %get3A_1201 = arith.index_cast %add3A_1200 : i32 to index
          %get3A_1202 = arith.index_cast %add3A_806 : i32 to index
          %get3A_1203 = tpu.vector_load %arg10[%get3A_1201, %get3A_1202] {strides = array<i32>} : memref<80x128xf32, #tpu.memory_space<vmem>>, vector<1x16xf32>,
          %get3A_1204 = vector.shape_cast %get3A_1203 : vector<1x16xf32> to vector<16xf32>
          %add3A_1205 = arith.constant 12 : i32
          %add3A_1206 = arith.addi %mul3A_212, %add3A_1205 : i32
          %get3A_1207 = arith.index_cast %add3A_1206 : i32 to index
          %get3A_1208 = arith.index_cast %add3A_806 : i32 to index
          %get3A_1209 = tpu.vector_load %arg12[%get3A_1207, %get3A_1208] {strides = array<i32>} : memref<80x128xf32, #tpu.memory_space<vmem>>, vector<1x16xf32>,
          %get3A_1210 = vector.shape_cast %get3A_1209 : vector<1x16xf32> to vector<16xf32>
          %mul3A_1211 = arith.mulf %get3A_1204, %get3A_1210 : vector<16xf32>
          %add3A_1212 = arith.addf %add3A_988, %mul3A_1211 : vector<16xf32>
          %add3A_1213 = arith.constant 13 : i32
          %add3A_1214 = arith.addi %mul3A_212, %add3A_1213 : i32
          %get3A_1215 = arith.index_cast %add3A_1214 : i32 to index
          %get3A_1216 = arith.index_cast %add3A_806 : i32 to index
          %get3A_1217 = tpu.vector_load %arg10[%get3A_1215, %get3A_1216] {strides = array<i32>} : memref<80x128xf32, #tpu.memory_space<vmem>>, vector<1x16xf32>,
          %get3A_1218 = vector.shape_cast %get3A_1217 : vector<1x16xf32> to vector<16xf32>
          %add3A_1219 = arith.constant 13 : i32
          %add3A_1220 = arith.addi %mul3A_212, %add3A_1219 : i32
          %get3A_1221 = arith.index_cast %add3A_1220 : i32 to index
          %get3A_1222 = arith.index_cast %add3A_806 : i32 to index
          %get3A_1223 = tpu.vector_load %arg12[%get3A_1221, %get3A_1222] {strides = array<i32>} : memref<80x128xf32, #tpu.memory_space<vmem>>, vector<1x16xf32>,
          %get3A_1224 = vector.shape_cast %get3A_1223 : vector<1x16xf32> to vector<16xf32>
          %mul3A_1225 = arith.mulf %get3A_1218, %get3A_1224 : vector<16xf32>
          %add3A_1226 = arith.addf %add3A_1002, %mul3A_1225 : vector<16xf32>
          %add3A_1227 = arith.constant 14 : i32
          %add3A_1228 = arith.addi %mul3A_212, %add3A_1227 : i32
          %get3A_1229 = arith.index_cast %add3A_1228 : i32 to index
          %get3A_1230 = arith.index_cast %add3A_806 : i32 to index
          %get3A_1231 = tpu.vector_load %arg10[%get3A_1229, %get3A_1230] {strides = array<i32>} : memref<80x128xf32, #tpu.memory_space<vmem>>, vector<1x16xf32>,
          %get3A_1232 = vector.shape_cast %get3A_1231 : vector<1x16xf32> to vector<16xf32>
          %add3A_1233 = arith.constant 14 : i32
          %add3A_1234 = arith.addi %mul3A_212, %add3A_1233 : i32
          %get3A_1235 = arith.index_cast %add3A_1234 : i32 to index
          %get3A_1236 = arith.index_cast %add3A_806 : i32 to index
          %get3A_1237 = tpu.vector_load %arg12[%get3A_1235, %get3A_1236] {strides = array<i32>} : memref<80x128xf32, #tpu.memory_space<vmem>>, vector<1x16xf32>,
          %get3A_1238 = vector.shape_cast %get3A_1237 : vector<1x16xf32> to vector<16xf32>
          %mul3A_1239 = arith.mulf %get3A_1232, %get3A_1238 : vector<16xf32>
          %add3A_1240 = arith.addf %add3A_1016, %mul3A_1239 : vector<16xf32>
          %add3A_1241 = arith.constant 15 : i32
          %add3A_1242 = arith.addi %mul3A_212, %add3A_1241 : i32
          %get3A_1243 = arith.index_cast %add3A_1242 : i32 to index
          %get3A_1244 = arith.index_cast %add3A_806 : i32 to index
          %get3A_1245 = tpu.vector_load %arg10[%get3A_1243, %get3A_1244] {strides = array<i32>} : memref<80x128xf32, #tpu.memory_space<vmem>>, vector<1x16xf32>,
          %get3A_1246 = vector.shape_cast %get3A_1245 : vector<1x16xf32> to vector<16xf32>
          %add3A_1247 = arith.constant 15 : i32
          %add3A_1248 = arith.addi %mul3A_212, %add3A_1247 : i32
          %get3A_1249 = arith.index_cast %add3A_1248 : i32 to index
          %get3A_1250 = arith.index_cast %add3A_806 : i32 to index
          %get3A_1251 = tpu.vector_load %arg12[%get3A_1249, %get3A_1250] {strides = array<i32>} : memref<80x128xf32, #tpu.memory_space<vmem>>, vector<1x16xf32>,
          %get3A_1252 = vector.shape_cast %get3A_1251 : vector<1x16xf32> to vector<16xf32>
          %mul3A_1253 = arith.mulf %get3A_1246, %get3A_1252 : vector<16xf32>
          %add3A_1254 = arith.addf %add3A_1030, %mul3A_1253 : vector<16xf32>
          scf.yield %add3A_1044, %add3A_1058, %add3A_1072, %add3A_1086, %add3A_1100, %add3A_1114, %add3A_1128, %add3A_1142, %add3A_1156, %add3A_1170, %add3A_1184, %add3A_1198, %add3A_1212, %add3A_1226, %add3A_1240, %add3A_1254 : vector<16xf32>, vector<16xf32>, vector<16xf32>, vector<16xf32>, vector<16xf32>, vector<16xf32>, vector<16xf32>, vector<16xf32>, vector<16xf32>, vector<16xf32>, vector<16xf32>, vector<16xf32>, vector<16xf32>, vector<16xf32>, vector<16xf32>, vector<16xf32>
        }
        %scan3A_649 = arith.constant 3 : i32
        %select_n3A = arith.select %ne3A_173, %scan3A_648#8, %scan3A_648#0 : vector<16xi1>, vector<16xf32>
        %broadcast_in_dim3A = vector.shape_cast %xor3A_194 : vector<16xi32> to vector<16x1xi32>
        %gather3A = vector.shape_cast %broadcast_in_dim3A : vector<16x1xi32> to vector<16xi32>
        %gather3A_650 = tpu.dynamic_gather %scan3A_648#8[%gather3A] in [0] : vector<16xf32>, vector<16xi32> -> vector<16xf32>
        %broadcast_in_dim3A_651 = vector.shape_cast %xor3A_194 : vector<16xi32> to vector<16x1xi32>
        %gather3A_652 = vector.shape_cast %broadcast_in_dim3A_651 : vector<16x1xi32> to vector<16xi32>
        %gather3A_653 = tpu.dynamic_gather %scan3A_648#0[%gather3A_652] in [0] : vector<16xf32>, vector<16xi32> -> vector<16xf32>
        %select_n3A_654 = arith.select %ne3A_173, %gather3A_650, %gather3A_653 : vector<16xi1>, vector<16xf32>
        %add3A_655 = arith.addf %select_n3A, %select_n3A_654 : vector<16xf32>
        %select_n3A_656 = arith.select %ne3A_173, %scan3A_648#9, %scan3A_648#1 : vector<16xi1>, vector<16xf32>
        %broadcast_in_dim3A_657 = vector.shape_cast %xor3A_194 : vector<16xi32> to vector<16x1xi32>
        %gather3A_658 = vector.shape_cast %broadcast_in_dim3A_657 : vector<16x1xi32> to vector<16xi32>
        %gather3A_659 = tpu.dynamic_gather %scan3A_648#9[%gather3A_658] in [0] : vector<16xf32>, vector<16xi32> -> vector<16xf32>
        %broadcast_in_dim3A_660 = vector.shape_cast %xor3A_194 : vector<16xi32> to vector<16x1xi32>
        %gather3A_661 = vector.shape_cast %broadcast_in_dim3A_660 : vector<16x1xi32> to vector<16xi32>
        %gather3A_662 = tpu.dynamic_gather %scan3A_648#1[%gather3A_661] in [0] : vector<16xf32>, vector<16xi32> -> vector<16xf32>
        %select_n3A_663 = arith.select %ne3A_173, %gather3A_659, %gather3A_662 : vector<16xi1>, vector<16xf32>
        %add3A_664 = arith.addf %select_n3A_656, %select_n3A_663 : vector<16xf32>
        %select_n3A_665 = arith.select %ne3A_173, %scan3A_648#10, %scan3A_648#2 : vector<16xi1>, vector<16xf32>
        %broadcast_in_dim3A_666 = vector.shape_cast %xor3A_194 : vector<16xi32> to vector<16x1xi32>
        %gather3A_667 = vector.shape_cast %broadcast_in_dim3A_666 : vector<16x1xi32> to vector<16xi32>
        %gather3A_668 = tpu.dynamic_gather %scan3A_648#10[%gather3A_667] in [0] : vector<16xf32>, vector<16xi32> -> vector<16xf32>
        %broadcast_in_dim3A_669 = vector.shape_cast %xor3A_194 : vector<16xi32> to vector<16x1xi32>
        %gather3A_670 = vector.shape_cast %broadcast_in_dim3A_669 : vector<16x1xi32> to vector<16xi32>
        %gather3A_671 = tpu.dynamic_gather %scan3A_648#2[%gather3A_670] in [0] : vector<16xf32>, vector<16xi32> -> vector<16xf32>
        %select_n3A_672 = arith.select %ne3A_173, %gather3A_668, %gather3A_671 : vector<16xi1>, vector<16xf32>
        %add3A_673 = arith.addf %select_n3A_665, %select_n3A_672 : vector<16xf32>
        %select_n3A_674 = arith.select %ne3A_173, %scan3A_648#11, %scan3A_648#3 : vector<16xi1>, vector<16xf32>
        %broadcast_in_dim3A_675 = vector.shape_cast %xor3A_194 : vector<16xi32> to vector<16x1xi32>
        %gather3A_676 = vector.shape_cast %broadcast_in_dim3A_675 : vector<16x1xi32> to vector<16xi32>
        %gather3A_677 = tpu.dynamic_gather %scan3A_648#11[%gather3A_676] in [0] : vector<16xf32>, vector<16xi32> -> vector<16xf32>
        %broadcast_in_dim3A_678 = vector.shape_cast %xor3A_194 : vector<16xi32> to vector<16x1xi32>
        %gather3A_679 = vector.shape_cast %broadcast_in_dim3A_678 : vector<16x1xi32> to vector<16xi32>
        %gather3A_680 = tpu.dynamic_gather %scan3A_648#3[%gather3A_679] in [0] : vector<16xf32>, vector<16xi32> -> vector<16xf32>
        %select_n3A_681 = arith.select %ne3A_173, %gather3A_677, %gather3A_680 : vector<16xi1>, vector<16xf32>
        %add3A_682 = arith.addf %select_n3A_674, %select_n3A_681 : vector<16xf32>
        %select_n3A_683 = arith.select %ne3A_173, %scan3A_648#12, %scan3A_648#4 : vector<16xi1>, vector<16xf32>
        %broadcast_in_dim3A_684 = vector.shape_cast %xor3A_194 : vector<16xi32> to vector<16x1xi32>
        %gather3A_685 = vector.shape_cast %broadcast_in_dim3A_684 : vector<16x1xi32> to vector<16xi32>
        %gather3A_686 = tpu.dynamic_gather %scan3A_648#12[%gather3A_685] in [0] : vector<16xf32>, vector<16xi32> -> vector<16xf32>
        %broadcast_in_dim3A_687 = vector.shape_cast %xor3A_194 : vector<16xi32> to vector<16x1xi32>
        %gather3A_688 = vector.shape_cast %broadcast_in_dim3A_687 : vector<16x1xi32> to vector<16xi32>
        %gather3A_689 = tpu.dynamic_gather %scan3A_648#4[%gather3A_688] in [0] : vector<16xf32>, vector<16xi32> -> vector<16xf32>
        %select_n3A_690 = arith.select %ne3A_173, %gather3A_686, %gather3A_689 : vector<16xi1>, vector<16xf32>
        %add3A_691 = arith.addf %select_n3A_683, %select_n3A_690 : vector<16xf32>
        %select_n3A_692 = arith.select %ne3A_173, %scan3A_648#13, %scan3A_648#5 : vector<16xi1>, vector<16xf32>
        %broadcast_in_dim3A_693 = vector.shape_cast %xor3A_194 : vector<16xi32> to vector<16x1xi32>
        %gather3A_694 = vector.shape_cast %broadcast_in_dim3A_693 : vector<16x1xi32> to vector<16xi32>
        %gather3A_695 = tpu.dynamic_gather %scan3A_648#13[%gather3A_694] in [0] : vector<16xf32>, vector<16xi32> -> vector<16xf32>
        %broadcast_in_dim3A_696 = vector.shape_cast %xor3A_194 : vector<16xi32> to vector<16x1xi32>
        %gather3A_697 = vector.shape_cast %broadcast_in_dim3A_696 : vector<16x1xi32> to vector<16xi32>
        %gather3A_698 = tpu.dynamic_gather %scan3A_648#5[%gather3A_697] in [0] : vector<16xf32>, vector<16xi32> -> vector<16xf32>
        %select_n3A_699 = arith.select %ne3A_173, %gather3A_695, %gather3A_698 : vector<16xi1>, vector<16xf32>
        %add3A_700 = arith.addf %select_n3A_692, %select_n3A_699 : vector<16xf32>
        %select_n3A_701 = arith.select %ne3A_173, %scan3A_648#14, %scan3A_648#6 : vector<16xi1>, vector<16xf32>
        %broadcast_in_dim3A_702 = vector.shape_cast %xor3A_194 : vector<16xi32> to vector<16x1xi32>
        %gather3A_703 = vector.shape_cast %broadcast_in_dim3A_702 : vector<16x1xi32> to vector<16xi32>
        %gather3A_704 = tpu.dynamic_gather %scan3A_648#14[%gather3A_703] in [0] : vector<16xf32>, vector<16xi32> -> vector<16xf32>
        %broadcast_in_dim3A_705 = vector.shape_cast %xor3A_194 : vector<16xi32> to vector<16x1xi32>
        %gather3A_706 = vector.shape_cast %broadcast_in_dim3A_705 : vector<16x1xi32> to vector<16xi32>
        %gather3A_707 = tpu.dynamic_gather %scan3A_648#6[%gather3A_706] in [0] : vector<16xf32>, vector<16xi32> -> vector<16xf32>
        %select_n3A_708 = arith.select %ne3A_173, %gather3A_704, %gather3A_707 : vector<16xi1>, vector<16xf32>
        %add3A_709 = arith.addf %select_n3A_701, %select_n3A_708 : vector<16xf32>
        %select_n3A_710 = arith.select %ne3A_173, %scan3A_648#15, %scan3A_648#7 : vector<16xi1>, vector<16xf32>
        %broadcast_in_dim3A_711 = vector.shape_cast %xor3A_194 : vector<16xi32> to vector<16x1xi32>
        %gather3A_712 = vector.shape_cast %broadcast_in_dim3A_711 : vector<16x1xi32> to vector<16xi32>
        %gather3A_713 = tpu.dynamic_gather %scan3A_648#15[%gather3A_712] in [0] : vector<16xf32>, vector<16xi32> -> vector<16xf32>
        %broadcast_in_dim3A_714 = vector.shape_cast %xor3A_194 : vector<16xi32> to vector<16x1xi32>
        %gather3A_715 = vector.shape_cast %broadcast_in_dim3A_714 : vector<16x1xi32> to vector<16xi32>
        %gather3A_716 = tpu.dynamic_gather %scan3A_648#7[%gather3A_715] in [0] : vector<16xf32>, vector<16xi32> -> vector<16xf32>
        %select_n3A_717 = arith.select %ne3A_173, %gather3A_713, %gather3A_716 : vector<16xi1>, vector<16xf32>
        %add3A_718 = arith.addf %select_n3A_710, %select_n3A_717 : vector<16xf32>
        %select_n3A_719 = arith.select %ne3A_179, %add3A_691, %add3A_655 : vector<16xi1>, vector<16xf32>
        %broadcast_in_dim3A_720 = vector.shape_cast %xor3A_197 : vector<16xi32> to vector<16x1xi32>
        %gather3A_721 = vector.shape_cast %broadcast_in_dim3A_720 : vector<16x1xi32> to vector<16xi32>
        %gather3A_722 = tpu.dynamic_gather %add3A_691[%gather3A_721] in [0] : vector<16xf32>, vector<16xi32> -> vector<16xf32>
        %broadcast_in_dim3A_723 = vector.shape_cast %xor3A_197 : vector<16xi32> to vector<16x1xi32>
        %gather3A_724 = vector.shape_cast %broadcast_in_dim3A_723 : vector<16x1xi32> to vector<16xi32>
        %gather3A_725 = tpu.dynamic_gather %add3A_655[%gather3A_724] in [0] : vector<16xf32>, vector<16xi32> -> vector<16xf32>
        %select_n3A_726 = arith.select %ne3A_179, %gather3A_722, %gather3A_725 : vector<16xi1>, vector<16xf32>
        %add3A_727 = arith.addf %select_n3A_719, %select_n3A_726 : vector<16xf32>
        %select_n3A_728 = arith.select %ne3A_179, %add3A_700, %add3A_664 : vector<16xi1>, vector<16xf32>
        %broadcast_in_dim3A_729 = vector.shape_cast %xor3A_197 : vector<16xi32> to vector<16x1xi32>
        %gather3A_730 = vector.shape_cast %broadcast_in_dim3A_729 : vector<16x1xi32> to vector<16xi32>
        %gather3A_731 = tpu.dynamic_gather %add3A_700[%gather3A_730] in [0] : vector<16xf32>, vector<16xi32> -> vector<16xf32>
        %broadcast_in_dim3A_732 = vector.shape_cast %xor3A_197 : vector<16xi32> to vector<16x1xi32>
        %gather3A_733 = vector.shape_cast %broadcast_in_dim3A_732 : vector<16x1xi32> to vector<16xi32>
        %gather3A_734 = tpu.dynamic_gather %add3A_664[%gather3A_733] in [0] : vector<16xf32>, vector<16xi32> -> vector<16xf32>
        %select_n3A_735 = arith.select %ne3A_179, %gather3A_731, %gather3A_734 : vector<16xi1>, vector<16xf32>
        %add3A_736 = arith.addf %select_n3A_728, %select_n3A_735 : vector<16xf32>
        %select_n3A_737 = arith.select %ne3A_179, %add3A_709, %add3A_673 : vector<16xi1>, vector<16xf32>
        %broadcast_in_dim3A_738 = vector.shape_cast %xor3A_197 : vector<16xi32> to vector<16x1xi32>
        %gather3A_739 = vector.shape_cast %broadcast_in_dim3A_738 : vector<16x1xi32> to vector<16xi32>
        %gather3A_740 = tpu.dynamic_gather %add3A_709[%gather3A_739] in [0] : vector<16xf32>, vector<16xi32> -> vector<16xf32>
        %broadcast_in_dim3A_741 = vector.shape_cast %xor3A_197 : vector<16xi32> to vector<16x1xi32>
        %gather3A_742 = vector.shape_cast %broadcast_in_dim3A_741 : vector<16x1xi32> to vector<16xi32>
        %gather3A_743 = tpu.dynamic_gather %add3A_673[%gather3A_742] in [0] : vector<16xf32>, vector<16xi32> -> vector<16xf32>
        %select_n3A_744 = arith.select %ne3A_179, %gather3A_740, %gather3A_743 : vector<16xi1>, vector<16xf32>
        %add3A_745 = arith.addf %select_n3A_737, %select_n3A_744 : vector<16xf32>
        %select_n3A_746 = arith.select %ne3A_179, %add3A_718, %add3A_682 : vector<16xi1>, vector<16xf32>
        %broadcast_in_dim3A_747 = vector.shape_cast %xor3A_197 : vector<16xi32> to vector<16x1xi32>
        %gather3A_748 = vector.shape_cast %broadcast_in_dim3A_747 : vector<16x1xi32> to vector<16xi32>
        %gather3A_749 = tpu.dynamic_gather %add3A_718[%gather3A_748] in [0] : vector<16xf32>, vector<16xi32> -> vector<16xf32>
        %broadcast_in_dim3A_750 = vector.shape_cast %xor3A_197 : vector<16xi32> to vector<16x1xi32>
        %gather3A_751 = vector.shape_cast %broadcast_in_dim3A_750 : vector<16x1xi32> to vector<16xi32>
        %gather3A_752 = tpu.dynamic_gather %add3A_682[%gather3A_751] in [0] : vector<16xf32>, vector<16xi32> -> vector<16xf32>
        %select_n3A_753 = arith.select %ne3A_179, %gather3A_749, %gather3A_752 : vector<16xi1>, vector<16xf32>
        %add3A_754 = arith.addf %select_n3A_746, %select_n3A_753 : vector<16xf32>
        %select_n3A_755 = arith.select %ne3A_185, %add3A_745, %add3A_727 : vector<16xi1>, vector<16xf32>
        %broadcast_in_dim3A_756 = vector.shape_cast %xor3A_200 : vector<16xi32> to vector<16x1xi32>
        %gather3A_757 = vector.shape_cast %broadcast_in_dim3A_756 : vector<16x1xi32> to vector<16xi32>
        %gather3A_758 = tpu.dynamic_gather %add3A_745[%gather3A_757] in [0] : vector<16xf32>, vector<16xi32> -> vector<16xf32>
        %broadcast_in_dim3A_759 = vector.shape_cast %xor3A_200 : vector<16xi32> to vector<16x1xi32>
        %gather3A_760 = vector.shape_cast %broadcast_in_dim3A_759 : vector<16x1xi32> to vector<16xi32>
        %gather3A_761 = tpu.dynamic_gather %add3A_727[%gather3A_760] in [0] : vector<16xf32>, vector<16xi32> -> vector<16xf32>
        %select_n3A_762 = arith.select %ne3A_185, %gather3A_758, %gather3A_761 : vector<16xi1>, vector<16xf32>
        %add3A_763 = arith.addf %select_n3A_755, %select_n3A_762 : vector<16xf32>
        %select_n3A_764 = arith.select %ne3A_185, %add3A_754, %add3A_736 : vector<16xi1>, vector<16xf32>
        %broadcast_in_dim3A_765 = vector.shape_cast %xor3A_200 : vector<16xi32> to vector<16x1xi32>
        %gather3A_766 = vector.shape_cast %broadcast_in_dim3A_765 : vector<16x1xi32> to vector<16xi32>
        %gather3A_767 = tpu.dynamic_gather %add3A_754[%gather3A_766] in [0] : vector<16xf32>, vector<16xi32> -> vector<16xf32>
        %broadcast_in_dim3A_768 = vector.shape_cast %xor3A_200 : vector<16xi32> to vector<16x1xi32>
        %gather3A_769 = vector.shape_cast %broadcast_in_dim3A_768 : vector<16x1xi32> to vector<16xi32>
        %gather3A_770 = tpu.dynamic_gather %add3A_736[%gather3A_769] in [0] : vector<16xf32>, vector<16xi32> -> vector<16xf32>
        %select_n3A_771 = arith.select %ne3A_185, %gather3A_767, %gather3A_770 : vector<16xi1>, vector<16xf32>
        %add3A_772 = arith.addf %select_n3A_764, %select_n3A_771 : vector<16xf32>
        %select_n3A_773 = arith.select %ne3A_191, %add3A_772, %add3A_763 : vector<16xi1>, vector<16xf32>
        %broadcast_in_dim3A_774 = vector.shape_cast %xor3A_203 : vector<16xi32> to vector<16x1xi32>
        %gather3A_775 = vector.shape_cast %broadcast_in_dim3A_774 : vector<16x1xi32> to vector<16xi32>
        %gather3A_776 = tpu.dynamic_gather %add3A_772[%gather3A_775] in [0] : vector<16xf32>, vector<16xi32> -> vector<16xf32>
        %broadcast_in_dim3A_777 = vector.shape_cast %xor3A_203 : vector<16xi32> to vector<16x1xi32>
        %gather3A_778 = vector.shape_cast %broadcast_in_dim3A_777 : vector<16x1xi32> to vector<16xi32>
        %gather3A_779 = tpu.dynamic_gather %add3A_763[%gather3A_778] in [0] : vector<16xf32>, vector<16xi32> -> vector<16xf32>
        %select_n3A_780 = arith.select %ne3A_191, %gather3A_776, %gather3A_779 : vector<16xi1>, vector<16xf32>
        %add3A_781 = arith.addf %select_n3A_773, %select_n3A_780 : vector<16xf32>
        %add3A_782 = arith.addi %mul3A_166, %mul3A_212 : i32
        %swap3A = arith.index_cast %add3A_782 : i32 to index
        %swap3A_783 = tpu.vector_load %arg13[%swap3A] {strides = array<i32>} : memref<10000xf32, #tpu.memory_space<vmem>>, vector<16xf32>,
        %swap3A_784 = vector.shape_cast %swap3A_783 : vector<16xf32> to vector<16xf32>
        %swap3A_785 = vector.shape_cast %add3A_781 : vector<16xf32> to vector<16xf32>
        tpu.vector_store %arg13[%swap3A], %swap3A_785 {strides = array<i32>} : memref<10000xf32, #tpu.memory_space<vmem>>, vector<16xf32>,
      }
      %scan3A_209 = arith.constant 5 : i32
    }
    %scan3A_16 = arith.constant 62 : i32
    %dma_wait3A = arith.constant 0 : i32
    %dma_wait3A_17 = arith.constant 0 : i32
    %dma_wait3A_18 = tpu.memref_slice %arg2[%dma_wait3A, %dma_wait3A_17] : memref<10000x128xf32, #tpu.memory_space<hbm>> -> memref<80x128xf32, #tpu.memory_space<hbm>>
    %dma_wait3A_19 = arith.constant 0 : i32
    %dma_wait3A_20 = arith.constant 0 : i32
    %dma_wait3A_21 = tpu.memref_slice %arg2[%dma_wait3A_19, %dma_wait3A_20] : memref<10000x128xf32, #tpu.memory_space<hbm>> -> memref<80x128xf32, #tpu.memory_space<hbm>>
    tpu.wait_dma2 semaphore(%arg14 : memref<!tpu.dma_semaphore, #tpu.memory_space<semaphore_mem>>) src(%dma_wait3A_21 : memref<80x128xf32, #tpu.memory_space<hbm>>) dst(%arg9 : memref<80x128xf32, #tpu.memory_space<vmem>>)
    %dma_wait3A_22 = arith.constant 0 : i32
    %dma_wait3A_23 = arith.constant 0 : i32
    %dma_wait3A_24 = tpu.memref_slice %arg3[%dma_wait3A_22, %dma_wait3A_23] : memref<10000x128xf32, #tpu.memory_space<hbm>> -> memref<80x128xf32, #tpu.memory_space<hbm>>
    %dma_wait3A_25 = arith.constant 0 : i32
    %dma_wait3A_26 = arith.constant 0 : i32
    %dma_wait3A_27 = tpu.memref_slice %arg3[%dma_wait3A_25, %dma_wait3A_26] : memref<10000x128xf32, #tpu.memory_space<hbm>> -> memref<80x128xf32, #tpu.memory_space<hbm>>
    tpu.wait_dma2 semaphore(%arg16 : memref<!tpu.dma_semaphore, #tpu.memory_space<semaphore_mem>>) src(%dma_wait3A_27 : memref<80x128xf32, #tpu.memory_space<hbm>>) dst(%arg11 : memref<80x128xf32, #tpu.memory_space<vmem>>)
    %iota3A = tpu.iota {dimensions = array<i32: 0>} : vector<16xi32>
    %and3A = arith.constant 8 : i32
    %and3A_28 = vector.broadcast %and3A : i32 to vector<16xi32>
    %and3A_29 = arith.andi %iota3A, %and3A_28 : vector<16xi32>
    %ne3A = arith.constant 0 : i32
    %ne3A_30 = vector.broadcast %ne3A : i32 to vector<16xi32>
    %ne3A_31 = arith.cmpi ne, %and3A_29, %ne3A_30 : vector<16xi32>
    %and3A_32 = arith.constant 4 : i32
    %and3A_33 = vector.broadcast %and3A_32 : i32 to vector<16xi32>
    %and3A_34 = arith.andi %iota3A, %and3A_33 : vector<16xi32>
    %ne3A_35 = arith.constant 0 : i32
    %ne3A_36 = vector.broadcast %ne3A_35 : i32 to vector<16xi32>
    %ne3A_37 = arith.cmpi ne, %and3A_34, %ne3A_36 : vector<16xi32>
    %and3A_38 = arith.constant 2 : i32
    %and3A_39 = vector.broadcast %and3A_38 : i32 to vector<16xi32>
    %and3A_40 = arith.andi %iota3A, %and3A_39 : vector<16xi32>
    %ne3A_41 = arith.constant 0 : i32
    %ne3A_42 = vector.broadcast %ne3A_41 : i32 to vector<16xi32>
    %ne3A_43 = arith.cmpi ne, %and3A_40, %ne3A_42 : vector<16xi32>
    %and3A_44 = arith.constant 1 : i32
    %and3A_45 = vector.broadcast %and3A_44 : i32 to vector<16xi32>
    %and3A_46 = arith.andi %iota3A, %and3A_45 : vector<16xi32>
    %ne3A_47 = arith.constant 0 : i32
    %ne3A_48 = vector.broadcast %ne3A_47 : i32 to vector<16xi32>
    %ne3A_49 = arith.cmpi ne, %and3A_46, %ne3A_48 : vector<16xi32>
    %xor3A = arith.constant 8 : i32
    %xor3A_50 = vector.broadcast %xor3A : i32 to vector<16xi32>
    %xor3A_51 = arith.xori %iota3A, %xor3A_50 : vector<16xi32>
    %xor3A_52 = arith.constant 4 : i32
    %xor3A_53 = vector.broadcast %xor3A_52 : i32 to vector<16xi32>
    %xor3A_54 = arith.xori %iota3A, %xor3A_53 : vector<16xi32>
    %xor3A_55 = arith.constant 2 : i32
    %xor3A_56 = vector.broadcast %xor3A_55 : i32 to vector<16xi32>
    %xor3A_57 = arith.xori %iota3A, %xor3A_56 : vector<16xi32>
    %xor3A_58 = arith.constant 1 : i32
    %xor3A_59 = vector.broadcast %xor3A_58 : i32 to vector<16xi32>
    %xor3A_60 = arith.xori %iota3A, %xor3A_59 : vector<16xi32>
    %scan3A_61 = arith.constant 0 : i32
    %scan3A_62 = arith.constant 0 : i32
    %scan3A_63 = arith.constant 5 : i32
    %scan3A_64 = arith.addi %scan3A_62, %scan3A_63 : i32
    %scan3A_65 = arith.constant 1 : i32
    scf.for %scan3A_67 = %scan3A_62 to %scan3A_64 step %scan3A_65  : i32 {
      %mul3A_68 = arith.constant 16 : i32
      %mul3A_69 = arith.muli %scan3A_67, %mul3A_68 : i32
      %add3A_70 = arith.constant 0 : i32
      %add3A_71 = arith.addi %mul3A_69, %add3A_70 : i32
      %get3A = arith.index_cast %add3A_71 : i32 to index
      %get3A_72 = arith.constant 0 : index
      %get3A_73 = tpu.vector_load %arg9[%get3A, %get3A_72] {strides = array<i32>} : memref<80x128xf32, #tpu.memory_space<vmem>>, vector<1x16xf32>,
      %get3A_74 = vector.shape_cast %get3A_73 : vector<1x16xf32> to vector<16xf32>
      %add3A_75 = arith.constant 0 : i32
      %add3A_76 = arith.addi %mul3A_69, %add3A_75 : i32
      %get3A_77 = arith.index_cast %add3A_76 : i32 to index
      %get3A_78 = arith.constant 0 : index
      %get3A_79 = tpu.vector_load %arg11[%get3A_77, %get3A_78] {strides = array<i32>} : memref<80x128xf32, #tpu.memory_space<vmem>>, vector<1x16xf32>,
      %get3A_80 = vector.shape_cast %get3A_79 : vector<1x16xf32> to vector<16xf32>
      %mul3A_81 = arith.mulf %get3A_74, %get3A_80 : vector<16xf32>
      %add3A_82 = arith.constant 1 : i32
      %add3A_83 = arith.addi %mul3A_69, %add3A_82 : i32
      %get3A_84 = arith.index_cast %add3A_83 : i32 to index
      %get3A_85 = arith.constant 0 : index
      %get3A_86 = tpu.vector_load %arg9[%get3A_84, %get3A_85] {strides = array<i32>} : memref<80x128xf32, #tpu.memory_space<vmem>>, vector<1x16xf32>,
      %get3A_87 = vector.shape_cast %get3A_86 : vector<1x16xf32> to vector<16xf32>
      %add3A_88 = arith.constant 1 : i32
      %add3A_89 = arith.addi %mul3A_69, %add3A_88 : i32
      %get3A_90 = arith.index_cast %add3A_89 : i32 to index
      %get3A_91 = arith.constant 0 : index
      %get3A_92 = tpu.vector_load %arg11[%get3A_90, %get3A_91] {strides = array<i32>} : memref<80x128xf32, #tpu.memory_space<vmem>>, vector<1x16xf32>,
      %get3A_93 = vector.shape_cast %get3A_92 : vector<1x16xf32> to vector<16xf32>
      %mul3A_94 = arith.mulf %get3A_87, %get3A_93 : vector<16xf32>
      %add3A_95 = arith.constant 2 : i32
      %add3A_96 = arith.addi %mul3A_69, %add3A_95 : i32
      %get3A_97 = arith.index_cast %add3A_96 : i32 to index
      %get3A_98 = arith.constant 0 : index
      %get3A_99 = tpu.vector_load %arg9[%get3A_97, %get3A_98] {strides = array<i32>} : memref<80x128xf32, #tpu.memory_space<vmem>>, vector<1x16xf32>,
      %get3A_100 = vector.shape_cast %get3A_99 : vector<1x16xf32> to vector<16xf32>
      %add3A_101 = arith.constant 2 : i32
      %add3A_102 = arith.addi %mul3A_69, %add3A_101 : i32
      %get3A_103 = arith.index_cast %add3A_102 : i32 to index
      %get3A_104 = arith.constant 0 : index
      %get3A_105 = tpu.vector_load %arg11[%get3A_103, %get3A_104] {strides = array<i32>} : memref<80x128xf32, #tpu.memory_space<vmem>>, vector<1x16xf32>,
      %get3A_106 = vector.shape_cast %get3A_105 : vector<1x16xf32> to vector<16xf32>
      %mul3A_107 = arith.mulf %get3A_100, %get3A_106 : vector<16xf32>
      %add3A_108 = arith.constant 3 : i32
      %add3A_109 = arith.addi %mul3A_69, %add3A_108 : i32
      %get3A_110 = arith.index_cast %add3A_109 : i32 to index
      %get3A_111 = arith.constant 0 : index
      %get3A_112 = tpu.vector_load %arg9[%get3A_110, %get3A_111] {strides = array<i32>} : memref<80x128xf32, #tpu.memory_space<vmem>>, vector<1x16xf32>,
      %get3A_113 = vector.shape_cast %get3A_112 : vector<1x16xf32> to vector<16xf32>
      %add3A_114 = arith.constant 3 : i32
      %add3A_115 = arith.addi %mul3A_69, %add3A_114 : i32
      %get3A_116 = arith.index_cast %add3A_115 : i32 to index
      %get3A_117 = arith.constant 0 : index
      %get3A_118 = tpu.vector_load %arg11[%get3A_116, %get3A_117] {strides = array<i32>} : memref<80x128xf32, #tpu.memory_space<vmem>>, vector<1x16xf32>,
      %get3A_119 = vector.shape_cast %get3A_118 : vector<1x16xf32> to vector<16xf32>
      %mul3A_120 = arith.mulf %get3A_113, %get3A_119 : vector<16xf32>
      %add3A_121 = arith.constant 4 : i32
      %add3A_122 = arith.addi %mul3A_69, %add3A_121 : i32
      %get3A_123 = arith.index_cast %add3A_122 : i32 to index
      %get3A_124 = arith.constant 0 : index
      %get3A_125 = tpu.vector_load %arg9[%get3A_123, %get3A_124] {strides = array<i32>} : memref<80x128xf32, #tpu.memory_space<vmem>>, vector<1x16xf32>,
      %get3A_126 = vector.shape_cast %get3A_125 : vector<1x16xf32> to vector<16xf32>
      %add3A_127 = arith.constant 4 : i32
      %add3A_128 = arith.addi %mul3A_69, %add3A_127 : i32
      %get3A_129 = arith.index_cast %add3A_128 : i32 to index
      %get3A_130 = arith.constant 0 : index
      %get3A_131 = tpu.vector_load %arg11[%get3A_129, %get3A_130] {strides = array<i32>} : memref<80x128xf32, #tpu.memory_space<vmem>>, vector<1x16xf32>,
      %get3A_132 = vector.shape_cast %get3A_131 : vector<1x16xf32> to vector<16xf32>
      %mul3A_133 = arith.mulf %get3A_126, %get3A_132 : vector<16xf32>
      %add3A_134 = arith.constant 5 : i32
      %add3A_135 = arith.addi %mul3A_69, %add3A_134 : i32
      %get3A_136 = arith.index_cast %add3A_135 : i32 to index
      %get3A_137 = arith.constant 0 : index
      %get3A_138 = tpu.vector_load %arg9[%get3A_136, %get3A_137] {strides = array<i32>} : memref<80x128xf32, #tpu.memory_space<vmem>>, vector<1x16xf32>,
      %get3A_139 = vector.shape_cast %get3A_138 : vector<1x16xf32> to vector<16xf32>
      %add3A_140 = arith.constant 5 : i32
      %add3A_141 = arith.addi %mul3A_69, %add3A_140 : i32
      %get3A_142 = arith.index_cast %add3A_141 : i32 to index
      %get3A_143 = arith.constant 0 : index
      %get3A_144 = tpu.vector_load %arg11[%get3A_142, %get3A_143] {strides = array<i32>} : memref<80x128xf32, #tpu.memory_space<vmem>>, vector<1x16xf32>,
      %get3A_145 = vector.shape_cast %get3A_144 : vector<1x16xf32> to vector<16xf32>
      %mul3A_146 = arith.mulf %get3A_139, %get3A_145 : vector<16xf32>
      %add3A_147 = arith.constant 6 : i32
      %add3A_148 = arith.addi %mul3A_69, %add3A_147 : i32
      %get3A_149 = arith.index_cast %add3A_148 : i32 to index
      %get3A_150 = arith.constant 0 : index
      %get3A_151 = tpu.vector_load %arg9[%get3A_149, %get3A_150] {strides = array<i32>} : memref<80x128xf32, #tpu.memory_space<vmem>>, vector<1x16xf32>,
      %get3A_152 = vector.shape_cast %get3A_151 : vector<1x16xf32> to vector<16xf32>
      %add3A_153 = arith.constant 6 : i32
      %add3A_154 = arith.addi %mul3A_69, %add3A_153 : i32
      %get3A_155 = arith.index_cast %add3A_154 : i32 to index
      %get3A_156 = arith.constant 0 : index
      %get3A_157 = tpu.vector_load %arg11[%get3A_155, %get3A_156] {strides = array<i32>} : memref<80x128xf32, #tpu.memory_space<vmem>>, vector<1x16xf32>,
      %get3A_158 = vector.shape_cast %get3A_157 : vector<1x16xf32> to vector<16xf32>
      %mul3A_159 = arith.mulf %get3A_152, %get3A_158 : vector<16xf32>
      %add3A_160 = arith.constant 7 : i32
      %add3A_161 = arith.addi %mul3A_69, %add3A_160 : i32
      %get3A_162 = arith.index_cast %add3A_161 : i32 to index
      %get3A_163 = arith.constant 0 : index
      %get3A_164 = tpu.vector_load %arg9[%get3A_162, %get3A_163] {strides = array<i32>} : memref<80x128xf32, #tpu.memory_space<vmem>>, vector<1x16xf32>,
      %get3A_165 = vector.shape_cast %get3A_164 : vector<1x16xf32> to vector<16xf32>
      %add3A_166 = arith.constant 7 : i32
      %add3A_167 = arith.addi %mul3A_69, %add3A_166 : i32
      %get3A_168 = arith.index_cast %add3A_167 : i32 to index
      %get3A_169 = arith.constant 0 : index
      %get3A_170 = tpu.vector_load %arg11[%get3A_168, %get3A_169] {strides = array<i32>} : memref<80x128xf32, #tpu.memory_space<vmem>>, vector<1x16xf32>,
      %get3A_171 = vector.shape_cast %get3A_170 : vector<1x16xf32> to vector<16xf32>
      %mul3A_172 = arith.mulf %get3A_165, %get3A_171 : vector<16xf32>
      %add3A_173 = arith.constant 8 : i32
      %add3A_174 = arith.addi %mul3A_69, %add3A_173 : i32
      %get3A_175 = arith.index_cast %add3A_174 : i32 to index
      %get3A_176 = arith.constant 0 : index
      %get3A_177 = tpu.vector_load %arg9[%get3A_175, %get3A_176] {strides = array<i32>} : memref<80x128xf32, #tpu.memory_space<vmem>>, vector<1x16xf32>,
      %get3A_178 = vector.shape_cast %get3A_177 : vector<1x16xf32> to vector<16xf32>
      %add3A_179 = arith.constant 8 : i32
      %add3A_180 = arith.addi %mul3A_69, %add3A_179 : i32
      %get3A_181 = arith.index_cast %add3A_180 : i32 to index
      %get3A_182 = arith.constant 0 : index
      %get3A_183 = tpu.vector_load %arg11[%get3A_181, %get3A_182] {strides = array<i32>} : memref<80x128xf32, #tpu.memory_space<vmem>>, vector<1x16xf32>,
      %get3A_184 = vector.shape_cast %get3A_183 : vector<1x16xf32> to vector<16xf32>
      %mul3A_185 = arith.mulf %get3A_178, %get3A_184 : vector<16xf32>
      %add3A_186 = arith.constant 9 : i32
      %add3A_187 = arith.addi %mul3A_69, %add3A_186 : i32
      %get3A_188 = arith.index_cast %add3A_187 : i32 to index
      %get3A_189 = arith.constant 0 : index
      %get3A_190 = tpu.vector_load %arg9[%get3A_188, %get3A_189] {strides = array<i32>} : memref<80x128xf32, #tpu.memory_space<vmem>>, vector<1x16xf32>,
      %get3A_191 = vector.shape_cast %get3A_190 : vector<1x16xf32> to vector<16xf32>
      %add3A_192 = arith.constant 9 : i32
      %add3A_193 = arith.addi %mul3A_69, %add3A_192 : i32
      %get3A_194 = arith.index_cast %add3A_193 : i32 to index
      %get3A_195 = arith.constant 0 : index
      %get3A_196 = tpu.vector_load %arg11[%get3A_194, %get3A_195] {strides = array<i32>} : memref<80x128xf32, #tpu.memory_space<vmem>>, vector<1x16xf32>,
      %get3A_197 = vector.shape_cast %get3A_196 : vector<1x16xf32> to vector<16xf32>
      %mul3A_198 = arith.mulf %get3A_191, %get3A_197 : vector<16xf32>
      %add3A_199 = arith.constant 10 : i32
      %add3A_200 = arith.addi %mul3A_69, %add3A_199 : i32
      %get3A_201 = arith.index_cast %add3A_200 : i32 to index
      %get3A_202 = arith.constant 0 : index
      %get3A_203 = tpu.vector_load %arg9[%get3A_201, %get3A_202] {strides = array<i32>} : memref<80x128xf32, #tpu.memory_space<vmem>>, vector<1x16xf32>,
      %get3A_204 = vector.shape_cast %get3A_203 : vector<1x16xf32> to vector<16xf32>
      %add3A_205 = arith.constant 10 : i32
      %add3A_206 = arith.addi %mul3A_69, %add3A_205 : i32
      %get3A_207 = arith.index_cast %add3A_206 : i32 to index
      %get3A_208 = arith.constant 0 : index
      %get3A_209 = tpu.vector_load %arg11[%get3A_207, %get3A_208] {strides = array<i32>} : memref<80x128xf32, #tpu.memory_space<vmem>>, vector<1x16xf32>,
      %get3A_210 = vector.shape_cast %get3A_209 : vector<1x16xf32> to vector<16xf32>
      %mul3A_211 = arith.mulf %get3A_204, %get3A_210 : vector<16xf32>
      %add3A_212 = arith.constant 11 : i32
      %add3A_213 = arith.addi %mul3A_69, %add3A_212 : i32
      %get3A_214 = arith.index_cast %add3A_213 : i32 to index
      %get3A_215 = arith.constant 0 : index
      %get3A_216 = tpu.vector_load %arg9[%get3A_214, %get3A_215] {strides = array<i32>} : memref<80x128xf32, #tpu.memory_space<vmem>>, vector<1x16xf32>,
      %get3A_217 = vector.shape_cast %get3A_216 : vector<1x16xf32> to vector<16xf32>
      %add3A_218 = arith.constant 11 : i32
      %add3A_219 = arith.addi %mul3A_69, %add3A_218 : i32
      %get3A_220 = arith.index_cast %add3A_219 : i32 to index
      %get3A_221 = arith.constant 0 : index
      %get3A_222 = tpu.vector_load %arg11[%get3A_220, %get3A_221] {strides = array<i32>} : memref<80x128xf32, #tpu.memory_space<vmem>>, vector<1x16xf32>,
      %get3A_223 = vector.shape_cast %get3A_222 : vector<1x16xf32> to vector<16xf32>
      %mul3A_224 = arith.mulf %get3A_217, %get3A_223 : vector<16xf32>
      %add3A_225 = arith.constant 12 : i32
      %add3A_226 = arith.addi %mul3A_69, %add3A_225 : i32
      %get3A_227 = arith.index_cast %add3A_226 : i32 to index
      %get3A_228 = arith.constant 0 : index
      %get3A_229 = tpu.vector_load %arg9[%get3A_227, %get3A_228] {strides = array<i32>} : memref<80x128xf32, #tpu.memory_space<vmem>>, vector<1x16xf32>,
      %get3A_230 = vector.shape_cast %get3A_229 : vector<1x16xf32> to vector<16xf32>
      %add3A_231 = arith.constant 12 : i32
      %add3A_232 = arith.addi %mul3A_69, %add3A_231 : i32
      %get3A_233 = arith.index_cast %add3A_232 : i32 to index
      %get3A_234 = arith.constant 0 : index
      %get3A_235 = tpu.vector_load %arg11[%get3A_233, %get3A_234] {strides = array<i32>} : memref<80x128xf32, #tpu.memory_space<vmem>>, vector<1x16xf32>,
      %get3A_236 = vector.shape_cast %get3A_235 : vector<1x16xf32> to vector<16xf32>
      %mul3A_237 = arith.mulf %get3A_230, %get3A_236 : vector<16xf32>
      %add3A_238 = arith.constant 13 : i32
      %add3A_239 = arith.addi %mul3A_69, %add3A_238 : i32
      %get3A_240 = arith.index_cast %add3A_239 : i32 to index
      %get3A_241 = arith.constant 0 : index
      %get3A_242 = tpu.vector_load %arg9[%get3A_240, %get3A_241] {strides = array<i32>} : memref<80x128xf32, #tpu.memory_space<vmem>>, vector<1x16xf32>,
      %get3A_243 = vector.shape_cast %get3A_242 : vector<1x16xf32> to vector<16xf32>
      %add3A_244 = arith.constant 13 : i32
      %add3A_245 = arith.addi %mul3A_69, %add3A_244 : i32
      %get3A_246 = arith.index_cast %add3A_245 : i32 to index
      %get3A_247 = arith.constant 0 : index
      %get3A_248 = tpu.vector_load %arg11[%get3A_246, %get3A_247] {strides = array<i32>} : memref<80x128xf32, #tpu.memory_space<vmem>>, vector<1x16xf32>,
      %get3A_249 = vector.shape_cast %get3A_248 : vector<1x16xf32> to vector<16xf32>
      %mul3A_250 = arith.mulf %get3A_243, %get3A_249 : vector<16xf32>
      %add3A_251 = arith.constant 14 : i32
      %add3A_252 = arith.addi %mul3A_69, %add3A_251 : i32
      %get3A_253 = arith.index_cast %add3A_252 : i32 to index
      %get3A_254 = arith.constant 0 : index
      %get3A_255 = tpu.vector_load %arg9[%get3A_253, %get3A_254] {strides = array<i32>} : memref<80x128xf32, #tpu.memory_space<vmem>>, vector<1x16xf32>,
      %get3A_256 = vector.shape_cast %get3A_255 : vector<1x16xf32> to vector<16xf32>
      %add3A_257 = arith.constant 14 : i32
      %add3A_258 = arith.addi %mul3A_69, %add3A_257 : i32
      %get3A_259 = arith.index_cast %add3A_258 : i32 to index
      %get3A_260 = arith.constant 0 : index
      %get3A_261 = tpu.vector_load %arg11[%get3A_259, %get3A_260] {strides = array<i32>} : memref<80x128xf32, #tpu.memory_space<vmem>>, vector<1x16xf32>,
      %get3A_262 = vector.shape_cast %get3A_261 : vector<1x16xf32> to vector<16xf32>
      %mul3A_263 = arith.mulf %get3A_256, %get3A_262 : vector<16xf32>
      %add3A_264 = arith.constant 15 : i32
      %add3A_265 = arith.addi %mul3A_69, %add3A_264 : i32
      %get3A_266 = arith.index_cast %add3A_265 : i32 to index
      %get3A_267 = arith.constant 0 : index
      %get3A_268 = tpu.vector_load %arg9[%get3A_266, %get3A_267] {strides = array<i32>} : memref<80x128xf32, #tpu.memory_space<vmem>>, vector<1x16xf32>,
      %get3A_269 = vector.shape_cast %get3A_268 : vector<1x16xf32> to vector<16xf32>
      %add3A_270 = arith.constant 15 : i32
      %add3A_271 = arith.addi %mul3A_69, %add3A_270 : i32
      %get3A_272 = arith.index_cast %add3A_271 : i32 to index
      %get3A_273 = arith.constant 0 : index
      %get3A_274 = tpu.vector_load %arg11[%get3A_272, %get3A_273] {strides = array<i32>} : memref<80x128xf32, #tpu.memory_space<vmem>>, vector<1x16xf32>,
      %get3A_275 = vector.shape_cast %get3A_274 : vector<1x16xf32> to vector<16xf32>
      %mul3A_276 = arith.mulf %get3A_269, %get3A_275 : vector<16xf32>
      %add3A_277 = arith.constant 0 : i32
      %add3A_278 = arith.addi %mul3A_69, %add3A_277 : i32
      %get3A_279 = arith.index_cast %add3A_278 : i32 to index
      %get3A_280 = arith.constant 16 : index
      %get3A_281 = tpu.vector_load %arg9[%get3A_279, %get3A_280] {strides = array<i32>} : memref<80x128xf32, #tpu.memory_space<vmem>>, vector<1x16xf32>,
      %get3A_282 = vector.shape_cast %get3A_281 : vector<1x16xf32> to vector<16xf32>
      %add3A_283 = arith.constant 0 : i32
      %add3A_284 = arith.addi %mul3A_69, %add3A_283 : i32
      %get3A_285 = arith.index_cast %add3A_284 : i32 to index
      %get3A_286 = arith.constant 16 : index
      %get3A_287 = tpu.vector_load %arg11[%get3A_285, %get3A_286] {strides = array<i32>} : memref<80x128xf32, #tpu.memory_space<vmem>>, vector<1x16xf32>,
      %get3A_288 = vector.shape_cast %get3A_287 : vector<1x16xf32> to vector<16xf32>
      %mul3A_289 = arith.mulf %get3A_282, %get3A_288 : vector<16xf32>
      %add3A_290 = arith.addf %mul3A_81, %mul3A_289 : vector<16xf32>
      %add3A_291 = arith.constant 1 : i32
      %add3A_292 = arith.addi %mul3A_69, %add3A_291 : i32
      %get3A_293 = arith.index_cast %add3A_292 : i32 to index
      %get3A_294 = arith.constant 16 : index
      %get3A_295 = tpu.vector_load %arg9[%get3A_293, %get3A_294] {strides = array<i32>} : memref<80x128xf32, #tpu.memory_space<vmem>>, vector<1x16xf32>,
      %get3A_296 = vector.shape_cast %get3A_295 : vector<1x16xf32> to vector<16xf32>
      %add3A_297 = arith.constant 1 : i32
      %add3A_298 = arith.addi %mul3A_69, %add3A_297 : i32
      %get3A_299 = arith.index_cast %add3A_298 : i32 to index
      %get3A_300 = arith.constant 16 : index
      %get3A_301 = tpu.vector_load %arg11[%get3A_299, %get3A_300] {strides = array<i32>} : memref<80x128xf32, #tpu.memory_space<vmem>>, vector<1x16xf32>,
      %get3A_302 = vector.shape_cast %get3A_301 : vector<1x16xf32> to vector<16xf32>
      %mul3A_303 = arith.mulf %get3A_296, %get3A_302 : vector<16xf32>
      %add3A_304 = arith.addf %mul3A_94, %mul3A_303 : vector<16xf32>
      %add3A_305 = arith.constant 2 : i32
      %add3A_306 = arith.addi %mul3A_69, %add3A_305 : i32
      %get3A_307 = arith.index_cast %add3A_306 : i32 to index
      %get3A_308 = arith.constant 16 : index
      %get3A_309 = tpu.vector_load %arg9[%get3A_307, %get3A_308] {strides = array<i32>} : memref<80x128xf32, #tpu.memory_space<vmem>>, vector<1x16xf32>,
      %get3A_310 = vector.shape_cast %get3A_309 : vector<1x16xf32> to vector<16xf32>
      %add3A_311 = arith.constant 2 : i32
      %add3A_312 = arith.addi %mul3A_69, %add3A_311 : i32
      %get3A_313 = arith.index_cast %add3A_312 : i32 to index
      %get3A_314 = arith.constant 16 : index
      %get3A_315 = tpu.vector_load %arg11[%get3A_313, %get3A_314] {strides = array<i32>} : memref<80x128xf32, #tpu.memory_space<vmem>>, vector<1x16xf32>,
      %get3A_316 = vector.shape_cast %get3A_315 : vector<1x16xf32> to vector<16xf32>
      %mul3A_317 = arith.mulf %get3A_310, %get3A_316 : vector<16xf32>
      %add3A_318 = arith.addf %mul3A_107, %mul3A_317 : vector<16xf32>
      %add3A_319 = arith.constant 3 : i32
      %add3A_320 = arith.addi %mul3A_69, %add3A_319 : i32
      %get3A_321 = arith.index_cast %add3A_320 : i32 to index
      %get3A_322 = arith.constant 16 : index
      %get3A_323 = tpu.vector_load %arg9[%get3A_321, %get3A_322] {strides = array<i32>} : memref<80x128xf32, #tpu.memory_space<vmem>>, vector<1x16xf32>,
      %get3A_324 = vector.shape_cast %get3A_323 : vector<1x16xf32> to vector<16xf32>
      %add3A_325 = arith.constant 3 : i32
      %add3A_326 = arith.addi %mul3A_69, %add3A_325 : i32
      %get3A_327 = arith.index_cast %add3A_326 : i32 to index
      %get3A_328 = arith.constant 16 : index
      %get3A_329 = tpu.vector_load %arg11[%get3A_327, %get3A_328] {strides = array<i32>} : memref<80x128xf32, #tpu.memory_space<vmem>>, vector<1x16xf32>,
      %get3A_330 = vector.shape_cast %get3A_329 : vector<1x16xf32> to vector<16xf32>
      %mul3A_331 = arith.mulf %get3A_324, %get3A_330 : vector<16xf32>
      %add3A_332 = arith.addf %mul3A_120, %mul3A_331 : vector<16xf32>
      %add3A_333 = arith.constant 4 : i32
      %add3A_334 = arith.addi %mul3A_69, %add3A_333 : i32
      %get3A_335 = arith.index_cast %add3A_334 : i32 to index
      %get3A_336 = arith.constant 16 : index
      %get3A_337 = tpu.vector_load %arg9[%get3A_335, %get3A_336] {strides = array<i32>} : memref<80x128xf32, #tpu.memory_space<vmem>>, vector<1x16xf32>,
      %get3A_338 = vector.shape_cast %get3A_337 : vector<1x16xf32> to vector<16xf32>
      %add3A_339 = arith.constant 4 : i32
      %add3A_340 = arith.addi %mul3A_69, %add3A_339 : i32
      %get3A_341 = arith.index_cast %add3A_340 : i32 to index
      %get3A_342 = arith.constant 16 : index
      %get3A_343 = tpu.vector_load %arg11[%get3A_341, %get3A_342] {strides = array<i32>} : memref<80x128xf32, #tpu.memory_space<vmem>>, vector<1x16xf32>,
      %get3A_344 = vector.shape_cast %get3A_343 : vector<1x16xf32> to vector<16xf32>
      %mul3A_345 = arith.mulf %get3A_338, %get3A_344 : vector<16xf32>
      %add3A_346 = arith.addf %mul3A_133, %mul3A_345 : vector<16xf32>
      %add3A_347 = arith.constant 5 : i32
      %add3A_348 = arith.addi %mul3A_69, %add3A_347 : i32
      %get3A_349 = arith.index_cast %add3A_348 : i32 to index
      %get3A_350 = arith.constant 16 : index
      %get3A_351 = tpu.vector_load %arg9[%get3A_349, %get3A_350] {strides = array<i32>} : memref<80x128xf32, #tpu.memory_space<vmem>>, vector<1x16xf32>,
      %get3A_352 = vector.shape_cast %get3A_351 : vector<1x16xf32> to vector<16xf32>
      %add3A_353 = arith.constant 5 : i32
      %add3A_354 = arith.addi %mul3A_69, %add3A_353 : i32
      %get3A_355 = arith.index_cast %add3A_354 : i32 to index
      %get3A_356 = arith.constant 16 : index
      %get3A_357 = tpu.vector_load %arg11[%get3A_355, %get3A_356] {strides = array<i32>} : memref<80x128xf32, #tpu.memory_space<vmem>>, vector<1x16xf32>,
      %get3A_358 = vector.shape_cast %get3A_357 : vector<1x16xf32> to vector<16xf32>
      %mul3A_359 = arith.mulf %get3A_352, %get3A_358 : vector<16xf32>
      %add3A_360 = arith.addf %mul3A_146, %mul3A_359 : vector<16xf32>
      %add3A_361 = arith.constant 6 : i32
      %add3A_362 = arith.addi %mul3A_69, %add3A_361 : i32
      %get3A_363 = arith.index_cast %add3A_362 : i32 to index
      %get3A_364 = arith.constant 16 : index
      %get3A_365 = tpu.vector_load %arg9[%get3A_363, %get3A_364] {strides = array<i32>} : memref<80x128xf32, #tpu.memory_space<vmem>>, vector<1x16xf32>,
      %get3A_366 = vector.shape_cast %get3A_365 : vector<1x16xf32> to vector<16xf32>
      %add3A_367 = arith.constant 6 : i32
      %add3A_368 = arith.addi %mul3A_69, %add3A_367 : i32
      %get3A_369 = arith.index_cast %add3A_368 : i32 to index
      %get3A_370 = arith.constant 16 : index
      %get3A_371 = tpu.vector_load %arg11[%get3A_369, %get3A_370] {strides = array<i32>} : memref<80x128xf32, #tpu.memory_space<vmem>>, vector<1x16xf32>,
      %get3A_372 = vector.shape_cast %get3A_371 : vector<1x16xf32> to vector<16xf32>
      %mul3A_373 = arith.mulf %get3A_366, %get3A_372 : vector<16xf32>
      %add3A_374 = arith.addf %mul3A_159, %mul3A_373 : vector<16xf32>
      %add3A_375 = arith.constant 7 : i32
      %add3A_376 = arith.addi %mul3A_69, %add3A_375 : i32
      %get3A_377 = arith.index_cast %add3A_376 : i32 to index
      %get3A_378 = arith.constant 16 : index
      %get3A_379 = tpu.vector_load %arg9[%get3A_377, %get3A_378] {strides = array<i32>} : memref<80x128xf32, #tpu.memory_space<vmem>>, vector<1x16xf32>,
      %get3A_380 = vector.shape_cast %get3A_379 : vector<1x16xf32> to vector<16xf32>
      %add3A_381 = arith.constant 7 : i32
      %add3A_382 = arith.addi %mul3A_69, %add3A_381 : i32
      %get3A_383 = arith.index_cast %add3A_382 : i32 to index
      %get3A_384 = arith.constant 16 : index
      %get3A_385 = tpu.vector_load %arg11[%get3A_383, %get3A_384] {strides = array<i32>} : memref<80x128xf32, #tpu.memory_space<vmem>>, vector<1x16xf32>,
      %get3A_386 = vector.shape_cast %get3A_385 : vector<1x16xf32> to vector<16xf32>
      %mul3A_387 = arith.mulf %get3A_380, %get3A_386 : vector<16xf32>
      %add3A_388 = arith.addf %mul3A_172, %mul3A_387 : vector<16xf32>
      %add3A_389 = arith.constant 8 : i32
      %add3A_390 = arith.addi %mul3A_69, %add3A_389 : i32
      %get3A_391 = arith.index_cast %add3A_390 : i32 to index
      %get3A_392 = arith.constant 16 : index
      %get3A_393 = tpu.vector_load %arg9[%get3A_391, %get3A_392] {strides = array<i32>} : memref<80x128xf32, #tpu.memory_space<vmem>>, vector<1x16xf32>,
      %get3A_394 = vector.shape_cast %get3A_393 : vector<1x16xf32> to vector<16xf32>
      %add3A_395 = arith.constant 8 : i32
      %add3A_396 = arith.addi %mul3A_69, %add3A_395 : i32
      %get3A_397 = arith.index_cast %add3A_396 : i32 to index
      %get3A_398 = arith.constant 16 : index
      %get3A_399 = tpu.vector_load %arg11[%get3A_397, %get3A_398] {strides = array<i32>} : memref<80x128xf32, #tpu.memory_space<vmem>>, vector<1x16xf32>,
      %get3A_400 = vector.shape_cast %get3A_399 : vector<1x16xf32> to vector<16xf32>
      %mul3A_401 = arith.mulf %get3A_394, %get3A_400 : vector<16xf32>
      %add3A_402 = arith.addf %mul3A_185, %mul3A_401 : vector<16xf32>
      %add3A_403 = arith.constant 9 : i32
      %add3A_404 = arith.addi %mul3A_69, %add3A_403 : i32
      %get3A_405 = arith.index_cast %add3A_404 : i32 to index
      %get3A_406 = arith.constant 16 : index
      %get3A_407 = tpu.vector_load %arg9[%get3A_405, %get3A_406] {strides = array<i32>} : memref<80x128xf32, #tpu.memory_space<vmem>>, vector<1x16xf32>,
      %get3A_408 = vector.shape_cast %get3A_407 : vector<1x16xf32> to vector<16xf32>
      %add3A_409 = arith.constant 9 : i32
      %add3A_410 = arith.addi %mul3A_69, %add3A_409 : i32
      %get3A_411 = arith.index_cast %add3A_410 : i32 to index
      %get3A_412 = arith.constant 16 : index
      %get3A_413 = tpu.vector_load %arg11[%get3A_411, %get3A_412] {strides = array<i32>} : memref<80x128xf32, #tpu.memory_space<vmem>>, vector<1x16xf32>,
      %get3A_414 = vector.shape_cast %get3A_413 : vector<1x16xf32> to vector<16xf32>
      %mul3A_415 = arith.mulf %get3A_408, %get3A_414 : vector<16xf32>
      %add3A_416 = arith.addf %mul3A_198, %mul3A_415 : vector<16xf32>
      %add3A_417 = arith.constant 10 : i32
      %add3A_418 = arith.addi %mul3A_69, %add3A_417 : i32
      %get3A_419 = arith.index_cast %add3A_418 : i32 to index
      %get3A_420 = arith.constant 16 : index
      %get3A_421 = tpu.vector_load %arg9[%get3A_419, %get3A_420] {strides = array<i32>} : memref<80x128xf32, #tpu.memory_space<vmem>>, vector<1x16xf32>,
      %get3A_422 = vector.shape_cast %get3A_421 : vector<1x16xf32> to vector<16xf32>
      %add3A_423 = arith.constant 10 : i32
      %add3A_424 = arith.addi %mul3A_69, %add3A_423 : i32
      %get3A_425 = arith.index_cast %add3A_424 : i32 to index
      %get3A_426 = arith.constant 16 : index
      %get3A_427 = tpu.vector_load %arg11[%get3A_425, %get3A_426] {strides = array<i32>} : memref<80x128xf32, #tpu.memory_space<vmem>>, vector<1x16xf32>,
      %get3A_428 = vector.shape_cast %get3A_427 : vector<1x16xf32> to vector<16xf32>
      %mul3A_429 = arith.mulf %get3A_422, %get3A_428 : vector<16xf32>
      %add3A_430 = arith.addf %mul3A_211, %mul3A_429 : vector<16xf32>
      %add3A_431 = arith.constant 11 : i32
      %add3A_432 = arith.addi %mul3A_69, %add3A_431 : i32
      %get3A_433 = arith.index_cast %add3A_432 : i32 to index
      %get3A_434 = arith.constant 16 : index
      %get3A_435 = tpu.vector_load %arg9[%get3A_433, %get3A_434] {strides = array<i32>} : memref<80x128xf32, #tpu.memory_space<vmem>>, vector<1x16xf32>,
      %get3A_436 = vector.shape_cast %get3A_435 : vector<1x16xf32> to vector<16xf32>
      %add3A_437 = arith.constant 11 : i32
      %add3A_438 = arith.addi %mul3A_69, %add3A_437 : i32
      %get3A_439 = arith.index_cast %add3A_438 : i32 to index
      %get3A_440 = arith.constant 16 : index
      %get3A_441 = tpu.vector_load %arg11[%get3A_439, %get3A_440] {strides = array<i32>} : memref<80x128xf32, #tpu.memory_space<vmem>>, vector<1x16xf32>,
      %get3A_442 = vector.shape_cast %get3A_441 : vector<1x16xf32> to vector<16xf32>
      %mul3A_443 = arith.mulf %get3A_436, %get3A_442 : vector<16xf32>
      %add3A_444 = arith.addf %mul3A_224, %mul3A_443 : vector<16xf32>
      %add3A_445 = arith.constant 12 : i32
      %add3A_446 = arith.addi %mul3A_69, %add3A_445 : i32
      %get3A_447 = arith.index_cast %add3A_446 : i32 to index
      %get3A_448 = arith.constant 16 : index
      %get3A_449 = tpu.vector_load %arg9[%get3A_447, %get3A_448] {strides = array<i32>} : memref<80x128xf32, #tpu.memory_space<vmem>>, vector<1x16xf32>,
      %get3A_450 = vector.shape_cast %get3A_449 : vector<1x16xf32> to vector<16xf32>
      %add3A_451 = arith.constant 12 : i32
      %add3A_452 = arith.addi %mul3A_69, %add3A_451 : i32
      %get3A_453 = arith.index_cast %add3A_452 : i32 to index
      %get3A_454 = arith.constant 16 : index
      %get3A_455 = tpu.vector_load %arg11[%get3A_453, %get3A_454] {strides = array<i32>} : memref<80x128xf32, #tpu.memory_space<vmem>>, vector<1x16xf32>,
      %get3A_456 = vector.shape_cast %get3A_455 : vector<1x16xf32> to vector<16xf32>
      %mul3A_457 = arith.mulf %get3A_450, %get3A_456 : vector<16xf32>
      %add3A_458 = arith.addf %mul3A_237, %mul3A_457 : vector<16xf32>
      %add3A_459 = arith.constant 13 : i32
      %add3A_460 = arith.addi %mul3A_69, %add3A_459 : i32
      %get3A_461 = arith.index_cast %add3A_460 : i32 to index
      %get3A_462 = arith.constant 16 : index
      %get3A_463 = tpu.vector_load %arg9[%get3A_461, %get3A_462] {strides = array<i32>} : memref<80x128xf32, #tpu.memory_space<vmem>>, vector<1x16xf32>,
      %get3A_464 = vector.shape_cast %get3A_463 : vector<1x16xf32> to vector<16xf32>
      %add3A_465 = arith.constant 13 : i32
      %add3A_466 = arith.addi %mul3A_69, %add3A_465 : i32
      %get3A_467 = arith.index_cast %add3A_466 : i32 to index
      %get3A_468 = arith.constant 16 : index
      %get3A_469 = tpu.vector_load %arg11[%get3A_467, %get3A_468] {strides = array<i32>} : memref<80x128xf32, #tpu.memory_space<vmem>>, vector<1x16xf32>,
      %get3A_470 = vector.shape_cast %get3A_469 : vector<1x16xf32> to vector<16xf32>
      %mul3A_471 = arith.mulf %get3A_464, %get3A_470 : vector<16xf32>
      %add3A_472 = arith.addf %mul3A_250, %mul3A_471 : vector<16xf32>
      %add3A_473 = arith.constant 14 : i32
      %add3A_474 = arith.addi %mul3A_69, %add3A_473 : i32
      %get3A_475 = arith.index_cast %add3A_474 : i32 to index
      %get3A_476 = arith.constant 16 : index
      %get3A_477 = tpu.vector_load %arg9[%get3A_475, %get3A_476] {strides = array<i32>} : memref<80x128xf32, #tpu.memory_space<vmem>>, vector<1x16xf32>,
      %get3A_478 = vector.shape_cast %get3A_477 : vector<1x16xf32> to vector<16xf32>
      %add3A_479 = arith.constant 14 : i32
      %add3A_480 = arith.addi %mul3A_69, %add3A_479 : i32
      %get3A_481 = arith.index_cast %add3A_480 : i32 to index
      %get3A_482 = arith.constant 16 : index
      %get3A_483 = tpu.vector_load %arg11[%get3A_481, %get3A_482] {strides = array<i32>} : memref<80x128xf32, #tpu.memory_space<vmem>>, vector<1x16xf32>,
      %get3A_484 = vector.shape_cast %get3A_483 : vector<1x16xf32> to vector<16xf32>
      %mul3A_485 = arith.mulf %get3A_478, %get3A_484 : vector<16xf32>
      %add3A_486 = arith.addf %mul3A_263, %mul3A_485 : vector<16xf32>
      %add3A_487 = arith.constant 15 : i32
      %add3A_488 = arith.addi %mul3A_69, %add3A_487 : i32
      %get3A_489 = arith.index_cast %add3A_488 : i32 to index
      %get3A_490 = arith.constant 16 : index
      %get3A_491 = tpu.vector_load %arg9[%get3A_489, %get3A_490] {strides = array<i32>} : memref<80x128xf32, #tpu.memory_space<vmem>>, vector<1x16xf32>,
      %get3A_492 = vector.shape_cast %get3A_491 : vector<1x16xf32> to vector<16xf32>
      %add3A_493 = arith.constant 15 : i32
      %add3A_494 = arith.addi %mul3A_69, %add3A_493 : i32
      %get3A_495 = arith.index_cast %add3A_494 : i32 to index
      %get3A_496 = arith.constant 16 : index
      %get3A_497 = tpu.vector_load %arg11[%get3A_495, %get3A_496] {strides = array<i32>} : memref<80x128xf32, #tpu.memory_space<vmem>>, vector<1x16xf32>,
      %get3A_498 = vector.shape_cast %get3A_497 : vector<1x16xf32> to vector<16xf32>
      %mul3A_499 = arith.mulf %get3A_492, %get3A_498 : vector<16xf32>
      %add3A_500 = arith.addf %mul3A_276, %mul3A_499 : vector<16xf32>
      %scan3A_501 = arith.constant 1 : i32
      %scan3A_502 = arith.constant 3 : i32
      %scan3A_503 = arith.addi %scan3A_501, %scan3A_502 : i32
      %scan3A_504 = arith.constant 1 : i32
      %scan3A_505:16 = scf.for %scan3A_644 = %scan3A_501 to %scan3A_503 step %scan3A_504 iter_args(%scan3A_645 = %add3A_290, %scan3A_646 = %add3A_304, %scan3A_647 = %add3A_318, %scan3A_648 = %add3A_332, %scan3A_649 = %add3A_346, %scan3A_650 = %add3A_360, %scan3A_651 = %add3A_374, %scan3A_652 = %add3A_388, %scan3A_653 = %add3A_402, %scan3A_654 = %add3A_416, %scan3A_655 = %add3A_430, %scan3A_656 = %add3A_444, %scan3A_657 = %add3A_458, %scan3A_658 = %add3A_472, %scan3A_659 = %add3A_486, %scan3A_660 = %add3A_500) -> (vector<16xf32>, vector<16xf32>, vector<16xf32>, vector<16xf32>, vector<16xf32>, vector<16xf32>, vector<16xf32>, vector<16xf32>, vector<16xf32>, vector<16xf32>, vector<16xf32>, vector<16xf32>, vector<16xf32>, vector<16xf32>, vector<16xf32>, vector<16xf32>)  : i32 {
        %mul3A_661 = arith.constant 32 : i32
        %mul3A_662 = arith.muli %scan3A_644, %mul3A_661 : i32
        %add3A_663 = arith.constant 16 : i32
        %add3A_664 = arith.addi %mul3A_662, %add3A_663 : i32
        %add3A_665 = arith.constant 0 : i32
        %add3A_666 = arith.addi %mul3A_69, %add3A_665 : i32
        %get3A_667 = arith.index_cast %add3A_666 : i32 to index
        %get3A_668 = arith.index_cast %mul3A_662 : i32 to index
        %get3A_669 = tpu.vector_load %arg9[%get3A_667, %get3A_668] {strides = array<i32>} : memref<80x128xf32, #tpu.memory_space<vmem>>, vector<1x16xf32>,
        %get3A_670 = vector.shape_cast %get3A_669 : vector<1x16xf32> to vector<16xf32>
        %add3A_671 = arith.constant 0 : i32
        %add3A_672 = arith.addi %mul3A_69, %add3A_671 : i32
        %get3A_673 = arith.index_cast %add3A_672 : i32 to index
        %get3A_674 = arith.index_cast %mul3A_662 : i32 to index
        %get3A_675 = tpu.vector_load %arg11[%get3A_673, %get3A_674] {strides = array<i32>} : memref<80x128xf32, #tpu.memory_space<vmem>>, vector<1x16xf32>,
        %get3A_676 = vector.shape_cast %get3A_675 : vector<1x16xf32> to vector<16xf32>
        %mul3A_677 = arith.mulf %get3A_670, %get3A_676 : vector<16xf32>
        %add3A_678 = arith.addf %scan3A_645, %mul3A_677 : vector<16xf32>
        %add3A_679 = arith.constant 1 : i32
        %add3A_680 = arith.addi %mul3A_69, %add3A_679 : i32
        %get3A_681 = arith.index_cast %add3A_680 : i32 to index
        %get3A_682 = arith.index_cast %mul3A_662 : i32 to index
        %get3A_683 = tpu.vector_load %arg9[%get3A_681, %get3A_682] {strides = array<i32>} : memref<80x128xf32, #tpu.memory_space<vmem>>, vector<1x16xf32>,
        %get3A_684 = vector.shape_cast %get3A_683 : vector<1x16xf32> to vector<16xf32>
        %add3A_685 = arith.constant 1 : i32
        %add3A_686 = arith.addi %mul3A_69, %add3A_685 : i32
        %get3A_687 = arith.index_cast %add3A_686 : i32 to index
        %get3A_688 = arith.index_cast %mul3A_662 : i32 to index
        %get3A_689 = tpu.vector_load %arg11[%get3A_687, %get3A_688] {strides = array<i32>} : memref<80x128xf32, #tpu.memory_space<vmem>>, vector<1x16xf32>,
        %get3A_690 = vector.shape_cast %get3A_689 : vector<1x16xf32> to vector<16xf32>
        %mul3A_691 = arith.mulf %get3A_684, %get3A_690 : vector<16xf32>
        %add3A_692 = arith.addf %scan3A_646, %mul3A_691 : vector<16xf32>
        %add3A_693 = arith.constant 2 : i32
        %add3A_694 = arith.addi %mul3A_69, %add3A_693 : i32
        %get3A_695 = arith.index_cast %add3A_694 : i32 to index
        %get3A_696 = arith.index_cast %mul3A_662 : i32 to index
        %get3A_697 = tpu.vector_load %arg9[%get3A_695, %get3A_696] {strides = array<i32>} : memref<80x128xf32, #tpu.memory_space<vmem>>, vector<1x16xf32>,
        %get3A_698 = vector.shape_cast %get3A_697 : vector<1x16xf32> to vector<16xf32>
        %add3A_699 = arith.constant 2 : i32
        %add3A_700 = arith.addi %mul3A_69, %add3A_699 : i32
        %get3A_701 = arith.index_cast %add3A_700 : i32 to index
        %get3A_702 = arith.index_cast %mul3A_662 : i32 to index
        %get3A_703 = tpu.vector_load %arg11[%get3A_701, %get3A_702] {strides = array<i32>} : memref<80x128xf32, #tpu.memory_space<vmem>>, vector<1x16xf32>,
        %get3A_704 = vector.shape_cast %get3A_703 : vector<1x16xf32> to vector<16xf32>
        %mul3A_705 = arith.mulf %get3A_698, %get3A_704 : vector<16xf32>
        %add3A_706 = arith.addf %scan3A_647, %mul3A_705 : vector<16xf32>
        %add3A_707 = arith.constant 3 : i32
        %add3A_708 = arith.addi %mul3A_69, %add3A_707 : i32
        %get3A_709 = arith.index_cast %add3A_708 : i32 to index
        %get3A_710 = arith.index_cast %mul3A_662 : i32 to index
        %get3A_711 = tpu.vector_load %arg9[%get3A_709, %get3A_710] {strides = array<i32>} : memref<80x128xf32, #tpu.memory_space<vmem>>, vector<1x16xf32>,
        %get3A_712 = vector.shape_cast %get3A_711 : vector<1x16xf32> to vector<16xf32>
        %add3A_713 = arith.constant 3 : i32
        %add3A_714 = arith.addi %mul3A_69, %add3A_713 : i32
        %get3A_715 = arith.index_cast %add3A_714 : i32 to index
        %get3A_716 = arith.index_cast %mul3A_662 : i32 to index
        %get3A_717 = tpu.vector_load %arg11[%get3A_715, %get3A_716] {strides = array<i32>} : memref<80x128xf32, #tpu.memory_space<vmem>>, vector<1x16xf32>,
        %get3A_718 = vector.shape_cast %get3A_717 : vector<1x16xf32> to vector<16xf32>
        %mul3A_719 = arith.mulf %get3A_712, %get3A_718 : vector<16xf32>
        %add3A_720 = arith.addf %scan3A_648, %mul3A_719 : vector<16xf32>
        %add3A_721 = arith.constant 4 : i32
        %add3A_722 = arith.addi %mul3A_69, %add3A_721 : i32
        %get3A_723 = arith.index_cast %add3A_722 : i32 to index
        %get3A_724 = arith.index_cast %mul3A_662 : i32 to index
        %get3A_725 = tpu.vector_load %arg9[%get3A_723, %get3A_724] {strides = array<i32>} : memref<80x128xf32, #tpu.memory_space<vmem>>, vector<1x16xf32>,
        %get3A_726 = vector.shape_cast %get3A_725 : vector<1x16xf32> to vector<16xf32>
        %add3A_727 = arith.constant 4 : i32
        %add3A_728 = arith.addi %mul3A_69, %add3A_727 : i32
        %get3A_729 = arith.index_cast %add3A_728 : i32 to index
        %get3A_730 = arith.index_cast %mul3A_662 : i32 to index
        %get3A_731 = tpu.vector_load %arg11[%get3A_729, %get3A_730] {strides = array<i32>} : memref<80x128xf32, #tpu.memory_space<vmem>>, vector<1x16xf32>,
        %get3A_732 = vector.shape_cast %get3A_731 : vector<1x16xf32> to vector<16xf32>
        %mul3A_733 = arith.mulf %get3A_726, %get3A_732 : vector<16xf32>
        %add3A_734 = arith.addf %scan3A_649, %mul3A_733 : vector<16xf32>
        %add3A_735 = arith.constant 5 : i32
        %add3A_736 = arith.addi %mul3A_69, %add3A_735 : i32
        %get3A_737 = arith.index_cast %add3A_736 : i32 to index
        %get3A_738 = arith.index_cast %mul3A_662 : i32 to index
        %get3A_739 = tpu.vector_load %arg9[%get3A_737, %get3A_738] {strides = array<i32>} : memref<80x128xf32, #tpu.memory_space<vmem>>, vector<1x16xf32>,
        %get3A_740 = vector.shape_cast %get3A_739 : vector<1x16xf32> to vector<16xf32>
        %add3A_741 = arith.constant 5 : i32
        %add3A_742 = arith.addi %mul3A_69, %add3A_741 : i32
        %get3A_743 = arith.index_cast %add3A_742 : i32 to index
        %get3A_744 = arith.index_cast %mul3A_662 : i32 to index
        %get3A_745 = tpu.vector_load %arg11[%get3A_743, %get3A_744] {strides = array<i32>} : memref<80x128xf32, #tpu.memory_space<vmem>>, vector<1x16xf32>,
        %get3A_746 = vector.shape_cast %get3A_745 : vector<1x16xf32> to vector<16xf32>
        %mul3A_747 = arith.mulf %get3A_740, %get3A_746 : vector<16xf32>
        %add3A_748 = arith.addf %scan3A_650, %mul3A_747 : vector<16xf32>
        %add3A_749 = arith.constant 6 : i32
        %add3A_750 = arith.addi %mul3A_69, %add3A_749 : i32
        %get3A_751 = arith.index_cast %add3A_750 : i32 to index
        %get3A_752 = arith.index_cast %mul3A_662 : i32 to index
        %get3A_753 = tpu.vector_load %arg9[%get3A_751, %get3A_752] {strides = array<i32>} : memref<80x128xf32, #tpu.memory_space<vmem>>, vector<1x16xf32>,
        %get3A_754 = vector.shape_cast %get3A_753 : vector<1x16xf32> to vector<16xf32>
        %add3A_755 = arith.constant 6 : i32
        %add3A_756 = arith.addi %mul3A_69, %add3A_755 : i32
        %get3A_757 = arith.index_cast %add3A_756 : i32 to index
        %get3A_758 = arith.index_cast %mul3A_662 : i32 to index
        %get3A_759 = tpu.vector_load %arg11[%get3A_757, %get3A_758] {strides = array<i32>} : memref<80x128xf32, #tpu.memory_space<vmem>>, vector<1x16xf32>,
        %get3A_760 = vector.shape_cast %get3A_759 : vector<1x16xf32> to vector<16xf32>
        %mul3A_761 = arith.mulf %get3A_754, %get3A_760 : vector<16xf32>
        %add3A_762 = arith.addf %scan3A_651, %mul3A_761 : vector<16xf32>
        %add3A_763 = arith.constant 7 : i32
        %add3A_764 = arith.addi %mul3A_69, %add3A_763 : i32
        %get3A_765 = arith.index_cast %add3A_764 : i32 to index
        %get3A_766 = arith.index_cast %mul3A_662 : i32 to index
        %get3A_767 = tpu.vector_load %arg9[%get3A_765, %get3A_766] {strides = array<i32>} : memref<80x128xf32, #tpu.memory_space<vmem>>, vector<1x16xf32>,
        %get3A_768 = vector.shape_cast %get3A_767 : vector<1x16xf32> to vector<16xf32>
        %add3A_769 = arith.constant 7 : i32
        %add3A_770 = arith.addi %mul3A_69, %add3A_769 : i32
        %get3A_771 = arith.index_cast %add3A_770 : i32 to index
        %get3A_772 = arith.index_cast %mul3A_662 : i32 to index
        %get3A_773 = tpu.vector_load %arg11[%get3A_771, %get3A_772] {strides = array<i32>} : memref<80x128xf32, #tpu.memory_space<vmem>>, vector<1x16xf32>,
        %get3A_774 = vector.shape_cast %get3A_773 : vector<1x16xf32> to vector<16xf32>
        %mul3A_775 = arith.mulf %get3A_768, %get3A_774 : vector<16xf32>
        %add3A_776 = arith.addf %scan3A_652, %mul3A_775 : vector<16xf32>
        %add3A_777 = arith.constant 8 : i32
        %add3A_778 = arith.addi %mul3A_69, %add3A_777 : i32
        %get3A_779 = arith.index_cast %add3A_778 : i32 to index
        %get3A_780 = arith.index_cast %mul3A_662 : i32 to index
        %get3A_781 = tpu.vector_load %arg9[%get3A_779, %get3A_780] {strides = array<i32>} : memref<80x128xf32, #tpu.memory_space<vmem>>, vector<1x16xf32>,
        %get3A_782 = vector.shape_cast %get3A_781 : vector<1x16xf32> to vector<16xf32>
        %add3A_783 = arith.constant 8 : i32
        %add3A_784 = arith.addi %mul3A_69, %add3A_783 : i32
        %get3A_785 = arith.index_cast %add3A_784 : i32 to index
        %get3A_786 = arith.index_cast %mul3A_662 : i32 to index
        %get3A_787 = tpu.vector_load %arg11[%get3A_785, %get3A_786] {strides = array<i32>} : memref<80x128xf32, #tpu.memory_space<vmem>>, vector<1x16xf32>,
        %get3A_788 = vector.shape_cast %get3A_787 : vector<1x16xf32> to vector<16xf32>
        %mul3A_789 = arith.mulf %get3A_782, %get3A_788 : vector<16xf32>
        %add3A_790 = arith.addf %scan3A_653, %mul3A_789 : vector<16xf32>
        %add3A_791 = arith.constant 9 : i32
        %add3A_792 = arith.addi %mul3A_69, %add3A_791 : i32
        %get3A_793 = arith.index_cast %add3A_792 : i32 to index
        %get3A_794 = arith.index_cast %mul3A_662 : i32 to index
        %get3A_795 = tpu.vector_load %arg9[%get3A_793, %get3A_794] {strides = array<i32>} : memref<80x128xf32, #tpu.memory_space<vmem>>, vector<1x16xf32>,
        %get3A_796 = vector.shape_cast %get3A_795 : vector<1x16xf32> to vector<16xf32>
        %add3A_797 = arith.constant 9 : i32
        %add3A_798 = arith.addi %mul3A_69, %add3A_797 : i32
        %get3A_799 = arith.index_cast %add3A_798 : i32 to index
        %get3A_800 = arith.index_cast %mul3A_662 : i32 to index
        %get3A_801 = tpu.vector_load %arg11[%get3A_799, %get3A_800] {strides = array<i32>} : memref<80x128xf32, #tpu.memory_space<vmem>>, vector<1x16xf32>,
        %get3A_802 = vector.shape_cast %get3A_801 : vector<1x16xf32> to vector<16xf32>
        %mul3A_803 = arith.mulf %get3A_796, %get3A_802 : vector<16xf32>
        %add3A_804 = arith.addf %scan3A_654, %mul3A_803 : vector<16xf32>
        %add3A_805 = arith.constant 10 : i32
        %add3A_806 = arith.addi %mul3A_69, %add3A_805 : i32
        %get3A_807 = arith.index_cast %add3A_806 : i32 to index
        %get3A_808 = arith.index_cast %mul3A_662 : i32 to index
        %get3A_809 = tpu.vector_load %arg9[%get3A_807, %get3A_808] {strides = array<i32>} : memref<80x128xf32, #tpu.memory_space<vmem>>, vector<1x16xf32>,
        %get3A_810 = vector.shape_cast %get3A_809 : vector<1x16xf32> to vector<16xf32>
        %add3A_811 = arith.constant 10 : i32
        %add3A_812 = arith.addi %mul3A_69, %add3A_811 : i32
        %get3A_813 = arith.index_cast %add3A_812 : i32 to index
        %get3A_814 = arith.index_cast %mul3A_662 : i32 to index
        %get3A_815 = tpu.vector_load %arg11[%get3A_813, %get3A_814] {strides = array<i32>} : memref<80x128xf32, #tpu.memory_space<vmem>>, vector<1x16xf32>,
        %get3A_816 = vector.shape_cast %get3A_815 : vector<1x16xf32> to vector<16xf32>
        %mul3A_817 = arith.mulf %get3A_810, %get3A_816 : vector<16xf32>
        %add3A_818 = arith.addf %scan3A_655, %mul3A_817 : vector<16xf32>
        %add3A_819 = arith.constant 11 : i32
        %add3A_820 = arith.addi %mul3A_69, %add3A_819 : i32
        %get3A_821 = arith.index_cast %add3A_820 : i32 to index
        %get3A_822 = arith.index_cast %mul3A_662 : i32 to index
        %get3A_823 = tpu.vector_load %arg9[%get3A_821, %get3A_822] {strides = array<i32>} : memref<80x128xf32, #tpu.memory_space<vmem>>, vector<1x16xf32>,
        %get3A_824 = vector.shape_cast %get3A_823 : vector<1x16xf32> to vector<16xf32>
        %add3A_825 = arith.constant 11 : i32
        %add3A_826 = arith.addi %mul3A_69, %add3A_825 : i32
        %get3A_827 = arith.index_cast %add3A_826 : i32 to index
        %get3A_828 = arith.index_cast %mul3A_662 : i32 to index
        %get3A_829 = tpu.vector_load %arg11[%get3A_827, %get3A_828] {strides = array<i32>} : memref<80x128xf32, #tpu.memory_space<vmem>>, vector<1x16xf32>,
        %get3A_830 = vector.shape_cast %get3A_829 : vector<1x16xf32> to vector<16xf32>
        %mul3A_831 = arith.mulf %get3A_824, %get3A_830 : vector<16xf32>
        %add3A_832 = arith.addf %scan3A_656, %mul3A_831 : vector<16xf32>
        %add3A_833 = arith.constant 12 : i32
        %add3A_834 = arith.addi %mul3A_69, %add3A_833 : i32
        %get3A_835 = arith.index_cast %add3A_834 : i32 to index
        %get3A_836 = arith.index_cast %mul3A_662 : i32 to index
        %get3A_837 = tpu.vector_load %arg9[%get3A_835, %get3A_836] {strides = array<i32>} : memref<80x128xf32, #tpu.memory_space<vmem>>, vector<1x16xf32>,
        %get3A_838 = vector.shape_cast %get3A_837 : vector<1x16xf32> to vector<16xf32>
        %add3A_839 = arith.constant 12 : i32
        %add3A_840 = arith.addi %mul3A_69, %add3A_839 : i32
        %get3A_841 = arith.index_cast %add3A_840 : i32 to index
        %get3A_842 = arith.index_cast %mul3A_662 : i32 to index
        %get3A_843 = tpu.vector_load %arg11[%get3A_841, %get3A_842] {strides = array<i32>} : memref<80x128xf32, #tpu.memory_space<vmem>>, vector<1x16xf32>,
        %get3A_844 = vector.shape_cast %get3A_843 : vector<1x16xf32> to vector<16xf32>
        %mul3A_845 = arith.mulf %get3A_838, %get3A_844 : vector<16xf32>
        %add3A_846 = arith.addf %scan3A_657, %mul3A_845 : vector<16xf32>
        %add3A_847 = arith.constant 13 : i32
        %add3A_848 = arith.addi %mul3A_69, %add3A_847 : i32
        %get3A_849 = arith.index_cast %add3A_848 : i32 to index
        %get3A_850 = arith.index_cast %mul3A_662 : i32 to index
        %get3A_851 = tpu.vector_load %arg9[%get3A_849, %get3A_850] {strides = array<i32>} : memref<80x128xf32, #tpu.memory_space<vmem>>, vector<1x16xf32>,
        %get3A_852 = vector.shape_cast %get3A_851 : vector<1x16xf32> to vector<16xf32>
        %add3A_853 = arith.constant 13 : i32
        %add3A_854 = arith.addi %mul3A_69, %add3A_853 : i32
        %get3A_855 = arith.index_cast %add3A_854 : i32 to index
        %get3A_856 = arith.index_cast %mul3A_662 : i32 to index
        %get3A_857 = tpu.vector_load %arg11[%get3A_855, %get3A_856] {strides = array<i32>} : memref<80x128xf32, #tpu.memory_space<vmem>>, vector<1x16xf32>,
        %get3A_858 = vector.shape_cast %get3A_857 : vector<1x16xf32> to vector<16xf32>
        %mul3A_859 = arith.mulf %get3A_852, %get3A_858 : vector<16xf32>
        %add3A_860 = arith.addf %scan3A_658, %mul3A_859 : vector<16xf32>
        %add3A_861 = arith.constant 14 : i32
        %add3A_862 = arith.addi %mul3A_69, %add3A_861 : i32
        %get3A_863 = arith.index_cast %add3A_862 : i32 to index
        %get3A_864 = arith.index_cast %mul3A_662 : i32 to index
        %get3A_865 = tpu.vector_load %arg9[%get3A_863, %get3A_864] {strides = array<i32>} : memref<80x128xf32, #tpu.memory_space<vmem>>, vector<1x16xf32>,
        %get3A_866 = vector.shape_cast %get3A_865 : vector<1x16xf32> to vector<16xf32>
        %add3A_867 = arith.constant 14 : i32
        %add3A_868 = arith.addi %mul3A_69, %add3A_867 : i32
        %get3A_869 = arith.index_cast %add3A_868 : i32 to index
        %get3A_870 = arith.index_cast %mul3A_662 : i32 to index
        %get3A_871 = tpu.vector_load %arg11[%get3A_869, %get3A_870] {strides = array<i32>} : memref<80x128xf32, #tpu.memory_space<vmem>>, vector<1x16xf32>,
        %get3A_872 = vector.shape_cast %get3A_871 : vector<1x16xf32> to vector<16xf32>
        %mul3A_873 = arith.mulf %get3A_866, %get3A_872 : vector<16xf32>
        %add3A_874 = arith.addf %scan3A_659, %mul3A_873 : vector<16xf32>
        %add3A_875 = arith.constant 15 : i32
        %add3A_876 = arith.addi %mul3A_69, %add3A_875 : i32
        %get3A_877 = arith.index_cast %add3A_876 : i32 to index
        %get3A_878 = arith.index_cast %mul3A_662 : i32 to index
        %get3A_879 = tpu.vector_load %arg9[%get3A_877, %get3A_878] {strides = array<i32>} : memref<80x128xf32, #tpu.memory_space<vmem>>, vector<1x16xf32>,
        %get3A_880 = vector.shape_cast %get3A_879 : vector<1x16xf32> to vector<16xf32>
        %add3A_881 = arith.constant 15 : i32
        %add3A_882 = arith.addi %mul3A_69, %add3A_881 : i32
        %get3A_883 = arith.index_cast %add3A_882 : i32 to index
        %get3A_884 = arith.index_cast %mul3A_662 : i32 to index
        %get3A_885 = tpu.vector_load %arg11[%get3A_883, %get3A_884] {strides = array<i32>} : memref<80x128xf32, #tpu.memory_space<vmem>>, vector<1x16xf32>,
        %get3A_886 = vector.shape_cast %get3A_885 : vector<1x16xf32> to vector<16xf32>
        %mul3A_887 = arith.mulf %get3A_880, %get3A_886 : vector<16xf32>
        %add3A_888 = arith.addf %scan3A_660, %mul3A_887 : vector<16xf32>
        %add3A_889 = arith.constant 0 : i32
        %add3A_890 = arith.addi %mul3A_69, %add3A_889 : i32
        %get3A_891 = arith.index_cast %add3A_890 : i32 to index
        %get3A_892 = arith.index_cast %add3A_664 : i32 to index
        %get3A_893 = tpu.vector_load %arg9[%get3A_891, %get3A_892] {strides = array<i32>} : memref<80x128xf32, #tpu.memory_space<vmem>>, vector<1x16xf32>,
        %get3A_894 = vector.shape_cast %get3A_893 : vector<1x16xf32> to vector<16xf32>
        %add3A_895 = arith.constant 0 : i32
        %add3A_896 = arith.addi %mul3A_69, %add3A_895 : i32
        %get3A_897 = arith.index_cast %add3A_896 : i32 to index
        %get3A_898 = arith.index_cast %add3A_664 : i32 to index
        %get3A_899 = tpu.vector_load %arg11[%get3A_897, %get3A_898] {strides = array<i32>} : memref<80x128xf32, #tpu.memory_space<vmem>>, vector<1x16xf32>,
        %get3A_900 = vector.shape_cast %get3A_899 : vector<1x16xf32> to vector<16xf32>
        %mul3A_901 = arith.mulf %get3A_894, %get3A_900 : vector<16xf32>
        %add3A_902 = arith.addf %add3A_678, %mul3A_901 : vector<16xf32>
        %add3A_903 = arith.constant 1 : i32
        %add3A_904 = arith.addi %mul3A_69, %add3A_903 : i32
        %get3A_905 = arith.index_cast %add3A_904 : i32 to index
        %get3A_906 = arith.index_cast %add3A_664 : i32 to index
        %get3A_907 = tpu.vector_load %arg9[%get3A_905, %get3A_906] {strides = array<i32>} : memref<80x128xf32, #tpu.memory_space<vmem>>, vector<1x16xf32>,
        %get3A_908 = vector.shape_cast %get3A_907 : vector<1x16xf32> to vector<16xf32>
        %add3A_909 = arith.constant 1 : i32
        %add3A_910 = arith.addi %mul3A_69, %add3A_909 : i32
        %get3A_911 = arith.index_cast %add3A_910 : i32 to index
        %get3A_912 = arith.index_cast %add3A_664 : i32 to index
        %get3A_913 = tpu.vector_load %arg11[%get3A_911, %get3A_912] {strides = array<i32>} : memref<80x128xf32, #tpu.memory_space<vmem>>, vector<1x16xf32>,
        %get3A_914 = vector.shape_cast %get3A_913 : vector<1x16xf32> to vector<16xf32>
        %mul3A_915 = arith.mulf %get3A_908, %get3A_914 : vector<16xf32>
        %add3A_916 = arith.addf %add3A_692, %mul3A_915 : vector<16xf32>
        %add3A_917 = arith.constant 2 : i32
        %add3A_918 = arith.addi %mul3A_69, %add3A_917 : i32
        %get3A_919 = arith.index_cast %add3A_918 : i32 to index
        %get3A_920 = arith.index_cast %add3A_664 : i32 to index
        %get3A_921 = tpu.vector_load %arg9[%get3A_919, %get3A_920] {strides = array<i32>} : memref<80x128xf32, #tpu.memory_space<vmem>>, vector<1x16xf32>,
        %get3A_922 = vector.shape_cast %get3A_921 : vector<1x16xf32> to vector<16xf32>
        %add3A_923 = arith.constant 2 : i32
        %add3A_924 = arith.addi %mul3A_69, %add3A_923 : i32
        %get3A_925 = arith.index_cast %add3A_924 : i32 to index
        %get3A_926 = arith.index_cast %add3A_664 : i32 to index
        %get3A_927 = tpu.vector_load %arg11[%get3A_925, %get3A_926] {strides = array<i32>} : memref<80x128xf32, #tpu.memory_space<vmem>>, vector<1x16xf32>,
        %get3A_928 = vector.shape_cast %get3A_927 : vector<1x16xf32> to vector<16xf32>
        %mul3A_929 = arith.mulf %get3A_922, %get3A_928 : vector<16xf32>
        %add3A_930 = arith.addf %add3A_706, %mul3A_929 : vector<16xf32>
        %add3A_931 = arith.constant 3 : i32
        %add3A_932 = arith.addi %mul3A_69, %add3A_931 : i32
        %get3A_933 = arith.index_cast %add3A_932 : i32 to index
        %get3A_934 = arith.index_cast %add3A_664 : i32 to index
        %get3A_935 = tpu.vector_load %arg9[%get3A_933, %get3A_934] {strides = array<i32>} : memref<80x128xf32, #tpu.memory_space<vmem>>, vector<1x16xf32>,
        %get3A_936 = vector.shape_cast %get3A_935 : vector<1x16xf32> to vector<16xf32>
        %add3A_937 = arith.constant 3 : i32
        %add3A_938 = arith.addi %mul3A_69, %add3A_937 : i32
        %get3A_939 = arith.index_cast %add3A_938 : i32 to index
        %get3A_940 = arith.index_cast %add3A_664 : i32 to index
        %get3A_941 = tpu.vector_load %arg11[%get3A_939, %get3A_940] {strides = array<i32>} : memref<80x128xf32, #tpu.memory_space<vmem>>, vector<1x16xf32>,
        %get3A_942 = vector.shape_cast %get3A_941 : vector<1x16xf32> to vector<16xf32>
        %mul3A_943 = arith.mulf %get3A_936, %get3A_942 : vector<16xf32>
        %add3A_944 = arith.addf %add3A_720, %mul3A_943 : vector<16xf32>
        %add3A_945 = arith.constant 4 : i32
        %add3A_946 = arith.addi %mul3A_69, %add3A_945 : i32
        %get3A_947 = arith.index_cast %add3A_946 : i32 to index
        %get3A_948 = arith.index_cast %add3A_664 : i32 to index
        %get3A_949 = tpu.vector_load %arg9[%get3A_947, %get3A_948] {strides = array<i32>} : memref<80x128xf32, #tpu.memory_space<vmem>>, vector<1x16xf32>,
        %get3A_950 = vector.shape_cast %get3A_949 : vector<1x16xf32> to vector<16xf32>
        %add3A_951 = arith.constant 4 : i32
        %add3A_952 = arith.addi %mul3A_69, %add3A_951 : i32
        %get3A_953 = arith.index_cast %add3A_952 : i32 to index
        %get3A_954 = arith.index_cast %add3A_664 : i32 to index
        %get3A_955 = tpu.vector_load %arg11[%get3A_953, %get3A_954] {strides = array<i32>} : memref<80x128xf32, #tpu.memory_space<vmem>>, vector<1x16xf32>,
        %get3A_956 = vector.shape_cast %get3A_955 : vector<1x16xf32> to vector<16xf32>
        %mul3A_957 = arith.mulf %get3A_950, %get3A_956 : vector<16xf32>
        %add3A_958 = arith.addf %add3A_734, %mul3A_957 : vector<16xf32>
        %add3A_959 = arith.constant 5 : i32
        %add3A_960 = arith.addi %mul3A_69, %add3A_959 : i32
        %get3A_961 = arith.index_cast %add3A_960 : i32 to index
        %get3A_962 = arith.index_cast %add3A_664 : i32 to index
        %get3A_963 = tpu.vector_load %arg9[%get3A_961, %get3A_962] {strides = array<i32>} : memref<80x128xf32, #tpu.memory_space<vmem>>, vector<1x16xf32>,
        %get3A_964 = vector.shape_cast %get3A_963 : vector<1x16xf32> to vector<16xf32>
        %add3A_965 = arith.constant 5 : i32
        %add3A_966 = arith.addi %mul3A_69, %add3A_965 : i32
        %get3A_967 = arith.index_cast %add3A_966 : i32 to index
        %get3A_968 = arith.index_cast %add3A_664 : i32 to index
        %get3A_969 = tpu.vector_load %arg11[%get3A_967, %get3A_968] {strides = array<i32>} : memref<80x128xf32, #tpu.memory_space<vmem>>, vector<1x16xf32>,
        %get3A_970 = vector.shape_cast %get3A_969 : vector<1x16xf32> to vector<16xf32>
        %mul3A_971 = arith.mulf %get3A_964, %get3A_970 : vector<16xf32>
        %add3A_972 = arith.addf %add3A_748, %mul3A_971 : vector<16xf32>
        %add3A_973 = arith.constant 6 : i32
        %add3A_974 = arith.addi %mul3A_69, %add3A_973 : i32
        %get3A_975 = arith.index_cast %add3A_974 : i32 to index
        %get3A_976 = arith.index_cast %add3A_664 : i32 to index
        %get3A_977 = tpu.vector_load %arg9[%get3A_975, %get3A_976] {strides = array<i32>} : memref<80x128xf32, #tpu.memory_space<vmem>>, vector<1x16xf32>,
        %get3A_978 = vector.shape_cast %get3A_977 : vector<1x16xf32> to vector<16xf32>
        %add3A_979 = arith.constant 6 : i32
        %add3A_980 = arith.addi %mul3A_69, %add3A_979 : i32
        %get3A_981 = arith.index_cast %add3A_980 : i32 to index
        %get3A_982 = arith.index_cast %add3A_664 : i32 to index
        %get3A_983 = tpu.vector_load %arg11[%get3A_981, %get3A_982] {strides = array<i32>} : memref<80x128xf32, #tpu.memory_space<vmem>>, vector<1x16xf32>,
        %get3A_984 = vector.shape_cast %get3A_983 : vector<1x16xf32> to vector<16xf32>
        %mul3A_985 = arith.mulf %get3A_978, %get3A_984 : vector<16xf32>
        %add3A_986 = arith.addf %add3A_762, %mul3A_985 : vector<16xf32>
        %add3A_987 = arith.constant 7 : i32
        %add3A_988 = arith.addi %mul3A_69, %add3A_987 : i32
        %get3A_989 = arith.index_cast %add3A_988 : i32 to index
        %get3A_990 = arith.index_cast %add3A_664 : i32 to index
        %get3A_991 = tpu.vector_load %arg9[%get3A_989, %get3A_990] {strides = array<i32>} : memref<80x128xf32, #tpu.memory_space<vmem>>, vector<1x16xf32>,
        %get3A_992 = vector.shape_cast %get3A_991 : vector<1x16xf32> to vector<16xf32>
        %add3A_993 = arith.constant 7 : i32
        %add3A_994 = arith.addi %mul3A_69, %add3A_993 : i32
        %get3A_995 = arith.index_cast %add3A_994 : i32 to index
        %get3A_996 = arith.index_cast %add3A_664 : i32 to index
        %get3A_997 = tpu.vector_load %arg11[%get3A_995, %get3A_996] {strides = array<i32>} : memref<80x128xf32, #tpu.memory_space<vmem>>, vector<1x16xf32>,
        %get3A_998 = vector.shape_cast %get3A_997 : vector<1x16xf32> to vector<16xf32>
        %mul3A_999 = arith.mulf %get3A_992, %get3A_998 : vector<16xf32>
        %add3A_1000 = arith.addf %add3A_776, %mul3A_999 : vector<16xf32>
        %add3A_1001 = arith.constant 8 : i32
        %add3A_1002 = arith.addi %mul3A_69, %add3A_1001 : i32
        %get3A_1003 = arith.index_cast %add3A_1002 : i32 to index
        %get3A_1004 = arith.index_cast %add3A_664 : i32 to index
        %get3A_1005 = tpu.vector_load %arg9[%get3A_1003, %get3A_1004] {strides = array<i32>} : memref<80x128xf32, #tpu.memory_space<vmem>>, vector<1x16xf32>,
        %get3A_1006 = vector.shape_cast %get3A_1005 : vector<1x16xf32> to vector<16xf32>
        %add3A_1007 = arith.constant 8 : i32
        %add3A_1008 = arith.addi %mul3A_69, %add3A_1007 : i32
        %get3A_1009 = arith.index_cast %add3A_1008 : i32 to index
        %get3A_1010 = arith.index_cast %add3A_664 : i32 to index
        %get3A_1011 = tpu.vector_load %arg11[%get3A_1009, %get3A_1010] {strides = array<i32>} : memref<80x128xf32, #tpu.memory_space<vmem>>, vector<1x16xf32>,
        %get3A_1012 = vector.shape_cast %get3A_1011 : vector<1x16xf32> to vector<16xf32>
        %mul3A_1013 = arith.mulf %get3A_1006, %get3A_1012 : vector<16xf32>
        %add3A_1014 = arith.addf %add3A_790, %mul3A_1013 : vector<16xf32>
        %add3A_1015 = arith.constant 9 : i32
        %add3A_1016 = arith.addi %mul3A_69, %add3A_1015 : i32
        %get3A_1017 = arith.index_cast %add3A_1016 : i32 to index
        %get3A_1018 = arith.index_cast %add3A_664 : i32 to index
        %get3A_1019 = tpu.vector_load %arg9[%get3A_1017, %get3A_1018] {strides = array<i32>} : memref<80x128xf32, #tpu.memory_space<vmem>>, vector<1x16xf32>,
        %get3A_1020 = vector.shape_cast %get3A_1019 : vector<1x16xf32> to vector<16xf32>
        %add3A_1021 = arith.constant 9 : i32
        %add3A_1022 = arith.addi %mul3A_69, %add3A_1021 : i32
        %get3A_1023 = arith.index_cast %add3A_1022 : i32 to index
        %get3A_1024 = arith.index_cast %add3A_664 : i32 to index
        %get3A_1025 = tpu.vector_load %arg11[%get3A_1023, %get3A_1024] {strides = array<i32>} : memref<80x128xf32, #tpu.memory_space<vmem>>, vector<1x16xf32>,
        %get3A_1026 = vector.shape_cast %get3A_1025 : vector<1x16xf32> to vector<16xf32>
        %mul3A_1027 = arith.mulf %get3A_1020, %get3A_1026 : vector<16xf32>
        %add3A_1028 = arith.addf %add3A_804, %mul3A_1027 : vector<16xf32>
        %add3A_1029 = arith.constant 10 : i32
        %add3A_1030 = arith.addi %mul3A_69, %add3A_1029 : i32
        %get3A_1031 = arith.index_cast %add3A_1030 : i32 to index
        %get3A_1032 = arith.index_cast %add3A_664 : i32 to index
        %get3A_1033 = tpu.vector_load %arg9[%get3A_1031, %get3A_1032] {strides = array<i32>} : memref<80x128xf32, #tpu.memory_space<vmem>>, vector<1x16xf32>,
        %get3A_1034 = vector.shape_cast %get3A_1033 : vector<1x16xf32> to vector<16xf32>
        %add3A_1035 = arith.constant 10 : i32
        %add3A_1036 = arith.addi %mul3A_69, %add3A_1035 : i32
        %get3A_1037 = arith.index_cast %add3A_1036 : i32 to index
        %get3A_1038 = arith.index_cast %add3A_664 : i32 to index
        %get3A_1039 = tpu.vector_load %arg11[%get3A_1037, %get3A_1038] {strides = array<i32>} : memref<80x128xf32, #tpu.memory_space<vmem>>, vector<1x16xf32>,
        %get3A_1040 = vector.shape_cast %get3A_1039 : vector<1x16xf32> to vector<16xf32>
        %mul3A_1041 = arith.mulf %get3A_1034, %get3A_1040 : vector<16xf32>
        %add3A_1042 = arith.addf %add3A_818, %mul3A_1041 : vector<16xf32>
        %add3A_1043 = arith.constant 11 : i32
        %add3A_1044 = arith.addi %mul3A_69, %add3A_1043 : i32
        %get3A_1045 = arith.index_cast %add3A_1044 : i32 to index
        %get3A_1046 = arith.index_cast %add3A_664 : i32 to index
        %get3A_1047 = tpu.vector_load %arg9[%get3A_1045, %get3A_1046] {strides = array<i32>} : memref<80x128xf32, #tpu.memory_space<vmem>>, vector<1x16xf32>,
        %get3A_1048 = vector.shape_cast %get3A_1047 : vector<1x16xf32> to vector<16xf32>
        %add3A_1049 = arith.constant 11 : i32
        %add3A_1050 = arith.addi %mul3A_69, %add3A_1049 : i32
        %get3A_1051 = arith.index_cast %add3A_1050 : i32 to index
        %get3A_1052 = arith.index_cast %add3A_664 : i32 to index
        %get3A_1053 = tpu.vector_load %arg11[%get3A_1051, %get3A_1052] {strides = array<i32>} : memref<80x128xf32, #tpu.memory_space<vmem>>, vector<1x16xf32>,
        %get3A_1054 = vector.shape_cast %get3A_1053 : vector<1x16xf32> to vector<16xf32>
        %mul3A_1055 = arith.mulf %get3A_1048, %get3A_1054 : vector<16xf32>
        %add3A_1056 = arith.addf %add3A_832, %mul3A_1055 : vector<16xf32>
        %add3A_1057 = arith.constant 12 : i32
        %add3A_1058 = arith.addi %mul3A_69, %add3A_1057 : i32
        %get3A_1059 = arith.index_cast %add3A_1058 : i32 to index
        %get3A_1060 = arith.index_cast %add3A_664 : i32 to index
        %get3A_1061 = tpu.vector_load %arg9[%get3A_1059, %get3A_1060] {strides = array<i32>} : memref<80x128xf32, #tpu.memory_space<vmem>>, vector<1x16xf32>,
        %get3A_1062 = vector.shape_cast %get3A_1061 : vector<1x16xf32> to vector<16xf32>
        %add3A_1063 = arith.constant 12 : i32
        %add3A_1064 = arith.addi %mul3A_69, %add3A_1063 : i32
        %get3A_1065 = arith.index_cast %add3A_1064 : i32 to index
        %get3A_1066 = arith.index_cast %add3A_664 : i32 to index
        %get3A_1067 = tpu.vector_load %arg11[%get3A_1065, %get3A_1066] {strides = array<i32>} : memref<80x128xf32, #tpu.memory_space<vmem>>, vector<1x16xf32>,
        %get3A_1068 = vector.shape_cast %get3A_1067 : vector<1x16xf32> to vector<16xf32>
        %mul3A_1069 = arith.mulf %get3A_1062, %get3A_1068 : vector<16xf32>
        %add3A_1070 = arith.addf %add3A_846, %mul3A_1069 : vector<16xf32>
        %add3A_1071 = arith.constant 13 : i32
        %add3A_1072 = arith.addi %mul3A_69, %add3A_1071 : i32
        %get3A_1073 = arith.index_cast %add3A_1072 : i32 to index
        %get3A_1074 = arith.index_cast %add3A_664 : i32 to index
        %get3A_1075 = tpu.vector_load %arg9[%get3A_1073, %get3A_1074] {strides = array<i32>} : memref<80x128xf32, #tpu.memory_space<vmem>>, vector<1x16xf32>,
        %get3A_1076 = vector.shape_cast %get3A_1075 : vector<1x16xf32> to vector<16xf32>
        %add3A_1077 = arith.constant 13 : i32
        %add3A_1078 = arith.addi %mul3A_69, %add3A_1077 : i32
        %get3A_1079 = arith.index_cast %add3A_1078 : i32 to index
        %get3A_1080 = arith.index_cast %add3A_664 : i32 to index
        %get3A_1081 = tpu.vector_load %arg11[%get3A_1079, %get3A_1080] {strides = array<i32>} : memref<80x128xf32, #tpu.memory_space<vmem>>, vector<1x16xf32>,
        %get3A_1082 = vector.shape_cast %get3A_1081 : vector<1x16xf32> to vector<16xf32>
        %mul3A_1083 = arith.mulf %get3A_1076, %get3A_1082 : vector<16xf32>
        %add3A_1084 = arith.addf %add3A_860, %mul3A_1083 : vector<16xf32>
        %add3A_1085 = arith.constant 14 : i32
        %add3A_1086 = arith.addi %mul3A_69, %add3A_1085 : i32
        %get3A_1087 = arith.index_cast %add3A_1086 : i32 to index
        %get3A_1088 = arith.index_cast %add3A_664 : i32 to index
        %get3A_1089 = tpu.vector_load %arg9[%get3A_1087, %get3A_1088] {strides = array<i32>} : memref<80x128xf32, #tpu.memory_space<vmem>>, vector<1x16xf32>,
        %get3A_1090 = vector.shape_cast %get3A_1089 : vector<1x16xf32> to vector<16xf32>
        %add3A_1091 = arith.constant 14 : i32
        %add3A_1092 = arith.addi %mul3A_69, %add3A_1091 : i32
        %get3A_1093 = arith.index_cast %add3A_1092 : i32 to index
        %get3A_1094 = arith.index_cast %add3A_664 : i32 to index
        %get3A_1095 = tpu.vector_load %arg11[%get3A_1093, %get3A_1094] {strides = array<i32>} : memref<80x128xf32, #tpu.memory_space<vmem>>, vector<1x16xf32>,
        %get3A_1096 = vector.shape_cast %get3A_1095 : vector<1x16xf32> to vector<16xf32>
        %mul3A_1097 = arith.mulf %get3A_1090, %get3A_1096 : vector<16xf32>
        %add3A_1098 = arith.addf %add3A_874, %mul3A_1097 : vector<16xf32>
        %add3A_1099 = arith.constant 15 : i32
        %add3A_1100 = arith.addi %mul3A_69, %add3A_1099 : i32
        %get3A_1101 = arith.index_cast %add3A_1100 : i32 to index
        %get3A_1102 = arith.index_cast %add3A_664 : i32 to index
        %get3A_1103 = tpu.vector_load %arg9[%get3A_1101, %get3A_1102] {strides = array<i32>} : memref<80x128xf32, #tpu.memory_space<vmem>>, vector<1x16xf32>,
        %get3A_1104 = vector.shape_cast %get3A_1103 : vector<1x16xf32> to vector<16xf32>
        %add3A_1105 = arith.constant 15 : i32
        %add3A_1106 = arith.addi %mul3A_69, %add3A_1105 : i32
        %get3A_1107 = arith.index_cast %add3A_1106 : i32 to index
        %get3A_1108 = arith.index_cast %add3A_664 : i32 to index
        %get3A_1109 = tpu.vector_load %arg11[%get3A_1107, %get3A_1108] {strides = array<i32>} : memref<80x128xf32, #tpu.memory_space<vmem>>, vector<1x16xf32>,
        %get3A_1110 = vector.shape_cast %get3A_1109 : vector<1x16xf32> to vector<16xf32>
        %mul3A_1111 = arith.mulf %get3A_1104, %get3A_1110 : vector<16xf32>
        %add3A_1112 = arith.addf %add3A_888, %mul3A_1111 : vector<16xf32>
        scf.yield %add3A_902, %add3A_916, %add3A_930, %add3A_944, %add3A_958, %add3A_972, %add3A_986, %add3A_1000, %add3A_1014, %add3A_1028, %add3A_1042, %add3A_1056, %add3A_1070, %add3A_1084, %add3A_1098, %add3A_1112 : vector<16xf32>, vector<16xf32>, vector<16xf32>, vector<16xf32>, vector<16xf32>, vector<16xf32>, vector<16xf32>, vector<16xf32>, vector<16xf32>, vector<16xf32>, vector<16xf32>, vector<16xf32>, vector<16xf32>, vector<16xf32>, vector<16xf32>, vector<16xf32>
      }
      %scan3A_506 = arith.constant 3 : i32
      %select_n3A = arith.select %ne3A_31, %scan3A_505#8, %scan3A_505#0 : vector<16xi1>, vector<16xf32>
      %broadcast_in_dim3A = vector.shape_cast %xor3A_51 : vector<16xi32> to vector<16x1xi32>
      %gather3A = vector.shape_cast %broadcast_in_dim3A : vector<16x1xi32> to vector<16xi32>
      %gather3A_507 = tpu.dynamic_gather %scan3A_505#8[%gather3A] in [0] : vector<16xf32>, vector<16xi32> -> vector<16xf32>
      %broadcast_in_dim3A_508 = vector.shape_cast %xor3A_51 : vector<16xi32> to vector<16x1xi32>
      %gather3A_509 = vector.shape_cast %broadcast_in_dim3A_508 : vector<16x1xi32> to vector<16xi32>
      %gather3A_510 = tpu.dynamic_gather %scan3A_505#0[%gather3A_509] in [0] : vector<16xf32>, vector<16xi32> -> vector<16xf32>
      %select_n3A_511 = arith.select %ne3A_31, %gather3A_507, %gather3A_510 : vector<16xi1>, vector<16xf32>
      %add3A_512 = arith.addf %select_n3A, %select_n3A_511 : vector<16xf32>
      %select_n3A_513 = arith.select %ne3A_31, %scan3A_505#9, %scan3A_505#1 : vector<16xi1>, vector<16xf32>
      %broadcast_in_dim3A_514 = vector.shape_cast %xor3A_51 : vector<16xi32> to vector<16x1xi32>
      %gather3A_515 = vector.shape_cast %broadcast_in_dim3A_514 : vector<16x1xi32> to vector<16xi32>
      %gather3A_516 = tpu.dynamic_gather %scan3A_505#9[%gather3A_515] in [0] : vector<16xf32>, vector<16xi32> -> vector<16xf32>
      %broadcast_in_dim3A_517 = vector.shape_cast %xor3A_51 : vector<16xi32> to vector<16x1xi32>
      %gather3A_518 = vector.shape_cast %broadcast_in_dim3A_517 : vector<16x1xi32> to vector<16xi32>
      %gather3A_519 = tpu.dynamic_gather %scan3A_505#1[%gather3A_518] in [0] : vector<16xf32>, vector<16xi32> -> vector<16xf32>
      %select_n3A_520 = arith.select %ne3A_31, %gather3A_516, %gather3A_519 : vector<16xi1>, vector<16xf32>
      %add3A_521 = arith.addf %select_n3A_513, %select_n3A_520 : vector<16xf32>
      %select_n3A_522 = arith.select %ne3A_31, %scan3A_505#10, %scan3A_505#2 : vector<16xi1>, vector<16xf32>
      %broadcast_in_dim3A_523 = vector.shape_cast %xor3A_51 : vector<16xi32> to vector<16x1xi32>
      %gather3A_524 = vector.shape_cast %broadcast_in_dim3A_523 : vector<16x1xi32> to vector<16xi32>
      %gather3A_525 = tpu.dynamic_gather %scan3A_505#10[%gather3A_524] in [0] : vector<16xf32>, vector<16xi32> -> vector<16xf32>
      %broadcast_in_dim3A_526 = vector.shape_cast %xor3A_51 : vector<16xi32> to vector<16x1xi32>
      %gather3A_527 = vector.shape_cast %broadcast_in_dim3A_526 : vector<16x1xi32> to vector<16xi32>
      %gather3A_528 = tpu.dynamic_gather %scan3A_505#2[%gather3A_527] in [0] : vector<16xf32>, vector<16xi32> -> vector<16xf32>
      %select_n3A_529 = arith.select %ne3A_31, %gather3A_525, %gather3A_528 : vector<16xi1>, vector<16xf32>
      %add3A_530 = arith.addf %select_n3A_522, %select_n3A_529 : vector<16xf32>
      %select_n3A_531 = arith.select %ne3A_31, %scan3A_505#11, %scan3A_505#3 : vector<16xi1>, vector<16xf32>
      %broadcast_in_dim3A_532 = vector.shape_cast %xor3A_51 : vector<16xi32> to vector<16x1xi32>
      %gather3A_533 = vector.shape_cast %broadcast_in_dim3A_532 : vector<16x1xi32> to vector<16xi32>
      %gather3A_534 = tpu.dynamic_gather %scan3A_505#11[%gather3A_533] in [0] : vector<16xf32>, vector<16xi32> -> vector<16xf32>
      %broadcast_in_dim3A_535 = vector.shape_cast %xor3A_51 : vector<16xi32> to vector<16x1xi32>
      %gather3A_536 = vector.shape_cast %broadcast_in_dim3A_535 : vector<16x1xi32> to vector<16xi32>
      %gather3A_537 = tpu.dynamic_gather %scan3A_505#3[%gather3A_536] in [0] : vector<16xf32>, vector<16xi32> -> vector<16xf32>
      %select_n3A_538 = arith.select %ne3A_31, %gather3A_534, %gather3A_537 : vector<16xi1>, vector<16xf32>
      %add3A_539 = arith.addf %select_n3A_531, %select_n3A_538 : vector<16xf32>
      %select_n3A_540 = arith.select %ne3A_31, %scan3A_505#12, %scan3A_505#4 : vector<16xi1>, vector<16xf32>
      %broadcast_in_dim3A_541 = vector.shape_cast %xor3A_51 : vector<16xi32> to vector<16x1xi32>
      %gather3A_542 = vector.shape_cast %broadcast_in_dim3A_541 : vector<16x1xi32> to vector<16xi32>
      %gather3A_543 = tpu.dynamic_gather %scan3A_505#12[%gather3A_542] in [0] : vector<16xf32>, vector<16xi32> -> vector<16xf32>
      %broadcast_in_dim3A_544 = vector.shape_cast %xor3A_51 : vector<16xi32> to vector<16x1xi32>
      %gather3A_545 = vector.shape_cast %broadcast_in_dim3A_544 : vector<16x1xi32> to vector<16xi32>
      %gather3A_546 = tpu.dynamic_gather %scan3A_505#4[%gather3A_545] in [0] : vector<16xf32>, vector<16xi32> -> vector<16xf32>
      %select_n3A_547 = arith.select %ne3A_31, %gather3A_543, %gather3A_546 : vector<16xi1>, vector<16xf32>
      %add3A_548 = arith.addf %select_n3A_540, %select_n3A_547 : vector<16xf32>
      %select_n3A_549 = arith.select %ne3A_31, %scan3A_505#13, %scan3A_505#5 : vector<16xi1>, vector<16xf32>
      %broadcast_in_dim3A_550 = vector.shape_cast %xor3A_51 : vector<16xi32> to vector<16x1xi32>
      %gather3A_551 = vector.shape_cast %broadcast_in_dim3A_550 : vector<16x1xi32> to vector<16xi32>
      %gather3A_552 = tpu.dynamic_gather %scan3A_505#13[%gather3A_551] in [0] : vector<16xf32>, vector<16xi32> -> vector<16xf32>
      %broadcast_in_dim3A_553 = vector.shape_cast %xor3A_51 : vector<16xi32> to vector<16x1xi32>
      %gather3A_554 = vector.shape_cast %broadcast_in_dim3A_553 : vector<16x1xi32> to vector<16xi32>
      %gather3A_555 = tpu.dynamic_gather %scan3A_505#5[%gather3A_554] in [0] : vector<16xf32>, vector<16xi32> -> vector<16xf32>
      %select_n3A_556 = arith.select %ne3A_31, %gather3A_552, %gather3A_555 : vector<16xi1>, vector<16xf32>
      %add3A_557 = arith.addf %select_n3A_549, %select_n3A_556 : vector<16xf32>
      %select_n3A_558 = arith.select %ne3A_31, %scan3A_505#14, %scan3A_505#6 : vector<16xi1>, vector<16xf32>
      %broadcast_in_dim3A_559 = vector.shape_cast %xor3A_51 : vector<16xi32> to vector<16x1xi32>
      %gather3A_560 = vector.shape_cast %broadcast_in_dim3A_559 : vector<16x1xi32> to vector<16xi32>
      %gather3A_561 = tpu.dynamic_gather %scan3A_505#14[%gather3A_560] in [0] : vector<16xf32>, vector<16xi32> -> vector<16xf32>
      %broadcast_in_dim3A_562 = vector.shape_cast %xor3A_51 : vector<16xi32> to vector<16x1xi32>
      %gather3A_563 = vector.shape_cast %broadcast_in_dim3A_562 : vector<16x1xi32> to vector<16xi32>
      %gather3A_564 = tpu.dynamic_gather %scan3A_505#6[%gather3A_563] in [0] : vector<16xf32>, vector<16xi32> -> vector<16xf32>
      %select_n3A_565 = arith.select %ne3A_31, %gather3A_561, %gather3A_564 : vector<16xi1>, vector<16xf32>
      %add3A_566 = arith.addf %select_n3A_558, %select_n3A_565 : vector<16xf32>
      %select_n3A_567 = arith.select %ne3A_31, %scan3A_505#15, %scan3A_505#7 : vector<16xi1>, vector<16xf32>
      %broadcast_in_dim3A_568 = vector.shape_cast %xor3A_51 : vector<16xi32> to vector<16x1xi32>
      %gather3A_569 = vector.shape_cast %broadcast_in_dim3A_568 : vector<16x1xi32> to vector<16xi32>
      %gather3A_570 = tpu.dynamic_gather %scan3A_505#15[%gather3A_569] in [0] : vector<16xf32>, vector<16xi32> -> vector<16xf32>
      %broadcast_in_dim3A_571 = vector.shape_cast %xor3A_51 : vector<16xi32> to vector<16x1xi32>
      %gather3A_572 = vector.shape_cast %broadcast_in_dim3A_571 : vector<16x1xi32> to vector<16xi32>
      %gather3A_573 = tpu.dynamic_gather %scan3A_505#7[%gather3A_572] in [0] : vector<16xf32>, vector<16xi32> -> vector<16xf32>
      %select_n3A_574 = arith.select %ne3A_31, %gather3A_570, %gather3A_573 : vector<16xi1>, vector<16xf32>
      %add3A_575 = arith.addf %select_n3A_567, %select_n3A_574 : vector<16xf32>
      %select_n3A_576 = arith.select %ne3A_37, %add3A_548, %add3A_512 : vector<16xi1>, vector<16xf32>
      %broadcast_in_dim3A_577 = vector.shape_cast %xor3A_54 : vector<16xi32> to vector<16x1xi32>
      %gather3A_578 = vector.shape_cast %broadcast_in_dim3A_577 : vector<16x1xi32> to vector<16xi32>
      %gather3A_579 = tpu.dynamic_gather %add3A_548[%gather3A_578] in [0] : vector<16xf32>, vector<16xi32> -> vector<16xf32>
      %broadcast_in_dim3A_580 = vector.shape_cast %xor3A_54 : vector<16xi32> to vector<16x1xi32>
      %gather3A_581 = vector.shape_cast %broadcast_in_dim3A_580 : vector<16x1xi32> to vector<16xi32>
      %gather3A_582 = tpu.dynamic_gather %add3A_512[%gather3A_581] in [0] : vector<16xf32>, vector<16xi32> -> vector<16xf32>
      %select_n3A_583 = arith.select %ne3A_37, %gather3A_579, %gather3A_582 : vector<16xi1>, vector<16xf32>
      %add3A_584 = arith.addf %select_n3A_576, %select_n3A_583 : vector<16xf32>
      %select_n3A_585 = arith.select %ne3A_37, %add3A_557, %add3A_521 : vector<16xi1>, vector<16xf32>
      %broadcast_in_dim3A_586 = vector.shape_cast %xor3A_54 : vector<16xi32> to vector<16x1xi32>
      %gather3A_587 = vector.shape_cast %broadcast_in_dim3A_586 : vector<16x1xi32> to vector<16xi32>
      %gather3A_588 = tpu.dynamic_gather %add3A_557[%gather3A_587] in [0] : vector<16xf32>, vector<16xi32> -> vector<16xf32>
      %broadcast_in_dim3A_589 = vector.shape_cast %xor3A_54 : vector<16xi32> to vector<16x1xi32>
      %gather3A_590 = vector.shape_cast %broadcast_in_dim3A_589 : vector<16x1xi32> to vector<16xi32>
      %gather3A_591 = tpu.dynamic_gather %add3A_521[%gather3A_590] in [0] : vector<16xf32>, vector<16xi32> -> vector<16xf32>
      %select_n3A_592 = arith.select %ne3A_37, %gather3A_588, %gather3A_591 : vector<16xi1>, vector<16xf32>
      %add3A_593 = arith.addf %select_n3A_585, %select_n3A_592 : vector<16xf32>
      %select_n3A_594 = arith.select %ne3A_37, %add3A_566, %add3A_530 : vector<16xi1>, vector<16xf32>
      %broadcast_in_dim3A_595 = vector.shape_cast %xor3A_54 : vector<16xi32> to vector<16x1xi32>
      %gather3A_596 = vector.shape_cast %broadcast_in_dim3A_595 : vector<16x1xi32> to vector<16xi32>
      %gather3A_597 = tpu.dynamic_gather %add3A_566[%gather3A_596] in [0] : vector<16xf32>, vector<16xi32> -> vector<16xf32>
      %broadcast_in_dim3A_598 = vector.shape_cast %xor3A_54 : vector<16xi32> to vector<16x1xi32>
      %gather3A_599 = vector.shape_cast %broadcast_in_dim3A_598 : vector<16x1xi32> to vector<16xi32>
      %gather3A_600 = tpu.dynamic_gather %add3A_530[%gather3A_599] in [0] : vector<16xf32>, vector<16xi32> -> vector<16xf32>
      %select_n3A_601 = arith.select %ne3A_37, %gather3A_597, %gather3A_600 : vector<16xi1>, vector<16xf32>
      %add3A_602 = arith.addf %select_n3A_594, %select_n3A_601 : vector<16xf32>
      %select_n3A_603 = arith.select %ne3A_37, %add3A_575, %add3A_539 : vector<16xi1>, vector<16xf32>
      %broadcast_in_dim3A_604 = vector.shape_cast %xor3A_54 : vector<16xi32> to vector<16x1xi32>
      %gather3A_605 = vector.shape_cast %broadcast_in_dim3A_604 : vector<16x1xi32> to vector<16xi32>
      %gather3A_606 = tpu.dynamic_gather %add3A_575[%gather3A_605] in [0] : vector<16xf32>, vector<16xi32> -> vector<16xf32>
      %broadcast_in_dim3A_607 = vector.shape_cast %xor3A_54 : vector<16xi32> to vector<16x1xi32>
      %gather3A_608 = vector.shape_cast %broadcast_in_dim3A_607 : vector<16x1xi32> to vector<16xi32>
      %gather3A_609 = tpu.dynamic_gather %add3A_539[%gather3A_608] in [0] : vector<16xf32>, vector<16xi32> -> vector<16xf32>
      %select_n3A_610 = arith.select %ne3A_37, %gather3A_606, %gather3A_609 : vector<16xi1>, vector<16xf32>
      %add3A_611 = arith.addf %select_n3A_603, %select_n3A_610 : vector<16xf32>
      %select_n3A_612 = arith.select %ne3A_43, %add3A_602, %add3A_584 : vector<16xi1>, vector<16xf32>
      %broadcast_in_dim3A_613 = vector.shape_cast %xor3A_57 : vector<16xi32> to vector<16x1xi32>
      %gather3A_614 = vector.shape_cast %broadcast_in_dim3A_613 : vector<16x1xi32> to vector<16xi32>
      %gather3A_615 = tpu.dynamic_gather %add3A_602[%gather3A_614] in [0] : vector<16xf32>, vector<16xi32> -> vector<16xf32>
      %broadcast_in_dim3A_616 = vector.shape_cast %xor3A_57 : vector<16xi32> to vector<16x1xi32>
      %gather3A_617 = vector.shape_cast %broadcast_in_dim3A_616 : vector<16x1xi32> to vector<16xi32>
      %gather3A_618 = tpu.dynamic_gather %add3A_584[%gather3A_617] in [0] : vector<16xf32>, vector<16xi32> -> vector<16xf32>
      %select_n3A_619 = arith.select %ne3A_43, %gather3A_615, %gather3A_618 : vector<16xi1>, vector<16xf32>
      %add3A_620 = arith.addf %select_n3A_612, %select_n3A_619 : vector<16xf32>
      %select_n3A_621 = arith.select %ne3A_43, %add3A_611, %add3A_593 : vector<16xi1>, vector<16xf32>
      %broadcast_in_dim3A_622 = vector.shape_cast %xor3A_57 : vector<16xi32> to vector<16x1xi32>
      %gather3A_623 = vector.shape_cast %broadcast_in_dim3A_622 : vector<16x1xi32> to vector<16xi32>
      %gather3A_624 = tpu.dynamic_gather %add3A_611[%gather3A_623] in [0] : vector<16xf32>, vector<16xi32> -> vector<16xf32>
      %broadcast_in_dim3A_625 = vector.shape_cast %xor3A_57 : vector<16xi32> to vector<16x1xi32>
      %gather3A_626 = vector.shape_cast %broadcast_in_dim3A_625 : vector<16x1xi32> to vector<16xi32>
      %gather3A_627 = tpu.dynamic_gather %add3A_593[%gather3A_626] in [0] : vector<16xf32>, vector<16xi32> -> vector<16xf32>
      %select_n3A_628 = arith.select %ne3A_43, %gather3A_624, %gather3A_627 : vector<16xi1>, vector<16xf32>
      %add3A_629 = arith.addf %select_n3A_621, %select_n3A_628 : vector<16xf32>
      %select_n3A_630 = arith.select %ne3A_49, %add3A_629, %add3A_620 : vector<16xi1>, vector<16xf32>
      %broadcast_in_dim3A_631 = vector.shape_cast %xor3A_60 : vector<16xi32> to vector<16x1xi32>
      %gather3A_632 = vector.shape_cast %broadcast_in_dim3A_631 : vector<16x1xi32> to vector<16xi32>
      %gather3A_633 = tpu.dynamic_gather %add3A_629[%gather3A_632] in [0] : vector<16xf32>, vector<16xi32> -> vector<16xf32>
      %broadcast_in_dim3A_634 = vector.shape_cast %xor3A_60 : vector<16xi32> to vector<16x1xi32>
      %gather3A_635 = vector.shape_cast %broadcast_in_dim3A_634 : vector<16x1xi32> to vector<16xi32>
      %gather3A_636 = tpu.dynamic_gather %add3A_620[%gather3A_635] in [0] : vector<16xf32>, vector<16xi32> -> vector<16xf32>
      %select_n3A_637 = arith.select %ne3A_49, %gather3A_633, %gather3A_636 : vector<16xi1>, vector<16xf32>
      %add3A_638 = arith.addf %select_n3A_630, %select_n3A_637 : vector<16xf32>
      %add3A_639 = arith.constant 9920 : i32
      %add3A_640 = arith.addi %add3A_639, %mul3A_69 : i32
      %swap3A = arith.index_cast %add3A_640 : i32 to index
      %swap3A_641 = tpu.vector_load %arg13[%swap3A] {strides = array<i32>} : memref<10000xf32, #tpu.memory_space<vmem>>, vector<16xf32>,
      %swap3A_642 = vector.shape_cast %swap3A_641 : vector<16xf32> to vector<16xf32>
      %swap3A_643 = vector.shape_cast %add3A_638 : vector<16xf32> to vector<16xf32>
      tpu.vector_store %arg13[%swap3A], %swap3A_643 {strides = array<i32>} : memref<10000xf32, #tpu.memory_space<vmem>>, vector<16xf32>,
    }
    %scan3A_66 = arith.constant 5 : i32
    "tpu.region"() ({
      %run_scoped3A = tpu.sem_alloc : memref<!tpu.dma_semaphore, #tpu.memory_space<semaphore_mem>>
      %dma_start3A_67 = tpu.memref_slice %arg6[%mul3A_2] : memref<320000xf32, #tpu.memory_space<hbm>> -> memref<10000xf32, #tpu.memory_space<hbm>>
      %dma_start3A_68 = tpu.memref_slice %arg6[%mul3A_2] : memref<320000xf32, #tpu.memory_space<hbm>> -> memref<10000xf32, #tpu.memory_space<hbm>>
      tpu.enqueue_dma source(%arg13 : memref<10000xf32, #tpu.memory_space<vmem>>) target(%dma_start3A_68 : memref<10000xf32, #tpu.memory_space<hbm>>) target_semaphore(%run_scoped3A : memref<!tpu.dma_semaphore, #tpu.memory_space<semaphore_mem>>)
      %dma_wait3A_69 = tpu.memref_slice %arg6[%mul3A_2] : memref<320000xf32, #tpu.memory_space<hbm>> -> memref<10000xf32, #tpu.memory_space<hbm>>
      %dma_wait3A_70 = tpu.memref_slice %arg6[%mul3A_2] : memref<320000xf32, #tpu.memory_space<hbm>> -> memref<10000xf32, #tpu.memory_space<hbm>>
      tpu.wait_dma2 semaphore(%run_scoped3A : memref<!tpu.dma_semaphore, #tpu.memory_space<semaphore_mem>>) src(%arg13 : memref<10000xf32, #tpu.memory_space<vmem>>) dst(%dma_wait3A_70 : memref<10000xf32, #tpu.memory_space<hbm>>)
      tpu.yield
    }) : () -> ()
    return
  }
}

</mosaic_0001>

<sc_bundles>
// kernel: kernel.3.cloned.1.call-start
scs
__scs_entry_jumppad:
0x0: {  	(pc) =	sbr.rel $0x88, $3  }
0x1: {  	(tag) =	ssettag $0x0;
	lr =	simm.s32 $0x1  }
0x2: {  	[smem:$0x3F9E] =	sst lr;
	_ =	strace $0xD0000000  }
0x3: {  	_ = 	snop  }
0x4: {  	_ = 	snop  }
0x5: {  	_ = 	snop  }
0x6: {  	_ = 	snop  }
0x7: {  	_ = 	snop  }
__scs_overlays_trampoline_lowered:
0x8: {  	[smem:$0x3FAD] =	sst s0  }
0x9: {  	[smem:$0x3FAE] =	sst s1  }
0xa: {  	[smem:$0x3FAF] =	sst s2  }
0xb: {  	[smem:$0x3FB0] =	sst s3  }
0xc: {  	[smem:$0x3FB1] =	sst s4  }
0xd: {  	[smem:$0x3FB2] =	sst s5  }
0xe: {  	[smem:$0x3FB3] =	sst s6  }
0xf: {  	[smem:$0x3FB4] =	sst s7  }
0x10: {  	[smem:$0x3FB5] =	sst s8  }
0x11: {  	[smem:$0x3FB6] =	sst s9;
	s0 =	simm.s32 @!p0 $0x0  }
0x12: {  	s1 =	sld [smem:$0x3F9C];
	s0 =	simm.s32 @p0 $0x1  }
0x13: {  	[smem:$0x3FB7] =	sst s0;
	s0 =	simm.s32 @!p1 $0x0  }
0x14: {  	s2 =	sld [smem:$0x3F9B];
	s0 =	simm.s32 @p1 $0x1  }
0x15: {  	[smem:$0x3FB8] =	sst s0;
	s0 =	simm.s32 @!p2 $0x0  }
0x16: {  	s3 =	sld [smem:$0x3FDB];
	s0 =	simm.s32 @p2 $0x1  }
0x17: {  	s4 =	simm.s32 $0x1BF5;
	[smem:$0x3FBA] =	sst s0  }
0x18: {  	s0 =	sld [smem:$0x3F9D];
	_ =	swait.ge [sflag:s4], $0x0  }
0x19: {  	s7 =	sld [smem:$0x3F9E]  }
0x1a: {  	s8 =	sadd.s32 $0xFFFFE003, lr  }
0x1b: {  	s9 =	sadd.s32 $0xFFFFFEF7, lr;
	s5 =	simm.s32 $0xFFFFFFFF;
	p2 =	slt.u32 s8, $0xFFFFF086  }
0x1c: {  	p1 =	slt.u32 s9, $0xF7A;
	s5 =	simm.s32 @!p2 $0x0  }
0x1d: {  	s5 =	simm.s32 @p1 $0x1;
	p0 =	seq.s32 s7, s2  }
0x1e: {  	s7 =	smul.u32 @!p0 $0xF7A, s2;
	p2 =	seq.s32 @!p0 s5, $0x0  }
0x1f: {  	s9 =	smul.u32 $0xF7A, s1;
	s8 =	simm.s32 @!p0 $0x1BF5;
	p2 =	por !p2, p0  }
0x20: {  	[sflag:s8] =	ssyncset.s32 @!p0 $0xFFFFF086;
	s6 =	sadd.s32 @!p0 s3, s7;
	s7 =	simm.s32 @!p0 $0x108  }
0x21: {  	s3 =	sadd.s32 s3, s9;
	s6 =	sadd.s32 @!p0 $0x88, s6;
	s7 =	simm.s32 @p2 $0x1082  }
0x22: {  	[simem:s7], [sflag:s8] =	dma.local @!p0 [hbm:s6], $0xF7A  }
0x23: {  	s9 =	sor.u32 $0xD0000000, s2;
	s6 =	simm.s32 $0x108;
	_ =	swait.ge @!p0 [sflag:s8], $0x0  }
0x24: {  	s3 =	sadd.s32 $0x88, s3;
	s6 =	simm.s32 @!p1 $0x1082;
	[sflag:s4] =	ssyncset.s32 $0xFFFFF086  }
0x25: {  	[simem:s6], [sflag:s4] =	dma.local [hbm:s3], $0xF7A  }
0x26: {  	[smem:$0x3F9E] =	sst s1;
	(tag) =	ssettag s2;
	_ =	strace s9  }
0x27: {  	s1 =	sld [smem:$0x3FAE]  }
0x28: {  	s2 =	sld [smem:$0x3FAF]  }
0x29: {  	s4 =	sld [smem:$0x3FB1]  }
0x2a: {  	p0 =	seq.s32 s5, $0x0;
	s5 =	sld [smem:$0x3FB2]  }
0x2b: {  	s6 =	sld [smem:$0x3FB3]  }
0x2c: {  	s7 =	sld [smem:$0x3FB4]  }
0x2d: {  	s3 =	simm.s32 $0x108;
	s8 =	sld [smem:$0x3FB5]  }
0x2e: {  	s3 =	simm.s32 @!p0 $0x1082;
	s9 =	sld [smem:$0x3FB6]  }
0x2f: {  	lr =	sadd.s32 s0, s3;
	s0 =	sld [smem:$0x3FAD]  }
0x30: {  	s3 =	sld [smem:$0x3FB0]  }
0x31: {  	[smem:$0x3FB9] =	sst s10  }
0x32: {  	s10 =	sld [smem:$0x3FB7];
	_ =	sdelay $0x3  }
0x33: {  	p0 =	seq.s32 s10, $0x1;
	s10 =	sld [smem:$0x3FB9];
	_ =	sdelay $0x3  }
0x34: {  	[smem:$0x3FB9] =	sst s10  }
0x35: {  	s10 =	sld [smem:$0x3FB8];
	_ =	sdelay $0x3  }
0x36: {  	p1 =	seq.s32 s10, $0x1;
	s10 =	sld [smem:$0x3FB9];
	_ =	sdelay $0x3  }
0x37: {  	[smem:$0x3FB9] =	sst s10  }
0x38: {  	s10 =	sld [smem:$0x3FBA]  }
0x39: {  	_ = 	snop;
	(pc) =	sbr.ind lr, $3  }
0x3a: {  	_ = 	snop  }
0x3b: {  	_ = 	snop  }
0x3c: {  	p2 =	seq.s32 s10, $0x1;
	s10 =	sld [smem:$0x3FB9]  }
0x3d: {  	_ =	shalt  }
0x3e: {  	_ =	shalt  }
0x3f: {  	_ =	shalt  }
0x40: {  	_ =	shalt  }
0x41: {  	_ =	shalt  }
0x42: {  	_ =	shalt  }
0x43: {  	_ =	shalt  }
0x44: {  	_ =	shalt  }
0x45: {  	_ =	shalt  }
0x46: {  	_ =	shalt  }
0x47: {  	_ =	shalt  }
0x48: {  	_ =	shalt  }
0x49: {  	_ =	shalt  }
0x4a: {  	_ =	shalt  }
0x4b: {  	_ =	shalt  }
0x4c: {  	_ =	shalt  }
0x4d: {  	_ =	shalt  }
0x4e: {  	_ =	shalt  }
0x4f: {  	_ =	shalt  }
0x50: {  	_ =	shalt  }
0x51: {  	_ =	shalt  }
0x52: {  	_ =	shalt  }
0x53: {  	_ =	shalt  }
0x54: {  	_ =	shalt  }
0x55: {  	_ =	shalt  }
0x56: {  	_ =	shalt  }
0x57: {  	_ =	shalt  }
0x58: {  	_ =	shalt  }
0x59: {  	_ =	shalt  }
0x5a: {  	_ =	shalt  }
0x5b: {  	_ =	shalt  }
0x5c: {  	_ =	shalt  }
0x5d: {  	_ =	shalt  }
0x5e: {  	_ =	shalt  }
0x5f: {  	_ =	shalt  }
0x60: {  	_ =	shalt  }
0x61: {  	_ =	shalt  }
0x62: {  	_ =	shalt  }
0x63: {  	_ =	shalt  }
0x64: {  	_ =	shalt  }
0x65: {  	_ =	shalt  }
0x66: {  	_ =	shalt  }
0x67: {  	_ =	shalt  }
0x68: {  	_ =	shalt  }
0x69: {  	_ =	shalt  }
0x6a: {  	_ =	shalt  }
0x6b: {  	_ =	shalt  }
0x6c: {  	_ =	shalt  }
0x6d: {  	_ =	shalt  }
0x6e: {  	_ =	shalt  }
0x6f: {  	_ =	shalt  }
0x70: {  	_ =	shalt  }
0x71: {  	_ =	shalt  }
0x72: {  	_ =	shalt  }
0x73: {  	_ =	shalt  }
0x74: {  	_ =	shalt  }
0x75: {  	_ =	shalt  }
0x76: {  	_ =	shalt  }
0x77: {  	_ =	shalt  }
0x78: {  	_ =	shalt  }
0x79: {  	_ =	shalt  }
0x7a: {  	_ =	shalt  }
0x7b: {  	_ =	shalt  }
0x7c: {  	_ =	shalt  }
0x7d: {  	_ =	shalt  }
0x7e: {  	_ =	shalt  }
0x7f: {  	_ =	shalt  }
0x80: {  	_ =	shalt  }
0x81: {  	_ =	shalt  }
0x82: {  	_ =	shalt  }
0x83: {  	_ =	shalt  }
0x84: {  	_ =	shalt  }
0x85: {  	_ =	shalt  }
0x86: {  	_ =	shalt  }
0x87: {  	_ =	shalt  }
.Lfunc_end0:
.L_simem_size_0:
called_computation_lowered:
.L_overlay_start_0:
0x88: {  	s2 =	sld [smem:$0x3FD9]  }
0x89: {  	s3 =	sld [smem:$0x3FFE];
	_ =	sdelay $0x1  }
0x8a: {  	s1 =	srdreg.scid  }
0x8b: {  	s0 =	sand.u32 $0x1, s1  }
0x8c: {  	s17 =	sshll.u32 s0, $0xA;
	s2 =	sadd.s32 s3, s2  }
0x8d: {  	s2 =	sadd.s32 s2, s17  }
0x8e: {  	[smem:$0x3FC5] =	sst s2  }
0x8f: {  	_ = 	snop  }
0x90: {  	s2 =	sld [smem:$0x3FC9]  }
0x91: {  	s18 =	sld [smem:$0x3FC8]  }
0x92: {  	s4 =	sld [smem:$0x3FD0];
	(tm) =	ssettm $0x1  }
0x93: {  	s5 =	sld [smem:$0x3FFB];
	_ =	sdelay $0x3  }
0x94: {  	_ =	strace s5  }
0x95: {  	s5 =	sld [smem:$0x3FFC];
	_ =	sdelay $0x3  }
0x96: {  	_ =	strace s5  }
0x97: {  	s5 =	sld [smem:$0x3FFD];
	_ =	sdelay $0x3  }
0x98: {  	_ =	strace s5  }
0x99: {  	_ =	strace $0x8FFFFFFF  }
0x9a: {  	s19 =	sld [smem:$0x3FDB];
	_ =	sdelay $0x1  }
0x9b: {  	s6 =	simm.s32 $_scs_section_size  }
0x9c: {  	s7 =	simm.s32 $_size__tile_overlayer_lowered;
	s8 =	simm.s32 $_tile_overlayer_lowered  }
0x9d: {  	s22 =	simm.s32 $0x1BFF;
	s21 =	sshll.u32 s8, $0x1;
	s5 =	sadd.s32 s6, s19  }
0x9e: {  	s9 =	simm.s32 $0x0;
	s20 =	sshll.u32 s7, $0x1;
	s7 =	sadd.s32 s21, s5  }
0x9f: {  	[timem:s9], [sflag:s22] =	dma.local [hbm:s7], s20  }
0xa0: {  	_ =	swait.ge [sflag:s22], s20  }
0xa1: {  	s6 =	ssub.s32 $0x0, s20;
	[sflag:s22] =	ssyncset.done $0x0  }
0xa2: {  	[sflag:s22] =	ssyncadd.s32 s6;
	_ =	sdelay $0x1  }
0xa3: {  	s23 =	simm.s32 $0x1B8B  }
0xa4: {  	_ =	swait.ge [sflag:s23], $0x1  }
0xa5: {  	[sflag:s23] =	ssyncset.done $0x0  }
0xa6: {  	s25 =	simm.s32 $0x1B8E;
	s24 =	sld [smem:$0x3FFE];
	[sflag:s23] =	ssyncadd.s32 $0xFFFFFFFF  }
0xa7: {  	s26 =	simm.s32 $execute0_lowered;
	[smem:$0x3FD2] =	sst s25  }
0xa8: {  	s7 =	sshll.u32 s26, $0x1;
	_ =	strace $0x80000046;
	[dreg:$0x1] =	wrdreg $0xFFFFFFFF  }
0xa9: {  	s28 =	simm.s32 $_size_execute0_lowered;
	s5 =	sadd.s32 s5, s7;
	[dreg:$0x0] =	wrdreg $0x0  }
0xaa: {  	s7 =	sshll.u32 s28, $0x1;
	[dreg:$0x2] =	wrdreg s5  }
0xab: {  	[dreg:$0x3] =	wrdreg s7  }
0xac: {  	[dreg:$0x4] =	wrdreg $0xC0  }
0xad: {  	_ =	task [dreg:s9], $0x5FFFF  }
0xae: {  	[dreg:$0x1] =	wrdreg $0xFFFFFFFF  }
0xaf: {  	[dreg:$0x0] =	wrdreg $0x60  }
0xb0: {  	[dreg:$0x2] =	wrdreg s2  }
0xb1: {  	[dreg:$0x3] =	wrdreg s18  }
0xb2: {  	[dreg:$0x4] =	wrdreg s24  }
0xb3: {  	[dreg:$0x5] =	wrdreg s4  }
0xb4: {  	[dreg:$0x6] =	wrdreg $0x9  }
0xb5: {  	_ =	task.clear_ibuf [dreg:s9], $0x7FFFF;
	_ =	strace $0x90000046  }
0xb6: {  	s29 =	simm.s32 $0x9;
	_ =	strace $0x80000048  }
0xb7: {  	_ =	swait.ge [sflag:s29], $0x1  }
0xb8: {  	[sflag:s29] =	ssyncadd.s32 $0xFFFFFFFF  }
0xb9: {  	_ =	strace $0x90000048  }
0xba: {  	_ =	sfence  }
0xbb: {  	s30 =	sld [smem:$0x0];
	_ =	sdelay $0x2  }
0xbc: {  	s31 =	sshll.u32 s1, $0xD;
	s1 =	sshrl.u32 s1, $0x2  }
0xbd: {  	s3 =	sand.u32 $0x4000, s31;
	s1 =	sadd.s32 s1, s30  }
0xbe: {  	s0 =	sor.u32 s3, s0;
	s1 =	sshll.u32 s1, $0x11  }
0xbf: {  	s0 =	sor.u32 s1, s0  }
0xc0: {  	s0 =	sadd.s32 $0x8F2B, s0  }
0xc1: {  	[sflag:s0] =	ssyncadd.remote.s32 $0x1  }
0xc2: {  	_ =	sfence.sel $0xFFFF  }
0xc3: {  	[dreg:$0x0] =	wrdreg $0xFFFFFFFF;
	(pc) =	sbr.abs _section_cstart, $3  }
0xc4: {  	[dreg:$0x1] =	wrdreg $0xFFFFFFFF  }
0xc5: {  	_ =	task.clear_ibuf [dreg:s9], $0x2FFFF;
	_ =	strace $0x9FFFFFFF  }
0xc6: {  	(tm) =	ssettm $0x7FFFFFFF  }
0xc7: {  	_ =	shalt  }
tec
execute0_lowered:
.L_overlay_start_1:
0x0: {  	(tag) =	ssettag $0x1  }
0x1: {  	v0 =	vimm.s32 $0xFEDCBA98  }
0x2: {  	v1 =	vimm.s32 $0x76543210;
	v2 =	vimm.s32 $0xBA98FEDC;
	v3 =	vimm.s32 $0x32107654  }
0x3: {  	vm0 =	vcmask $0x2F20;
	vm1 =	vcmask $0xF00;
	vm2 =	vcmask $0x700  }
0x4: {  	v59 =	vimm.s32 $0xDCFE98BA;
	vm3 =	vcmask $0xB08;
	vm4 =	vcmask $0x300  }
0x5: {  	v60 =	vimm.s32 $0x54761032;
	v61 =	vimm.s32 $0xEFCDAB89;
	v5 =	vimm.s32 $0x67452301  }
0x6: {  	v0 =	vunpack.c.l.s4.s8 v0;
	v1 =	vunpack.c.l.s4.s8 v1;
	v2 =	vunpack.c.l.s4.s8 v2  }
0x7: {  	v4 =	vunpack.c.l.s4.s8 v3;
	vm0 =	vmor vm1, vm0;
	vm1 =	vcmask $0x1710  }
0x8: {  	s0 =	rddreg [dreg:$0x0];
	vm3 =	vmor vm4, vm3;
	vm4 =	vcmask $0x1310;
	v0 =	vunpack.c.0.s8.s32 v0  }
0x9: {  	s2 =	rddreg [dreg:$0x1];
	v5 =	vunpack.c.l.s4.s8 v5;
	vm1 =	vmor vm2, vm1;
	v1 =	vunpack.c.0.s8.s32 v1  }
0xa: {  	s3 =	srdreg.scid;
	s6 =	rddreg [dreg:$0x2];
	vm2 =	vcmask $0x2720;
	vm3 =	vmor vm3, vm4;
	v0 =	vand.u32 $0xF, v0  }
0xb: {  	s1 =	stileid.u32;
	s7 =	rddreg [dreg:$0x3];
	s4 =	simm.s32 $0x0;
	vm4 =	vcmask $0x1B18;
	v57 =	vunpack.c.0.s8.s32 v2;
	v0 =	vcombine.low v0, v1  }
0xc: {  	s11 =	simm.s32 $0x50;
	s12 =	simm.s32 $0x4F00;
	s13 =	simm.s32 $0x9F00;
	v58 =	vunpack.c.0.s8.s32 v4;
	vm1 =	vmor vm1, vm2;
	v4 =	vunpack.c.l.s4.s8 v61  }
0xd: {  	s14 =	simm.s32 $0x7700;
	s15 =	simm.s32 $0xC700;
	s16 =	simm.s32 $0x1;
	v2 =	vunpack.c.l.s4.s8 v59;
	vm3 =	vmor vm3, vm4;
	[tilespmem:$0x1FFC0] =	vst v0;
	v0 =	vunpack.c.l.s4.s8 v60  }
0xe: {  	s17 =	simm.s32 $0x3;
	s18 =	simm.s32 $0x2;
	s19 =	simm.s32 $0x4;
	vm4 =	vcmask $0x2320;
	v5 =	vunpack.c.0.s8.s32 v5;
	v4 =	vunpack.c.0.s8.s32 v4  }
0xf: {  	s20 =	simm.s32 $0xEF00;
	s5 =	sand.u32 $0x1, s3;
	s31 =	sshll.u32 s1, $0x1;
	v2 =	vunpack.c.0.s8.s32 v2;
	v1 =	vcombine.low v58, v57;
	v0 =	vunpack.c.0.s8.s32 v0  }
0x10: {  	s21 =	simm.s32 $0x0;
	s3 =	sor.u32 s5, s31;
	s9 =	ssub.s32 $0x2, s5;
	vm2 =	vcmask $0x3730;
	vm3 =	vmor vm3, vm4;
	v62 =	vcombine.low v5, v4  }
0x11: {  	[smem:$0x7FF] =	sst s4;
	s8 =	smul.u32 $0x4E2, s3;
	s10 =	sshrl.u32 s9, $0x1;
	vm4 =	vcmask $0x2B28;
	v1 =	vand.u32 $0xF, v1;
	v2 =	vcombine.low v0, v2  }
0x12: {  	s3 =	rddreg [dreg:$0x4];
	s9 =	ssub.s32 s9, s10;
	vm3 =	vmor vm3, vm4;
	vm4 =	vcmask $0x3330;
	_ =	strace $0x80000047;
	[tilespmem:$0x1FFD0] =	vst v1;
	v0 =	vand.u32 $0xF, v62  }
0x13: {  	s10 =	simm.s32 $0x2780;
	s5 =	sadd.s32 s6, s8;
	s7 =	sadd.s32 s7, s8;
	vm3 =	vmor vm3, vm4;
	vm4 =	vcmask $0x3B38;
	[tilespmem:$0x1FFF0] =	vst v0;
	v63 =	vand.u32 $0xF, v2  }
0x14: {  	vm1 =	vmor vm1, vm2;
	vm2 =	vmmov $0xff;
	s8 =	smax.u32 s9, $0x1;
	s9 =	simm.s32 $0x5;
	s6 =	sadd.s32 $0x9E00, s5;
	vm3 =	vmor vm3, vm4;
	[tilespmem:$0x1FFE0] =	vst v63  }
.LBB2_1:
0x15: {  	[tilespmem:s4], [sflag:$0x5] =	stream.linear.gather [hbm4b:s6+s4], $0x2710, $0x38;
	[tilespmem:$0x11680] =	vst v63  }
0x16: {  	_ =	swait.ge [sflag:s9], $0x2710  }
0x17: {  	[sflag:s9] =	ssyncset.done $0x0  }
0x18: {  	[sflag:s9] =	ssyncadd.s32 $0xFFFFD8F0  }
0x19: {  	[tilespmem:s10], [sflag:$0x5] =	stream.linear.gather [hbm4b:s5+s4], $0x2710, $0x38;
	[tilespmem:$0x11680] =	vst v63  }
0x1a: {  	_ =	swait.ge [sflag:s9], $0x2710  }
0x1b: {  	[sflag:s9] =	ssyncset.done $0x0  }
0x1c: {  	[sflag:s9] =	ssyncadd.s32 $0xFFFFD8F0  }
0x1d: {  	[tilespmem:s12], [sflag:$0x1] =	stream.indirect.gather [hbm4b:s0+s11], $0x80, s4, s11, $0xb8;
	[tilespmem:$0x11680] =	vst v63  }
0x1e: {  	s22 =	simm.s32 $0x0  }
0x1f: {  	[tilespmem:s13], [sflag:$0x3] =	stream.indirect.gather [hbm4b:s2+s11], $0x80, s10, s11, $0xb8;
	[tilespmem:$0x11680] =	vst v63  }
.LBB2_2:
0x20: {  	s24 =	smul.u32 $0xA0, s22;
	_ =	sdelay $0x1  }
0x21: {  	s23 =	sadd.s32 $0x50, s24  }
0x22: {  	[tilespmem:s14], [sflag:$0x2] =	stream.indirect.gather [hbm4b:s0+s11], $0x80, s23, s11, $0xb8;
	[tilespmem:$0x11680] =	vst v63  }
0x23: {  	s25 =	sadd.s32 $0x27D0, s24  }
0x24: {  	[tilespmem:s15], [sflag:$0x4] =	stream.indirect.gather [hbm4b:s2+s11], $0x80, s25, s11, $0xb8;
	[tilespmem:$0x11680] =	vst v63  }
0x25: {  	s31 =	smul.u32 $0x280, s22;
	_ =	swait.ge [sflag:s16], $0x2800  }
0x26: {  	[sflag:s16] =	ssyncset.done $0x0  }
0x27: {  	s25 =	sshra.s32 s31, $0x2;
	[sflag:s16] =	ssyncadd.s32 $0xFFFFD800  }
0x28: {  	s29 =	sadd.s32 $0xEF00, s25;
	_ =	swait.ge [sflag:s17], $0x2800  }
0x29: {  	s26 =	simm.s32 $0x5320;
	v0 =	vmov s29;
	[sflag:s17] =	ssyncset.done $0x0  }
0x2a: {  	s28 =	simm.s32 $0xA6B0;
	s25 =	simm.s32 $0x0;
	[tilespmem:$0x1FFB0] =	vst v0;
	[sflag:s17] =	ssyncadd.s32 $0xFFFFD800  }
.LBB2_3:
0x2b: {  	s30 =	sshll.u32 s25, $0xB  }
0x2c: {  	v2 =	vld [tilespmem:s30+$0x4F00]  }
0x2d: {  	v3 =	vld [tilespmem:s30+$0x9F00]  }
0x2e: {  	v4 =	vld [tilespmem:s30+$0x4F80]  }
0x2f: {  	v8 =	vld [tilespmem:s30+$0x9F80]  }
0x30: {  	v7 =	vld [tilespmem:s30+$0x5000]  }
0x31: {  	v10 =	vld [tilespmem:s30+$0xA000]  }
0x32: {  	v14 =	vld [tilespmem:s30+$0x5080]  }
0x33: {  	v17 =	vld [tilespmem:s30+$0xA080]  }
0x34: {  	v15 =	vld [tilespmem:s30+$0x5100]  }
0x35: {  	v19 =	vld [tilespmem:s30+$0xA100]  }
0x36: {  	v20 =	vld [tilespmem:s30+$0x5180]  }
0x37: {  	v22 =	vld [tilespmem:s30+$0xA180]  }
0x38: {  	v21 =	vld [tilespmem:s30+$0x5200]  }
0x39: {  	v23 =	vld [tilespmem:s30+$0xA200]  }
0x3a: {  	v24 =	vld [tilespmem:s30+$0x5280]  }
0x3b: {  	v44 =	vld [tilespmem:s30+$0xA280]  }
0x3c: {  	v43 =	vld [tilespmem:s30+$0x5300]  }
0x3d: {  	v45 =	vld [tilespmem:s30+$0xA300]  }
0x3e: {  	v46 =	vld [tilespmem:s30+$0x5380]  }
0x3f: {  	v48 =	vld [tilespmem:s30+$0xA380]  }
0x40: {  	v47 =	vld [tilespmem:s30+$0x5400]  }
0x41: {  	v49 =	vld [tilespmem:s30+$0xA400]  }
0x42: {  	v50 =	vld [tilespmem:s30+$0x5480]  }
0x43: {  	v56 =	vld [tilespmem:s30+$0xA480]  }
0x44: {  	v51 =	vld [tilespmem:s30+$0x5500]  }
0x45: {  	v0 =	vld [tilespmem:s30+$0xA500]  }
0x46: {  	v63 =	vld [tilespmem:s30+$0x5580]  }
0x47: {  	v32 =	vld [tilespmem:s30+$0xA580]  }
0x48: {  	v33 =	vld [tilespmem:s30+$0x5600]  }
0x49: {  	v34 =	vld [tilespmem:s30+$0xA600]  }
0x4a: {  	v35 =	vld [tilespmem:s30+$0x5680]  }
0x4b: {  	v36 =	vld [tilespmem:s30+$0xA680]  }
0x4c: {  	v42 =	vld [tilespmem:s30+$0x9F10]  }
0x4d: {  	v1 =	vld [tilespmem:s30+$0x4F90]  }
0x4e: {  	v37 =	vld [tilespmem:s30+$0x9F90]  }
0x4f: {  	v38 =	vld [tilespmem:s30+$0x5010]  }
0x50: {  	v39 =	vld [tilespmem:s30+$0xA010]  }
0x51: {  	v40 =	vld [tilespmem:s30+$0x5090]  }
0x52: {  	v41 =	vld [tilespmem:s30+$0xA090]  }
0x53: {  	v52 =	vld [tilespmem:s30+$0x5110]  }
0x54: {  	v53 =	vld [tilespmem:s30+$0xA110]  }
0x55: {  	v54 =	vld [tilespmem:s30+$0x5190]  }
0x56: {  	v55 =	vld [tilespmem:s30+$0xA190]  }
0x57: {  	v57 =	vld [tilespmem:s30+$0x5210]  }
0x58: {  	v58 =	vld [tilespmem:s30+$0xA210]  }
0x59: {  	v59 =	vld [tilespmem:s30+$0x5290]  }
0x5a: {  	v5 =	vmov s28;
	v60 =	vld [tilespmem:s30+$0xA290]  }
0x5b: {  	v61 =	vld [tilespmem:s30+$0x5310]  }
0x5c: {  	v62 =	vld [tilespmem:s30+$0xA310]  }
0x5d: {  	v6 =	vmov s26;
	v11 =	vld [tilespmem:s30+$0xA590]  }
0x5e: {  	s29 =	simm.s32 $0x0;
	v16 =	vld [tilespmem:s30+$0x5690]  }
0x5f: {  	[tilespmem:$0x1FD30] =	vst v1;
	v1 =	vmul.f32 v3, v2;
	v3 =	vld.idx.msk [tilespmem:v5+s29+$0xFFFFF870 ss:$0x1], $0xffff  }
0x60: {  	v9 =	vld [tilespmem:s30+$0xA690]  }
0x61: {  	v31 =	vld.idx.msk [tilespmem:v5+s29+$0xFFFFF880 ss:$0x1], $0xffff  }
0x62: {  	v29 =	vld.idx.msk [tilespmem:v6+s29+$0xFFFFFC90 ss:$0x1], $0xffff  }
0x63: {  	v12 =	vld.idx.msk [tilespmem:v5+s29+$0xFFFFF900 ss:$0x1], $0xffff  }
0x64: {  	[tilespmem:$0x1FF80] =	vst v3;
	v3 =	vld.idx.msk [tilespmem:v6+s29+$0xFFFFFC80 ss:$0x1], $0xffff  }
0x65: {  	v28 =	vld.idx.msk [tilespmem:v5+s29+$0xFFFFF980 ss:$0x1], $0xffff  }
0x66: {  	v30 =	vld.idx.msk [tilespmem:v6+s29+$0xFFFFFD90 ss:$0x1], $0xffff  }
0x67: {  	v13 =	vld.idx.msk [tilespmem:v5+s29+$0xFFFFFA00 ss:$0x1], $0xffff  }
0x68: {  	v18 =	vld.idx.msk [tilespmem:v5+s29+$0xFFFFFB00 ss:$0x1], $0xffff  }
0x69: {  	[tilespmem:$0x1FF90] =	vst v3;
	v3 =	vld.idx.msk [tilespmem:v6+s29+$0xFFFFFD00 ss:$0x1], $0xffff  }
0x6a: {  	v27 =	vld.idx.msk [tilespmem:v5+s29+$0xFFFFFC00 ss:$0x1], $0xffff  }
0x6b: {  	v25 =	vld.idx.msk [tilespmem:v5+s29+$0xFFFFFD00 ss:$0x1], $0xffff  }
0x6c: {  	v26 =	vld.idx.msk [tilespmem:v5+s29+$0xFFFFFE00 ss:$0x1], $0xffff;
	[tilespmem:$0x1FCC0] =	vst v0  }
0x6d: {  	[tilespmem:$0x1FE10] =	vst v61;
	v61 =	vld.idx.msk [tilespmem:v6+s29+$0x290 ss:$0x1], $0xffff  }
0x6e: {  	[tilespmem:$0x1FFA0] =	vst v3;
	v3 =	vld [tilespmem:$0x1FCC0]  }
0x6f: {  	v0 =	vld [tilespmem:s30+$0x4F10]  }
0x70: {  	[tilespmem:$0x1FCD0] =	vst v63;
	v63 =	vld [tilespmem:s30+$0x5390]  }
0x71: {  	[tilespmem:$0x1FCE0] =	vst v32;
	v32 =	vld [tilespmem:s30+$0xA390]  }
0x72: {  	v2 =	vmul.f32 v8, v4;
	v4 =	vld [tilespmem:$0x1FCE0]  }
0x73: {  	[tilespmem:$0x1FF60] =	vst v61;
	v61 =	vmul.f32 v17, v14;
	v14 =	vmul.f32 v3, v51;
	v3 =	vld [tilespmem:$0x1FCD0]  }
0x74: {  	[tilespmem:$0x1FCF0] =	vst v33;
	v33 =	vld [tilespmem:s30+$0x5410]  }
0x75: {  	[tilespmem:$0x1FD00] =	vst v34;
	v34 =	vld [tilespmem:s30+$0xA410]  }
0x76: {  	[tilespmem:$0x1FDB0] =	vst v54;
	v54 =	vld.idx.msk [tilespmem:v6+s29+$0x10 ss:$0x1], $0xffff  }
0x77: {  	[tilespmem:$0x1FE00] =	vst v60;
	v60 =	vld.idx.msk [tilespmem:v5+s29+$0xFFFFFE80 ss:$0x1], $0xffff  }
0x78: {  	v17 =	vmul.f32 v4, v3;
	v3 =	vld [tilespmem:$0x1FCF0]  }
0x79: {  	[tilespmem:$0x1FD10] =	vst v35;
	v4 =	vld [tilespmem:$0x1FD00]  }
0x7a: {  	[tilespmem:$0x1FD20] =	vst v36;
	v35 =	vld [tilespmem:s30+$0x5490]  }
0x7b: {  	[tilespmem:$0x1FDA0] =	vst v53;
	v53 =	vld.idx.msk [tilespmem:v6+s29+$0xFFFFFF10 ss:$0x1], $0xffff  }
0x7c: {  	[tilespmem:$0x1FE30] =	vst v63;
	v63 =	vld.idx.msk [tilespmem:v5+s29+$0xFFFFFF80 ss:$0x1], $0xffff  }
0x7d: {  	[tilespmem:$0x1FF50] =	vst v60;
	v60 =	vmul.f32 v49, v47;
	v49 =	vld [tilespmem:$0x1FD10]  }
0x7e: {  	[tilespmem:$0x1FF00] =	vst v54;
	v54 =	vmul.f32 v19, v15;
	v19 =	vmul.f32 v4, v3;
	v3 =	vld [tilespmem:$0x1FD20]  }
0x7f: {  	v36 =	vld [tilespmem:s30+$0xA490]  }
0x80: {  	[tilespmem:$0x1FD40] =	vst v37;
	v37 =	vld [tilespmem:s30+$0x5510]  }
0x81: {  	[tilespmem:$0x1FD50] =	vst v38;
	v38 =	vld [tilespmem:s30+$0xA510]  }
0x82: {  	[tilespmem:$0x1FEF0] =	vst v53;
	v53 =	vmul.f32 v10, v7;
	v10 =	vmul.f32 v56, v50;
	v50 =	vld [tilespmem:$0x1FD30]  }
0x83: {  	[tilespmem:$0x1FCB0] =	vst v63;
	v63 =	vmul.f32 v45, v43;
	v45 =	vmul.f32 v3, v49;
	v3 =	vld [tilespmem:$0x1FD40]  }
0x84: {  	[tilespmem:$0x1FD60] =	vst v39;
	v39 =	vld [tilespmem:s30+$0x5590]  }
0x85: {  	[tilespmem:$0x1FD90] =	vst v52;
	v52 =	vld.idx.msk [tilespmem:v6+s29+$0xFFFFFE10 ss:$0x1], $0xffff  }
0x86: {  	[tilespmem:$0x1FDF0] =	vst v59;
	v59 =	vld.idx.msk [tilespmem:v6+s29+$0x210 ss:$0x1], $0xffff  }
0x87: {  	v43 =	vld [tilespmem:$0x1FD50]  }
0x88: {  	v42 =	vmul.f32 v42, v0;
	v0 =	vmul.f32 v3, v50;
	v3 =	vld [tilespmem:$0x1FD60]  }
0x89: {  	[tilespmem:$0x1FD70] =	vst v40;
	v40 =	vld [tilespmem:s30+$0x5610]  }
0x8a: {  	[tilespmem:$0x1FD80] =	vst v41;
	v41 =	vld [tilespmem:s30+$0xA610]  }
0x8b: {  	[tilespmem:$0x1FDC0] =	vst v55;
	v55 =	vld.idx.msk [tilespmem:v6+s29+$0x110 ss:$0x1], $0xffff  }
0x8c: {  	[tilespmem:$0x1FF40] =	vst v59;
	v59 =	vmul.f32 v44, v24;
	v44 =	vld [tilespmem:$0x1FD70]  }
0x8d: {  	[tilespmem:$0x1FEE0] =	vst v52;
	v52 =	vmul.f32 v48, v46;
	v46 =	vadd.f32 v42, v1;
	v42 =	vmul.f32 v3, v43;
	v3 =	vld [tilespmem:$0x1FD80]  }
0x8e: {  	[tilespmem:$0x1FDD0] =	vst v57;
	v57 =	vld.idx.msk [tilespmem:v5+s29+$0xFFFFFD80 ss:$0x1], $0xffff  }
0x8f: {  	[tilespmem:$0x1FDE0] =	vst v58;
	v58 =	vld.idx.msk [tilespmem:v6+s29+$0x190 ss:$0x1], $0xffff  }
0x90: {  	[tilespmem:$0x1FE20] =	vst v62;
	v62 =	vld.idx.msk [tilespmem:v6+s29+$0x310 ss:$0x1], $0xffff  }
0x91: {  	[tilespmem:$0x1FE80] =	vst v36;
	v36 =	vld.idx.msk [tilespmem:v6+s29+$0xFFFFFC10 ss:$0x1], $0xffff  }
0x92: {  	v1 =	vmul.f32 v3, v44;
	v44 =	vld [tilespmem:$0x1FDB0]  }
0x93: {  	v3 =	vld [tilespmem:$0x1FDC0]  }
0x94: {  	[tilespmem:$0x1FE90] =	vst v37;
	v37 =	vld.idx.msk [tilespmem:v6+s29+$0xFFFFFD10 ss:$0x1], $0xffff  }
0x95: {  	[tilespmem:$0x1FE40] =	vst v32;
	v32 =	vld.idx.msk [tilespmem:v5+s29+$0xFFFFFA80 ss:$0x1], $0xffff  }
0x96: {  	[tilespmem:$0x1FE50] =	vst v33;
	v33 =	vld.idx.msk [tilespmem:v6+s29+$0xFFFFFE90 ss:$0x1], $0xffff  }
0x97: {  	v4 =	vld [tilespmem:$0x1FDE0]  }
0x98: {  	v43 =	vadd.f32 v0, v2;
	v0 =	vmul.f32 v3, v44;
	v3 =	vld [tilespmem:$0x1FDD0]  }
0x99: {  	[tilespmem:$0x1FE60] =	vst v34;
	v34 =	vld.idx.msk [tilespmem:v5+s29+$0xFFFFFB80 ss:$0x1], $0xffff  }
0x9a: {  	[tilespmem:$0x1FE70] =	vst v35;
	v35 =	vld.idx.msk [tilespmem:v6+s29+$0xFFFFFF90 ss:$0x1], $0xffff  }
0x9b: {  	v47 =	vld [tilespmem:$0x1FD90]  }
0x9c: {  	v48 =	vld [tilespmem:$0x1FDA0]  }
0x9d: {  	v53 =	vadd.f32 v42, v53;
	v42 =	vmul.f32 v4, v3;
	v3 =	vld [tilespmem:$0x1FDF0]  }
0x9e: {  	v4 =	vld [tilespmem:$0x1FE00]  }
0x9f: {  	[tilespmem:$0x1FEA0] =	vst v38;
	v38 =	vld.idx.msk [tilespmem:v5+s29+$0xFFFFFC80 ss:$0x1], $0xffff  }
0xa0: {  	[tilespmem:$0x1FEB0] =	vst v39;
	v39 =	vld.idx.msk [tilespmem:v6+s29+$0x90 ss:$0x1], $0xffff  }
0xa1: {  	[tilespmem:$0x1FED0] =	vst v41;
	v41 =	vld.idx.msk [tilespmem:v5+s29+$0xFFFFFF00 ss:$0x1], $0xffff  }
0xa2: {  	v2 =	vmul.f32 v48, v47;
	v47 =	vld [tilespmem:$0x1FE10]  }
0xa3: {  	v3 =	vmul.f32 v4, v3;
	v4 =	vld [tilespmem:$0x1FE20]  }
0xa4: {  	[tilespmem:$0x1FEC0] =	vst v40;
	v40 =	vld.idx.msk [tilespmem:v6+s29+$0xFFFFFC00 ss:$0x1], $0xffff  }
0xa5: {  	[tilespmem:$0x1FCA0] =	vst v62;
	v62 =	vld.idx.msk [tilespmem:v5+s29+$0xFFFFF970 ss:$0x1], $0xffff  }
0xa6: {  	[tilespmem:$0x1FF20] =	vst v57;
	v57 =	vld.idx.msk [tilespmem:v6+s29+$0xFFFFFD80 ss:$0x1], $0xffff  }
0xa7: {  	v48 =	vld [tilespmem:$0x1FE30]  }
0xa8: {  	[tilespmem:$0x1FF30] =	vst v58;
	v58 =	vmul.f32 v23, v21;
	v21 =	vadd.f32 v1, v61;
	v61 =	vmul.f32 v4, v47;
	v4 =	vld [tilespmem:$0x1FE40]  }
0xa9: {  	v56 =	vld.idx.msk [tilespmem:v6+s29+$0xFFFFFE00 ss:$0x1], $0xffff  }
0xaa: {  	[tilespmem:$0x1FF10] =	vst v55;
	v55 =	vmul.f32 v22, v20;
	v22 =	vld.idx.msk [tilespmem:v6+s29+$0xFFFFFF00 ss:$0x1], $0xffff  }
0xab: {  	v20 =	vld.idx.msk [tilespmem:v5+s29+$0xFFFFFB70 ss:$0x1], $0xffff  }
0xac: {  	v23 =	vld.idx.msk [tilespmem:v6+s29+$0xFFFFFF80 ss:$0x1], $0xffff  }
0xad: {  	v1 =	vmul.f32 v4, v48;
	v48 =	vadd.f32 v2, v54;
	v54 =	vld [tilespmem:$0x1FE50]  }
0xae: {  	v4 =	vld [tilespmem:$0x1FE60]  }
0xaf: {  	v15 =	vld.idx.msk [tilespmem:v5+s29+$0xFFFFFBF0 ss:$0x1], $0xffff  }
0xb0: {  	v8 =	vld [tilespmem:$0x1FED0]  }
0xb1: {  	[tilespmem:$0x1FF70] =	vst v40;
	v40 =	vld.idx.msk [tilespmem:v5+s29+$0xFFFFF8F0 ss:$0x1], $0xffff  }
0xb2: {  	v47 =	vld [tilespmem:$0x1FE70]  }
0xb3: {  	v54 =	vmul.f32 v4, v54;
	v4 =	vld [tilespmem:$0x1FE80]  }
0xb4: {  	v51 =	vld.idx.msk [tilespmem:v5+s29+$0xFFFFF9F0 ss:$0x1], $0xffff  }
0xb5: {  	v49 =	vld.idx.msk [tilespmem:v5+s29+$0xFFFFFA70 ss:$0x1], $0xffff  }
0xb6: {  	v50 =	vld.idx.msk [tilespmem:v6+s29+$0xFFFFFE80 ss:$0x1], $0xffff  }
0xb7: {  	v44 =	vld.idx.msk [tilespmem:v5+s29+$0xFFFFFAF0 ss:$0x1], $0xffff  }
0xb8: {  	v2 =	vmul.f32 v4, v47;
	v47 =	vld [tilespmem:$0x1FEB0]  }
0xb9: {  	v24 =	vadd.f32 v0, v55;
	v55 =	vld [tilespmem:$0x1FE90];
	v7 =	vadd.f32 v42, v58;
	v58 =	vmul.f32 v9, v16  }
0xba: {  	v16 =	vadd.f32 v3, v59;
	v59 =	vmul.f32 v12, v29;
	v12 =	vadd.f32 v1, v52;
	v52 =	vld [tilespmem:$0x1FEE0]  }
0xbb: {  	v4 =	vld [tilespmem:$0x1FEA0]  }
0xbc: {  	v3 =	vmul.f32 v31, v36;
	v31 =	vld.idx.msk [tilespmem:v6+s29+$0x80 ss:$0x1], $0xffff  }
0xbd: {  	v36 =	vld.idx.msk [tilespmem:v5+s29+$0xFFFFFCF0 ss:$0x1], $0xffff;
	v0 =	vmul.f32 v11, v47  }
0xbe: {  	v11 =	vadd.f32 v61, v63;
	v63 =	vmul.f32 v13, v30;
	v13 =	vadd.f32 v54, v60;
	v54 =	vld [tilespmem:$0x1FEF0]  }
0xbf: {  	v32 =	vmul.f32 v32, v52;
	v52 =	vld [tilespmem:$0x1FF10]  }
0xc0: {  	v55 =	vmul.f32 v4, v55;
	v4 =	vld [tilespmem:$0x1FEC0]  }
0xc1: {  	v60 =	vld [tilespmem:$0x1FF00]  }
0xc2: {  	v14 =	vadd.f32 v55, v14;
	v55 =	vld [tilespmem:$0x1FF30]  }
0xc3: {  	v34 =	vmul.f32 v34, v54;
	v54 =	vld [tilespmem:$0x1FF20]  }
0xc4: {  	v47 =	vld.idx.msk [tilespmem:v6+s29+$0x0 ss:$0x1], $0xffff  }
0xc5: {  	v61 =	vmul.f32 v28, v37;
	v37 =	vld.idx.msk [tilespmem:v6+s29+$0x100 ss:$0x1], $0xffff  }
0xc6: {  	v35 =	vmul.f32 v27, v35;
	v27 =	vmul.f32 v38, v60;
	v60 =	vld [tilespmem:$0x1FF40]  }
0xc7: {  	v30 =	vmul.f32 v26, v55;
	v55 =	vld [tilespmem:$0x1FF60]  }
0xc8: {  	v29 =	vmul.f32 v54, v52;
	v52 =	vld [tilespmem:$0x1FF50]  }
0xc9: {  	v28 =	vmul.f32 v25, v39;
	v39 =	vld.idx.msk [tilespmem:v6+s29+$0x180 ss:$0x1], $0xffff;
	v42 =	vmul.f32 v8, v4  }
0xca: {  	v4 =	vld.idx.msk [tilespmem:v5+s29+$0xFFFFFC70 ss:$0x1], $0xffff  }
0xcb: {  	v54 =	vadd.f32 v0, v17;
	v17 =	vadd.f32 v42, v19;
	v42 =	vld [tilespmem:$0x1FF80]  }
0xcc: {  	v26 =	vmul.f32 v41, v55;
	v55 =	vld [tilespmem:$0x1FFA0]  }
0xcd: {  	v25 =	vmul.f32 v52, v60;
	v60 =	vld [tilespmem:$0x1FF70]  }
0xce: {  	v52 =	vld [tilespmem:$0x1FF90]  }
0xcf: {  	v33 =	vmul.f32 v18, v33;
	v38 =	vld.idx.msk [tilespmem:v5+s29+$0xFFFFFD70 ss:$0x1], $0xffff  }
0xd0: {  	v57 =	vmul.f32 v51, v57;
	v19 =	vadd.f32 v58, v45;
	v58 =	vmul.f32 v49, v56;
	v45 =	vld.idx.msk [tilespmem:v6+s29+$0x300 ss:$0x1], $0xffff  }
0xd1: {  	v18 =	vadd.f32 v2, v10;
	v41 =	vld.idx.msk [tilespmem:v5+s29+$0xFFFFFDF0 ss:$0x1], $0xffff;
	v2 =	vmul.f32 v62, v55;
	v62 =	vmul.f32 v44, v50  }
0xd2: {  	v44 =	vld.idx.msk [tilespmem:v5+s29+$0xFFFFFEF0 ss:$0x1], $0xffff;
	v50 =	vmul.f32 v15, v23;
	v23 =	vadd.f32 v58, v48;
	v48 =	vmul.f32 v4, v47  }
0xd3: {  	v47 =	vld.idx.msk [tilespmem:v6+s29+$0x380 ss:$0x1], $0xffff;
	v2 =	vadd.f32 v2, v53;
	v0 =	vmul.f32 v42, v60;
	v1 =	vmul.f32 v40, v52  }
0xd4: {  	v24 =	vadd.f32 v62, v24;
	v40 =	vld.idx.msk [tilespmem:v6+s29+$0x200 ss:$0x1], $0xffff;
	v60 =	vadd.f32 v57, v21  }
0xd5: {  	v42 =	vld.idx.msk [tilespmem:v5+s29+$0xFFFFFE70 ss:$0x1], $0xffff;
	v0 =	vadd.f32 v0, v46;
	v1 =	vadd.f32 v1, v43  }
0xd6: {  	v49 =	vmul.f32 v20, v22;
	v20 =	vadd.f32 v61, v2;
	v43 =	vld.idx.msk [tilespmem:v6+s29+$0x280 ss:$0x1], $0xffff;
	v15 =	vadd.f32 v63, v60  }
0xd7: {  	s30 =	simm.s32 $0x80;
	v46 =	vld.idx.msk [tilespmem:v5+s29+$0xFFFFFF70 ss:$0x1], $0xffff;
	v22 =	vadd.f32 v3, v0;
	v21 =	vadd.f32 v59, v1  }
.LBB2_4:
0xd8: {  	_ = 	snop  }
0xd9: {  	v3 =	vld.idx.msk [tilespmem:v5+s29+$0xFFFFFFF0 ss:$0x1], $0xffff  }
0xda: {  	v57 =	vld.idx.msk [tilespmem:v5+s29+$0x0 ss:$0x1], $0xffff  }
0xdb: {  	v1 =	vadd.f32 v50, v16;
	v2 =	vmul.f32 v36, v31;
	v31 =	vld.idx.msk [tilespmem:v6+s29+$0x390 ss:$0x1], $0xffff  }
0xdc: {  	v0 =	vadd.f32 v49, v7;
	v7 =	vadd.f32 v32, v23;
	s29 =	sshra.s32 s30, $0x2;
	v32 =	vld [tilespmem:$0x1FCA0]  }
0xdd: {  	v4 =	vmul.f32 v38, v37;
	v37 =	vld.idx.msk [tilespmem:v6+s29+$0xFFFFFC10 ss:$0x1], $0xffff  }
0xde: {  	v16 =	vadd.f32 v35, v1;
	v35 =	vld.idx.msk [tilespmem:v6+s29+$0xFFFFFC90 ss:$0x1], $0xffff  }
0xdf: {  	v38 =	vld.idx.msk [tilespmem:v5+s29+$0xFFFFFB80 ss:$0x1], $0xffff  }
0xe0: {  	v56 =	vmul.f32 v41, v39;
	v39 =	vld.idx.msk [tilespmem:v6+s29+$0xFFFFFF90 ss:$0x1], $0xffff  }
0xe1: {  	v58 =	vmul.f32 v42, v40;
	v40 =	vld.idx.msk [tilespmem:v5+s29+$0xFFFFFC00 ss:$0x1], $0xffff  }
0xe2: {  	v41 =	vld.idx.msk [tilespmem:v6+s29+$0x10 ss:$0x1], $0xffff  }
0xe3: {  	v42 =	vld.idx.msk [tilespmem:v5+s29+$0xFFFFFC80 ss:$0x1], $0xffff  }
0xe4: {  	v59 =	vmul.f32 v44, v43;
	v43 =	vld.idx.msk [tilespmem:v6+s29+$0x90 ss:$0x1], $0xffff  }
0xe5: {  	v44 =	vld.idx.msk [tilespmem:v5+s29+$0xFFFFFD00 ss:$0x1], $0xffff  }
0xe6: {  	v60 =	vmul.f32 v46, v45;
	v45 =	vld.idx.msk [tilespmem:v6+s29+$0x110 ss:$0x1], $0xffff  }
0xe7: {  	v46 =	vld.idx.msk [tilespmem:v5+s29+$0xFFFFFD80 ss:$0x1], $0xffff  }
0xe8: {  	v3 =	vmul.f32 v3, v47;
	v47 =	vld.idx.msk [tilespmem:v6+s29+$0x190 ss:$0x1], $0xffff  }
0xe9: {  	v9 =	vadd.f32 v48, v11;
	v48 =	vld.idx.msk [tilespmem:v5+s29+$0xFFFFFE00 ss:$0x1], $0xffff  }
0xea: {  	v49 =	vld.idx.msk [tilespmem:v6+s29+$0x210 ss:$0x1], $0xffff  }
0xeb: {  	v50 =	vld.idx.msk [tilespmem:v5+s29+$0xFFFFFE80 ss:$0x1], $0xffff  }
0xec: {  	v51 =	vld.idx.msk [tilespmem:v6+s29+$0x290 ss:$0x1], $0xffff  }
0xed: {  	v52 =	vld.idx.msk [tilespmem:v5+s29+$0xFFFFFF00 ss:$0x1], $0xffff  }
0xee: {  	v36 =	vld.idx.msk [tilespmem:v5+s29+$0xFFFFFF80 ss:$0x1], $0xffff  }
0xef: {  	v53 =	vld.idx.msk [tilespmem:v6+s29+$0xFFFFFC00 ss:$0x1], $0xffff  }
0xf0: {  	v55 =	vld.idx.msk [tilespmem:v6+s29+$0xFFFFFC80 ss:$0x1], $0xffff  }
0xf1: {  	v1 =	vld.idx.msk [tilespmem:v5+s29+$0xFFFFFB70 ss:$0x1], $0xffff  }
0xf2: {  	v11 =	vld.idx.msk [tilespmem:v6+s29+$0x0 ss:$0x1], $0xffff  }
0xf3: {  	v0 =	vadd.f32 v34, v0;
	v34 =	vld.idx.msk [tilespmem:v5+s29+$0xFFFFF880 ss:$0x1], $0xffff  }
0xf4: {  	v61 =	vadd.f32 v27, v9;
	v27 =	vld.idx.msk [tilespmem:v5+s29+$0xFFFFF980 ss:$0x1], $0xffff  }
0xf5: {  	[tilespmem:$0x1FC50] =	vst v7;
	v7 =	vadd.f32 v33, v24;
	v33 =	vld.idx.msk [tilespmem:v6+s29+$0x310 ss:$0x1], $0xffff  }
0xf6: {  	v10 =	vadd.f32 v58, v14;
	v14 =	vadd.f32 v59, v54;
	v54 =	vld.idx.msk [tilespmem:v5+s29+$0xFFFFF870 ss:$0x1], $0xffff  }
0xf7: {  	v18 =	vadd.f32 v56, v18;
	v56 =	vld.idx.msk [tilespmem:v5+s29+$0xFFFFF8F0 ss:$0x1], $0xffff  }
0xf8: {  	v58 =	vld.idx.msk [tilespmem:v5+s29+$0xFFFFF970 ss:$0x1], $0xffff  }
0xf9: {  	v59 =	vld.idx.msk [tilespmem:v6+s29+$0xFFFFFD80 ss:$0x1], $0xffff  }
0xfa: {  	v8 =	vadd.f32 v60, v17;
	v60 =	vld.idx.msk [tilespmem:v5+s29+$0xFFFFF9F0 ss:$0x1], $0xffff  }
0xfb: {  	v2 =	vadd.f32 v2, v12;
	v9 =	vld.idx.msk [tilespmem:v6+s29+$0xFFFFFF80 ss:$0x1], $0xffff  }
0xfc: {  	v4 =	vadd.f32 v4, v13;
	v12 =	vld.idx.msk [tilespmem:v5+s29+$0xFFFFFC70 ss:$0x1], $0xffff  }
0xfd: {  	v62 =	vadd.f32 v28, v2;
	v2 =	vld.idx.msk [tilespmem:v5+s29+$0xFFFFF900 ss:$0x1], $0xffff  }
0xfe: {  	v63 =	vadd.f32 v29, v4;
	v4 =	vld.idx.msk [tilespmem:v6+s29+$0xFFFFFD10 ss:$0x1], $0xffff  }
0xff: {  	[tilespmem:$0x1FC60] =	vst v7;
	v7 =	vld [tilespmem:$0x1FCB0]  }
0x100: {  	v28 =	vld.idx.msk [tilespmem:v6+s29+$0xFFFFFD90 ss:$0x1], $0xffff  }
0x101: {  	v24 =	vadd.f32 v25, v10;
	v25 =	vld.idx.msk [tilespmem:v5+s29+$0xFFFFFA00 ss:$0x1], $0xffff  }
0x102: {  	v23 =	vadd.f32 v26, v14;
	v26 =	vld.idx.msk [tilespmem:v6+s29+$0xFFFFFE90 ss:$0x1], $0xffff  }
0x103: {  	v29 =	vld.idx.msk [tilespmem:v5+s29+$0xFFFFFB00 ss:$0x1], $0xffff  }
0x104: {  	v18 =	vadd.f32 v30, v18;
	v30 =	vld.idx.msk [tilespmem:v6+s29+$0xFFFFFF10 ss:$0x1], $0xffff  }
0x105: {  	[tilespmem:$0x1FC90] =	vst v61;
	v61 =	vld.idx.msk [tilespmem:v6+s29+$0xFFFFFE00 ss:$0x1], $0xffff  }
0x106: {  	v10 =	vld.idx.msk [tilespmem:v5+s29+$0xFFFFFBF0 ss:$0x1], $0xffff  }
0x107: {  	[tilespmem:$0x1FC70] =	vst v0;
	v0 =	vmul.f32 v57, v31;
	v57 =	vld.idx.msk [tilespmem:v6+s29+$0xFFFFFD00 ss:$0x1], $0xffff  }
0x108: {  	v31 =	vld.idx.msk [tilespmem:v6+s29+$0x80 ss:$0x1], $0xffff  }
0x109: {  	[tilespmem:$0x1FC80] =	vst v62;
	v62 =	vld.idx.msk [tilespmem:v5+s29+$0xFFFFFA70 ss:$0x1], $0xffff  }
0x10a: {  	v3 =	vadd.f32 v3, v19;
	[tilespmem:$0x1FC40] =	vst v63;
	v63 =	vld.idx.msk [tilespmem:v6+s29+$0xFFFFFE80 ss:$0x1], $0xffff  }
0x10b: {  	[tilespmem:$0x1FCB0] =	vst v36;
	v36 =	vld.idx.msk [tilespmem:v5+s29+$0xFFFFFCF0 ss:$0x1], $0xffff  }
0x10c: {  	v19 =	vadd.f32 v0, v3;
	v0 =	vld.idx.msk [tilespmem:v6+s29+$0xFFFFFE10 ss:$0x1], $0xffff  }
0x10d: {  	v3 =	vld.idx.msk [tilespmem:v5+s29+$0xFFFFFA80 ss:$0x1], $0xffff  }
0x10e: {  	v13 =	vmul.f32 v34, v37;
	v37 =	vld.idx.msk [tilespmem:v6+s29+$0x100 ss:$0x1], $0xffff  }
0x10f: {  	v34 =	vmul.f32 v38, v30;
	v38 =	vld.idx.msk [tilespmem:v5+s29+$0xFFFFFD70 ss:$0x1], $0xffff  }
0x110: {  	v2 =	vmul.f32 v2, v35;
	v35 =	vmul.f32 v40, v39;
	v39 =	vld.idx.msk [tilespmem:v6+s29+$0x180 ss:$0x1], $0xffff  }
0x111: {  	v4 =	vmul.f32 v27, v4;
	v27 =	vmul.f32 v42, v41;
	v41 =	vld.idx.msk [tilespmem:v5+s29+$0xFFFFFDF0 ss:$0x1], $0xffff  }
0x112: {  	v40 =	vld.idx.msk [tilespmem:v6+s29+$0x200 ss:$0x1], $0xffff  }
0x113: {  	v7 =	vmul.f32 v7, v32;
	v42 =	vld.idx.msk [tilespmem:v5+s29+$0xFFFFFE70 ss:$0x1], $0xffff  }
0x114: {  	v14 =	vmul.f32 v25, v28;
	v28 =	vmul.f32 v44, v43;
	v43 =	vld.idx.msk [tilespmem:v6+s29+$0x280 ss:$0x1], $0xffff  }
0x115: {  	v44 =	vld.idx.msk [tilespmem:v5+s29+$0xFFFFFEF0 ss:$0x1], $0xffff  }
0x116: {  	v60 =	vmul.f32 v60, v59;
	v17 =	vadd.f32 v7, v8;
	v7 =	vld.idx.msk [tilespmem:v5+s29+$0xFFFFFAF0 ss:$0x1], $0xffff  }
0x117: {  	[tilespmem:$0x1FCA0] =	vst v33;
	v33 =	vmul.f32 v29, v26;
	v29 =	vmul.f32 v46, v45;
	v45 =	vld.idx.msk [tilespmem:v6+s29+$0x300 ss:$0x1], $0xffff  }
0x118: {  	v30 =	vmul.f32 v48, v47;
	v26 =	vmul.f32 v52, v51;
	v46 =	vld.idx.msk [tilespmem:v5+s29+$0xFFFFFF70 ss:$0x1], $0xffff  }
0x119: {  	v51 =	vmul.f32 v54, v53;
	v58 =	vmul.f32 v58, v57;
	v8 =	vld.idx.msk [tilespmem:v6+s29+$0xFFFFFF00 ss:$0x1], $0xffff  }
0x11a: {  	v61 =	vmul.f32 v62, v61;
	v62 =	vld [tilespmem:$0x1FC50];
	v32 =	vmul.f32 v3, v0  }
0x11b: {  	p0 =	sne.s32 s30, $0x100;
	v3 =	vmul.f32 v56, v55;
	v7 =	vmul.f32 v7, v63;
	v63 =	vld [tilespmem:$0x1FC60]  }
.Ltmp0:
0x11c: {  	v15 =	vadd.f32 v60, v15;
	v48 =	vmul.f32 v12, v11;
	v12 =	vld [tilespmem:$0x1FC80];
	v0 =	vadd.f32 v51, v22;
	(pc) =	sbr.rel @p0 .LBB2_4-.Ltmp0, $4  }
0x11d: {  	v11 =	vld [tilespmem:$0x1FC90];
	v20 =	vadd.f32 v58, v20;
	v3 =	vadd.f32 v3, v21  }
0x11e: {  	v25 =	vmul.f32 v50, v49;
	v47 =	vld.idx.msk [tilespmem:v6+s29+$0x380 ss:$0x1], $0xffff;
	v15 =	vadd.f32 v14, v15;
	v22 =	vadd.f32 v13, v0  }
0x11f: {  	v54 =	vmovc v23;
	v50 =	vmul.f32 v10, v9;
	v13 =	vld [tilespmem:$0x1FC40];
	v20 =	vadd.f32 v4, v20;
	v21 =	vadd.f32 v2, v3  }
0x120: {  	s30 =	sadd.s32 $0x80, s30;
	v14 =	vmovc v24;
	v49 =	vmul.f32 v1, v8;
	v23 =	vadd.f32 v61, v62;
	v24 =	vadd.f32 v7, v63;
	v7 =	vld [tilespmem:$0x1FC70]  }
0x121: {  	_ =	sdelay $0x3  }
0x122: {  	v3 =	vld.idx.msk [tilespmem:v5+s29+$0xFFFFFFF0 ss:$0x1], $0xffff  }
0x123: {  	v1 =	vadd.f32 v50, v16;
	v2 =	vmul.f32 v36, v31;
	v6 =	vld.idx.msk [tilespmem:v6+s29+$0x390 ss:$0x1], $0xffff  }
0x124: {  	v4 =	vmul.f32 v38, v37;
	v9 =	vmul.f32 v41, v39;
	v55 =	vld.idx.msk [tilespmem:v5+s29+$0x0 ss:$0x1], $0xffff;
	v52 =	vadd.f32 v32, v23  }
0x125: {  	v53 =	vmul.f32 v42, v40;
	v58 =	vld [tilespmem:$0x1FCA0];
	v8 =	vadd.f32 v33, v24;
	v10 =	vadd.f32 v48, v11  }
0x126: {  	v56 =	vmul.f32 v44, v43;
	v59 =	vld [tilespmem:$0x1FCB0];
	v1 =	vadd.f32 v35, v1;
	v2 =	vadd.f32 v2, v12  }
0x127: {  	v57 =	vmul.f32 v46, v45;
	v63 =	vld [tilespmem:$0x1FFC0];
	v9 =	vadd.f32 v9, v18;
	v11 =	vadd.f32 v53, v14  }
0x128: {  	v12 =	vadd.f32 v56, v54;
	v4 =	vadd.f32 v4, v13  }
0x129: {  	v10 =	vadd.f32 v27, v10;
	v13 =	vadd.f32 v57, v17  }
0x12a: {  	v0 =	vadd.f32 v49, v7;
	v2 =	vadd.f32 v28, v2  }
0x12b: {  	v9 =	vadd.f32 v30, v9;
	v3 =	vmul.f32 v3, v47;
	v14 =	vmul.f32 v59, v58  }
0x12c: {  	v60 =	vadd.f32 v25, v11;
	v5 =	vmul.f32 v55, v6;
	v23 =	vperm.xlane v10, v63  }
0x12d: {  	v61 =	vadd.f32 v26, v12;
	v24 =	vperm.xlane v22, v63;
	v26 =	vperm.xlane v21, v63  }
0x12e: {  	v4 =	vadd.f32 v29, v4;
	v28 =	vperm.xlane v20, v63;
	v31 =	vperm.xlane v15, v63  }
0x12f: {  	v10 =	vsel vm2, v22, v10;
	v33 =	vperm.xlane v52, v63;
	v35 =	vperm.xlane v8, v63  }
0x130: {  	v40 =	vperm.xlane v1, v63;
	v0 =	vadd.f32 v34, v0;
	v25 =	vperm.xlane v2, v63  }
0x131: {  	v2 =	vsel vm2, v21, v2;
	v30 =	vperm.xlane v9, v63;
	v32 =	vperm.xlane v60, v63  }
0x132: {  	v9 =	vsel vm2, v15, v9;
	v6 =	vsel vm2, v52, v60;
	v34 =	vperm.xlane v61, v63  }
0x133: {  	v36 =	vsel vm2, v8, v61;
	v3 =	vadd.f32 v3, v19;
	v62 =	vadd.f32 v14, v13  }
0x134: {  	v42 =	vld [tilespmem:$0x1FFD0];
	v13 =	vsel vm2, v24, v23;
	v27 =	vperm.xlane v4, v63;
	v4 =	vsel vm2, v20, v4  }
0x135: {  	v10 =	vadd.f32 v13, v10;
	v13 =	vsel vm2, v31, v30;
	v7 =	vsel vm2, v35, v34  }
0x136: {  	v38 =	vperm.xlane v0, v63;
	v3 =	vadd.f32 v5, v3;
	v5 =	vsel vm2, v26, v25  }
0x137: {  	v29 =	vsel vm2, v28, v27;
	v9 =	vadd.f32 v13, v9;
	v37 =	vperm.xlane v62, v63  }
0x138: {  	v0 =	vsel vm2, v0, v62;
	v2 =	vadd.f32 v5, v2;
	v5 =	vsel vm2, v33, v32  }
0x139: {  	v4 =	vadd.f32 v29, v4;
	v44 =	vperm.xlane v10, v42;
	v5 =	vadd.f32 v5, v6  }
0x13a: {  	v6 =	vadd.f32 v7, v36;
	v39 =	vperm.xlane v3, v63;
	v8 =	vsel vm2, v38, v37  }
0x13b: {  	v1 =	vsel vm2, v1, v3;
	v52 =	vperm.xlane v9, v42;
	v0 =	vadd.f32 v8, v0  }
0x13c: {  	v48 =	vperm.xlane v2, v42;
	v50 =	vperm.xlane v4, v42;
	v41 =	vsel vm2, v40, v39  }
0x13d: {  	v43 =	vperm.xlane v5, v42;
	v45 =	vsel vm0, v10, v5;
	v1 =	vadd.f32 v41, v1  }
0x13e: {  	v55 =	vld [tilespmem:$0x1FFE0];
	v47 =	vperm.xlane v6, v42;
	v2 =	vsel vm0, v2, v6;
	v49 =	vperm.xlane v0, v42  }
0x13f: {  	v0 =	vsel vm0, v4, v0;
	v46 =	vsel vm0, v44, v43;
	v51 =	vperm.xlane v1, v42  }
0x140: {  	v7 =	vsel vm0, v48, v47;
	v3 =	vadd.f32 v46, v45;
	v53 =	vsel vm0, v50, v49  }
0x141: {  	v1 =	vsel vm0, v9, v1;
	v2 =	vadd.f32 v7, v2;
	v54 =	vsel vm0, v52, v51  }
0x142: {  	v0 =	vadd.f32 v53, v0;
	v1 =	vadd.f32 v54, v1  }
0x143: {  	v57 =	vperm.xlane v3, v55;
	v7 =	vperm.xlane v2, v55  }
0x144: {  	v61 =	vld [tilespmem:$0x1FFF0];
	v56 =	vperm.xlane v0, v55;
	v58 =	vperm.xlane v1, v55  }
0x145: {  	v0 =	vsel vm1, v3, v0  }
0x146: {  	v63 =	vld [tilespmem:$0x1FFB0];
	v59 =	vsel vm1, v57, v56;
	v1 =	vsel vm1, v2, v1;
	v60 =	vsel vm1, v7, v58  }
0x147: {  	v0 =	vadd.f32 v59, v0;
	v1 =	vadd.f32 v60, v1  }
0x148: {  	s31 =	sshll.u32 s25, $0x4;
	s25 =	sadd.s32 $0x1, s25  }
0x149: {  	p0 =	sne.s32 s25, $0x5;
	v3 =	vperm.xlane v0, v61;
	v2 =	vperm.xlane v1, v61  }
.Ltmp1:
0x14a: {  	_ = 	snop;
	(pc) =	sbr.rel @p0 .LBB2_3-.Ltmp1, $4  }
0x14b: {  	v0 =	vsel vm3, v0, v1;
	v62 =	vsel vm3, v3, v2  }
0x14c: {  	v0 =	vadd.f32 v62, v0  }
0x14d: {  	s29 =	sand.u32 $0x3FFFFFF0, s31  }
0x14e: {  	s26 =	sadd.s32 $0x800, s26;
	s28 =	sadd.s32 $0x800, s28;
	[tilespmem:v63+s29+$0x0 ss:$0x1] =	vst.idx.msk $0xffff, v0  }
0x14f: {  	s25 =	sadd.s32 $0xA0, s24  }
0x150: {  	[tilespmem:s12], [sflag:$0x1] =	stream.indirect.gather [hbm4b:s0+s11], $0x80, s25, s11, $0xb8;
	[tilespmem:$0x11680] =	vst v63  }
0x151: {  	s31 =	sadd.s32 $0x2820, s24  }
0x152: {  	[tilespmem:s13], [sflag:$0x3] =	stream.indirect.gather [hbm4b:s2+s11], $0x80, s31, s11, $0xb8;
	[tilespmem:$0x11680] =	vst v63  }
0x153: {  	_ =	swait.ge [sflag:s18], $0x2800  }
0x154: {  	[sflag:s18] =	ssyncset.done $0x0  }
0x155: {  	[sflag:s18] =	ssyncadd.s32 $0xFFFFD800  }
0x156: {  	s26 =	sadd.s32 $0xEF00, s23;
	_ =	swait.ge [sflag:s19], $0x2800  }
0x157: {  	s23 =	simm.s32 $0x0;
	v0 =	vmov s26;
	[sflag:s19] =	ssyncset.done $0x0  }
0x158: {  	s24 =	simm.s32 $0x7B20;
	s25 =	simm.s32 $0xCEB0;
	[tilespmem:$0x1FC30] =	vst v0;
	[sflag:s19] =	ssyncadd.s32 $0xFFFFD800  }
.LBB2_7:
0x159: {  	s28 =	sshll.u32 s23, $0xB  }
0x15a: {  	v1 =	vld [tilespmem:s28+$0x7700]  }
0x15b: {  	v2 =	vld [tilespmem:s28+$0xC700]  }
0x15c: {  	v3 =	vld [tilespmem:s28+$0x7780]  }
0x15d: {  	v7 =	vld [tilespmem:s28+$0xC780]  }
0x15e: {  	v4 =	vld [tilespmem:s28+$0x7800]  }
0x15f: {  	v8 =	vld [tilespmem:s28+$0xC800]  }
0x160: {  	v9 =	vld [tilespmem:s28+$0x7880]  }
0x161: {  	v12 =	vld [tilespmem:s28+$0xC880]  }
0x162: {  	v10 =	vld [tilespmem:s28+$0x7900]  }
0x163: {  	v13 =	vld [tilespmem:s28+$0xC900]  }
0x164: {  	v14 =	vld [tilespmem:s28+$0x7980]  }
0x165: {  	v17 =	vld [tilespmem:s28+$0xC980]  }
0x166: {  	v15 =	vld [tilespmem:s28+$0x7A00]  }
0x167: {  	v18 =	vld [tilespmem:s28+$0xCA00]  }
0x168: {  	v19 =	vld [tilespmem:s28+$0x7A80]  }
0x169: {  	v22 =	vld [tilespmem:s28+$0xCA80]  }
0x16a: {  	v21 =	vld [tilespmem:s28+$0x7B00]  }
0x16b: {  	v23 =	vld [tilespmem:s28+$0xCB00]  }
0x16c: {  	v24 =	vld [tilespmem:s28+$0x7B80]  }
0x16d: {  	v29 =	vld [tilespmem:s28+$0xCB80]  }
0x16e: {  	v25 =	vld [tilespmem:s28+$0x7C00]  }
0x16f: {  	v40 =	vld [tilespmem:s28+$0xCC00]  }
0x170: {  	v42 =	vld [tilespmem:s28+$0x7C80]  }
0x171: {  	v45 =	vld [tilespmem:s28+$0xCC80]  }
0x172: {  	v43 =	vld [tilespmem:s28+$0x7D00]  }
0x173: {  	v46 =	vld [tilespmem:s28+$0xCD00]  }
0x174: {  	v47 =	vld [tilespmem:s28+$0x7D80]  }
0x175: {  	v50 =	vld [tilespmem:s28+$0xCD80]  }
0x176: {  	v48 =	vld [tilespmem:s28+$0x7E00]  }
0x177: {  	v51 =	vld [tilespmem:s28+$0xCE00]  }
0x178: {  	v44 =	vld [tilespmem:s28+$0x7E80]  }
0x179: {  	v49 =	vld [tilespmem:s28+$0xCE80]  }
0x17a: {  	v61 =	vld [tilespmem:s28+$0x7710]  }
0x17b: {  	v11 =	vld [tilespmem:s28+$0xC710]  }
0x17c: {  	v52 =	vld [tilespmem:s28+$0x7790]  }
0x17d: {  	v55 =	vld [tilespmem:s28+$0xC790]  }
0x17e: {  	v53 =	vld [tilespmem:s28+$0x7810]  }
0x17f: {  	v54 =	vld [tilespmem:s28+$0xC810]  }
0x180: {  	v0 =	vld [tilespmem:s28+$0x7890]  }
0x181: {  	v63 =	vld [tilespmem:s28+$0xC890]  }
0x182: {  	v59 =	vld [tilespmem:s28+$0x7910]  }
0x183: {  	v60 =	vld [tilespmem:s28+$0xC910]  }
0x184: {  	v62 =	vld [tilespmem:s28+$0x7990]  }
0x185: {  	v32 =	vld [tilespmem:s28+$0xC990]  }
0x186: {  	v33 =	vld [tilespmem:s28+$0x7A10]  }
0x187: {  	v34 =	vld [tilespmem:s28+$0xCA10]  }
0x188: {  	v35 =	vld [tilespmem:s28+$0x7A90]  }
0x189: {  	v36 =	vld [tilespmem:s28+$0xCA90]  }
0x18a: {  	v37 =	vld [tilespmem:s28+$0x7B10]  }
0x18b: {  	v38 =	vld [tilespmem:s28+$0xCB10]  }
0x18c: {  	v39 =	vld [tilespmem:s28+$0x7B90]  }
0x18d: {  	v5 =	vmov s25;
	v41 =	vld [tilespmem:s28+$0xCB90]  }
0x18e: {  	v56 =	vld [tilespmem:s28+$0x7C10]  }
0x18f: {  	v57 =	vld [tilespmem:s28+$0xCC10]  }
0x190: {  	v58 =	vld [tilespmem:s28+$0x7C90]  }
0x191: {  	s26 =	simm.s32 $0x0;
	v16 =	vld [tilespmem:s28+$0xCE90]  }
0x192: {  	v20 =	vld.idx.msk [tilespmem:v5+s26+$0xFFFFF900 ss:$0x1], $0xffff  }
0x193: {  	v31 =	vld.idx.msk [tilespmem:v5+s26+$0xFFFFFA00 ss:$0x1], $0xffff  }
0x194: {  	v27 =	vld.idx.msk [tilespmem:v5+s26+$0xFFFFFB00 ss:$0x1], $0xffff  }
0x195: {  	v30 =	vld.idx.msk [tilespmem:v5+s26+$0xFFFFFC00 ss:$0x1], $0xffff  }
0x196: {  	v28 =	vld.idx.msk [tilespmem:v5+s26+$0xFFFFFD00 ss:$0x1], $0xffff  }
0x197: {  	v26 =	vld.idx.msk [tilespmem:v5+s26+$0xFFFFFE00 ss:$0x1], $0xffff  }
0x198: {  	[tilespmem:$0x1F9C0] =	vst v59;
	v59 =	vld [tilespmem:s28+$0xCC90]  }
0x199: {  	[tilespmem:$0x1F9D0] =	vst v60;
	v60 =	vld [tilespmem:s28+$0x7D10]  }
0x19a: {  	[tilespmem:$0x1F9E0] =	vst v62;
	v62 =	vld [tilespmem:s28+$0xCD10]  }
0x19b: {  	v6 =	vmov s24;
	[tilespmem:$0x1F9F0] =	vst v32;
	v32 =	vld [tilespmem:s28+$0x7D90]  }
0x19c: {  	[tilespmem:$0x1FA00] =	vst v33;
	v33 =	vld [tilespmem:s28+$0xCD90]  }
0x19d: {  	[tilespmem:$0x1FA10] =	vst v34;
	v34 =	vld [tilespmem:s28+$0x7E10]  }
0x19e: {  	[tilespmem:$0x1FA20] =	vst v35;
	v35 =	vld [tilespmem:s28+$0xCE10]  }
0x19f: {  	[tilespmem:$0x1FA30] =	vst v36;
	v36 =	vld [tilespmem:s28+$0x7E90]  }
0x1a0: {  	[tilespmem:$0x1FA40] =	vst v37;
	v37 =	vld.idx.msk [tilespmem:v6+s26+$0xFFFFFC10 ss:$0x1], $0xffff  }
0x1a1: {  	[tilespmem:$0x1FA50] =	vst v38;
	v38 =	vld.idx.msk [tilespmem:v5+s26+$0xFFFFF880 ss:$0x1], $0xffff  }
0x1a2: {  	[tilespmem:$0x1FA60] =	vst v39;
	v39 =	vld.idx.msk [tilespmem:v6+s26+$0xFFFFFD10 ss:$0x1], $0xffff  }
0x1a3: {  	[tilespmem:$0x1FA70] =	vst v41;
	v41 =	vld.idx.msk [tilespmem:v5+s26+$0xFFFFF980 ss:$0x1], $0xffff  }
0x1a4: {  	[tilespmem:$0x1FA80] =	vst v56;
	v56 =	vld.idx.msk [tilespmem:v6+s26+$0xFFFFFE10 ss:$0x1], $0xffff;
	v1 =	vmul.f32 v2, v1;
	v2 =	vmul.f32 v7, v3  }
0x1a5: {  	[tilespmem:$0x1FA90] =	vst v57;
	v57 =	vld.idx.msk [tilespmem:v6+s26+$0xFFFFFF10 ss:$0x1], $0xffff;
	v3 =	vmul.f32 v8, v4;
	v4 =	vmul.f32 v12, v9  }
0x1a6: {  	[tilespmem:$0x1FAA0] =	vst v58;
	v58 =	vld.idx.msk [tilespmem:v6+s26+$0x10 ss:$0x1], $0xffff;
	v9 =	vmul.f32 v13, v10;
	v10 =	vmul.f32 v17, v14  }
0x1a7: {  	v17 =	vmul.f32 v29, v24;
	v11 =	vmul.f32 v11, v61;
	v61 =	vld.idx.msk [tilespmem:v6+s26+$0xFFFFFE00 ss:$0x1], $0xffff  }
0x1a8: {  	v29 =	vmul.f32 v46, v43;
	v46 =	vmul.f32 v55, v52;
	v55 =	vld.idx.msk [tilespmem:v5+s26+$0xFFFFFA70 ss:$0x1], $0xffff  }
0x1a9: {  	v13 =	vmul.f32 v22, v19;
	v22 =	vld.idx.msk [tilespmem:v5+s26+$0xFFFFFB70 ss:$0x1], $0xffff  }
0x1aa: {  	[tilespmem:$0x1F9B0] =	vst v0;
	v12 =	vmul.f32 v18, v15;
	v24 =	vld.idx.msk [tilespmem:v5+s26+$0xFFFFFBF0 ss:$0x1], $0xffff  }
0x1ab: {  	v18 =	vmul.f32 v40, v25;
	v25 =	vmul.f32 v50, v47;
	v47 =	vld [tilespmem:$0x1F9B0]  }
0x1ac: {  	v14 =	vmul.f32 v23, v21;
	v40 =	vmul.f32 v51, v48;
	v48 =	vld [tilespmem:$0x1F9C0]  }
0x1ad: {  	v21 =	vmul.f32 v45, v42;
	v42 =	vmul.f32 v49, v44;
	v49 =	vld [tilespmem:$0x1F9D0]  }
0x1ae: {  	v50 =	vld [tilespmem:$0x1F9E0]  }
0x1af: {  	v51 =	vld [tilespmem:$0x1F9F0];
	v52 =	vadd.f32 v11, v1;
	v11 =	vmul.f32 v54, v53  }
0x1b0: {  	v53 =	vld [tilespmem:$0x1FA00]  }
0x1b1: {  	v45 =	vadd.f32 v11, v3;
	v3 =	vld [tilespmem:$0x1FA10]  }
0x1b2: {  	v44 =	vld [tilespmem:$0x1FA20]  }
0x1b3: {  	v54 =	vld.idx.msk [tilespmem:v6+s26+$0xFFFFFE80 ss:$0x1], $0xffff  }
0x1b4: {  	v43 =	vadd.f32 v46, v2;
	v46 =	vld [tilespmem:$0x1FA80]  }
0x1b5: {  	[tilespmem:$0x1FB20] =	vst v36;
	v36 =	vld.idx.msk [tilespmem:v6+s26+$0xFFFFFC90 ss:$0x1], $0xffff  }
0x1b6: {  	v11 =	vmul.f32 v3, v53;
	v3 =	vld [tilespmem:$0x1FA30]  }
0x1b7: {  	[tilespmem:$0x1FAF0] =	vst v33;
	v33 =	vld.idx.msk [tilespmem:v6+s26+$0xFFFFFD90 ss:$0x1], $0xffff  }
0x1b8: {  	[tilespmem:$0x1FAE0] =	vst v32;
	v32 =	vld.idx.msk [tilespmem:v5+s26+$0xFFFFFA80 ss:$0x1], $0xffff  }
0x1b9: {  	[tilespmem:$0x1FB00] =	vst v34;
	v34 =	vld.idx.msk [tilespmem:v6+s26+$0xFFFFFE90 ss:$0x1], $0xffff  }
0x1ba: {  	[tilespmem:$0x1FB30] =	vst v37;
	v37 =	vld.idx.msk [tilespmem:v5+s26+$0xFFFFFB80 ss:$0x1], $0xffff;
	v63 =	vmul.f32 v63, v47  }
0x1bb: {  	v1 =	vmul.f32 v3, v44;
	v3 =	vld [tilespmem:$0x1FA40]  }
0x1bc: {  	v44 =	vadd.f32 v63, v4;
	v4 =	vld [tilespmem:$0x1FA50]  }
0x1bd: {  	[tilespmem:$0x1FB10] =	vst v35;
	v35 =	vld.idx.msk [tilespmem:v6+s26+$0xFFFFFF90 ss:$0x1], $0xffff  }
0x1be: {  	[tilespmem:$0x1FAB0] =	vst v59;
	v59 =	vld.idx.msk [tilespmem:v5+s26+$0xFFFFFC80 ss:$0x1], $0xffff  }
0x1bf: {  	[tilespmem:$0x1FB40] =	vst v38;
	v38 =	vld.idx.msk [tilespmem:v6+s26+$0x90 ss:$0x1], $0xffff  }
0x1c0: {  	[tilespmem:$0x1FAC0] =	vst v60;
	v60 =	vld.idx.msk [tilespmem:v6+s26+$0x110 ss:$0x1], $0xffff  }
0x1c1: {  	v63 =	vmul.f32 v4, v3;
	v3 =	vld [tilespmem:$0x1FA60]  }
0x1c2: {  	v4 =	vld [tilespmem:$0x1FA70]  }
0x1c3: {  	[tilespmem:$0x1FB50] =	vst v39;
	v39 =	vld.idx.msk [tilespmem:v5+s26+$0xFFFFFD80 ss:$0x1], $0xffff  }
0x1c4: {  	[tilespmem:$0x1FAD0] =	vst v62;
	v62 =	vld.idx.msk [tilespmem:v6+s26+$0x190 ss:$0x1], $0xffff  }
0x1c5: {  	[tilespmem:$0x1FB60] =	vst v41;
	v41 =	vld.idx.msk [tilespmem:v6+s26+$0x210 ss:$0x1], $0xffff  }
0x1c6: {  	[tilespmem:$0x1FB70] =	vst v56;
	v56 =	vld.idx.msk [tilespmem:v5+s26+$0xFFFFFE80 ss:$0x1], $0xffff  }
0x1c7: {  	v3 =	vmul.f32 v4, v3;
	v4 =	vld [tilespmem:$0x1FA90]  }
0x1c8: {  	[tilespmem:$0x1FB80] =	vst v57;
	v57 =	vld.idx.msk [tilespmem:v6+s26+$0x290 ss:$0x1], $0xffff  }
0x1c9: {  	[tilespmem:$0x1FB90] =	vst v58;
	v58 =	vld.idx.msk [tilespmem:v6+s26+$0x310 ss:$0x1], $0xffff  }
0x1ca: {  	v2 =	vmul.f32 v49, v48;
	v0 =	vmul.f32 v51, v50;
	v50 =	vld.idx.msk [tilespmem:v5+s26+$0xFFFFFAF0 ss:$0x1], $0xffff  }
0x1cb: {  	v7 =	vld [tilespmem:$0x1FAB0]  }
0x1cc: {  	v53 =	vadd.f32 v2, v9;
	v2 =	vmul.f32 v4, v46;
	v4 =	vld [tilespmem:$0x1FAA0]  }
0x1cd: {  	v49 =	vld.idx.msk [tilespmem:v6+s26+$0xFFFFFF00 ss:$0x1], $0xffff  }
0x1ce: {  	v47 =	vld [tilespmem:$0x1FAC0]  }
0x1cf: {  	v48 =	vld [tilespmem:$0x1FAE0]  }
0x1d0: {  	v8 =	vld [tilespmem:$0x1FB00]  }
0x1d1: {  	v4 =	vmul.f32 v7, v4;
	v7 =	vld [tilespmem:$0x1FAD0]  }
0x1d2: {  	v9 =	vld [tilespmem:$0x1FB10]  }
0x1d3: {  	[tilespmem:$0x1FBE0] =	vst v41;
	v41 =	vld.idx.msk [tilespmem:v5+s26+$0xFFFFFF00 ss:$0x1], $0xffff  }
0x1d4: {  	[tilespmem:$0x1FBA0] =	vst v59;
	v59 =	vld.idx.msk [tilespmem:v5+s26+$0xFFFFFF80 ss:$0x1], $0xffff  }
0x1d5: {  	[tilespmem:$0x1FBB0] =	vst v60;
	v60 =	vld.idx.msk [tilespmem:v6+s26+$0xFFFFFC00 ss:$0x1], $0xffff  }
0x1d6: {  	v51 =	vadd.f32 v0, v10;
	v10 =	vmul.f32 v7, v47;
	v7 =	vld [tilespmem:$0x1FAF0]  }
0x1d7: {  	[tilespmem:$0x1FBC0] =	vst v62;
	v62 =	vld.idx.msk [tilespmem:v5+s26+$0xFFFFF870 ss:$0x1], $0xffff  }
0x1d8: {  	[tilespmem:$0x1F990] =	vst v58;
	v58 =	vld.idx.msk [tilespmem:v5+s26+$0xFFFFF970 ss:$0x1], $0xffff  }
0x1d9: {  	[tilespmem:$0x1FC00] =	vst v57;
	v57 =	vld.idx.msk [tilespmem:v6+s26+$0xFFFFFD80 ss:$0x1], $0xffff  }
0x1da: {  	v15 =	vmul.f32 v9, v8;
	v8 =	vld [tilespmem:$0x1FB20]  }
0x1db: {  	v0 =	vmul.f32 v7, v48;
	v7 =	vadd.f32 v11, v12;
	v12 =	vadd.f32 v3, v17;
	v3 =	vld [tilespmem:$0x1FB70]  }
0x1dc: {  	[tilespmem:$0x1FBF0] =	vst v56;
	v56 =	vld.idx.msk [tilespmem:v5+s26+$0xFFFFF9F0 ss:$0x1], $0xffff  }
0x1dd: {  	v23 =	vmul.f32 v31, v33;
	v31 =	vld.idx.msk [tilespmem:v6+s26+$0x80 ss:$0x1], $0xffff  }
0x1de: {  	v20 =	vmul.f32 v20, v36;
	v36 =	vld.idx.msk [tilespmem:v5+s26+$0xFFFFFCF0 ss:$0x1], $0xffff  }
0x1df: {  	v19 =	vmul.f32 v16, v8;
	v16 =	vadd.f32 v1, v13;
	v13 =	vadd.f32 v2, v18;
	v2 =	vld [tilespmem:$0x1FB90]  }
0x1e0: {  	v32 =	vmul.f32 v32, v3;
	v3 =	vld [tilespmem:$0x1FBA0]  }
0x1e1: {  	v33 =	vmul.f32 v27, v34;
	v34 =	vld [tilespmem:$0x1FB80]  }
0x1e2: {  	v28 =	vmul.f32 v28, v38;
	v38 =	vld.idx.msk [tilespmem:v5+s26+$0xFFFFFD70 ss:$0x1], $0xffff  }
0x1e3: {  	v9 =	vld [tilespmem:$0x1FB60]  }
0x1e4: {  	[tilespmem:$0x1FC20] =	vst v62;
	v62 =	vld.idx.msk [tilespmem:v6+s26+$0xFFFFFC80 ss:$0x1], $0xffff  }
0x1e5: {  	v27 =	vmul.f32 v3, v2;
	v2 =	vld [tilespmem:$0x1FBB0]  }
0x1e6: {  	[tilespmem:$0x1F9A0] =	vst v59;
	v59 =	vld.idx.msk [tilespmem:v5+s26+$0xFFFFF8F0 ss:$0x1], $0xffff  }
0x1e7: {  	[tilespmem:$0x1FC10] =	vst v60;
	v60 =	vld.idx.msk [tilespmem:v6+s26+$0xFFFFFD00 ss:$0x1], $0xffff;
	v0 =	vadd.f32 v0, v25  }
0x1e8: {  	v34 =	vmul.f32 v37, v34;
	v37 =	vld.idx.msk [tilespmem:v6+s26+$0x100 ss:$0x1], $0xffff  }
0x1e9: {  	[tilespmem:$0x1FBD0] =	vst v0;
	v0 =	vld [tilespmem:$0x1FBE0]  }
0x1ea: {  	v11 =	vadd.f32 v63, v14;
	v14 =	vadd.f32 v10, v29;
	v29 =	vmul.f32 v39, v2;
	v2 =	vld [tilespmem:$0x1FBF0]  }
0x1eb: {  	v8 =	vld [tilespmem:$0x1FB40]  }
0x1ec: {  	v19 =	vadd.f32 v19, v42;
	v42 =	vld.idx.msk [tilespmem:v5+s26+$0xFFFFFE70 ss:$0x1], $0xffff  }
0x1ed: {  	v47 =	vld [tilespmem:$0x1FB30]  }
0x1ee: {  	v39 =	vld [tilespmem:$0x1FBC0]  }
0x1ef: {  	v25 =	vmul.f32 v2, v0;
	v0 =	vld [tilespmem:$0x1FC00]  }
0x1f0: {  	v46 =	vld.idx.msk [tilespmem:v6+s26+$0xFFFFFF80 ss:$0x1], $0xffff  }
0x1f1: {  	v48 =	vld.idx.msk [tilespmem:v6+s26+$0x0 ss:$0x1], $0xffff  }
0x1f2: {  	v1 =	vmul.f32 v8, v47;
	v47 =	vld.idx.msk [tilespmem:v5+s26+$0xFFFFFC70 ss:$0x1], $0xffff  }
0x1f3: {  	v35 =	vmul.f32 v30, v35;
	v54 =	vmul.f32 v50, v54;
	v17 =	vadd.f32 v15, v40;
	v40 =	vld [tilespmem:$0x1FC20]  }
0x1f4: {  	v30 =	vmul.f32 v26, v39;
	v26 =	vmul.f32 v41, v0;
	v0 =	vld [tilespmem:$0x1FC10]  }
0x1f5: {  	v50 =	vmul.f32 v24, v46;
	v46 =	vld.idx.msk [tilespmem:v5+s26+$0xFFFFFF70 ss:$0x1], $0xffff;
	v18 =	vadd.f32 v4, v21;
	v4 =	vmul.f32 v56, v57  }
0x1f6: {  	v8 =	vld [tilespmem:$0x1FB50]  }
0x1f7: {  	v4 =	vadd.f32 v4, v44;
	v44 =	vld.idx.msk [tilespmem:v5+s26+$0xFFFFFEF0 ss:$0x1], $0xffff;
	v3 =	vmul.f32 v58, v60  }
0x1f8: {  	v59 =	vmul.f32 v59, v62;
	v48 =	vmul.f32 v47, v48;
	v47 =	vld.idx.msk [tilespmem:v6+s26+$0x380 ss:$0x1], $0xffff  }
0x1f9: {  	v3 =	vadd.f32 v3, v45;
	v45 =	vld.idx.msk [tilespmem:v6+s26+$0x300 ss:$0x1], $0xffff;
	v0 =	vmul.f32 v40, v0  }
0x1fa: {  	v62 =	vmul.f32 v55, v61;
	v24 =	vadd.f32 v54, v51;
	v39 =	vld.idx.msk [tilespmem:v6+s26+$0x180 ss:$0x1], $0xffff;
	v2 =	vadd.f32 v59, v43  }
0x1fb: {  	v15 =	vadd.f32 v23, v4;
	v63 =	vmul.f32 v9, v8;
	v43 =	vld.idx.msk [tilespmem:v6+s26+$0x280 ss:$0x1], $0xffff;
	v0 =	vadd.f32 v0, v52  }
0x1fc: {  	v23 =	vadd.f32 v62, v53;
	v21 =	vadd.f32 v20, v2;
	v41 =	vld.idx.msk [tilespmem:v5+s26+$0xFFFFFDF0 ss:$0x1], $0xffff  }
0x1fd: {  	s28 =	simm.s32 $0x80;
	v49 =	vmul.f32 v22, v49;
	v20 =	vadd.f32 v63, v3;
	v40 =	vld.idx.msk [tilespmem:v6+s26+$0x200 ss:$0x1], $0xffff;
	v22 =	vadd.f32 v1, v0  }
.LBB2_8:
0x1fe: {  	v3 =	vld.idx.msk [tilespmem:v5+s26+$0xFFFFFFF0 ss:$0x1], $0xffff  }
0x1ff: {  	v56 =	vld.idx.msk [tilespmem:v5+s26+$0x0 ss:$0x1], $0xffff  }
0x200: {  	v62 =	vld [tilespmem:$0x1FBD0]  }
0x201: {  	v63 =	vld [tilespmem:$0x1F990]  }
0x202: {  	v1 =	vadd.f32 v50, v16;
	v2 =	vmul.f32 v36, v31;
	v31 =	vld.idx.msk [tilespmem:v6+s26+$0x390 ss:$0x1], $0xffff;
	s26 =	sshra.s32 s28, $0x2  }
0x203: {  	v4 =	vmul.f32 v38, v37;
	v37 =	vld.idx.msk [tilespmem:v6+s26+$0xFFFFFC10 ss:$0x1], $0xffff  }
0x204: {  	v16 =	vadd.f32 v35, v1;
	v35 =	vld.idx.msk [tilespmem:v6+s26+$0xFFFFFC90 ss:$0x1], $0xffff  }
0x205: {  	v38 =	vld.idx.msk [tilespmem:v5+s26+$0xFFFFFB80 ss:$0x1], $0xffff  }
0x206: {  	v55 =	vmul.f32 v41, v39;
	v39 =	vld.idx.msk [tilespmem:v6+s26+$0xFFFFFF90 ss:$0x1], $0xffff  }
0x207: {  	v57 =	vmul.f32 v42, v40;
	v40 =	vld.idx.msk [tilespmem:v5+s26+$0xFFFFFC00 ss:$0x1], $0xffff  }
0x208: {  	v41 =	vld.idx.msk [tilespmem:v6+s26+$0x10 ss:$0x1], $0xffff  }
0x209: {  	v42 =	vld.idx.msk [tilespmem:v5+s26+$0xFFFFFC80 ss:$0x1], $0xffff  }
0x20a: {  	v58 =	vmul.f32 v44, v43;
	v43 =	vld.idx.msk [tilespmem:v6+s26+$0x90 ss:$0x1], $0xffff  }
0x20b: {  	v44 =	vld.idx.msk [tilespmem:v5+s26+$0xFFFFFD00 ss:$0x1], $0xffff  }
0x20c: {  	v59 =	vmul.f32 v46, v45;
	v45 =	vld.idx.msk [tilespmem:v6+s26+$0x110 ss:$0x1], $0xffff  }
0x20d: {  	v46 =	vld.idx.msk [tilespmem:v5+s26+$0xFFFFFD80 ss:$0x1], $0xffff  }
0x20e: {  	v3 =	vmul.f32 v3, v47;
	v47 =	vld.idx.msk [tilespmem:v6+s26+$0x190 ss:$0x1], $0xffff  }
0x20f: {  	v9 =	vadd.f32 v48, v11;
	v48 =	vld.idx.msk [tilespmem:v5+s26+$0xFFFFFE00 ss:$0x1], $0xffff  }
0x210: {  	v0 =	vadd.f32 v49, v7;
	v49 =	vld.idx.msk [tilespmem:v6+s26+$0x210 ss:$0x1], $0xffff  }
0x211: {  	v50 =	vld.idx.msk [tilespmem:v5+s26+$0xFFFFFE80 ss:$0x1], $0xffff  }
0x212: {  	v51 =	vld.idx.msk [tilespmem:v6+s26+$0x290 ss:$0x1], $0xffff  }
0x213: {  	v52 =	vld.idx.msk [tilespmem:v5+s26+$0xFFFFFF00 ss:$0x1], $0xffff  }
0x214: {  	v36 =	vld.idx.msk [tilespmem:v6+s26+$0x310 ss:$0x1], $0xffff  }
0x215: {  	v53 =	vld.idx.msk [tilespmem:v5+s26+$0xFFFFFF80 ss:$0x1], $0xffff  }
0x216: {  	v54 =	vld.idx.msk [tilespmem:v5+s26+$0xFFFFF870 ss:$0x1], $0xffff  }
0x217: {  	v1 =	vld.idx.msk [tilespmem:v5+s26+$0xFFFFFB70 ss:$0x1], $0xffff  }
0x218: {  	v11 =	vld.idx.msk [tilespmem:v6+s26+$0x0 ss:$0x1], $0xffff  }
0x219: {  	v7 =	vadd.f32 v32, v23;
	v0 =	vadd.f32 v34, v0;
	v34 =	vld.idx.msk [tilespmem:v5+s26+$0xFFFFF880 ss:$0x1], $0xffff  }
0x21a: {  	v60 =	vadd.f32 v27, v9;
	v27 =	vld.idx.msk [tilespmem:v5+s26+$0xFFFFF980 ss:$0x1], $0xffff  }
0x21b: {  	[tilespmem:$0x1F940] =	vst v7;
	v7 =	vadd.f32 v33, v24;
	v33 =	vld.idx.msk [tilespmem:v6+s26+$0xFFFFFE10 ss:$0x1], $0xffff  }
0x21c: {  	v18 =	vadd.f32 v55, v18;
	v55 =	vld.idx.msk [tilespmem:v6+s26+$0xFFFFFC80 ss:$0x1], $0xffff  }
0x21d: {  	v10 =	vadd.f32 v57, v14;
	v57 =	vld.idx.msk [tilespmem:v6+s26+$0xFFFFFD00 ss:$0x1], $0xffff  }
0x21e: {  	v14 =	vadd.f32 v58, v62;
	v58 =	vld.idx.msk [tilespmem:v5+s26+$0xFFFFF970 ss:$0x1], $0xffff  }
0x21f: {  	v8 =	vadd.f32 v59, v17;
	v59 =	vld.idx.msk [tilespmem:v6+s26+$0xFFFFFD80 ss:$0x1], $0xffff  }
0x220: {  	v62 =	vld.idx.msk [tilespmem:v5+s26+$0xFFFFFA70 ss:$0x1], $0xffff  }
0x221: {  	v2 =	vadd.f32 v2, v12;
	v9 =	vld.idx.msk [tilespmem:v6+s26+$0xFFFFFF80 ss:$0x1], $0xffff  }
0x222: {  	v4 =	vadd.f32 v4, v13;
	v12 =	vld.idx.msk [tilespmem:v5+s26+$0xFFFFFC70 ss:$0x1], $0xffff  }
0x223: {  	v61 =	vadd.f32 v28, v2;
	v2 =	vld.idx.msk [tilespmem:v5+s26+$0xFFFFF900 ss:$0x1], $0xffff  }
0x224: {  	v24 =	vadd.f32 v29, v4;
	v4 =	vld.idx.msk [tilespmem:v6+s26+$0xFFFFFD10 ss:$0x1], $0xffff  }
0x225: {  	[tilespmem:$0x1F950] =	vst v7;
	v7 =	vld [tilespmem:$0x1F9A0]  }
0x226: {  	v28 =	vld.idx.msk [tilespmem:v6+s26+$0xFFFFFD90 ss:$0x1], $0xffff  }
0x227: {  	v23 =	vadd.f32 v25, v10;
	v25 =	vld.idx.msk [tilespmem:v5+s26+$0xFFFFFA00 ss:$0x1], $0xffff  }
0x228: {  	v32 =	vadd.f32 v26, v14;
	v26 =	vld.idx.msk [tilespmem:v6+s26+$0xFFFFFE90 ss:$0x1], $0xffff  }
0x229: {  	v29 =	vld.idx.msk [tilespmem:v5+s26+$0xFFFFFB00 ss:$0x1], $0xffff  }
0x22a: {  	v18 =	vadd.f32 v30, v18;
	v30 =	vld.idx.msk [tilespmem:v6+s26+$0xFFFFFF10 ss:$0x1], $0xffff  }
0x22b: {  	[tilespmem:$0x1F980] =	vst v60;
	v60 =	vld.idx.msk [tilespmem:v5+s26+$0xFFFFF9F0 ss:$0x1], $0xffff  }
0x22c: {  	v10 =	vld.idx.msk [tilespmem:v5+s26+$0xFFFFFBF0 ss:$0x1], $0xffff  }
0x22d: {  	[tilespmem:$0x1F960] =	vst v0;
	v0 =	vmul.f32 v56, v31;
	v56 =	vld.idx.msk [tilespmem:v5+s26+$0xFFFFF8F0 ss:$0x1], $0xffff  }
0x22e: {  	v31 =	vld.idx.msk [tilespmem:v6+s26+$0x80 ss:$0x1], $0xffff  }
0x22f: {  	[tilespmem:$0x1F9A0] =	vst v53;
	v53 =	vld.idx.msk [tilespmem:v6+s26+$0xFFFFFC00 ss:$0x1], $0xffff  }
0x230: {  	v3 =	vadd.f32 v3, v19;
	[tilespmem:$0x1F970] =	vst v61;
	v61 =	vld.idx.msk [tilespmem:v6+s26+$0xFFFFFE00 ss:$0x1], $0xffff  }
0x231: {  	[tilespmem:$0x1F990] =	vst v36;
	v36 =	vld.idx.msk [tilespmem:v5+s26+$0xFFFFFCF0 ss:$0x1], $0xffff  }
0x232: {  	v19 =	vadd.f32 v0, v3;
	v3 =	vld.idx.msk [tilespmem:v5+s26+$0xFFFFFA80 ss:$0x1], $0xffff  }
0x233: {  	v13 =	vmul.f32 v34, v37;
	v37 =	vld.idx.msk [tilespmem:v6+s26+$0x100 ss:$0x1], $0xffff  }
0x234: {  	v7 =	vmul.f32 v7, v63;
	v63 =	vld.idx.msk [tilespmem:v6+s26+$0xFFFFFE80 ss:$0x1], $0xffff  }
0x235: {  	v34 =	vmul.f32 v38, v30;
	v38 =	vld.idx.msk [tilespmem:v5+s26+$0xFFFFFD70 ss:$0x1], $0xffff  }
0x236: {  	v2 =	vmul.f32 v2, v35;
	v35 =	vmul.f32 v40, v39;
	v39 =	vld.idx.msk [tilespmem:v6+s26+$0x180 ss:$0x1], $0xffff  }
0x237: {  	v4 =	vmul.f32 v27, v4;
	v27 =	vmul.f32 v42, v41;
	v41 =	vld.idx.msk [tilespmem:v5+s26+$0xFFFFFDF0 ss:$0x1], $0xffff  }
0x238: {  	v40 =	vld.idx.msk [tilespmem:v6+s26+$0x200 ss:$0x1], $0xffff  }
0x239: {  	v42 =	vld.idx.msk [tilespmem:v5+s26+$0xFFFFFE70 ss:$0x1], $0xffff  }
0x23a: {  	v14 =	vmul.f32 v25, v28;
	v28 =	vmul.f32 v44, v43;
	v43 =	vld.idx.msk [tilespmem:v6+s26+$0x280 ss:$0x1], $0xffff  }
0x23b: {  	v17 =	vadd.f32 v7, v8;
	v7 =	vld.idx.msk [tilespmem:v5+s26+$0xFFFFFAF0 ss:$0x1], $0xffff  }
0x23c: {  	v58 =	vmul.f32 v58, v57;
	v30 =	vmul.f32 v48, v47;
	v44 =	vld.idx.msk [tilespmem:v5+s26+$0xFFFFFEF0 ss:$0x1], $0xffff  }
0x23d: {  	v25 =	vmul.f32 v50, v49;
	v48 =	vmul.f32 v12, v11;
	v12 =	vld [tilespmem:$0x1F970]  }
0x23e: {  	v60 =	vmul.f32 v60, v59;
	v8 =	vld.idx.msk [tilespmem:v6+s26+$0xFFFFFF00 ss:$0x1], $0xffff;
	v54 =	vmul.f32 v54, v53  }
0x23f: {  	[tilespmem:$0x1FBD0] =	vst v32;
	v20 =	vadd.f32 v58, v20;
	v61 =	vmul.f32 v62, v61;
	v62 =	vld [tilespmem:$0x1F940];
	v32 =	vmul.f32 v3, v33  }
0x240: {  	p0 =	sne.s32 s28, $0x100;
	v3 =	vmul.f32 v56, v55;
	v7 =	vmul.f32 v7, v63;
	v63 =	vld [tilespmem:$0x1F950]  }
.Ltmp2:
0x241: {  	v50 =	vmul.f32 v10, v9;
	v11 =	vld [tilespmem:$0x1F980];
	v15 =	vadd.f32 v60, v15;
	v20 =	vadd.f32 v4, v20;
	(pc) =	sbr.rel @p0 .LBB2_8-.Ltmp2, $4  }
0x242: {  	v47 =	vld.idx.msk [tilespmem:v6+s26+$0x380 ss:$0x1], $0xffff;
	v33 =	vmul.f32 v29, v26;
	v0 =	vadd.f32 v54, v22;
	v3 =	vadd.f32 v3, v21  }
0x243: {  	v29 =	vmul.f32 v46, v45;
	v26 =	vmul.f32 v52, v51;
	v45 =	vld.idx.msk [tilespmem:v6+s26+$0x300 ss:$0x1], $0xffff;
	v15 =	vadd.f32 v14, v15  }
0x244: {  	v46 =	vld.idx.msk [tilespmem:v5+s26+$0xFFFFFF70 ss:$0x1], $0xffff;
	v14 =	vmov v23;
	v22 =	vadd.f32 v13, v0;
	v21 =	vadd.f32 v2, v3  }
0x245: {  	s28 =	sadd.s32 $0x80, s28;
	v13 =	vmovc v24;
	v49 =	vmul.f32 v1, v8;
	v23 =	vadd.f32 v61, v62;
	v24 =	vadd.f32 v7, v63;
	v7 =	vld [tilespmem:$0x1F960]  }
0x246: {  	_ =	sdelay $0x3  }
0x247: {  	v3 =	vld.idx.msk [tilespmem:v5+s26+$0xFFFFFFF0 ss:$0x1], $0xffff  }
0x248: {  	v6 =	vld.idx.msk [tilespmem:v6+s26+$0x390 ss:$0x1], $0xffff  }
0x249: {  	v1 =	vadd.f32 v50, v16;
	v54 =	vld.idx.msk [tilespmem:v5+s26+$0x0 ss:$0x1], $0xffff  }
0x24a: {  	v2 =	vmul.f32 v36, v31;
	v4 =	vmul.f32 v38, v37;
	v10 =	vadd.f32 v48, v11;
	v57 =	vld [tilespmem:$0x1FBD0]  }
0x24b: {  	v9 =	vmul.f32 v41, v39;
	v58 =	vld [tilespmem:$0x1F990];
	v52 =	vadd.f32 v32, v23;
	v8 =	vadd.f32 v33, v24  }
0x24c: {  	v53 =	vmul.f32 v42, v40;
	v59 =	vld [tilespmem:$0x1F9A0];
	v1 =	vadd.f32 v35, v1;
	v2 =	vadd.f32 v2, v12  }
0x24d: {  	v63 =	vld [tilespmem:$0x1FFC0];
	v4 =	vadd.f32 v4, v13;
	v9 =	vadd.f32 v9, v18  }
0x24e: {  	v10 =	vadd.f32 v27, v10;
	v11 =	vadd.f32 v53, v14  }
0x24f: {  	v55 =	vmul.f32 v44, v43;
	v0 =	vadd.f32 v49, v7;
	v2 =	vadd.f32 v28, v2  }
0x250: {  	v56 =	vmul.f32 v46, v45;
	v4 =	vadd.f32 v29, v4;
	v9 =	vadd.f32 v30, v9  }
0x251: {  	v60 =	vadd.f32 v25, v11;
	v3 =	vmul.f32 v3, v47;
	v14 =	vmul.f32 v59, v58  }
0x252: {  	v12 =	vadd.f32 v55, v57;
	v5 =	vmul.f32 v54, v6;
	v23 =	vperm.xlane v10, v63  }
0x253: {  	v13 =	vadd.f32 v56, v17;
	v24 =	vperm.xlane v22, v63;
	v28 =	vperm.xlane v20, v63  }
0x254: {  	v10 =	vsel vm2, v22, v10;
	v31 =	vperm.xlane v15, v63;
	v33 =	vperm.xlane v52, v63  }
0x255: {  	v35 =	vperm.xlane v8, v63;
	v40 =	vperm.xlane v1, v63;
	v0 =	vadd.f32 v34, v0  }
0x256: {  	v25 =	vperm.xlane v2, v63;
	v2 =	vsel vm2, v21, v2;
	v27 =	vperm.xlane v4, v63  }
0x257: {  	v4 =	vsel vm2, v20, v4;
	v30 =	vperm.xlane v9, v63;
	v32 =	vperm.xlane v60, v63  }
0x258: {  	v9 =	vsel vm2, v15, v9;
	v6 =	vsel vm2, v52, v60;
	v3 =	vadd.f32 v3, v19  }
0x259: {  	v61 =	vadd.f32 v26, v12;
	v62 =	vadd.f32 v14, v13;
	v13 =	vsel vm2, v24, v23  }
0x25a: {  	v42 =	vld [tilespmem:$0x1FFD0];
	v26 =	vperm.xlane v21, v63;
	v10 =	vadd.f32 v13, v10;
	v29 =	vsel vm2, v28, v27  }
0x25b: {  	v13 =	vsel vm2, v31, v30;
	v38 =	vperm.xlane v0, v63;
	v3 =	vadd.f32 v5, v3  }
0x25c: {  	v5 =	vsel vm2, v26, v25;
	v4 =	vadd.f32 v29, v4;
	v34 =	vperm.xlane v61, v63  }
0x25d: {  	v9 =	vadd.f32 v13, v9;
	v36 =	vsel vm2, v8, v61;
	v37 =	vperm.xlane v62, v63  }
0x25e: {  	v0 =	vsel vm2, v0, v62;
	v2 =	vadd.f32 v5, v2;
	v5 =	vsel vm2, v33, v32  }
0x25f: {  	v44 =	vperm.xlane v10, v42;
	v5 =	vadd.f32 v5, v6;
	v7 =	vsel vm2, v35, v34  }
0x260: {  	v39 =	vperm.xlane v3, v63;
	v8 =	vsel vm2, v38, v37;
	v1 =	vsel vm2, v1, v3  }
0x261: {  	v50 =	vperm.xlane v4, v42;
	v52 =	vperm.xlane v9, v42;
	v6 =	vadd.f32 v7, v36  }
0x262: {  	v0 =	vadd.f32 v8, v0;
	v48 =	vperm.xlane v2, v42;
	v41 =	vsel vm2, v40, v39  }
0x263: {  	v43 =	vperm.xlane v5, v42;
	v45 =	vsel vm0, v10, v5;
	v1 =	vadd.f32 v41, v1  }
0x264: {  	v55 =	vld [tilespmem:$0x1FFE0];
	v47 =	vperm.xlane v6, v42;
	v49 =	vperm.xlane v0, v42;
	v2 =	vsel vm0, v2, v6  }
0x265: {  	v0 =	vsel vm0, v4, v0;
	v46 =	vsel vm0, v44, v43;
	v51 =	vperm.xlane v1, v42  }
0x266: {  	v3 =	vadd.f32 v46, v45;
	v7 =	vsel vm0, v48, v47;
	v53 =	vsel vm0, v50, v49  }
0x267: {  	v1 =	vsel vm0, v9, v1;
	v0 =	vadd.f32 v53, v0;
	v54 =	vsel vm0, v52, v51  }
0x268: {  	v2 =	vadd.f32 v7, v2;
	v1 =	vadd.f32 v54, v1  }
0x269: {  	v57 =	vperm.xlane v3, v55;
	v56 =	vperm.xlane v0, v55  }
0x26a: {  	v61 =	vld [tilespmem:$0x1FFF0];
	v7 =	vperm.xlane v2, v55;
	v58 =	vperm.xlane v1, v55  }
0x26b: {  	v0 =	vsel vm1, v3, v0  }
0x26c: {  	v63 =	vld [tilespmem:$0x1FC30];
	v59 =	vsel vm1, v57, v56;
	v1 =	vsel vm1, v2, v1;
	v60 =	vsel vm1, v7, v58  }
0x26d: {  	v0 =	vadd.f32 v59, v0;
	v1 =	vadd.f32 v60, v1  }
0x26e: {  	s31 =	sshll.u32 s23, $0x4;
	s23 =	sadd.s32 $0x1, s23  }
0x26f: {  	p0 =	sne.s32 s23, $0x5;
	v3 =	vperm.xlane v0, v61;
	v2 =	vperm.xlane v1, v61  }
.Ltmp3:
0x270: {  	_ = 	snop;
	(pc) =	sbr.rel @p0 .LBB2_7-.Ltmp3, $4  }
0x271: {  	v0 =	vsel vm3, v0, v1;
	v62 =	vsel vm3, v3, v2  }
0x272: {  	v0 =	vadd.f32 v62, v0  }
0x273: {  	s26 =	sand.u32 $0x3FFFFFF0, s31  }
0x274: {  	s24 =	sadd.s32 $0x800, s24;
	s25 =	sadd.s32 $0x800, s25;
	[tilespmem:v63+s26+$0x0 ss:$0x1] =	vst.idx.msk $0xffff, v0  }
0x275: {  	s22 =	sadd.s32 $0x1, s22  }
0x276: {  	p0 =	sne.s32 s22, $0x3E  }
.Ltmp4:
0x277: {  	_ = 	snop;
	(pc) =	sbr.rel @p0 .LBB2_2-.Ltmp4, $1  }
0x278: {  	_ =	sdelay $0x3  }
0x279: {  	_ =	swait.ge [sflag:s16], $0x2800  }
0x27a: {  	[sflag:s16] =	ssyncset.done $0x0  }
0x27b: {  	[sflag:s16] =	ssyncadd.s32 $0xFFFFD800  }
0x27c: {  	_ =	swait.ge [sflag:s17], $0x2800  }
0x27d: {  	s22 =	simm.s32 $0x0;
	[sflag:s17] =	ssyncset.done $0x0  }
0x27e: {  	s23 =	simm.s32 $0x5320;
	s24 =	simm.s32 $0xA6B0;
	[sflag:s17] =	ssyncadd.s32 $0xFFFFD800  }
.LBB2_12:
0x27f: {  	s26 =	sshll.u32 s22, $0xB  }
0x280: {  	v1 =	vld [tilespmem:s26+$0x4F00]  }
0x281: {  	v2 =	vld [tilespmem:s26+$0x9F00]  }
0x282: {  	v3 =	vld [tilespmem:s26+$0x4F80]  }
0x283: {  	v7 =	vld [tilespmem:s26+$0x9F80]  }
0x284: {  	v6 =	vld [tilespmem:s26+$0x5000]  }
0x285: {  	v8 =	vld [tilespmem:s26+$0xA000]  }
0x286: {  	v9 =	vld [tilespmem:s26+$0x5080]  }
0x287: {  	v11 =	vld [tilespmem:s26+$0xA080]  }
0x288: {  	v10 =	vld [tilespmem:s26+$0x5100]  }
0x289: {  	v12 =	vld [tilespmem:s26+$0xA100]  }
0x28a: {  	v13 =	vld [tilespmem:s26+$0x5180]  }
0x28b: {  	v16 =	vld [tilespmem:s26+$0xA180]  }
0x28c: {  	v14 =	vld [tilespmem:s26+$0x5200]  }
0x28d: {  	v17 =	vld [tilespmem:s26+$0xA200]  }
0x28e: {  	v18 =	vld [tilespmem:s26+$0x5280]  }
0x28f: {  	v21 =	vld [tilespmem:s26+$0xA280]  }
0x290: {  	v20 =	vld [tilespmem:s26+$0x5300]  }
0x291: {  	v22 =	vld [tilespmem:s26+$0xA300]  }
0x292: {  	v23 =	vld [tilespmem:s26+$0x5380]  }
0x293: {  	v27 =	vld [tilespmem:s26+$0xA380]  }
0x294: {  	v24 =	vld [tilespmem:s26+$0x5400]  }
0x295: {  	v39 =	vld [tilespmem:s26+$0xA400]  }
0x296: {  	v41 =	vld [tilespmem:s26+$0x5480]  }
0x297: {  	v44 =	vld [tilespmem:s26+$0xA480]  }
0x298: {  	v42 =	vld [tilespmem:s26+$0x5500]  }
0x299: {  	v45 =	vld [tilespmem:s26+$0xA500]  }
0x29a: {  	v46 =	vld [tilespmem:s26+$0x5580]  }
0x29b: {  	v49 =	vld [tilespmem:s26+$0xA580]  }
0x29c: {  	v47 =	vld [tilespmem:s26+$0x5600]  }
0x29d: {  	v50 =	vld [tilespmem:s26+$0xA600]  }
0x29e: {  	v43 =	vld [tilespmem:s26+$0x5680]  }
0x29f: {  	v48 =	vld [tilespmem:s26+$0xA680]  }
0x2a0: {  	v61 =	vld [tilespmem:s26+$0x4F10]  }
0x2a1: {  	v56 =	vld [tilespmem:s26+$0x9F10]  }
0x2a2: {  	v52 =	vld [tilespmem:s26+$0x4F90]  }
0x2a3: {  	v60 =	vld [tilespmem:s26+$0x9F90]  }
0x2a4: {  	v51 =	vld [tilespmem:s26+$0x5010]  }
0x2a5: {  	v53 =	vld [tilespmem:s26+$0xA010]  }
0x2a6: {  	v0 =	vld [tilespmem:s26+$0x5090]  }
0x2a7: {  	v59 =	vld [tilespmem:s26+$0xA090]  }
0x2a8: {  	v62 =	vld [tilespmem:s26+$0x5110]  }
0x2a9: {  	v63 =	vld [tilespmem:s26+$0xA110]  }
0x2aa: {  	v32 =	vld [tilespmem:s26+$0x5190]  }
0x2ab: {  	v33 =	vld [tilespmem:s26+$0xA190]  }
0x2ac: {  	v34 =	vld [tilespmem:s26+$0x5210]  }
0x2ad: {  	v35 =	vld [tilespmem:s26+$0xA210]  }
0x2ae: {  	v36 =	vld [tilespmem:s26+$0x5290]  }
0x2af: {  	v37 =	vld [tilespmem:s26+$0xA290]  }
0x2b0: {  	v38 =	vld [tilespmem:s26+$0x5310]  }
0x2b1: {  	v40 =	vld [tilespmem:s26+$0xA310]  }
0x2b2: {  	v4 =	vmov s24;
	v54 =	vld [tilespmem:s26+$0x5390]  }
0x2b3: {  	v55 =	vld [tilespmem:s26+$0xA390]  }
0x2b4: {  	v57 =	vld [tilespmem:s26+$0x5410]  }
0x2b5: {  	v58 =	vld [tilespmem:s26+$0xA410]  }
0x2b6: {  	s25 =	simm.s32 $0x0;
	v15 =	vld [tilespmem:s26+$0xA690]  }
0x2b7: {  	v19 =	vld.idx.msk [tilespmem:v4+s25+$0xFFFFF900 ss:$0x1], $0xffff  }
0x2b8: {  	v30 =	vld.idx.msk [tilespmem:v4+s25+$0xFFFFFA00 ss:$0x1], $0xffff  }
0x2b9: {  	v31 =	vld.idx.msk [tilespmem:v4+s25+$0xFFFFFA80 ss:$0x1], $0xffff  }
0x2ba: {  	v28 =	vld.idx.msk [tilespmem:v4+s25+$0xFFFFFB00 ss:$0x1], $0xffff  }
0x2bb: {  	v26 =	vld.idx.msk [tilespmem:v4+s25+$0xFFFFFC00 ss:$0x1], $0xffff  }
0x2bc: {  	v25 =	vld.idx.msk [tilespmem:v4+s25+$0xFFFFFD00 ss:$0x1], $0xffff  }
0x2bd: {  	v29 =	vld.idx.msk [tilespmem:v4+s25+$0xFFFFFE00 ss:$0x1], $0xffff;
	[tilespmem:$0x1F6A0] =	vst v0  }
0x2be: {  	[tilespmem:$0x1F6B0] =	vst v59;
	v59 =	vld [tilespmem:s26+$0x5490]  }
0x2bf: {  	[tilespmem:$0x1F6C0] =	vst v62;
	v62 =	vld [tilespmem:s26+$0xA490]  }
0x2c0: {  	[tilespmem:$0x1F6D0] =	vst v63;
	v63 =	vld [tilespmem:s26+$0x5510]  }
0x2c1: {  	[tilespmem:$0x1F6E0] =	vst v32;
	v32 =	vld [tilespmem:s26+$0xA510]  }
0x2c2: {  	v5 =	vmov s23;
	[tilespmem:$0x1F6F0] =	vst v33;
	v33 =	vld [tilespmem:s26+$0x5590]  }
0x2c3: {  	[tilespmem:$0x1F700] =	vst v34;
	v34 =	vld [tilespmem:s26+$0xA590]  }
0x2c4: {  	[tilespmem:$0x1F710] =	vst v35;
	v35 =	vld [tilespmem:s26+$0x5610]  }
0x2c5: {  	[tilespmem:$0x1F720] =	vst v36;
	v36 =	vld [tilespmem:s26+$0xA610]  }
0x2c6: {  	[tilespmem:$0x1F730] =	vst v37;
	v37 =	vld [tilespmem:s26+$0x5690]  }
0x2c7: {  	[tilespmem:$0x1F740] =	vst v38;
	v38 =	vld.idx.msk [tilespmem:v5+s25+$0xFFFFFC10 ss:$0x1], $0xffff  }
0x2c8: {  	[tilespmem:$0x1F750] =	vst v40;
	v40 =	vld.idx.msk [tilespmem:v4+s25+$0xFFFFF880 ss:$0x1], $0xffff  }
0x2c9: {  	[tilespmem:$0x1F760] =	vst v54;
	v54 =	vld.idx.msk [tilespmem:v5+s25+$0xFFFFFC90 ss:$0x1], $0xffff  }
0x2ca: {  	[tilespmem:$0x1F770] =	vst v55;
	v55 =	vld.idx.msk [tilespmem:v5+s25+$0xFFFFFD10 ss:$0x1], $0xffff  }
0x2cb: {  	[tilespmem:$0x1F780] =	vst v57;
	v57 =	vld.idx.msk [tilespmem:v5+s25+$0xFFFFFE10 ss:$0x1], $0xffff;
	v0 =	vmul.f32 v2, v1;
	v1 =	vmul.f32 v7, v3  }
0x2cc: {  	[tilespmem:$0x1F790] =	vst v58;
	v58 =	vld.idx.msk [tilespmem:v5+s25+$0xFFFFFF10 ss:$0x1], $0xffff;
	v3 =	vmul.f32 v11, v9;
	v11 =	vmul.f32 v17, v14  }
0x2cd: {  	v17 =	vmul.f32 v27, v23;
	v56 =	vmul.f32 v56, v61;
	v61 =	vld.idx.msk [tilespmem:v5+s25+$0xFFFFFE00 ss:$0x1], $0xffff  }
0x2ce: {  	v27 =	vmul.f32 v39, v24;
	v24 =	vmul.f32 v49, v46;
	v49 =	vld [tilespmem:$0x1F6A0]  }
0x2cf: {  	v2 =	vmul.f32 v8, v6;
	v6 =	vld [tilespmem:$0x1F6B0]  }
0x2d0: {  	v39 =	vmul.f32 v50, v47;
	v47 =	vmul.f32 v53, v51;
	v53 =	vld.idx.msk [tilespmem:v5+s25+$0xFFFFFE80 ss:$0x1], $0xffff  }
0x2d1: {  	v23 =	vld.idx.msk [tilespmem:v4+s25+$0xFFFFFBF0 ss:$0x1], $0xffff  }
0x2d2: {  	v8 =	vmul.f32 v12, v10;
	v50 =	vld [tilespmem:$0x1F6C0]  }
0x2d3: {  	v10 =	vmul.f32 v16, v13;
	v16 =	vmul.f32 v22, v20;
	v51 =	vld [tilespmem:$0x1F6E0]  }
0x2d4: {  	v60 =	vmul.f32 v60, v52;
	v52 =	vadd.f32 v56, v0;
	v0 =	vmul.f32 v6, v49;
	v6 =	vld [tilespmem:$0x1F6D0]  }
0x2d5: {  	v20 =	vmul.f32 v44, v41;
	v41 =	vmul.f32 v48, v43;
	v43 =	vld [tilespmem:$0x1F700]  }
0x2d6: {  	v44 =	vld [tilespmem:$0x1F720]  }
0x2d7: {  	v12 =	vmul.f32 v21, v18;
	v21 =	vmul.f32 v45, v42;
	v45 =	vld [tilespmem:$0x1F740]  }
0x2d8: {  	v46 =	vld [tilespmem:$0x1F760]  }
0x2d9: {  	v42 =	vadd.f32 v60, v1;
	v60 =	vmul.f32 v6, v50;
	v6 =	vld [tilespmem:$0x1F6F0]  }
0x2da: {  	v7 =	vld [tilespmem:$0x1F790]  }
0x2db: {  	[tilespmem:$0x1F810] =	vst v36;
	v36 =	vld.idx.msk [tilespmem:v4+s25+$0xFFFFF980 ss:$0x1], $0xffff  }
0x2dc: {  	[tilespmem:$0x1F800] =	vst v35;
	v35 =	vld.idx.msk [tilespmem:v5+s25+$0xFFFFFD90 ss:$0x1], $0xffff  }
0x2dd: {  	[tilespmem:$0x1F7D0] =	vst v32;
	v32 =	vld.idx.msk [tilespmem:v5+s25+$0xFFFFFE90 ss:$0x1], $0xffff  }
0x2de: {  	v1 =	vmul.f32 v6, v51;
	v6 =	vld [tilespmem:$0x1F710]  }
0x2df: {  	[tilespmem:$0x1F7E0] =	vst v33;
	v33 =	vld.idx.msk [tilespmem:v4+s25+$0xFFFFFB80 ss:$0x1], $0xffff  }
0x2e0: {  	[tilespmem:$0x1F7F0] =	vst v34;
	v34 =	vld.idx.msk [tilespmem:v5+s25+$0xFFFFFF90 ss:$0x1], $0xffff  }
0x2e1: {  	[tilespmem:$0x1F7A0] =	vst v59;
	v59 =	vld.idx.msk [tilespmem:v5+s25+$0x10 ss:$0x1], $0xffff  }
0x2e2: {  	[tilespmem:$0x1F820] =	vst v37;
	v37 =	vld.idx.msk [tilespmem:v4+s25+$0xFFFFFC80 ss:$0x1], $0xffff  }
0x2e3: {  	v56 =	vmul.f32 v6, v43;
	v6 =	vld [tilespmem:$0x1F730]  }
0x2e4: {  	[tilespmem:$0x1F830] =	vst v38;
	v38 =	vld.idx.msk [tilespmem:v5+s25+$0x90 ss:$0x1], $0xffff  }
0x2e5: {  	[tilespmem:$0x1F7B0] =	vst v62;
	v62 =	vld.idx.msk [tilespmem:v5+s25+$0x110 ss:$0x1], $0xffff  }
0x2e6: {  	[tilespmem:$0x1F7C0] =	vst v63;
	v63 =	vld.idx.msk [tilespmem:v4+s25+$0xFFFFFD80 ss:$0x1], $0xffff  }
0x2e7: {  	[tilespmem:$0x1F840] =	vst v40;
	v40 =	vld.idx.msk [tilespmem:v5+s25+$0x190 ss:$0x1], $0xffff  }
0x2e8: {  	v48 =	vadd.f32 v47, v2;
	v2 =	vmul.f32 v6, v44;
	v6 =	vld [tilespmem:$0x1F770]  }
0x2e9: {  	[tilespmem:$0x1F850] =	vst v54;
	v54 =	vld.idx.msk [tilespmem:v5+s25+$0x210 ss:$0x1], $0xffff  }
0x2ea: {  	[tilespmem:$0x1F860] =	vst v55;
	v55 =	vld.idx.msk [tilespmem:v4+s25+$0xFFFFFE80 ss:$0x1], $0xffff  }
0x2eb: {  	[tilespmem:$0x1F870] =	vst v57;
	v57 =	vld.idx.msk [tilespmem:v5+s25+$0x290 ss:$0x1], $0xffff  }
0x2ec: {  	[tilespmem:$0x1F880] =	vst v58;
	v58 =	vld.idx.msk [tilespmem:v5+s25+$0x310 ss:$0x1], $0xffff  }
0x2ed: {  	v43 =	vadd.f32 v0, v3;
	v0 =	vmul.f32 v6, v46;
	v6 =	vld [tilespmem:$0x1F780]  }
0x2ee: {  	v49 =	vld.idx.msk [tilespmem:v5+s25+$0xFFFFFF00 ss:$0x1], $0xffff  }
0x2ef: {  	v47 =	vld [tilespmem:$0x1F7C0]  }
0x2f0: {  	[tilespmem:$0x1F8D0] =	vst v40;
	v40 =	vld.idx.msk [tilespmem:v4+s25+$0xFFFFFF00 ss:$0x1], $0xffff  }
0x2f1: {  	[tilespmem:$0x1F890] =	vst v59;
	v59 =	vld.idx.msk [tilespmem:v4+s25+$0xFFFFFF80 ss:$0x1], $0xffff  }
0x2f2: {  	v9 =	vmul.f32 v7, v6;
	v6 =	vld [tilespmem:$0x1F7A0]  }
0x2f3: {  	v7 =	vld [tilespmem:$0x1F7B0]  }
0x2f4: {  	[tilespmem:$0x1F8B0] =	vst v62;
	v62 =	vld.idx.msk [tilespmem:v5+s25+$0xFFFFFC00 ss:$0x1], $0xffff  }
0x2f5: {  	[tilespmem:$0x1F8C0] =	vst v63;
	v63 =	vld.idx.msk [tilespmem:v4+s25+$0xFFFFF870 ss:$0x1], $0xffff  }
0x2f6: {  	[tilespmem:$0x1F680] =	vst v58;
	v58 =	vld.idx.msk [tilespmem:v4+s25+$0xFFFFF970 ss:$0x1], $0xffff  }
0x2f7: {  	[tilespmem:$0x1F910] =	vst v57;
	v57 =	vld.idx.msk [tilespmem:v5+s25+$0xFFFFFD80 ss:$0x1], $0xffff  }
0x2f8: {  	v13 =	vmul.f32 v7, v6;
	v6 =	vld [tilespmem:$0x1F7D0]  }
0x2f9: {  	[tilespmem:$0x1F900] =	vst v55;
	v55 =	vld.idx.msk [tilespmem:v4+s25+$0xFFFFF9F0 ss:$0x1], $0xffff  }
0x2fa: {  	[tilespmem:$0x1F8F0] =	vst v54;
	v54 =	vld.idx.msk [tilespmem:v4+s25+$0xFFFFFA70 ss:$0x1], $0xffff  }
0x2fb: {  	v22 =	vmul.f32 v30, v35;
	v30 =	vld.idx.msk [tilespmem:v5+s25+$0x80 ss:$0x1], $0xffff  }
0x2fc: {  	v7 =	vld [tilespmem:$0x1F7F0]  }
0x2fd: {  	v50 =	vadd.f32 v1, v10;
	v1 =	vmul.f32 v6, v47;
	v6 =	vld [tilespmem:$0x1F7E0]  }
0x2fe: {  	v35 =	vld [tilespmem:$0x1F870]  }
0x2ff: {  	v3 =	vld [tilespmem:$0x1F750]  }
0x300: {  	v60 =	vadd.f32 v60, v8;
	v8 =	vld [tilespmem:$0x1F810]  }
0x301: {  	[tilespmem:$0x1F930] =	vst v63;
	v63 =	vld.idx.msk [tilespmem:v5+s25+$0xFFFFFC80 ss:$0x1], $0xffff  }
0x302: {  	v14 =	vmul.f32 v7, v6;
	v7 =	vld [tilespmem:$0x1F800]  }
0x303: {  	[tilespmem:$0x1F690] =	vst v59;
	v59 =	vld.idx.msk [tilespmem:v4+s25+$0xFFFFF8F0 ss:$0x1], $0xffff  }
0x304: {  	[tilespmem:$0x1F920] =	vst v62;
	v62 =	vld.idx.msk [tilespmem:v5+s25+$0xFFFFFD00 ss:$0x1], $0xffff;
	v3 =	vmul.f32 v3, v45  }
0x305: {  	v31 =	vmul.f32 v31, v35;
	v35 =	vld.idx.msk [tilespmem:v4+s25+$0xFFFFFCF0 ss:$0x1], $0xffff  }
0x306: {  	v10 =	vadd.f32 v3, v16;
	v3 =	vld [tilespmem:$0x1F860]  }
0x307: {  	v6 =	vadd.f32 v56, v11;
	v56 =	vmul.f32 v8, v7;
	v7 =	vld [tilespmem:$0x1F820]  }
0x308: {  	v51 =	vld.idx.msk [tilespmem:v4+s25+$0xFFFFFAF0 ss:$0x1], $0xffff  }
0x309: {  	v11 =	vadd.f32 v0, v17;
	v0 =	vld [tilespmem:$0x1F890]  }
0x30a: {  	v44 =	vld.idx.msk [tilespmem:v4+s25+$0xFFFFFB70 ss:$0x1], $0xffff  }
0x30b: {  	v3 =	vmul.f32 v36, v3;
	v36 =	vld [tilespmem:$0x1F880]  }
0x30c: {  	v45 =	vld.idx.msk [tilespmem:v5+s25+$0xFFFFFF80 ss:$0x1], $0xffff;
	v18 =	vmul.f32 v15, v7;
	v15 =	vadd.f32 v2, v12  }
0x30d: {  	v46 =	vld [tilespmem:$0x1F830];
	v12 =	vadd.f32 v9, v27;
	v27 =	vmul.f32 v25, v38;
	v38 =	vadd.f32 v1, v21  }
0x30e: {  	v34 =	vmul.f32 v26, v34;
	v26 =	vmul.f32 v37, v0;
	v0 =	vld [tilespmem:$0x1F8B0]  }
0x30f: {  	[tilespmem:$0x1F8A0] =	vst v38;
	v38 =	vld [tilespmem:$0x1F8C0]  }
0x310: {  	v33 =	vmul.f32 v33, v36;
	v36 =	vld.idx.msk [tilespmem:v5+s25+$0x100 ss:$0x1], $0xffff;
	v17 =	vadd.f32 v13, v20;
	v20 =	vmul.f32 v55, v57  }
0x311: {  	v47 =	vld.idx.msk [tilespmem:v5+s25+$0x0 ss:$0x1], $0xffff  }
0x312: {  	v59 =	vmul.f32 v59, v63;
	v63 =	vadd.f32 v20, v43;
	v43 =	vld.idx.msk [tilespmem:v4+s25+$0xFFFFFEF0 ss:$0x1], $0xffff  }
0x313: {  	v37 =	vld.idx.msk [tilespmem:v4+s25+$0xFFFFFD70 ss:$0x1], $0xffff  }
0x314: {  	v32 =	vmul.f32 v28, v32;
	v7 =	vld [tilespmem:$0x1F840];
	v28 =	vmul.f32 v38, v0;
	v0 =	vadd.f32 v14, v24  }
0x315: {  	v1 =	vld [tilespmem:$0x1F900]  }
0x316: {  	[tilespmem:$0x1F8E0] =	vst v0;
	v0 =	vld [tilespmem:$0x1F8F0]  }
0x317: {  	v16 =	vadd.f32 v56, v39;
	v39 =	vld [tilespmem:$0x1F920]  }
0x318: {  	v56 =	vld [tilespmem:$0x1F930]  }
0x319: {  	v2 =	vmul.f32 v7, v46;
	v7 =	vld [tilespmem:$0x1F850]  }
0x31a: {  	v46 =	vld.idx.msk [tilespmem:v4+s25+$0xFFFFFC70 ss:$0x1], $0xffff  }
0x31b: {  	v24 =	vmul.f32 v1, v0;
	v0 =	vld [tilespmem:$0x1F910]  }
0x31c: {  	v38 =	vld [tilespmem:$0x1F8D0];
	v14 =	vmul.f32 v58, v62  }
0x31d: {  	v51 =	vmul.f32 v51, v53;
	v18 =	vadd.f32 v18, v41;
	v41 =	vld.idx.msk [tilespmem:v4+s25+$0xFFFFFE70 ss:$0x1], $0xffff  }
0x31e: {  	v14 =	vadd.f32 v14, v48;
	v48 =	vmul.f32 v44, v49;
	v44 =	vld.idx.msk [tilespmem:v5+s25+$0x300 ss:$0x1], $0xffff;
	v49 =	vmul.f32 v23, v45  }
0x31f: {  	v45 =	vld.idx.msk [tilespmem:v4+s25+$0xFFFFFF70 ss:$0x1], $0xffff;
	v19 =	vmul.f32 v19, v7;
	v47 =	vmul.f32 v46, v47  }
0x320: {  	v46 =	vld.idx.msk [tilespmem:v5+s25+$0x380 ss:$0x1], $0xffff;
	v1 =	vadd.f32 v59, v42;
	v25 =	vmul.f32 v40, v0;
	v0 =	vmul.f32 v56, v39  }
0x321: {  	v23 =	vadd.f32 v51, v50;
	v29 =	vmul.f32 v29, v38;
	v38 =	vld.idx.msk [tilespmem:v5+s25+$0x180 ss:$0x1], $0xffff  }
0x322: {  	v62 =	vmul.f32 v54, v61;
	v42 =	vld.idx.msk [tilespmem:v5+s25+$0x280 ss:$0x1], $0xffff;
	v20 =	vadd.f32 v19, v1;
	v0 =	vadd.f32 v0, v52  }
0x323: {  	v19 =	vadd.f32 v3, v14;
	v14 =	vadd.f32 v22, v63;
	v40 =	vld.idx.msk [tilespmem:v4+s25+$0xFFFFFDF0 ss:$0x1], $0xffff  }
0x324: {  	s26 =	simm.s32 $0x80;
	v22 =	vadd.f32 v62, v60;
	v39 =	vld.idx.msk [tilespmem:v5+s25+$0x200 ss:$0x1], $0xffff;
	v21 =	vadd.f32 v2, v0  }
.LBB2_13:
0x325: {  	v3 =	vld.idx.msk [tilespmem:v4+s25+$0xFFFFFFF0 ss:$0x1], $0xffff  }
0x326: {  	v56 =	vld.idx.msk [tilespmem:v4+s25+$0x0 ss:$0x1], $0xffff  }
0x327: {  	v60 =	vld [tilespmem:$0x1F8A0]  }
0x328: {  	v61 =	vld [tilespmem:$0x1F8E0]  }
0x329: {  	v62 =	vld [tilespmem:$0x1F680];
	v1 =	vadd.f32 v49, v15  }
0x32a: {  	v0 =	vadd.f32 v48, v6;
	v6 =	vadd.f32 v31, v22;
	v31 =	vld.idx.msk [tilespmem:v5+s25+$0x390 ss:$0x1], $0xffff;
	s25 =	sshra.s32 s26, $0x2  }
0x32b: {  	v2 =	vmul.f32 v35, v30;
	v30 =	vmul.f32 v37, v36;
	v36 =	vld.idx.msk [tilespmem:v5+s25+$0xFFFFFC10 ss:$0x1], $0xffff  }
0x32c: {  	v15 =	vadd.f32 v34, v1;
	v34 =	vld.idx.msk [tilespmem:v4+s25+$0xFFFFF880 ss:$0x1], $0xffff  }
0x32d: {  	v37 =	vld.idx.msk [tilespmem:v4+s25+$0xFFFFFB80 ss:$0x1], $0xffff  }
0x32e: {  	v55 =	vmul.f32 v40, v38;
	v38 =	vld.idx.msk [tilespmem:v5+s25+$0xFFFFFF90 ss:$0x1], $0xffff  }
0x32f: {  	v57 =	vmul.f32 v41, v39;
	v39 =	vld.idx.msk [tilespmem:v4+s25+$0xFFFFFC00 ss:$0x1], $0xffff  }
0x330: {  	v40 =	vld.idx.msk [tilespmem:v5+s25+$0x10 ss:$0x1], $0xffff  }
0x331: {  	v41 =	vld.idx.msk [tilespmem:v4+s25+$0xFFFFFC80 ss:$0x1], $0xffff  }
0x332: {  	v58 =	vmul.f32 v45, v44;
	v44 =	vld.idx.msk [tilespmem:v5+s25+$0x110 ss:$0x1], $0xffff  }
0x333: {  	v45 =	vld.idx.msk [tilespmem:v4+s25+$0xFFFFFD80 ss:$0x1], $0xffff  }
0x334: {  	v3 =	vmul.f32 v3, v46;
	v46 =	vld.idx.msk [tilespmem:v5+s25+$0x190 ss:$0x1], $0xffff  }
0x335: {  	v8 =	vadd.f32 v47, v10;
	v47 =	vld.idx.msk [tilespmem:v4+s25+$0xFFFFFE00 ss:$0x1], $0xffff  }
0x336: {  	v48 =	vld.idx.msk [tilespmem:v5+s25+$0x210 ss:$0x1], $0xffff  }
0x337: {  	v49 =	vld.idx.msk [tilespmem:v4+s25+$0xFFFFFE80 ss:$0x1], $0xffff  }
0x338: {  	v50 =	vld.idx.msk [tilespmem:v5+s25+$0x290 ss:$0x1], $0xffff  }
0x339: {  	v51 =	vld.idx.msk [tilespmem:v4+s25+$0xFFFFFF00 ss:$0x1], $0xffff  }
0x33a: {  	v35 =	vld.idx.msk [tilespmem:v5+s25+$0x310 ss:$0x1], $0xffff  }
0x33b: {  	v52 =	vld.idx.msk [tilespmem:v4+s25+$0xFFFFFF80 ss:$0x1], $0xffff  }
0x33c: {  	v53 =	vld.idx.msk [tilespmem:v4+s25+$0xFFFFF870 ss:$0x1], $0xffff  }
0x33d: {  	v54 =	vld.idx.msk [tilespmem:v5+s25+$0xFFFFFC80 ss:$0x1], $0xffff  }
0x33e: {  	v1 =	vld.idx.msk [tilespmem:v5+s25+$0xFFFFFF80 ss:$0x1], $0xffff  }
0x33f: {  	v10 =	vld.idx.msk [tilespmem:v4+s25+$0xFFFFFC70 ss:$0x1], $0xffff  }
0x340: {  	[tilespmem:$0x1F650] =	vst v6;
	v6 =	vadd.f32 v32, v23;
	v32 =	vld.idx.msk [tilespmem:v5+s25+$0xFFFFFC90 ss:$0x1], $0xffff  }
0x341: {  	v59 =	vadd.f32 v26, v8;
	v26 =	vld.idx.msk [tilespmem:v5+s25+$0xFFFFFD10 ss:$0x1], $0xffff  }
0x342: {  	v12 =	vadd.f32 v30, v12;
	v30 =	vmul.f32 v43, v42;
	v42 =	vld.idx.msk [tilespmem:v5+s25+$0x90 ss:$0x1], $0xffff  }
0x343: {  	v43 =	vld.idx.msk [tilespmem:v4+s25+$0xFFFFFD00 ss:$0x1], $0xffff  }
0x344: {  	v17 =	vadd.f32 v55, v17;
	v55 =	vld.idx.msk [tilespmem:v4+s25+$0xFFFFF8F0 ss:$0x1], $0xffff  }
0x345: {  	v9 =	vadd.f32 v57, v60;
	v57 =	vld.idx.msk [tilespmem:v4+s25+$0xFFFFF970 ss:$0x1], $0xffff  }
0x346: {  	v7 =	vadd.f32 v58, v16;
	v58 =	vld.idx.msk [tilespmem:v5+s25+$0xFFFFFD80 ss:$0x1], $0xffff  }
0x347: {  	v2 =	vadd.f32 v2, v11;
	v60 =	vld.idx.msk [tilespmem:v5+s25+$0xFFFFFE00 ss:$0x1], $0xffff  }
0x348: {  	v8 =	vld.idx.msk [tilespmem:v4+s25+$0xFFFFFBF0 ss:$0x1], $0xffff  }
0x349: {  	v22 =	vadd.f32 v27, v2;
	v2 =	vld.idx.msk [tilespmem:v4+s25+$0xFFFFF900 ss:$0x1], $0xffff  }
0x34a: {  	[tilespmem:$0x1F660] =	vst v6;
	v6 =	vld [tilespmem:$0x1F690]  }
0x34b: {  	v27 =	vld.idx.msk [tilespmem:v4+s25+$0xFFFFF980 ss:$0x1], $0xffff  }
0x34c: {  	v23 =	vadd.f32 v28, v12;
	v28 =	vld.idx.msk [tilespmem:v5+s25+$0xFFFFFD90 ss:$0x1], $0xffff  }
0x34d: {  	v63 =	vadd.f32 v24, v9;
	v24 =	vld.idx.msk [tilespmem:v4+s25+$0xFFFFFA00 ss:$0x1], $0xffff  }
0x34e: {  	v17 =	vadd.f32 v29, v17;
	v29 =	vld.idx.msk [tilespmem:v4+s25+$0xFFFFFB00 ss:$0x1], $0xffff  }
0x34f: {  	[tilespmem:$0x1F670] =	vst v59;
	v59 =	vld.idx.msk [tilespmem:v4+s25+$0xFFFFF9F0 ss:$0x1], $0xffff  }
0x350: {  	v13 =	vadd.f32 v30, v61;
	v61 =	vld.idx.msk [tilespmem:v4+s25+$0xFFFFFA70 ss:$0x1], $0xffff  }
0x351: {  	v0 =	vadd.f32 v33, v0;
	v9 =	vld.idx.msk [tilespmem:v5+s25+$0x0 ss:$0x1], $0xffff  }
0x352: {  	v30 =	vld.idx.msk [tilespmem:v5+s25+$0x80 ss:$0x1], $0xffff  }
0x353: {  	[tilespmem:$0x1F640] =	vst v0;
	v0 =	vmul.f32 v56, v31;
	v56 =	vld.idx.msk [tilespmem:v5+s25+$0xFFFFFD00 ss:$0x1], $0xffff  }
0x354: {  	v33 =	vadd.f32 v25, v13;
	v25 =	vld.idx.msk [tilespmem:v5+s25+$0xFFFFFE90 ss:$0x1], $0xffff  }
0x355: {  	[tilespmem:$0x1F690] =	vst v52;
	v52 =	vld.idx.msk [tilespmem:v5+s25+$0xFFFFFC00 ss:$0x1], $0xffff  }
0x356: {  	[tilespmem:$0x1F8A0] =	vst v63;
	v63 =	vld.idx.msk [tilespmem:v4+s25+$0xFFFFFAF0 ss:$0x1], $0xffff  }
0x357: {  	[tilespmem:$0x1F680] =	vst v35;
	v35 =	vld.idx.msk [tilespmem:v4+s25+$0xFFFFFCF0 ss:$0x1], $0xffff  }
0x358: {  	v11 =	vmul.f32 v34, v36;
	v36 =	vld.idx.msk [tilespmem:v5+s25+$0x100 ss:$0x1], $0xffff  }
0x359: {  	v3 =	vadd.f32 v3, v18;
	v34 =	vmul.f32 v39, v38;
	v38 =	vld.idx.msk [tilespmem:v5+s25+$0x180 ss:$0x1], $0xffff  }
0x35a: {  	v39 =	vld.idx.msk [tilespmem:v5+s25+$0x200 ss:$0x1], $0xffff  }
0x35b: {  	v18 =	vadd.f32 v0, v3;
	v0 =	vld.idx.msk [tilespmem:v5+s25+$0xFFFFFE10 ss:$0x1], $0xffff  }
0x35c: {  	v3 =	vld.idx.msk [tilespmem:v4+s25+$0xFFFFFA80 ss:$0x1], $0xffff  }
0x35d: {  	[tilespmem:$0x1F8E0] =	vst v33;
	v33 =	vld.idx.msk [tilespmem:v5+s25+$0xFFFFFF10 ss:$0x1], $0xffff  }
0x35e: {  	v6 =	vmul.f32 v6, v62;
	v62 =	vld.idx.msk [tilespmem:v5+s25+$0xFFFFFE80 ss:$0x1], $0xffff  }
0x35f: {  	v12 =	vmul.f32 v27, v26;
	v26 =	vmul.f32 v41, v40;
	v40 =	vld.idx.msk [tilespmem:v4+s25+$0xFFFFFDF0 ss:$0x1], $0xffff  }
0x360: {  	v2 =	vmul.f32 v2, v32;
	v41 =	vld.idx.msk [tilespmem:v4+s25+$0xFFFFFE70 ss:$0x1], $0xffff  }
0x361: {  	v13 =	vmul.f32 v24, v28;
	v27 =	vmul.f32 v43, v42;
	v42 =	vld.idx.msk [tilespmem:v5+s25+$0x280 ss:$0x1], $0xffff  }
0x362: {  	v28 =	vmul.f32 v45, v44;
	v24 =	vmul.f32 v49, v48;
	v43 =	vld.idx.msk [tilespmem:v4+s25+$0xFFFFFEF0 ss:$0x1], $0xffff  }
0x363: {  	v59 =	vmul.f32 v59, v58;
	v60 =	vmul.f32 v61, v60;
	v44 =	vld.idx.msk [tilespmem:v5+s25+$0x300 ss:$0x1], $0xffff  }
0x364: {  	v49 =	vmul.f32 v8, v1;
	v57 =	vmul.f32 v57, v56;
	v16 =	vadd.f32 v6, v7;
	v6 =	vld.idx.msk [tilespmem:v5+s25+$0xFFFFFF00 ss:$0x1], $0xffff  }
0x365: {  	v7 =	vld.idx.msk [tilespmem:v4+s25+$0xFFFFFB70 ss:$0x1], $0xffff;
	v32 =	vmul.f32 v29, v25;
	v29 =	vmul.f32 v47, v46  }
0x366: {  	v53 =	vmul.f32 v53, v52;
	v61 =	vmul.f32 v63, v62;
	v62 =	vld [tilespmem:$0x1F650]  }
0x367: {  	p0 =	sne.s32 s26, $0x100;
	v31 =	vmul.f32 v3, v0;
	v3 =	vmul.f32 v55, v54;
	v63 =	vld [tilespmem:$0x1F660]  }
.Ltmp5:
0x368: {  	v45 =	vld.idx.msk [tilespmem:v4+s25+$0xFFFFFF70 ss:$0x1], $0xffff;
	v25 =	vmul.f32 v51, v50;
	v14 =	vadd.f32 v59, v14;
	v19 =	vadd.f32 v57, v19;
	(pc) =	sbr.rel @p0 .LBB2_13-.Ltmp5, $4  }
0x369: {  	v47 =	vmul.f32 v10, v9;
	v10 =	vld [tilespmem:$0x1F670];
	v0 =	vadd.f32 v53, v21;
	v3 =	vadd.f32 v3, v20  }
0x36a: {  	v46 =	vld.idx.msk [tilespmem:v5+s25+$0x380 ss:$0x1], $0xffff;
	v33 =	vmul.f32 v37, v33;
	v14 =	vadd.f32 v13, v14;
	v19 =	vadd.f32 v12, v19  }
0x36b: {  	v37 =	vld.idx.msk [tilespmem:v4+s25+$0xFFFFFD70 ss:$0x1], $0xffff;
	v12 =	vmov v23;
	v21 =	vadd.f32 v11, v0;
	v20 =	vadd.f32 v2, v3  }
0x36c: {  	s26 =	sadd.s32 $0x80, s26;
	v11 =	vmovc v22;
	v48 =	vmul.f32 v7, v6;
	v6 =	vld [tilespmem:$0x1F640];
	v22 =	vadd.f32 v60, v62;
	v23 =	vadd.f32 v61, v63  }
0x36d: {  	_ =	sdelay $0x3  }
0x36e: {  	v3 =	vld.idx.msk [tilespmem:v4+s25+$0xFFFFFFF0 ss:$0x1], $0xffff  }
0x36f: {  	v5 =	vld.idx.msk [tilespmem:v5+s25+$0x390 ss:$0x1], $0xffff  }
0x370: {  	v55 =	vld.idx.msk [tilespmem:v4+s25+$0x0 ss:$0x1], $0xffff  }
0x371: {  	v57 =	vld [tilespmem:$0x1F8A0]  }
0x372: {  	v1 =	vadd.f32 v49, v15;
	v2 =	vmul.f32 v35, v30;
	v58 =	vld [tilespmem:$0x1F8E0]  }
0x373: {  	v9 =	vmul.f32 v40, v38;
	v59 =	vld [tilespmem:$0x1F680];
	v7 =	vadd.f32 v31, v22;
	v8 =	vadd.f32 v32, v23  }
0x374: {  	v13 =	vmul.f32 v45, v44;
	v60 =	vld [tilespmem:$0x1F690];
	v10 =	vadd.f32 v47, v10;
	v1 =	vadd.f32 v34, v1  }
0x375: {  	v54 =	vmul.f32 v41, v39;
	v22 =	vld [tilespmem:$0x1FFC0];
	v2 =	vadd.f32 v2, v11;
	v9 =	vadd.f32 v9, v17  }
0x376: {  	v13 =	vadd.f32 v13, v16;
	v53 =	vmul.f32 v37, v36;
	v10 =	vadd.f32 v26, v10  }
0x377: {  	v56 =	vmul.f32 v43, v42;
	v0 =	vadd.f32 v48, v6;
	v2 =	vadd.f32 v27, v2  }
0x378: {  	v9 =	vadd.f32 v29, v9;
	v6 =	vadd.f32 v53, v12;
	v3 =	vmul.f32 v3, v46  }
0x379: {  	v11 =	vadd.f32 v54, v57;
	v12 =	vadd.f32 v56, v58;
	v15 =	vmul.f32 v60, v59  }
0x37a: {  	v4 =	vmul.f32 v55, v5;
	v0 =	vadd.f32 v33, v0;
	v23 =	vperm.xlane v10, v22  }
0x37b: {  	v26 =	vperm.xlane v20, v22;
	v10 =	vsel vm2, v21, v10;
	v31 =	vperm.xlane v9, v22  }
0x37c: {  	v32 =	vperm.xlane v14, v22;
	v34 =	vperm.xlane v7, v22;
	v9 =	vsel vm2, v14, v9  }
0x37d: {  	v36 =	vperm.xlane v8, v22;
	v6 =	vadd.f32 v28, v6;
	v3 =	vadd.f32 v3, v18  }
0x37e: {  	v41 =	vperm.xlane v1, v22;
	v61 =	vadd.f32 v24, v11;
	v62 =	vadd.f32 v25, v12  }
0x37f: {  	v63 =	vadd.f32 v15, v13;
	v24 =	vperm.xlane v21, v22;
	v25 =	vperm.xlane v2, v22  }
0x380: {  	v2 =	vsel vm2, v20, v2;
	v28 =	vperm.xlane v19, v22;
	v39 =	vperm.xlane v0, v22  }
0x381: {  	v3 =	vadd.f32 v4, v3;
	v13 =	vsel vm2, v24, v23;
	v4 =	vsel vm2, v26, v25  }
0x382: {  	v27 =	vperm.xlane v6, v22;
	v29 =	vsel vm2, v19, v6;
	v33 =	vperm.xlane v61, v22  }
0x383: {  	v5 =	vsel vm2, v7, v61;
	v35 =	vperm.xlane v62, v22;
	v37 =	vsel vm2, v8, v62  }
0x384: {  	v43 =	vld [tilespmem:$0x1FFD0];
	v38 =	vperm.xlane v63, v22;
	v0 =	vsel vm2, v0, v63;
	v10 =	vadd.f32 v13, v10  }
0x385: {  	v2 =	vadd.f32 v4, v2;
	v13 =	vsel vm2, v32, v31;
	v30 =	vsel vm2, v28, v27  }
0x386: {  	v6 =	vsel vm2, v34, v33;
	v9 =	vadd.f32 v13, v9;
	v7 =	vsel vm2, v36, v35  }
0x387: {  	v40 =	vperm.xlane v3, v22;
	v8 =	vsel vm2, v39, v38;
	v4 =	vadd.f32 v30, v29  }
0x388: {  	v1 =	vsel vm2, v1, v3;
	v5 =	vadd.f32 v6, v5;
	v6 =	vadd.f32 v7, v37  }
0x389: {  	v45 =	vperm.xlane v10, v43;
	v0 =	vadd.f32 v8, v0;
	v49 =	vperm.xlane v2, v43  }
0x38a: {  	v42 =	vsel vm2, v41, v40;
	v53 =	vperm.xlane v9, v43;
	v44 =	vperm.xlane v5, v43  }
0x38b: {  	v1 =	vadd.f32 v42, v1;
	v46 =	vsel vm0, v10, v5;
	v48 =	vperm.xlane v6, v43  }
0x38c: {  	v56 =	vld [tilespmem:$0x1FFE0];
	v50 =	vperm.xlane v0, v43;
	v51 =	vperm.xlane v4, v43;
	v2 =	vsel vm0, v2, v6  }
0x38d: {  	v0 =	vsel vm0, v4, v0;
	v47 =	vsel vm0, v45, v44;
	v52 =	vperm.xlane v1, v43  }
0x38e: {  	v7 =	vsel vm0, v49, v48;
	v54 =	vsel vm0, v51, v50;
	v1 =	vsel vm0, v9, v1  }
0x38f: {  	v3 =	vadd.f32 v47, v46;
	v0 =	vadd.f32 v54, v0;
	v55 =	vsel vm0, v53, v52  }
0x390: {  	v2 =	vadd.f32 v7, v2;
	v1 =	vadd.f32 v55, v1  }
0x391: {  	v57 =	vperm.xlane v0, v56;
	v58 =	vperm.xlane v3, v56  }
0x392: {  	v62 =	vld [tilespmem:$0x1FFF0];
	v7 =	vperm.xlane v2, v56;
	v59 =	vperm.xlane v1, v56  }
0x393: {  	v0 =	vsel vm1, v3, v0  }
0x394: {  	v60 =	vsel vm1, v58, v57;
	v1 =	vsel vm1, v2, v1;
	v61 =	vsel vm1, v7, v59  }
0x395: {  	v0 =	vadd.f32 v60, v0;
	v1 =	vadd.f32 v61, v1  }
0x396: {  	s31 =	sshll.u32 s22, $0x4;
	s22 =	sadd.s32 $0x1, s22  }
0x397: {  	p0 =	sne.s32 s22, $0x5;
	v3 =	vperm.xlane v0, v62;
	v2 =	vperm.xlane v1, v62  }
.Ltmp6:
0x398: {  	_ = 	snop;
	(pc) =	sbr.rel @p0 .LBB2_12-.Ltmp6, $4  }
0x399: {  	v0 =	vsel vm3, v0, v1;
	v63 =	vsel vm3, v3, v2  }
0x39a: {  	v0 =	vadd.f32 v63, v0  }
0x39b: {  	s25 =	sand.u32 $0x3FFFFFF0, s31  }
0x39c: {  	s23 =	sadd.s32 $0x800, s23;
	s24 =	sadd.s32 $0x800, s24;
	[tilespmem:s25+$0x115C0] =	vst v0  }
0x39d: {  	s21 =	sadd.s32 $0x1, s21  }
0x39e: {  	p0 =	sne.s32 s21, s8  }
.Ltmp7:
0x39f: {  	_ = 	snop;
	(pc) =	sbr.rel @p0 .LBB2_1-.Ltmp7, $4  }
0x3a0: {  	[hbm4b:s7+s4] =	stream.linear.scatter [tilespmem:s20], [sflag:$0x5], $0x2710, $0x38;
	[tilespmem:$0x11680] =	vst v63  }
0x3a1: {  	_ =	swait.ge [sflag:s9], $0x2710  }
0x3a2: {  	[sflag:s9] =	ssyncset.done $0x0  }
0x3a3: {  	[sflag:s9] =	ssyncadd.s32 $0xFFFFD8F0  }
0x3a4: {  	_ =	sfence.sel $0x180000  }
0x3a5: {  	[bflag:$0x0] =	sbarrier.arrive $0xFFFF  }
0x3a6: {  	p0 =	sne.s32 s1, $0x0;
	_ =	strace $0x90000047  }
0x3a7: {  	s0 =	sadd.s32 @!p0 $0x100000, s3;
	[bflag:$0x2] =	sbarrier.arrive $0xFFFF  }
0x3a8: {  	[sflag:s0] =	ssyncadd.tile.s32 @!p0 $0x1;
	_ =	shalt  }
.Lfunc_end2:
_tile_overlayer_lowered:
.L_overlay_start_2:
0x3a9: {  	(tag) =	ssettag $0x2  }
0x3aa: {  	s0 =	rddreg [dreg:$0x0];
	s2 =	stileid.u32  }
0x3ab: {  	s1 =	rddreg [dreg:$0x1];
	p0 =	sne.s32 s2, $0x0  }
0x3ac: {  	s3 =	rddreg [dreg:$0x2];
	[bflag:$0x3] =	sbarrier.arrive $0xFFFF;
	s2 =	simm.s32 @!p0 $0x1C05  }
0x3ad: {  	[timem:s3], [sflag:s2] =	dma.local @!p0 [hbm:s0], s1  }
0x3ae: {  	s0 =	simm.s32 @!p0 $0x5  }
0x3af: {  	_ =	swait.ge @!p0 [sflag:s0], s1  }
0x3b0: {  	s1 =	ssub.s32 @!p0 $0x0, s1;
	[sflag:s0] =	ssyncset.done @!p0 $0x0  }
0x3b1: {  	[sflag:s0] =	ssyncadd.s32 @!p0 s1  }
0x3b2: {  	[bflag:$0x3] =	sbarrier.arrive $0xFFFF  }
0x3b3: {  	_ =	shalt  }

</sc_bundles>
